<compile_context>
chip_gen: v7x
topology: tpu7x:2x2x1
jax: 0.10.2.dev20260603
libtpu: 0.0.44.dev20260713+nightly
codegen_flags: <defaults>
</compile_context>

<pallas_src>
import functools

import jax
import jax.numpy as jnp
from jax import lax
from jax.experimental import pallas as pl
from jax.experimental.pallas import tpu as pltpu
from jax.experimental.pallas import tpu_sc as plsc

BATCH = 4096
HIST = 200
EMBED_DIM = 64
NDT = EMBED_DIM // 8
NCT = BATCH // 128
XBUF = 4
GBUF = 4
OBUF = 4

_mesh = plsc.VectorSubcoreMesh(
    core_axis_name="c", subcore_axis_name="s", num_cores=2, num_subcores=16
)


@functools.partial(
    pl.kernel,
    out_type=jax.ShapeDtypeStruct((HIST, NDT, NCT, 8, 128), jnp.float32),
    mesh=_mesh,
    scratch_types=[
        pltpu.VMEM((HIST, 128), jnp.int32),
        pltpu.VMEM((XBUF, NDT, 8, 128), jnp.float32),
        pltpu.VMEM((GBUF, 128, EMBED_DIM), jnp.float32),
        pltpu.VMEM((OBUF, NDT, 8, 128), jnp.float32),
        pltpu.SemaphoreType.DMA,
        pltpu.SemaphoreType.DMA,
        pltpu.SemaphoreType.DMA,
    ],
    compiler_params=pltpu.CompilerParams(
        use_tc_tiling_on_sc=False, needs_layout_passes=False
    ),
)
def _embed_add(xv, idxT, table, outv, idx_v, x_v, g_v, o_v, sem_x, sem_g, sem_s):
    w = lax.axis_index("s") * 2 + lax.axis_index("c")

    pltpu.sync_copy(idxT.at[:, pl.ds(w * 128, 128)], idx_v)

    for h in range(3):
        pltpu.async_copy(xv.at[h, :, w], x_v.at[h], sem_x)
    for h in range(3):
        pltpu.async_copy(table.at[idx_v.at[h]], g_v.at[h], sem_g)

    lanes = lax.iota(jnp.int32, 16)
    pats = [(lanes + j) & 15 for j in range(16)]

    def body(h, _):
        xb = lax.rem(h, XBUF)
        gb = lax.rem(h, GBUF)
        ob = lax.rem(h, OBUF)

        @pl.when(h + 3 < HIST)
        def _load_ahead():
            pltpu.async_copy(xv.at[h + 3, :, w], x_v.at[lax.rem(h + 3, XBUF)], sem_x)

        @pl.when(h + 3 < HIST)
        def _gather_ahead():
            pltpu.async_copy(
                table.at[idx_v.at[h + 3]], g_v.at[lax.rem(h + 3, GBUF)], sem_g
            )

        pltpu.make_async_copy(xv.at[h, :, w], x_v.at[xb], sem_x).wait()
        pltpu.make_async_copy(table.at[idx_v.at[h]], g_v.at[gb], sem_g).wait()

        @pl.when(h >= OBUF)
        def _drain_store():
            pltpu.make_async_copy(
                o_v.at[ob], outv.at[h - OBUF, :, w], sem_s
            ).wait()

        def rt_body(rt, _):
            rv = lanes + rt * 16
            for dt2 in range(4):
                for j in range(16):
                    dvec = pats[j] + dt2 * 16
                    dtv = lax.shift_right_logical(dvec, 3)
                    drv = dvec & 7
                    gcol = plsc.load_gather(g_v.at[gb], [rv, dvec])
                    xold = plsc.load_gather(x_v.at[xb], [dtv, drv, rv])
                    plsc.store_scatter(o_v.at[ob], [dtv, drv, rv], xold + gcol)
            return ()

        lax.fori_loop(0, 8, rt_body, ())

        pltpu.async_copy(o_v.at[ob], outv.at[h, :, w], sem_s)
        return ()

    lax.fori_loop(0, HIST, body, ())

    for h in range(HIST - OBUF, HIST):
        pltpu.make_async_copy(
            o_v.at[h % OBUF], outv.at[h, :, w], sem_s
        ).wait()


def kernel(x, in_chan_matrix, embed_weight):
    xv = (
        x.transpose(1, 2, 0)
        .reshape(HIST, NDT, 8, NCT, 128)
        .transpose(0, 1, 3, 2, 4)
    )
    idxT = in_chan_matrix.astype(jnp.int32).T
    outv = _embed_add(xv, idxT, embed_weight)
    out = (
        outv.transpose(0, 1, 3, 2, 4)
        .reshape(HIST, EMBED_DIM, BATCH)
        .transpose(2, 0, 1)
    )
    return out

# --- scband reference (transcript-rebuilt; emitter-appended) ---
"""Pipeline reference for scband-spatial-embedding-48412871360813 (READ-ONLY COPY).

The authoritative reference and input builder live on the scoring server;
editing this copy changes nothing except your own understanding.
"""

import jax, jax.numpy as jnp
import numpy as np

NUM_EMBEDDINGS = 1000000
EMBED_DIM = 64
BATCH = 4096
HIST = 200

def setup_inputs(seed: int = 0) -> dict:
    key = jax.random.key(seed)
    k1, k2, k3 = jax.random.split(key, 3)
    x = jax.random.normal(k1, (BATCH, HIST, EMBED_DIM), dtype=jnp.float32)
    in_chan_matrix = jax.random.randint(k2, (BATCH, HIST), 0, NUM_EMBEDDINGS, dtype=jnp.int64 if jax.config.read('jax_enable_x64') else jnp.int32)
    embed_weight = jax.random.normal(k3, (NUM_EMBEDDINGS, EMBED_DIM), dtype=jnp.float32)
    return {"x": x, "in_chan_matrix": in_chan_matrix, "embed_weight": embed_weight}

def reference(x, in_chan_matrix, embed_weight):
    # nn.Embedding lookup: gather rows of the table by index
    spatial_embeddings = jnp.take(embed_weight, in_chan_matrix, axis=0)
    return x + spatial_embeddings

if __name__ == "__main__":
    import jax
    _d = setup_inputs()
    print(jax.jit(kernel)(*tuple(_d.values())))

</pallas_src>

<mosaic_0001>
#map = affine_map<(d0, d1) -> (0, 0, 0, 0, 0)>
#map1 = affine_map<(d0, d1) -> (0, 0)>
module attributes {stable_mosaic.version = 14 : i64} {
  func.func @_embed_add(%arg0: i32, %arg1: i32, %arg2: memref<200x8x32x8x128xf32, #tpu.memory_space<hbm>>, %arg3: memref<200x4096xi32, #tpu.memory_space<hbm>>, %arg4: memref<1000000x64xf32, #tpu.memory_space<hbm>>, %arg5: memref<200x8x32x8x128xf32, #tpu.memory_space<hbm>>, %arg6: memref<200x128xi32, #tpu.memory_space<vmem>>, %arg7: memref<4x8x8x128xf32, #tpu.memory_space<vmem>>, %arg8: memref<4x128x64xf32, #tpu.memory_space<vmem>>, %arg9: memref<4x8x8x128xf32, #tpu.memory_space<vmem>>, %arg10: memref<!tpu.dma_semaphore, #tpu.memory_space<semaphore_mem>>, %arg11: memref<!tpu.dma_semaphore, #tpu.memory_space<semaphore_mem>>, %arg12: memref<!tpu.dma_semaphore, #tpu.memory_space<semaphore_mem>>) attributes {dimension_semantics = [#tpu.dimension_semantics<core_parallel>, #tpu.dimension_semantics<subcore_parallel>], iteration_bounds = array<i64: 2, 16>, scalar_prefetch = 0 : i64, scratch_operands = 7 : i64, tpu.core_type = #tpu.core_type<sc_vector_subcore>, window_params = [{transform_indices = #map}, {transform_indices = #map1}, {transform_indices = #map1}, {transform_indices = #map}]} {
    %mul3A = arith.constant 2 : i32
    %mul3A_0 = arith.muli %arg1, %mul3A : i32
    %add3A = arith.addi %mul3A_0, %arg0 : i32
    %mul3A_1 = arith.constant 128 : i32
    %mul3A_2 = arith.muli %add3A, %mul3A_1 : i32
    "tpu.region"() ({
      %run_scoped3A = tpu.sem_alloc : memref<!tpu.dma_semaphore, #tpu.memory_space<semaphore_mem>>
      %dma_start3A_290 = arith.constant 0 : i32
      %dma_start3A_291 = tpu.memref_slice %arg3[%dma_start3A_290, %mul3A_2] : memref<200x4096xi32, #tpu.memory_space<hbm>> -> memref<200x128xi32, #tpu.memory_space<hbm>>
      %dma_start3A_292 = arith.constant 0 : i32
      %dma_start3A_293 = tpu.memref_slice %arg3[%dma_start3A_292, %mul3A_2] : memref<200x4096xi32, #tpu.memory_space<hbm>> -> memref<200x128xi32, #tpu.memory_space<hbm>>
      tpu.enqueue_dma source(%dma_start3A_293 : memref<200x128xi32, #tpu.memory_space<hbm>>) target(%arg6 : memref<200x128xi32, #tpu.memory_space<vmem>>) target_semaphore(%run_scoped3A : memref<!tpu.dma_semaphore, #tpu.memory_space<semaphore_mem>>)
      %dma_wait3A_294 = arith.constant 0 : i32
      %dma_wait3A_295 = tpu.memref_slice %arg3[%dma_wait3A_294, %mul3A_2] : memref<200x4096xi32, #tpu.memory_space<hbm>> -> memref<200x128xi32, #tpu.memory_space<hbm>>
      %dma_wait3A_296 = arith.constant 0 : i32
      %dma_wait3A_297 = tpu.memref_slice %arg3[%dma_wait3A_296, %mul3A_2] : memref<200x4096xi32, #tpu.memory_space<hbm>> -> memref<200x128xi32, #tpu.memory_space<hbm>>
      tpu.wait_dma2 semaphore(%run_scoped3A : memref<!tpu.dma_semaphore, #tpu.memory_space<semaphore_mem>>) src(%dma_wait3A_297 : memref<200x128xi32, #tpu.memory_space<hbm>>) dst(%arg6 : memref<200x128xi32, #tpu.memory_space<vmem>>)
      tpu.yield
    }) : () -> ()
    %dma_start3A = arith.constant 0 : i32
    %dma_start3A_3 = arith.constant 0 : i32
    %dma_start3A_4 = arith.constant 0 : i32
    %dma_start3A_5 = arith.constant 0 : i32
    %dma_start3A_6 = arith.constant 0 : i32
    %dma_start3A_7 = tpu.memref_slice %arg7[%dma_start3A_3, %dma_start3A_4, %dma_start3A_5, %dma_start3A_6] : memref<4x8x8x128xf32, #tpu.memory_space<vmem>> -> memref<1x8x8x128xf32, #tpu.memory_space<vmem>>
    %dma_start3A_8 = tpu.memref_squeeze %dma_start3A_7 : memref<1x8x8x128xf32, #tpu.memory_space<vmem>> -> memref<8x8x128xf32, #tpu.memory_space<vmem>>
    %dma_start3A_9 = arith.constant 0 : i32
    %dma_start3A_10 = arith.constant 0 : i32
    %dma_start3A_11 = arith.constant 0 : i32
    %dma_start3A_12 = tpu.memref_slice %arg2[%dma_start3A, %dma_start3A_9, %add3A, %dma_start3A_10, %dma_start3A_11] : memref<200x8x32x8x128xf32, #tpu.memory_space<hbm>> -> memref<1x8x1x8x128xf32, #tpu.memory_space<hbm>>
    %dma_start3A_13 = tpu.memref_squeeze %dma_start3A_12 : memref<1x8x1x8x128xf32, #tpu.memory_space<hbm>> -> memref<8x8x128xf32, #tpu.memory_space<hbm>>
    %dma_start3A_14 = arith.constant 0 : i32
    %dma_start3A_15 = arith.constant 0 : i32
    %dma_start3A_16 = arith.constant 0 : i32
    %dma_start3A_17 = tpu.memref_slice %arg7[%dma_start3A_3, %dma_start3A_14, %dma_start3A_15, %dma_start3A_16] : memref<4x8x8x128xf32, #tpu.memory_space<vmem>> -> memref<1x8x8x128xf32, #tpu.memory_space<vmem>>
    %dma_start3A_18 = tpu.memref_squeeze %dma_start3A_17 : memref<1x8x8x128xf32, #tpu.memory_space<vmem>> -> memref<8x8x128xf32, #tpu.memory_space<vmem>>
    %dma_start3A_19 = arith.constant 0 : i32
    %dma_start3A_20 = arith.constant 0 : i32
    %dma_start3A_21 = arith.constant 0 : i32
    %dma_start3A_22 = tpu.memref_slice %arg2[%dma_start3A, %dma_start3A_19, %add3A, %dma_start3A_20, %dma_start3A_21] : memref<200x8x32x8x128xf32, #tpu.memory_space<hbm>> -> memref<1x8x1x8x128xf32, #tpu.memory_space<hbm>>
    %dma_start3A_23 = tpu.memref_squeeze %dma_start3A_22 : memref<1x8x1x8x128xf32, #tpu.memory_space<hbm>> -> memref<8x8x128xf32, #tpu.memory_space<hbm>>
    tpu.enqueue_dma source(%dma_start3A_23 : memref<8x8x128xf32, #tpu.memory_space<hbm>>) target(%dma_start3A_18 : memref<8x8x128xf32, #tpu.memory_space<vmem>>) target_semaphore(%arg10 : memref<!tpu.dma_semaphore, #tpu.memory_space<semaphore_mem>>)
    %dma_start3A_24 = arith.constant 1 : i32
    %dma_start3A_25 = arith.constant 1 : i32
    %dma_start3A_26 = arith.constant 0 : i32
    %dma_start3A_27 = arith.constant 0 : i32
    %dma_start3A_28 = arith.constant 0 : i32
    %dma_start3A_29 = tpu.memref_slice %arg7[%dma_start3A_25, %dma_start3A_26, %dma_start3A_27, %dma_start3A_28] : memref<4x8x8x128xf32, #tpu.memory_space<vmem>> -> memref<1x8x8x128xf32, #tpu.memory_space<vmem>>
    %dma_start3A_30 = tpu.memref_squeeze %dma_start3A_29 : memref<1x8x8x128xf32, #tpu.memory_space<vmem>> -> memref<8x8x128xf32, #tpu.memory_space<vmem>>
    %dma_start3A_31 = arith.constant 0 : i32
    %dma_start3A_32 = arith.constant 0 : i32
    %dma_start3A_33 = arith.constant 0 : i32
    %dma_start3A_34 = tpu.memref_slice %arg2[%dma_start3A_24, %dma_start3A_31, %add3A, %dma_start3A_32, %dma_start3A_33] : memref<200x8x32x8x128xf32, #tpu.memory_space<hbm>> -> memref<1x8x1x8x128xf32, #tpu.memory_space<hbm>>
    %dma_start3A_35 = tpu.memref_squeeze %dma_start3A_34 : memref<1x8x1x8x128xf32, #tpu.memory_space<hbm>> -> memref<8x8x128xf32, #tpu.memory_space<hbm>>
    %dma_start3A_36 = arith.constant 0 : i32
    %dma_start3A_37 = arith.constant 0 : i32
    %dma_start3A_38 = arith.constant 0 : i32
    %dma_start3A_39 = tpu.memref_slice %arg7[%dma_start3A_25, %dma_start3A_36, %dma_start3A_37, %dma_start3A_38] : memref<4x8x8x128xf32, #tpu.memory_space<vmem>> -> memref<1x8x8x128xf32, #tpu.memory_space<vmem>>
    %dma_start3A_40 = tpu.memref_squeeze %dma_start3A_39 : memref<1x8x8x128xf32, #tpu.memory_space<vmem>> -> memref<8x8x128xf32, #tpu.memory_space<vmem>>
    %dma_start3A_41 = arith.constant 0 : i32
    %dma_start3A_42 = arith.constant 0 : i32
    %dma_start3A_43 = arith.constant 0 : i32
    %dma_start3A_44 = tpu.memref_slice %arg2[%dma_start3A_24, %dma_start3A_41, %add3A, %dma_start3A_42, %dma_start3A_43] : memref<200x8x32x8x128xf32, #tpu.memory_space<hbm>> -> memref<1x8x1x8x128xf32, #tpu.memory_space<hbm>>
    %dma_start3A_45 = tpu.memref_squeeze %dma_start3A_44 : memref<1x8x1x8x128xf32, #tpu.memory_space<hbm>> -> memref<8x8x128xf32, #tpu.memory_space<hbm>>
    tpu.enqueue_dma source(%dma_start3A_45 : memref<8x8x128xf32, #tpu.memory_space<hbm>>) target(%dma_start3A_40 : memref<8x8x128xf32, #tpu.memory_space<vmem>>) target_semaphore(%arg10 : memref<!tpu.dma_semaphore, #tpu.memory_space<semaphore_mem>>)
    %dma_start3A_46 = arith.constant 2 : i32
    %dma_start3A_47 = arith.constant 2 : i32
    %dma_start3A_48 = arith.constant 0 : i32
    %dma_start3A_49 = arith.constant 0 : i32
    %dma_start3A_50 = arith.constant 0 : i32
    %dma_start3A_51 = tpu.memref_slice %arg7[%dma_start3A_47, %dma_start3A_48, %dma_start3A_49, %dma_start3A_50] : memref<4x8x8x128xf32, #tpu.memory_space<vmem>> -> memref<1x8x8x128xf32, #tpu.memory_space<vmem>>
    %dma_start3A_52 = tpu.memref_squeeze %dma_start3A_51 : memref<1x8x8x128xf32, #tpu.memory_space<vmem>> -> memref<8x8x128xf32, #tpu.memory_space<vmem>>
    %dma_start3A_53 = arith.constant 0 : i32
    %dma_start3A_54 = arith.constant 0 : i32
    %dma_start3A_55 = arith.constant 0 : i32
    %dma_start3A_56 = tpu.memref_slice %arg2[%dma_start3A_46, %dma_start3A_53, %add3A, %dma_start3A_54, %dma_start3A_55] : memref<200x8x32x8x128xf32, #tpu.memory_space<hbm>> -> memref<1x8x1x8x128xf32, #tpu.memory_space<hbm>>
    %dma_start3A_57 = tpu.memref_squeeze %dma_start3A_56 : memref<1x8x1x8x128xf32, #tpu.memory_space<hbm>> -> memref<8x8x128xf32, #tpu.memory_space<hbm>>
    %dma_start3A_58 = arith.constant 0 : i32
    %dma_start3A_59 = arith.constant 0 : i32
    %dma_start3A_60 = arith.constant 0 : i32
    %dma_start3A_61 = tpu.memref_slice %arg7[%dma_start3A_47, %dma_start3A_58, %dma_start3A_59, %dma_start3A_60] : memref<4x8x8x128xf32, #tpu.memory_space<vmem>> -> memref<1x8x8x128xf32, #tpu.memory_space<vmem>>
    %dma_start3A_62 = tpu.memref_squeeze %dma_start3A_61 : memref<1x8x8x128xf32, #tpu.memory_space<vmem>> -> memref<8x8x128xf32, #tpu.memory_space<vmem>>
    %dma_start3A_63 = arith.constant 0 : i32
    %dma_start3A_64 = arith.constant 0 : i32
    %dma_start3A_65 = arith.constant 0 : i32
    %dma_start3A_66 = tpu.memref_slice %arg2[%dma_start3A_46, %dma_start3A_63, %add3A, %dma_start3A_64, %dma_start3A_65] : memref<200x8x32x8x128xf32, #tpu.memory_space<hbm>> -> memref<1x8x1x8x128xf32, #tpu.memory_space<hbm>>
    %dma_start3A_67 = tpu.memref_squeeze %dma_start3A_66 : memref<1x8x1x8x128xf32, #tpu.memory_space<hbm>> -> memref<8x8x128xf32, #tpu.memory_space<hbm>>
    tpu.enqueue_dma source(%dma_start3A_67 : memref<8x8x128xf32, #tpu.memory_space<hbm>>) target(%dma_start3A_62 : memref<8x8x128xf32, #tpu.memory_space<vmem>>) target_semaphore(%arg10 : memref<!tpu.dma_semaphore, #tpu.memory_space<semaphore_mem>>)
    %dma_start3A_68 = arith.constant 0 : i32
    %dma_start3A_69 = arith.constant 0 : i32
    %dma_start3A_70 = arith.constant 0 : i32
    %dma_start3A_71 = arith.constant 0 : i32
    %dma_start3A_72 = tpu.memref_slice %arg8[%dma_start3A_69, %dma_start3A_70, %dma_start3A_71] : memref<4x128x64xf32, #tpu.memory_space<vmem>> -> memref<1x128x64xf32, #tpu.memory_space<vmem>>
    %dma_start3A_73 = tpu.memref_squeeze %dma_start3A_72 : memref<1x128x64xf32, #tpu.memory_space<vmem>> -> memref<128x64xf32, #tpu.memory_space<vmem>>
    %dma_start3A_74 = arith.constant 0 : i32
    %dma_start3A_75 = tpu.memref_slice %arg6[%dma_start3A_68, %dma_start3A_74] : memref<200x128xi32, #tpu.memory_space<vmem>> -> memref<1x128xi32, #tpu.memory_space<vmem>>
    %dma_start3A_76 = tpu.memref_squeeze %dma_start3A_75 : memref<1x128xi32, #tpu.memory_space<vmem>> -> memref<128xi32, #tpu.memory_space<vmem>>
    %dma_start3A_77 = arith.constant 0 : i32
    %dma_start3A_78 = arith.constant 0 : i32
    %dma_start3A_79 = tpu.memref_slice %arg4[%dma_start3A_77, %dma_start3A_78] : memref<1000000x64xf32, #tpu.memory_space<hbm>> -> memref<1000000x64xf32, #tpu.memory_space<hbm>>
    tpu.enqueue_indirect_dma source(%dma_start3A_79 : memref<1000000x64xf32, #tpu.memory_space<hbm>>) target(%dma_start3A_73 : memref<128x64xf32, #tpu.memory_space<vmem>>) offsets(%dma_start3A_76 : memref<128xi32, #tpu.memory_space<vmem>>) semaphore(%arg11 : memref<!tpu.dma_semaphore, #tpu.memory_space<semaphore_mem>>)
    %dma_start3A_80 = arith.constant 1 : i32
    %dma_start3A_81 = arith.constant 1 : i32
    %dma_start3A_82 = arith.constant 0 : i32
    %dma_start3A_83 = arith.constant 0 : i32
    %dma_start3A_84 = tpu.memref_slice %arg8[%dma_start3A_81, %dma_start3A_82, %dma_start3A_83] : memref<4x128x64xf32, #tpu.memory_space<vmem>> -> memref<1x128x64xf32, #tpu.memory_space<vmem>>
    %dma_start3A_85 = tpu.memref_squeeze %dma_start3A_84 : memref<1x128x64xf32, #tpu.memory_space<vmem>> -> memref<128x64xf32, #tpu.memory_space<vmem>>
    %dma_start3A_86 = arith.constant 0 : i32
    %dma_start3A_87 = tpu.memref_slice %arg6[%dma_start3A_80, %dma_start3A_86] : memref<200x128xi32, #tpu.memory_space<vmem>> -> memref<1x128xi32, #tpu.memory_space<vmem>>
    %dma_start3A_88 = tpu.memref_squeeze %dma_start3A_87 : memref<1x128xi32, #tpu.memory_space<vmem>> -> memref<128xi32, #tpu.memory_space<vmem>>
    %dma_start3A_89 = arith.constant 0 : i32
    %dma_start3A_90 = arith.constant 0 : i32
    %dma_start3A_91 = tpu.memref_slice %arg4[%dma_start3A_89, %dma_start3A_90] : memref<1000000x64xf32, #tpu.memory_space<hbm>> -> memref<1000000x64xf32, #tpu.memory_space<hbm>>
    tpu.enqueue_indirect_dma source(%dma_start3A_91 : memref<1000000x64xf32, #tpu.memory_space<hbm>>) target(%dma_start3A_85 : memref<128x64xf32, #tpu.memory_space<vmem>>) offsets(%dma_start3A_88 : memref<128xi32, #tpu.memory_space<vmem>>) semaphore(%arg11 : memref<!tpu.dma_semaphore, #tpu.memory_space<semaphore_mem>>)
    %dma_start3A_92 = arith.constant 2 : i32
    %dma_start3A_93 = arith.constant 2 : i32
    %dma_start3A_94 = arith.constant 0 : i32
    %dma_start3A_95 = arith.constant 0 : i32
    %dma_start3A_96 = tpu.memref_slice %arg8[%dma_start3A_93, %dma_start3A_94, %dma_start3A_95] : memref<4x128x64xf32, #tpu.memory_space<vmem>> -> memref<1x128x64xf32, #tpu.memory_space<vmem>>
    %dma_start3A_97 = tpu.memref_squeeze %dma_start3A_96 : memref<1x128x64xf32, #tpu.memory_space<vmem>> -> memref<128x64xf32, #tpu.memory_space<vmem>>
    %dma_start3A_98 = arith.constant 0 : i32
    %dma_start3A_99 = tpu.memref_slice %arg6[%dma_start3A_92, %dma_start3A_98] : memref<200x128xi32, #tpu.memory_space<vmem>> -> memref<1x128xi32, #tpu.memory_space<vmem>>
    %dma_start3A_100 = tpu.memref_squeeze %dma_start3A_99 : memref<1x128xi32, #tpu.memory_space<vmem>> -> memref<128xi32, #tpu.memory_space<vmem>>
    %dma_start3A_101 = arith.constant 0 : i32
    %dma_start3A_102 = arith.constant 0 : i32
    %dma_start3A_103 = tpu.memref_slice %arg4[%dma_start3A_101, %dma_start3A_102] : memref<1000000x64xf32, #tpu.memory_space<hbm>> -> memref<1000000x64xf32, #tpu.memory_space<hbm>>
    tpu.enqueue_indirect_dma source(%dma_start3A_103 : memref<1000000x64xf32, #tpu.memory_space<hbm>>) target(%dma_start3A_97 : memref<128x64xf32, #tpu.memory_space<vmem>>) offsets(%dma_start3A_100 : memref<128xi32, #tpu.memory_space<vmem>>) semaphore(%arg11 : memref<!tpu.dma_semaphore, #tpu.memory_space<semaphore_mem>>)
    %iota3A = tpu.iota {dimensions = array<i32: 0>} : vector<16xi32>
    %add3A_104 = arith.constant 0 : i32
    %add3A_105 = vector.broadcast %add3A_104 : i32 to vector<16xi32>
    %add3A_106 = arith.addi %iota3A, %add3A_105 : vector<16xi32>
    %and3A = arith.constant 15 : i32
    %and3A_107 = vector.broadcast %and3A : i32 to vector<16xi32>
    %and3A_108 = arith.andi %add3A_106, %and3A_107 : vector<16xi32>
    %add3A_109 = arith.constant 1 : i32
    %add3A_110 = vector.broadcast %add3A_109 : i32 to vector<16xi32>
    %add3A_111 = arith.addi %iota3A, %add3A_110 : vector<16xi32>
    %and3A_112 = arith.constant 15 : i32
    %and3A_113 = vector.broadcast %and3A_112 : i32 to vector<16xi32>
    %and3A_114 = arith.andi %add3A_111, %and3A_113 : vector<16xi32>
    %add3A_115 = arith.constant 2 : i32
    %add3A_116 = vector.broadcast %add3A_115 : i32 to vector<16xi32>
    %add3A_117 = arith.addi %iota3A, %add3A_116 : vector<16xi32>
    %and3A_118 = arith.constant 15 : i32
    %and3A_119 = vector.broadcast %and3A_118 : i32 to vector<16xi32>
    %and3A_120 = arith.andi %add3A_117, %and3A_119 : vector<16xi32>
    %add3A_121 = arith.constant 3 : i32
    %add3A_122 = vector.broadcast %add3A_121 : i32 to vector<16xi32>
    %add3A_123 = arith.addi %iota3A, %add3A_122 : vector<16xi32>
    %and3A_124 = arith.constant 15 : i32
    %and3A_125 = vector.broadcast %and3A_124 : i32 to vector<16xi32>
    %and3A_126 = arith.andi %add3A_123, %and3A_125 : vector<16xi32>
    %add3A_127 = arith.constant 4 : i32
    %add3A_128 = vector.broadcast %add3A_127 : i32 to vector<16xi32>
    %add3A_129 = arith.addi %iota3A, %add3A_128 : vector<16xi32>
    %and3A_130 = arith.constant 15 : i32
    %and3A_131 = vector.broadcast %and3A_130 : i32 to vector<16xi32>
    %and3A_132 = arith.andi %add3A_129, %and3A_131 : vector<16xi32>
    %add3A_133 = arith.constant 5 : i32
    %add3A_134 = vector.broadcast %add3A_133 : i32 to vector<16xi32>
    %add3A_135 = arith.addi %iota3A, %add3A_134 : vector<16xi32>
    %and3A_136 = arith.constant 15 : i32
    %and3A_137 = vector.broadcast %and3A_136 : i32 to vector<16xi32>
    %and3A_138 = arith.andi %add3A_135, %and3A_137 : vector<16xi32>
    %add3A_139 = arith.constant 6 : i32
    %add3A_140 = vector.broadcast %add3A_139 : i32 to vector<16xi32>
    %add3A_141 = arith.addi %iota3A, %add3A_140 : vector<16xi32>
    %and3A_142 = arith.constant 15 : i32
    %and3A_143 = vector.broadcast %and3A_142 : i32 to vector<16xi32>
    %and3A_144 = arith.andi %add3A_141, %and3A_143 : vector<16xi32>
    %add3A_145 = arith.constant 7 : i32
    %add3A_146 = vector.broadcast %add3A_145 : i32 to vector<16xi32>
    %add3A_147 = arith.addi %iota3A, %add3A_146 : vector<16xi32>
    %and3A_148 = arith.constant 15 : i32
    %and3A_149 = vector.broadcast %and3A_148 : i32 to vector<16xi32>
    %and3A_150 = arith.andi %add3A_147, %and3A_149 : vector<16xi32>
    %add3A_151 = arith.constant 8 : i32
    %add3A_152 = vector.broadcast %add3A_151 : i32 to vector<16xi32>
    %add3A_153 = arith.addi %iota3A, %add3A_152 : vector<16xi32>
    %and3A_154 = arith.constant 15 : i32
    %and3A_155 = vector.broadcast %and3A_154 : i32 to vector<16xi32>
    %and3A_156 = arith.andi %add3A_153, %and3A_155 : vector<16xi32>
    %add3A_157 = arith.constant 9 : i32
    %add3A_158 = vector.broadcast %add3A_157 : i32 to vector<16xi32>
    %add3A_159 = arith.addi %iota3A, %add3A_158 : vector<16xi32>
    %and3A_160 = arith.constant 15 : i32
    %and3A_161 = vector.broadcast %and3A_160 : i32 to vector<16xi32>
    %and3A_162 = arith.andi %add3A_159, %and3A_161 : vector<16xi32>
    %add3A_163 = arith.constant 10 : i32
    %add3A_164 = vector.broadcast %add3A_163 : i32 to vector<16xi32>
    %add3A_165 = arith.addi %iota3A, %add3A_164 : vector<16xi32>
    %and3A_166 = arith.constant 15 : i32
    %and3A_167 = vector.broadcast %and3A_166 : i32 to vector<16xi32>
    %and3A_168 = arith.andi %add3A_165, %and3A_167 : vector<16xi32>
    %add3A_169 = arith.constant 11 : i32
    %add3A_170 = vector.broadcast %add3A_169 : i32 to vector<16xi32>
    %add3A_171 = arith.addi %iota3A, %add3A_170 : vector<16xi32>
    %and3A_172 = arith.constant 15 : i32
    %and3A_173 = vector.broadcast %and3A_172 : i32 to vector<16xi32>
    %and3A_174 = arith.andi %add3A_171, %and3A_173 : vector<16xi32>
    %add3A_175 = arith.constant 12 : i32
    %add3A_176 = vector.broadcast %add3A_175 : i32 to vector<16xi32>
    %add3A_177 = arith.addi %iota3A, %add3A_176 : vector<16xi32>
    %and3A_178 = arith.constant 15 : i32
    %and3A_179 = vector.broadcast %and3A_178 : i32 to vector<16xi32>
    %and3A_180 = arith.andi %add3A_177, %and3A_179 : vector<16xi32>
    %add3A_181 = arith.constant 13 : i32
    %add3A_182 = vector.broadcast %add3A_181 : i32 to vector<16xi32>
    %add3A_183 = arith.addi %iota3A, %add3A_182 : vector<16xi32>
    %and3A_184 = arith.constant 15 : i32
    %and3A_185 = vector.broadcast %and3A_184 : i32 to vector<16xi32>
    %and3A_186 = arith.andi %add3A_183, %and3A_185 : vector<16xi32>
    %add3A_187 = arith.constant 14 : i32
    %add3A_188 = vector.broadcast %add3A_187 : i32 to vector<16xi32>
    %add3A_189 = arith.addi %iota3A, %add3A_188 : vector<16xi32>
    %and3A_190 = arith.constant 15 : i32
    %and3A_191 = vector.broadcast %and3A_190 : i32 to vector<16xi32>
    %and3A_192 = arith.andi %add3A_189, %and3A_191 : vector<16xi32>
    %add3A_193 = arith.constant 15 : i32
    %add3A_194 = vector.broadcast %add3A_193 : i32 to vector<16xi32>
    %add3A_195 = arith.addi %iota3A, %add3A_194 : vector<16xi32>
    %and3A_196 = arith.constant 15 : i32
    %and3A_197 = vector.broadcast %and3A_196 : i32 to vector<16xi32>
    %and3A_198 = arith.andi %add3A_195, %and3A_197 : vector<16xi32>
    %scan3A = arith.constant 0 : i32
    %scan3A_199 = arith.constant 200 : i32
    %scan3A_200 = arith.addi %scan3A, %scan3A_199 : i32
    %scan3A_201 = arith.constant 1 : i32
    scf.for %scan3A_290 = %scan3A to %scan3A_200 step %scan3A_201  : i32 {
      %rem3A = arith.constant 4 : i32
      %rem3A_291 = arith.remsi %scan3A_290, %rem3A : i32
      %rem3A_292 = arith.constant 4 : i32
      %rem3A_293 = arith.remsi %scan3A_290, %rem3A_292 : i32
      %rem3A_294 = arith.constant 4 : i32
      %rem3A_295 = arith.remsi %scan3A_290, %rem3A_294 : i32
      %add3A_296 = arith.constant 3 : i32
      %add3A_297 = arith.addi %scan3A_290, %add3A_296 : i32
      %lt3A = arith.constant 200 : i32
      %lt3A_298 = arith.cmpi slt, %add3A_297, %lt3A : i32
      %convert_element_type3A = arith.extui %lt3A_298 : i1 to i32
      %cond3A = arith.constant 0 : i32
      %cond3A_299 = arith.cmpi ne, %convert_element_type3A, %cond3A : i32
      scf.if %cond3A_299 {
        %add3A_366 = arith.constant 3 : i32
        %add3A_367 = arith.addi %scan3A_290, %add3A_366 : i32
        %add3A_368 = arith.constant 3 : i32
        %add3A_369 = arith.addi %scan3A_290, %add3A_368 : i32
        %rem3A_370 = arith.constant 4 : i32
        %rem3A_371 = arith.remsi %add3A_369, %rem3A_370 : i32
        %dma_start3A_372 = arith.constant 0 : i32
        %dma_start3A_373 = arith.constant 0 : i32
        %dma_start3A_374 = arith.constant 0 : i32
        %dma_start3A_375 = tpu.memref_slice %arg7[%rem3A_371, %dma_start3A_372, %dma_start3A_373, %dma_start3A_374] : memref<4x8x8x128xf32, #tpu.memory_space<vmem>> -> memref<1x8x8x128xf32, #tpu.memory_space<vmem>>
        %dma_start3A_376 = tpu.memref_squeeze %dma_start3A_375 : memref<1x8x8x128xf32, #tpu.memory_space<vmem>> -> memref<8x8x128xf32, #tpu.memory_space<vmem>>
        %dma_start3A_377 = arith.constant 0 : i32
        %dma_start3A_378 = arith.constant 0 : i32
        %dma_start3A_379 = arith.constant 0 : i32
        %dma_start3A_380 = tpu.memref_slice %arg2[%add3A_367, %dma_start3A_377, %add3A, %dma_start3A_378, %dma_start3A_379] : memref<200x8x32x8x128xf32, #tpu.memory_space<hbm>> -> memref<1x8x1x8x128xf32, #tpu.memory_space<hbm>>
        %dma_start3A_381 = tpu.memref_squeeze %dma_start3A_380 : memref<1x8x1x8x128xf32, #tpu.memory_space<hbm>> -> memref<8x8x128xf32, #tpu.memory_space<hbm>>
        %dma_start3A_382 = arith.constant 0 : i32
        %dma_start3A_383 = arith.constant 0 : i32
        %dma_start3A_384 = arith.constant 0 : i32
        %dma_start3A_385 = tpu.memref_slice %arg7[%rem3A_371, %dma_start3A_382, %dma_start3A_383, %dma_start3A_384] : memref<4x8x8x128xf32, #tpu.memory_space<vmem>> -> memref<1x8x8x128xf32, #tpu.memory_space<vmem>>
        %dma_start3A_386 = tpu.memref_squeeze %dma_start3A_385 : memref<1x8x8x128xf32, #tpu.memory_space<vmem>> -> memref<8x8x128xf32, #tpu.memory_space<vmem>>
        %dma_start3A_387 = arith.constant 0 : i32
        %dma_start3A_388 = arith.constant 0 : i32
        %dma_start3A_389 = arith.constant 0 : i32
        %dma_start3A_390 = tpu.memref_slice %arg2[%add3A_367, %dma_start3A_387, %add3A, %dma_start3A_388, %dma_start3A_389] : memref<200x8x32x8x128xf32, #tpu.memory_space<hbm>> -> memref<1x8x1x8x128xf32, #tpu.memory_space<hbm>>
        %dma_start3A_391 = tpu.memref_squeeze %dma_start3A_390 : memref<1x8x1x8x128xf32, #tpu.memory_space<hbm>> -> memref<8x8x128xf32, #tpu.memory_space<hbm>>
        tpu.enqueue_dma source(%dma_start3A_391 : memref<8x8x128xf32, #tpu.memory_space<hbm>>) target(%dma_start3A_386 : memref<8x8x128xf32, #tpu.memory_space<vmem>>) target_semaphore(%arg10 : memref<!tpu.dma_semaphore, #tpu.memory_space<semaphore_mem>>)
      } else {
      }
      %add3A_300 = arith.constant 3 : i32
      %add3A_301 = arith.addi %scan3A_290, %add3A_300 : i32
      %lt3A_302 = arith.constant 200 : i32
      %lt3A_303 = arith.cmpi slt, %add3A_301, %lt3A_302 : i32
      %convert_element_type3A_304 = arith.extui %lt3A_303 : i1 to i32
      %cond3A_305 = arith.constant 0 : i32
      %cond3A_306 = arith.cmpi ne, %convert_element_type3A_304, %cond3A_305 : i32
      scf.if %cond3A_306 {
        %add3A_366 = arith.constant 3 : i32
        %add3A_367 = arith.addi %scan3A_290, %add3A_366 : i32
        %add3A_368 = arith.constant 3 : i32
        %add3A_369 = arith.addi %scan3A_290, %add3A_368 : i32
        %rem3A_370 = arith.constant 4 : i32
        %rem3A_371 = arith.remsi %add3A_369, %rem3A_370 : i32
        %dma_start3A_372 = arith.constant 0 : i32
        %dma_start3A_373 = arith.constant 0 : i32
        %dma_start3A_374 = tpu.memref_slice %arg8[%rem3A_371, %dma_start3A_372, %dma_start3A_373] : memref<4x128x64xf32, #tpu.memory_space<vmem>> -> memref<1x128x64xf32, #tpu.memory_space<vmem>>
        %dma_start3A_375 = tpu.memref_squeeze %dma_start3A_374 : memref<1x128x64xf32, #tpu.memory_space<vmem>> -> memref<128x64xf32, #tpu.memory_space<vmem>>
        %dma_start3A_376 = arith.constant 0 : i32
        %dma_start3A_377 = tpu.memref_slice %arg6[%add3A_367, %dma_start3A_376] : memref<200x128xi32, #tpu.memory_space<vmem>> -> memref<1x128xi32, #tpu.memory_space<vmem>>
        %dma_start3A_378 = tpu.memref_squeeze %dma_start3A_377 : memref<1x128xi32, #tpu.memory_space<vmem>> -> memref<128xi32, #tpu.memory_space<vmem>>
        %dma_start3A_379 = arith.constant 0 : i32
        %dma_start3A_380 = arith.constant 0 : i32
        %dma_start3A_381 = tpu.memref_slice %arg4[%dma_start3A_379, %dma_start3A_380] : memref<1000000x64xf32, #tpu.memory_space<hbm>> -> memref<1000000x64xf32, #tpu.memory_space<hbm>>
        tpu.enqueue_indirect_dma source(%dma_start3A_381 : memref<1000000x64xf32, #tpu.memory_space<hbm>>) target(%dma_start3A_375 : memref<128x64xf32, #tpu.memory_space<vmem>>) offsets(%dma_start3A_378 : memref<128xi32, #tpu.memory_space<vmem>>) semaphore(%arg11 : memref<!tpu.dma_semaphore, #tpu.memory_space<semaphore_mem>>)
      } else {
      }
      %dma_wait3A_307 = arith.constant 0 : i32
      %dma_wait3A_308 = arith.constant 0 : i32
      %dma_wait3A_309 = arith.constant 0 : i32
      %dma_wait3A_310 = tpu.memref_slice %arg7[%rem3A_291, %dma_wait3A_307, %dma_wait3A_308, %dma_wait3A_309] : memref<4x8x8x128xf32, #tpu.memory_space<vmem>> -> memref<1x8x8x128xf32, #tpu.memory_space<vmem>>
      %dma_wait3A_311 = tpu.memref_squeeze %dma_wait3A_310 : memref<1x8x8x128xf32, #tpu.memory_space<vmem>> -> memref<8x8x128xf32, #tpu.memory_space<vmem>>
      %dma_wait3A_312 = arith.constant 0 : i32
      %dma_wait3A_313 = arith.constant 0 : i32
      %dma_wait3A_314 = arith.constant 0 : i32
      %dma_wait3A_315 = tpu.memref_slice %arg2[%scan3A_290, %dma_wait3A_312, %add3A, %dma_wait3A_313, %dma_wait3A_314] : memref<200x8x32x8x128xf32, #tpu.memory_space<hbm>> -> memref<1x8x1x8x128xf32, #tpu.memory_space<hbm>>
      %dma_wait3A_316 = tpu.memref_squeeze %dma_wait3A_315 : memref<1x8x1x8x128xf32, #tpu.memory_space<hbm>> -> memref<8x8x128xf32, #tpu.memory_space<hbm>>
      %dma_wait3A_317 = arith.constant 0 : i32
      %dma_wait3A_318 = arith.constant 0 : i32
      %dma_wait3A_319 = arith.constant 0 : i32
      %dma_wait3A_320 = tpu.memref_slice %arg7[%rem3A_291, %dma_wait3A_317, %dma_wait3A_318, %dma_wait3A_319] : memref<4x8x8x128xf32, #tpu.memory_space<vmem>> -> memref<1x8x8x128xf32, #tpu.memory_space<vmem>>
      %dma_wait3A_321 = tpu.memref_squeeze %dma_wait3A_320 : memref<1x8x8x128xf32, #tpu.memory_space<vmem>> -> memref<8x8x128xf32, #tpu.memory_space<vmem>>
      %dma_wait3A_322 = arith.constant 0 : i32
      %dma_wait3A_323 = arith.constant 0 : i32
      %dma_wait3A_324 = arith.constant 0 : i32
      %dma_wait3A_325 = tpu.memref_slice %arg2[%scan3A_290, %dma_wait3A_322, %add3A, %dma_wait3A_323, %dma_wait3A_324] : memref<200x8x32x8x128xf32, #tpu.memory_space<hbm>> -> memref<1x8x1x8x128xf32, #tpu.memory_space<hbm>>
      %dma_wait3A_326 = tpu.memref_squeeze %dma_wait3A_325 : memref<1x8x1x8x128xf32, #tpu.memory_space<hbm>> -> memref<8x8x128xf32, #tpu.memory_space<hbm>>
      tpu.wait_dma2 semaphore(%arg10 : memref<!tpu.dma_semaphore, #tpu.memory_space<semaphore_mem>>) src(%dma_wait3A_326 : memref<8x8x128xf32, #tpu.memory_space<hbm>>) dst(%dma_wait3A_321 : memref<8x8x128xf32, #tpu.memory_space<vmem>>)
      %dma_wait3A_327 = arith.constant 0 : i32
      %dma_wait3A_328 = arith.constant 0 : i32
      %dma_wait3A_329 = tpu.memref_slice %arg8[%rem3A_293, %dma_wait3A_327, %dma_wait3A_328] : memref<4x128x64xf32, #tpu.memory_space<vmem>> -> memref<1x128x64xf32, #tpu.memory_space<vmem>>
      %dma_wait3A_330 = tpu.memref_squeeze %dma_wait3A_329 : memref<1x128x64xf32, #tpu.memory_space<vmem>> -> memref<128x64xf32, #tpu.memory_space<vmem>>
      %dma_wait3A_331 = arith.constant 0 : i32
      %dma_wait3A_332 = tpu.memref_slice %arg6[%scan3A_290, %dma_wait3A_331] : memref<200x128xi32, #tpu.memory_space<vmem>> -> memref<1x128xi32, #tpu.memory_space<vmem>>
      %dma_wait3A_333 = tpu.memref_squeeze %dma_wait3A_332 : memref<1x128xi32, #tpu.memory_space<vmem>> -> memref<128xi32, #tpu.memory_space<vmem>>
      %dma_wait3A_334 = arith.constant 0 : i32
      %dma_wait3A_335 = arith.constant 0 : i32
      %dma_wait3A_336 = tpu.memref_slice %arg4[%dma_wait3A_334, %dma_wait3A_335] : memref<1000000x64xf32, #tpu.memory_space<hbm>> -> memref<1000000x64xf32, #tpu.memory_space<hbm>>
      tpu.wait_indirect_dma semaphore(%arg11 : memref<!tpu.dma_semaphore, #tpu.memory_space<semaphore_mem>>) src(%dma_wait3A_336 : memref<1000000x64xf32, #tpu.memory_space<hbm>>) dst(%dma_wait3A_330 : memref<128x64xf32, #tpu.memory_space<vmem>>)
      %ge3A = arith.constant 4 : i32
      %ge3A_337 = arith.cmpi sge, %scan3A_290, %ge3A : i32
      %convert_element_type3A_338 = arith.extui %ge3A_337 : i1 to i32
      %cond3A_339 = arith.constant 0 : i32
      %cond3A_340 = arith.cmpi ne, %convert_element_type3A_338, %cond3A_339 : i32
      scf.if %cond3A_340 {
        %sub3A = arith.constant 4 : i32
        %sub3A_366 = arith.subi %scan3A_290, %sub3A : i32
        %dma_wait3A_367 = arith.constant 0 : i32
        %dma_wait3A_368 = arith.constant 0 : i32
        %dma_wait3A_369 = arith.constant 0 : i32
        %dma_wait3A_370 = tpu.memref_slice %arg9[%rem3A_295, %dma_wait3A_367, %dma_wait3A_368, %dma_wait3A_369] : memref<4x8x8x128xf32, #tpu.memory_space<vmem>> -> memref<1x8x8x128xf32, #tpu.memory_space<vmem>>
        %dma_wait3A_371 = tpu.memref_squeeze %dma_wait3A_370 : memref<1x8x8x128xf32, #tpu.memory_space<vmem>> -> memref<8x8x128xf32, #tpu.memory_space<vmem>>
        %dma_wait3A_372 = arith.constant 0 : i32
        %dma_wait3A_373 = arith.constant 0 : i32
        %dma_wait3A_374 = arith.constant 0 : i32
        %dma_wait3A_375 = tpu.memref_slice %arg5[%sub3A_366, %dma_wait3A_372, %add3A, %dma_wait3A_373, %dma_wait3A_374] : memref<200x8x32x8x128xf32, #tpu.memory_space<hbm>> -> memref<1x8x1x8x128xf32, #tpu.memory_space<hbm>>
        %dma_wait3A_376 = tpu.memref_squeeze %dma_wait3A_375 : memref<1x8x1x8x128xf32, #tpu.memory_space<hbm>> -> memref<8x8x128xf32, #tpu.memory_space<hbm>>
        %dma_wait3A_377 = arith.constant 0 : i32
        %dma_wait3A_378 = arith.constant 0 : i32
        %dma_wait3A_379 = arith.constant 0 : i32
        %dma_wait3A_380 = tpu.memref_slice %arg5[%sub3A_366, %dma_wait3A_377, %add3A, %dma_wait3A_378, %dma_wait3A_379] : memref<200x8x32x8x128xf32, #tpu.memory_space<hbm>> -> memref<1x8x1x8x128xf32, #tpu.memory_space<hbm>>
        %dma_wait3A_381 = tpu.memref_squeeze %dma_wait3A_380 : memref<1x8x1x8x128xf32, #tpu.memory_space<hbm>> -> memref<8x8x128xf32, #tpu.memory_space<hbm>>
        %dma_wait3A_382 = arith.constant 0 : i32
        %dma_wait3A_383 = arith.constant 0 : i32
        %dma_wait3A_384 = arith.constant 0 : i32
        %dma_wait3A_385 = tpu.memref_slice %arg9[%rem3A_295, %dma_wait3A_382, %dma_wait3A_383, %dma_wait3A_384] : memref<4x8x8x128xf32, #tpu.memory_space<vmem>> -> memref<1x8x8x128xf32, #tpu.memory_space<vmem>>
        %dma_wait3A_386 = tpu.memref_squeeze %dma_wait3A_385 : memref<1x8x8x128xf32, #tpu.memory_space<vmem>> -> memref<8x8x128xf32, #tpu.memory_space<vmem>>
        tpu.wait_dma2 semaphore(%arg12 : memref<!tpu.dma_semaphore, #tpu.memory_space<semaphore_mem>>) src(%dma_wait3A_386 : memref<8x8x128xf32, #tpu.memory_space<vmem>>) dst(%dma_wait3A_381 : memref<8x8x128xf32, #tpu.memory_space<hbm>>)
      } else {
      }
      %scan3A_341 = arith.constant 0 : i32
      %scan3A_342 = arith.constant 8 : i32
      %scan3A_343 = arith.addi %scan3A_341, %scan3A_342 : i32
      %scan3A_344 = arith.constant 1 : i32
      scf.for %scan3A_366 = %scan3A_341 to %scan3A_343 step %scan3A_344  : i32 {
        %mul3A_367 = arith.constant 16 : i32
        %mul3A_368 = arith.muli %scan3A_366, %mul3A_367 : i32
        %add3A_369 = vector.broadcast %mul3A_368 : i32 to vector<16xi32>
        %add3A_370 = arith.addi %iota3A, %add3A_369 : vector<16xi32>
        %add3A_371 = arith.constant 0 : i32
        %add3A_372 = vector.broadcast %add3A_371 : i32 to vector<16xi32>
        %add3A_373 = arith.addi %and3A_108, %add3A_372 : vector<16xi32>
        %shift_right_logical3A = arith.constant 3 : i32
        %shift_right_logical3A_374 = vector.broadcast %shift_right_logical3A : i32 to vector<16xi32>
        %shift_right_logical3A_375 = arith.shrui %add3A_373, %shift_right_logical3A_374 : vector<16xi32>
        %and3A_376 = arith.constant 7 : i32
        %and3A_377 = vector.broadcast %and3A_376 : i32 to vector<16xi32>
        %and3A_378 = arith.andi %add3A_373, %and3A_377 : vector<16xi32>
        %gather3A = arith.constant 0 : i32
        %gather3A_379 = arith.constant 0 : i32
        %gather3A_380 = tpu.memref_slice %arg8[%rem3A_293, %gather3A, %gather3A_379] : memref<4x128x64xf32, #tpu.memory_space<vmem>> -> memref<1x128x64xf32, #tpu.memory_space<vmem>>
        %gather3A_381 = tpu.memref_squeeze %gather3A_380 : memref<1x128x64xf32, #tpu.memory_space<vmem>> -> memref<128x64xf32, #tpu.memory_space<vmem>>
        %gather3A_382 = tpu.vector_load_idx %gather3A_381[%add3A_370, %add3A_373] : memref<128x64xf32, #tpu.memory_space<vmem>>[vector<16xi32>, vector<16xi32>], vector<16xf32>,
        %gather3A_383 = arith.constant 0 : i32
        %gather3A_384 = arith.constant 0 : i32
        %gather3A_385 = arith.constant 0 : i32
        %gather3A_386 = tpu.memref_slice %arg7[%rem3A_291, %gather3A_383, %gather3A_384, %gather3A_385] : memref<4x8x8x128xf32, #tpu.memory_space<vmem>> -> memref<1x8x8x128xf32, #tpu.memory_space<vmem>>
        %gather3A_387 = tpu.memref_squeeze %gather3A_386 : memref<1x8x8x128xf32, #tpu.memory_space<vmem>> -> memref<8x8x128xf32, #tpu.memory_space<vmem>>
        %gather3A_388 = tpu.vector_load_idx %gather3A_387[%shift_right_logical3A_375, %and3A_378, %add3A_370] : memref<8x8x128xf32, #tpu.memory_space<vmem>>[vector<16xi32>, vector<16xi32>, vector<16xi32>], vector<16xf32>,
        %add3A_389 = arith.addf %gather3A_388, %gather3A_382 : vector<16xf32>
        %scatter3A = arith.constant 0 : i32
        %scatter3A_390 = arith.constant 0 : i32
        %scatter3A_391 = arith.constant 0 : i32
        %scatter3A_392 = tpu.memref_slice %arg9[%rem3A_295, %scatter3A, %scatter3A_390, %scatter3A_391] : memref<4x8x8x128xf32, #tpu.memory_space<vmem>> -> memref<1x8x8x128xf32, #tpu.memory_space<vmem>>
        %scatter3A_393 = tpu.memref_squeeze %scatter3A_392 : memref<1x8x8x128xf32, #tpu.memory_space<vmem>> -> memref<8x8x128xf32, #tpu.memory_space<vmem>>
        tpu.vector_store_idx %scatter3A_393[%shift_right_logical3A_375, %and3A_378, %add3A_370], %add3A_389 : memref<8x8x128xf32, #tpu.memory_space<vmem>>[vector<16xi32>, vector<16xi32>, vector<16xi32>], vector<16xf32>,
        %add3A_394 = arith.constant 0 : i32
        %add3A_395 = vector.broadcast %add3A_394 : i32 to vector<16xi32>
        %add3A_396 = arith.addi %and3A_114, %add3A_395 : vector<16xi32>
        %shift_right_logical3A_397 = arith.constant 3 : i32
        %shift_right_logical3A_398 = vector.broadcast %shift_right_logical3A_397 : i32 to vector<16xi32>
        %shift_right_logical3A_399 = arith.shrui %add3A_396, %shift_right_logical3A_398 : vector<16xi32>
        %and3A_400 = arith.constant 7 : i32
        %and3A_401 = vector.broadcast %and3A_400 : i32 to vector<16xi32>
        %and3A_402 = arith.andi %add3A_396, %and3A_401 : vector<16xi32>
        %gather3A_403 = arith.constant 0 : i32
        %gather3A_404 = arith.constant 0 : i32
        %gather3A_405 = tpu.memref_slice %arg8[%rem3A_293, %gather3A_403, %gather3A_404] : memref<4x128x64xf32, #tpu.memory_space<vmem>> -> memref<1x128x64xf32, #tpu.memory_space<vmem>>
        %gather3A_406 = tpu.memref_squeeze %gather3A_405 : memref<1x128x64xf32, #tpu.memory_space<vmem>> -> memref<128x64xf32, #tpu.memory_space<vmem>>
        %gather3A_407 = tpu.vector_load_idx %gather3A_406[%add3A_370, %add3A_396] : memref<128x64xf32, #tpu.memory_space<vmem>>[vector<16xi32>, vector<16xi32>], vector<16xf32>,
        %gather3A_408 = arith.constant 0 : i32
        %gather3A_409 = arith.constant 0 : i32
        %gather3A_410 = arith.constant 0 : i32
        %gather3A_411 = tpu.memref_slice %arg7[%rem3A_291, %gather3A_408, %gather3A_409, %gather3A_410] : memref<4x8x8x128xf32, #tpu.memory_space<vmem>> -> memref<1x8x8x128xf32, #tpu.memory_space<vmem>>
        %gather3A_412 = tpu.memref_squeeze %gather3A_411 : memref<1x8x8x128xf32, #tpu.memory_space<vmem>> -> memref<8x8x128xf32, #tpu.memory_space<vmem>>
        %gather3A_413 = tpu.vector_load_idx %gather3A_412[%shift_right_logical3A_399, %and3A_402, %add3A_370] : memref<8x8x128xf32, #tpu.memory_space<vmem>>[vector<16xi32>, vector<16xi32>, vector<16xi32>], vector<16xf32>,
        %add3A_414 = arith.addf %gather3A_413, %gather3A_407 : vector<16xf32>
        %scatter3A_415 = arith.constant 0 : i32
        %scatter3A_416 = arith.constant 0 : i32
        %scatter3A_417 = arith.constant 0 : i32
        %scatter3A_418 = tpu.memref_slice %arg9[%rem3A_295, %scatter3A_415, %scatter3A_416, %scatter3A_417] : memref<4x8x8x128xf32, #tpu.memory_space<vmem>> -> memref<1x8x8x128xf32, #tpu.memory_space<vmem>>
        %scatter3A_419 = tpu.memref_squeeze %scatter3A_418 : memref<1x8x8x128xf32, #tpu.memory_space<vmem>> -> memref<8x8x128xf32, #tpu.memory_space<vmem>>
        tpu.vector_store_idx %scatter3A_419[%shift_right_logical3A_399, %and3A_402, %add3A_370], %add3A_414 : memref<8x8x128xf32, #tpu.memory_space<vmem>>[vector<16xi32>, vector<16xi32>, vector<16xi32>], vector<16xf32>,
        %add3A_420 = arith.constant 0 : i32
        %add3A_421 = vector.broadcast %add3A_420 : i32 to vector<16xi32>
        %add3A_422 = arith.addi %and3A_120, %add3A_421 : vector<16xi32>
        %shift_right_logical3A_423 = arith.constant 3 : i32
        %shift_right_logical3A_424 = vector.broadcast %shift_right_logical3A_423 : i32 to vector<16xi32>
        %shift_right_logical3A_425 = arith.shrui %add3A_422, %shift_right_logical3A_424 : vector<16xi32>
        %and3A_426 = arith.constant 7 : i32
        %and3A_427 = vector.broadcast %and3A_426 : i32 to vector<16xi32>
        %and3A_428 = arith.andi %add3A_422, %and3A_427 : vector<16xi32>
        %gather3A_429 = arith.constant 0 : i32
        %gather3A_430 = arith.constant 0 : i32
        %gather3A_431 = tpu.memref_slice %arg8[%rem3A_293, %gather3A_429, %gather3A_430] : memref<4x128x64xf32, #tpu.memory_space<vmem>> -> memref<1x128x64xf32, #tpu.memory_space<vmem>>
        %gather3A_432 = tpu.memref_squeeze %gather3A_431 : memref<1x128x64xf32, #tpu.memory_space<vmem>> -> memref<128x64xf32, #tpu.memory_space<vmem>>
        %gather3A_433 = tpu.vector_load_idx %gather3A_432[%add3A_370, %add3A_422] : memref<128x64xf32, #tpu.memory_space<vmem>>[vector<16xi32>, vector<16xi32>], vector<16xf32>,
        %gather3A_434 = arith.constant 0 : i32
        %gather3A_435 = arith.constant 0 : i32
        %gather3A_436 = arith.constant 0 : i32
        %gather3A_437 = tpu.memref_slice %arg7[%rem3A_291, %gather3A_434, %gather3A_435, %gather3A_436] : memref<4x8x8x128xf32, #tpu.memory_space<vmem>> -> memref<1x8x8x128xf32, #tpu.memory_space<vmem>>
        %gather3A_438 = tpu.memref_squeeze %gather3A_437 : memref<1x8x8x128xf32, #tpu.memory_space<vmem>> -> memref<8x8x128xf32, #tpu.memory_space<vmem>>
        %gather3A_439 = tpu.vector_load_idx %gather3A_438[%shift_right_logical3A_425, %and3A_428, %add3A_370] : memref<8x8x128xf32, #tpu.memory_space<vmem>>[vector<16xi32>, vector<16xi32>, vector<16xi32>], vector<16xf32>,
        %add3A_440 = arith.addf %gather3A_439, %gather3A_433 : vector<16xf32>
        %scatter3A_441 = arith.constant 0 : i32
        %scatter3A_442 = arith.constant 0 : i32
        %scatter3A_443 = arith.constant 0 : i32
        %scatter3A_444 = tpu.memref_slice %arg9[%rem3A_295, %scatter3A_441, %scatter3A_442, %scatter3A_443] : memref<4x8x8x128xf32, #tpu.memory_space<vmem>> -> memref<1x8x8x128xf32, #tpu.memory_space<vmem>>
        %scatter3A_445 = tpu.memref_squeeze %scatter3A_444 : memref<1x8x8x128xf32, #tpu.memory_space<vmem>> -> memref<8x8x128xf32, #tpu.memory_space<vmem>>
        tpu.vector_store_idx %scatter3A_445[%shift_right_logical3A_425, %and3A_428, %add3A_370], %add3A_440 : memref<8x8x128xf32, #tpu.memory_space<vmem>>[vector<16xi32>, vector<16xi32>, vector<16xi32>], vector<16xf32>,
        %add3A_446 = arith.constant 0 : i32
        %add3A_447 = vector.broadcast %add3A_446 : i32 to vector<16xi32>
        %add3A_448 = arith.addi %and3A_126, %add3A_447 : vector<16xi32>
        %shift_right_logical3A_449 = arith.constant 3 : i32
        %shift_right_logical3A_450 = vector.broadcast %shift_right_logical3A_449 : i32 to vector<16xi32>
        %shift_right_logical3A_451 = arith.shrui %add3A_448, %shift_right_logical3A_450 : vector<16xi32>
        %and3A_452 = arith.constant 7 : i32
        %and3A_453 = vector.broadcast %and3A_452 : i32 to vector<16xi32>
        %and3A_454 = arith.andi %add3A_448, %and3A_453 : vector<16xi32>
        %gather3A_455 = arith.constant 0 : i32
        %gather3A_456 = arith.constant 0 : i32
        %gather3A_457 = tpu.memref_slice %arg8[%rem3A_293, %gather3A_455, %gather3A_456] : memref<4x128x64xf32, #tpu.memory_space<vmem>> -> memref<1x128x64xf32, #tpu.memory_space<vmem>>
        %gather3A_458 = tpu.memref_squeeze %gather3A_457 : memref<1x128x64xf32, #tpu.memory_space<vmem>> -> memref<128x64xf32, #tpu.memory_space<vmem>>
        %gather3A_459 = tpu.vector_load_idx %gather3A_458[%add3A_370, %add3A_448] : memref<128x64xf32, #tpu.memory_space<vmem>>[vector<16xi32>, vector<16xi32>], vector<16xf32>,
        %gather3A_460 = arith.constant 0 : i32
        %gather3A_461 = arith.constant 0 : i32
        %gather3A_462 = arith.constant 0 : i32
        %gather3A_463 = tpu.memref_slice %arg7[%rem3A_291, %gather3A_460, %gather3A_461, %gather3A_462] : memref<4x8x8x128xf32, #tpu.memory_space<vmem>> -> memref<1x8x8x128xf32, #tpu.memory_space<vmem>>
        %gather3A_464 = tpu.memref_squeeze %gather3A_463 : memref<1x8x8x128xf32, #tpu.memory_space<vmem>> -> memref<8x8x128xf32, #tpu.memory_space<vmem>>
        %gather3A_465 = tpu.vector_load_idx %gather3A_464[%shift_right_logical3A_451, %and3A_454, %add3A_370] : memref<8x8x128xf32, #tpu.memory_space<vmem>>[vector<16xi32>, vector<16xi32>, vector<16xi32>], vector<16xf32>,
        %add3A_466 = arith.addf %gather3A_465, %gather3A_459 : vector<16xf32>
        %scatter3A_467 = arith.constant 0 : i32
        %scatter3A_468 = arith.constant 0 : i32
        %scatter3A_469 = arith.constant 0 : i32
        %scatter3A_470 = tpu.memref_slice %arg9[%rem3A_295, %scatter3A_467, %scatter3A_468, %scatter3A_469] : memref<4x8x8x128xf32, #tpu.memory_space<vmem>> -> memref<1x8x8x128xf32, #tpu.memory_space<vmem>>
        %scatter3A_471 = tpu.memref_squeeze %scatter3A_470 : memref<1x8x8x128xf32, #tpu.memory_space<vmem>> -> memref<8x8x128xf32, #tpu.memory_space<vmem>>
        tpu.vector_store_idx %scatter3A_471[%shift_right_logical3A_451, %and3A_454, %add3A_370], %add3A_466 : memref<8x8x128xf32, #tpu.memory_space<vmem>>[vector<16xi32>, vector<16xi32>, vector<16xi32>], vector<16xf32>,
        %add3A_472 = arith.constant 0 : i32
        %add3A_473 = vector.broadcast %add3A_472 : i32 to vector<16xi32>
        %add3A_474 = arith.addi %and3A_132, %add3A_473 : vector<16xi32>
        %shift_right_logical3A_475 = arith.constant 3 : i32
        %shift_right_logical3A_476 = vector.broadcast %shift_right_logical3A_475 : i32 to vector<16xi32>
        %shift_right_logical3A_477 = arith.shrui %add3A_474, %shift_right_logical3A_476 : vector<16xi32>
        %and3A_478 = arith.constant 7 : i32
        %and3A_479 = vector.broadcast %and3A_478 : i32 to vector<16xi32>
        %and3A_480 = arith.andi %add3A_474, %and3A_479 : vector<16xi32>
        %gather3A_481 = arith.constant 0 : i32
        %gather3A_482 = arith.constant 0 : i32
        %gather3A_483 = tpu.memref_slice %arg8[%rem3A_293, %gather3A_481, %gather3A_482] : memref<4x128x64xf32, #tpu.memory_space<vmem>> -> memref<1x128x64xf32, #tpu.memory_space<vmem>>
        %gather3A_484 = tpu.memref_squeeze %gather3A_483 : memref<1x128x64xf32, #tpu.memory_space<vmem>> -> memref<128x64xf32, #tpu.memory_space<vmem>>
        %gather3A_485 = tpu.vector_load_idx %gather3A_484[%add3A_370, %add3A_474] : memref<128x64xf32, #tpu.memory_space<vmem>>[vector<16xi32>, vector<16xi32>], vector<16xf32>,
        %gather3A_486 = arith.constant 0 : i32
        %gather3A_487 = arith.constant 0 : i32
        %gather3A_488 = arith.constant 0 : i32
        %gather3A_489 = tpu.memref_slice %arg7[%rem3A_291, %gather3A_486, %gather3A_487, %gather3A_488] : memref<4x8x8x128xf32, #tpu.memory_space<vmem>> -> memref<1x8x8x128xf32, #tpu.memory_space<vmem>>
        %gather3A_490 = tpu.memref_squeeze %gather3A_489 : memref<1x8x8x128xf32, #tpu.memory_space<vmem>> -> memref<8x8x128xf32, #tpu.memory_space<vmem>>
        %gather3A_491 = tpu.vector_load_idx %gather3A_490[%shift_right_logical3A_477, %and3A_480, %add3A_370] : memref<8x8x128xf32, #tpu.memory_space<vmem>>[vector<16xi32>, vector<16xi32>, vector<16xi32>], vector<16xf32>,
        %add3A_492 = arith.addf %gather3A_491, %gather3A_485 : vector<16xf32>
        %scatter3A_493 = arith.constant 0 : i32
        %scatter3A_494 = arith.constant 0 : i32
        %scatter3A_495 = arith.constant 0 : i32
        %scatter3A_496 = tpu.memref_slice %arg9[%rem3A_295, %scatter3A_493, %scatter3A_494, %scatter3A_495] : memref<4x8x8x128xf32, #tpu.memory_space<vmem>> -> memref<1x8x8x128xf32, #tpu.memory_space<vmem>>
        %scatter3A_497 = tpu.memref_squeeze %scatter3A_496 : memref<1x8x8x128xf32, #tpu.memory_space<vmem>> -> memref<8x8x128xf32, #tpu.memory_space<vmem>>
        tpu.vector_store_idx %scatter3A_497[%shift_right_logical3A_477, %and3A_480, %add3A_370], %add3A_492 : memref<8x8x128xf32, #tpu.memory_space<vmem>>[vector<16xi32>, vector<16xi32>, vector<16xi32>], vector<16xf32>,
        %add3A_498 = arith.constant 0 : i32
        %add3A_499 = vector.broadcast %add3A_498 : i32 to vector<16xi32>
        %add3A_500 = arith.addi %and3A_138, %add3A_499 : vector<16xi32>
        %shift_right_logical3A_501 = arith.constant 3 : i32
        %shift_right_logical3A_502 = vector.broadcast %shift_right_logical3A_501 : i32 to vector<16xi32>
        %shift_right_logical3A_503 = arith.shrui %add3A_500, %shift_right_logical3A_502 : vector<16xi32>
        %and3A_504 = arith.constant 7 : i32
        %and3A_505 = vector.broadcast %and3A_504 : i32 to vector<16xi32>
        %and3A_506 = arith.andi %add3A_500, %and3A_505 : vector<16xi32>
        %gather3A_507 = arith.constant 0 : i32
        %gather3A_508 = arith.constant 0 : i32
        %gather3A_509 = tpu.memref_slice %arg8[%rem3A_293, %gather3A_507, %gather3A_508] : memref<4x128x64xf32, #tpu.memory_space<vmem>> -> memref<1x128x64xf32, #tpu.memory_space<vmem>>
        %gather3A_510 = tpu.memref_squeeze %gather3A_509 : memref<1x128x64xf32, #tpu.memory_space<vmem>> -> memref<128x64xf32, #tpu.memory_space<vmem>>
        %gather3A_511 = tpu.vector_load_idx %gather3A_510[%add3A_370, %add3A_500] : memref<128x64xf32, #tpu.memory_space<vmem>>[vector<16xi32>, vector<16xi32>], vector<16xf32>,
        %gather3A_512 = arith.constant 0 : i32
        %gather3A_513 = arith.constant 0 : i32
        %gather3A_514 = arith.constant 0 : i32
        %gather3A_515 = tpu.memref_slice %arg7[%rem3A_291, %gather3A_512, %gather3A_513, %gather3A_514] : memref<4x8x8x128xf32, #tpu.memory_space<vmem>> -> memref<1x8x8x128xf32, #tpu.memory_space<vmem>>
        %gather3A_516 = tpu.memref_squeeze %gather3A_515 : memref<1x8x8x128xf32, #tpu.memory_space<vmem>> -> memref<8x8x128xf32, #tpu.memory_space<vmem>>
        %gather3A_517 = tpu.vector_load_idx %gather3A_516[%shift_right_logical3A_503, %and3A_506, %add3A_370] : memref<8x8x128xf32, #tpu.memory_space<vmem>>[vector<16xi32>, vector<16xi32>, vector<16xi32>], vector<16xf32>,
        %add3A_518 = arith.addf %gather3A_517, %gather3A_511 : vector<16xf32>
        %scatter3A_519 = arith.constant 0 : i32
        %scatter3A_520 = arith.constant 0 : i32
        %scatter3A_521 = arith.constant 0 : i32
        %scatter3A_522 = tpu.memref_slice %arg9[%rem3A_295, %scatter3A_519, %scatter3A_520, %scatter3A_521] : memref<4x8x8x128xf32, #tpu.memory_space<vmem>> -> memref<1x8x8x128xf32, #tpu.memory_space<vmem>>
        %scatter3A_523 = tpu.memref_squeeze %scatter3A_522 : memref<1x8x8x128xf32, #tpu.memory_space<vmem>> -> memref<8x8x128xf32, #tpu.memory_space<vmem>>
        tpu.vector_store_idx %scatter3A_523[%shift_right_logical3A_503, %and3A_506, %add3A_370], %add3A_518 : memref<8x8x128xf32, #tpu.memory_space<vmem>>[vector<16xi32>, vector<16xi32>, vector<16xi32>], vector<16xf32>,
        %add3A_524 = arith.constant 0 : i32
        %add3A_525 = vector.broadcast %add3A_524 : i32 to vector<16xi32>
        %add3A_526 = arith.addi %and3A_144, %add3A_525 : vector<16xi32>
        %shift_right_logical3A_527 = arith.constant 3 : i32
        %shift_right_logical3A_528 = vector.broadcast %shift_right_logical3A_527 : i32 to vector<16xi32>
        %shift_right_logical3A_529 = arith.shrui %add3A_526, %shift_right_logical3A_528 : vector<16xi32>
        %and3A_530 = arith.constant 7 : i32
        %and3A_531 = vector.broadcast %and3A_530 : i32 to vector<16xi32>
        %and3A_532 = arith.andi %add3A_526, %and3A_531 : vector<16xi32>
        %gather3A_533 = arith.constant 0 : i32
        %gather3A_534 = arith.constant 0 : i32
        %gather3A_535 = tpu.memref_slice %arg8[%rem3A_293, %gather3A_533, %gather3A_534] : memref<4x128x64xf32, #tpu.memory_space<vmem>> -> memref<1x128x64xf32, #tpu.memory_space<vmem>>
        %gather3A_536 = tpu.memref_squeeze %gather3A_535 : memref<1x128x64xf32, #tpu.memory_space<vmem>> -> memref<128x64xf32, #tpu.memory_space<vmem>>
        %gather3A_537 = tpu.vector_load_idx %gather3A_536[%add3A_370, %add3A_526] : memref<128x64xf32, #tpu.memory_space<vmem>>[vector<16xi32>, vector<16xi32>], vector<16xf32>,
        %gather3A_538 = arith.constant 0 : i32
        %gather3A_539 = arith.constant 0 : i32
        %gather3A_540 = arith.constant 0 : i32
        %gather3A_541 = tpu.memref_slice %arg7[%rem3A_291, %gather3A_538, %gather3A_539, %gather3A_540] : memref<4x8x8x128xf32, #tpu.memory_space<vmem>> -> memref<1x8x8x128xf32, #tpu.memory_space<vmem>>
        %gather3A_542 = tpu.memref_squeeze %gather3A_541 : memref<1x8x8x128xf32, #tpu.memory_space<vmem>> -> memref<8x8x128xf32, #tpu.memory_space<vmem>>
        %gather3A_543 = tpu.vector_load_idx %gather3A_542[%shift_right_logical3A_529, %and3A_532, %add3A_370] : memref<8x8x128xf32, #tpu.memory_space<vmem>>[vector<16xi32>, vector<16xi32>, vector<16xi32>], vector<16xf32>,
        %add3A_544 = arith.addf %gather3A_543, %gather3A_537 : vector<16xf32>
        %scatter3A_545 = arith.constant 0 : i32
        %scatter3A_546 = arith.constant 0 : i32
        %scatter3A_547 = arith.constant 0 : i32
        %scatter3A_548 = tpu.memref_slice %arg9[%rem3A_295, %scatter3A_545, %scatter3A_546, %scatter3A_547] : memref<4x8x8x128xf32, #tpu.memory_space<vmem>> -> memref<1x8x8x128xf32, #tpu.memory_space<vmem>>
        %scatter3A_549 = tpu.memref_squeeze %scatter3A_548 : memref<1x8x8x128xf32, #tpu.memory_space<vmem>> -> memref<8x8x128xf32, #tpu.memory_space<vmem>>
        tpu.vector_store_idx %scatter3A_549[%shift_right_logical3A_529, %and3A_532, %add3A_370], %add3A_544 : memref<8x8x128xf32, #tpu.memory_space<vmem>>[vector<16xi32>, vector<16xi32>, vector<16xi32>], vector<16xf32>,
        %add3A_550 = arith.constant 0 : i32
        %add3A_551 = vector.broadcast %add3A_550 : i32 to vector<16xi32>
        %add3A_552 = arith.addi %and3A_150, %add3A_551 : vector<16xi32>
        %shift_right_logical3A_553 = arith.constant 3 : i32
        %shift_right_logical3A_554 = vector.broadcast %shift_right_logical3A_553 : i32 to vector<16xi32>
        %shift_right_logical3A_555 = arith.shrui %add3A_552, %shift_right_logical3A_554 : vector<16xi32>
        %and3A_556 = arith.constant 7 : i32
        %and3A_557 = vector.broadcast %and3A_556 : i32 to vector<16xi32>
        %and3A_558 = arith.andi %add3A_552, %and3A_557 : vector<16xi32>
        %gather3A_559 = arith.constant 0 : i32
        %gather3A_560 = arith.constant 0 : i32
        %gather3A_561 = tpu.memref_slice %arg8[%rem3A_293, %gather3A_559, %gather3A_560] : memref<4x128x64xf32, #tpu.memory_space<vmem>> -> memref<1x128x64xf32, #tpu.memory_space<vmem>>
        %gather3A_562 = tpu.memref_squeeze %gather3A_561 : memref<1x128x64xf32, #tpu.memory_space<vmem>> -> memref<128x64xf32, #tpu.memory_space<vmem>>
        %gather3A_563 = tpu.vector_load_idx %gather3A_562[%add3A_370, %add3A_552] : memref<128x64xf32, #tpu.memory_space<vmem>>[vector<16xi32>, vector<16xi32>], vector<16xf32>,
        %gather3A_564 = arith.constant 0 : i32
        %gather3A_565 = arith.constant 0 : i32
        %gather3A_566 = arith.constant 0 : i32
        %gather3A_567 = tpu.memref_slice %arg7[%rem3A_291, %gather3A_564, %gather3A_565, %gather3A_566] : memref<4x8x8x128xf32, #tpu.memory_space<vmem>> -> memref<1x8x8x128xf32, #tpu.memory_space<vmem>>
        %gather3A_568 = tpu.memref_squeeze %gather3A_567 : memref<1x8x8x128xf32, #tpu.memory_space<vmem>> -> memref<8x8x128xf32, #tpu.memory_space<vmem>>
        %gather3A_569 = tpu.vector_load_idx %gather3A_568[%shift_right_logical3A_555, %and3A_558, %add3A_370] : memref<8x8x128xf32, #tpu.memory_space<vmem>>[vector<16xi32>, vector<16xi32>, vector<16xi32>], vector<16xf32>,
        %add3A_570 = arith.addf %gather3A_569, %gather3A_563 : vector<16xf32>
        %scatter3A_571 = arith.constant 0 : i32
        %scatter3A_572 = arith.constant 0 : i32
        %scatter3A_573 = arith.constant 0 : i32
        %scatter3A_574 = tpu.memref_slice %arg9[%rem3A_295, %scatter3A_571, %scatter3A_572, %scatter3A_573] : memref<4x8x8x128xf32, #tpu.memory_space<vmem>> -> memref<1x8x8x128xf32, #tpu.memory_space<vmem>>
        %scatter3A_575 = tpu.memref_squeeze %scatter3A_574 : memref<1x8x8x128xf32, #tpu.memory_space<vmem>> -> memref<8x8x128xf32, #tpu.memory_space<vmem>>
        tpu.vector_store_idx %scatter3A_575[%shift_right_logical3A_555, %and3A_558, %add3A_370], %add3A_570 : memref<8x8x128xf32, #tpu.memory_space<vmem>>[vector<16xi32>, vector<16xi32>, vector<16xi32>], vector<16xf32>,
        %add3A_576 = arith.constant 0 : i32
        %add3A_577 = vector.broadcast %add3A_576 : i32 to vector<16xi32>
        %add3A_578 = arith.addi %and3A_156, %add3A_577 : vector<16xi32>
        %shift_right_logical3A_579 = arith.constant 3 : i32
        %shift_right_logical3A_580 = vector.broadcast %shift_right_logical3A_579 : i32 to vector<16xi32>
        %shift_right_logical3A_581 = arith.shrui %add3A_578, %shift_right_logical3A_580 : vector<16xi32>
        %and3A_582 = arith.constant 7 : i32
        %and3A_583 = vector.broadcast %and3A_582 : i32 to vector<16xi32>
        %and3A_584 = arith.andi %add3A_578, %and3A_583 : vector<16xi32>
        %gather3A_585 = arith.constant 0 : i32
        %gather3A_586 = arith.constant 0 : i32
        %gather3A_587 = tpu.memref_slice %arg8[%rem3A_293, %gather3A_585, %gather3A_586] : memref<4x128x64xf32, #tpu.memory_space<vmem>> -> memref<1x128x64xf32, #tpu.memory_space<vmem>>
        %gather3A_588 = tpu.memref_squeeze %gather3A_587 : memref<1x128x64xf32, #tpu.memory_space<vmem>> -> memref<128x64xf32, #tpu.memory_space<vmem>>
        %gather3A_589 = tpu.vector_load_idx %gather3A_588[%add3A_370, %add3A_578] : memref<128x64xf32, #tpu.memory_space<vmem>>[vector<16xi32>, vector<16xi32>], vector<16xf32>,
        %gather3A_590 = arith.constant 0 : i32
        %gather3A_591 = arith.constant 0 : i32
        %gather3A_592 = arith.constant 0 : i32
        %gather3A_593 = tpu.memref_slice %arg7[%rem3A_291, %gather3A_590, %gather3A_591, %gather3A_592] : memref<4x8x8x128xf32, #tpu.memory_space<vmem>> -> memref<1x8x8x128xf32, #tpu.memory_space<vmem>>
        %gather3A_594 = tpu.memref_squeeze %gather3A_593 : memref<1x8x8x128xf32, #tpu.memory_space<vmem>> -> memref<8x8x128xf32, #tpu.memory_space<vmem>>
        %gather3A_595 = tpu.vector_load_idx %gather3A_594[%shift_right_logical3A_581, %and3A_584, %add3A_370] : memref<8x8x128xf32, #tpu.memory_space<vmem>>[vector<16xi32>, vector<16xi32>, vector<16xi32>], vector<16xf32>,
        %add3A_596 = arith.addf %gather3A_595, %gather3A_589 : vector<16xf32>
        %scatter3A_597 = arith.constant 0 : i32
        %scatter3A_598 = arith.constant 0 : i32
        %scatter3A_599 = arith.constant 0 : i32
        %scatter3A_600 = tpu.memref_slice %arg9[%rem3A_295, %scatter3A_597, %scatter3A_598, %scatter3A_599] : memref<4x8x8x128xf32, #tpu.memory_space<vmem>> -> memref<1x8x8x128xf32, #tpu.memory_space<vmem>>
        %scatter3A_601 = tpu.memref_squeeze %scatter3A_600 : memref<1x8x8x128xf32, #tpu.memory_space<vmem>> -> memref<8x8x128xf32, #tpu.memory_space<vmem>>
        tpu.vector_store_idx %scatter3A_601[%shift_right_logical3A_581, %and3A_584, %add3A_370], %add3A_596 : memref<8x8x128xf32, #tpu.memory_space<vmem>>[vector<16xi32>, vector<16xi32>, vector<16xi32>], vector<16xf32>,
        %add3A_602 = arith.constant 0 : i32
        %add3A_603 = vector.broadcast %add3A_602 : i32 to vector<16xi32>
        %add3A_604 = arith.addi %and3A_162, %add3A_603 : vector<16xi32>
        %shift_right_logical3A_605 = arith.constant 3 : i32
        %shift_right_logical3A_606 = vector.broadcast %shift_right_logical3A_605 : i32 to vector<16xi32>
        %shift_right_logical3A_607 = arith.shrui %add3A_604, %shift_right_logical3A_606 : vector<16xi32>
        %and3A_608 = arith.constant 7 : i32
        %and3A_609 = vector.broadcast %and3A_608 : i32 to vector<16xi32>
        %and3A_610 = arith.andi %add3A_604, %and3A_609 : vector<16xi32>
        %gather3A_611 = arith.constant 0 : i32
        %gather3A_612 = arith.constant 0 : i32
        %gather3A_613 = tpu.memref_slice %arg8[%rem3A_293, %gather3A_611, %gather3A_612] : memref<4x128x64xf32, #tpu.memory_space<vmem>> -> memref<1x128x64xf32, #tpu.memory_space<vmem>>
        %gather3A_614 = tpu.memref_squeeze %gather3A_613 : memref<1x128x64xf32, #tpu.memory_space<vmem>> -> memref<128x64xf32, #tpu.memory_space<vmem>>
        %gather3A_615 = tpu.vector_load_idx %gather3A_614[%add3A_370, %add3A_604] : memref<128x64xf32, #tpu.memory_space<vmem>>[vector<16xi32>, vector<16xi32>], vector<16xf32>,
        %gather3A_616 = arith.constant 0 : i32
        %gather3A_617 = arith.constant 0 : i32
        %gather3A_618 = arith.constant 0 : i32
        %gather3A_619 = tpu.memref_slice %arg7[%rem3A_291, %gather3A_616, %gather3A_617, %gather3A_618] : memref<4x8x8x128xf32, #tpu.memory_space<vmem>> -> memref<1x8x8x128xf32, #tpu.memory_space<vmem>>
        %gather3A_620 = tpu.memref_squeeze %gather3A_619 : memref<1x8x8x128xf32, #tpu.memory_space<vmem>> -> memref<8x8x128xf32, #tpu.memory_space<vmem>>
        %gather3A_621 = tpu.vector_load_idx %gather3A_620[%shift_right_logical3A_607, %and3A_610, %add3A_370] : memref<8x8x128xf32, #tpu.memory_space<vmem>>[vector<16xi32>, vector<16xi32>, vector<16xi32>], vector<16xf32>,
        %add3A_622 = arith.addf %gather3A_621, %gather3A_615 : vector<16xf32>
        %scatter3A_623 = arith.constant 0 : i32
        %scatter3A_624 = arith.constant 0 : i32
        %scatter3A_625 = arith.constant 0 : i32
        %scatter3A_626 = tpu.memref_slice %arg9[%rem3A_295, %scatter3A_623, %scatter3A_624, %scatter3A_625] : memref<4x8x8x128xf32, #tpu.memory_space<vmem>> -> memref<1x8x8x128xf32, #tpu.memory_space<vmem>>
        %scatter3A_627 = tpu.memref_squeeze %scatter3A_626 : memref<1x8x8x128xf32, #tpu.memory_space<vmem>> -> memref<8x8x128xf32, #tpu.memory_space<vmem>>
        tpu.vector_store_idx %scatter3A_627[%shift_right_logical3A_607, %and3A_610, %add3A_370], %add3A_622 : memref<8x8x128xf32, #tpu.memory_space<vmem>>[vector<16xi32>, vector<16xi32>, vector<16xi32>], vector<16xf32>,
        %add3A_628 = arith.constant 0 : i32
        %add3A_629 = vector.broadcast %add3A_628 : i32 to vector<16xi32>
        %add3A_630 = arith.addi %and3A_168, %add3A_629 : vector<16xi32>
        %shift_right_logical3A_631 = arith.constant 3 : i32
        %shift_right_logical3A_632 = vector.broadcast %shift_right_logical3A_631 : i32 to vector<16xi32>
        %shift_right_logical3A_633 = arith.shrui %add3A_630, %shift_right_logical3A_632 : vector<16xi32>
        %and3A_634 = arith.constant 7 : i32
        %and3A_635 = vector.broadcast %and3A_634 : i32 to vector<16xi32>
        %and3A_636 = arith.andi %add3A_630, %and3A_635 : vector<16xi32>
        %gather3A_637 = arith.constant 0 : i32
        %gather3A_638 = arith.constant 0 : i32
        %gather3A_639 = tpu.memref_slice %arg8[%rem3A_293, %gather3A_637, %gather3A_638] : memref<4x128x64xf32, #tpu.memory_space<vmem>> -> memref<1x128x64xf32, #tpu.memory_space<vmem>>
        %gather3A_640 = tpu.memref_squeeze %gather3A_639 : memref<1x128x64xf32, #tpu.memory_space<vmem>> -> memref<128x64xf32, #tpu.memory_space<vmem>>
        %gather3A_641 = tpu.vector_load_idx %gather3A_640[%add3A_370, %add3A_630] : memref<128x64xf32, #tpu.memory_space<vmem>>[vector<16xi32>, vector<16xi32>], vector<16xf32>,
        %gather3A_642 = arith.constant 0 : i32
        %gather3A_643 = arith.constant 0 : i32
        %gather3A_644 = arith.constant 0 : i32
        %gather3A_645 = tpu.memref_slice %arg7[%rem3A_291, %gather3A_642, %gather3A_643, %gather3A_644] : memref<4x8x8x128xf32, #tpu.memory_space<vmem>> -> memref<1x8x8x128xf32, #tpu.memory_space<vmem>>
        %gather3A_646 = tpu.memref_squeeze %gather3A_645 : memref<1x8x8x128xf32, #tpu.memory_space<vmem>> -> memref<8x8x128xf32, #tpu.memory_space<vmem>>
        %gather3A_647 = tpu.vector_load_idx %gather3A_646[%shift_right_logical3A_633, %and3A_636, %add3A_370] : memref<8x8x128xf32, #tpu.memory_space<vmem>>[vector<16xi32>, vector<16xi32>, vector<16xi32>], vector<16xf32>,
        %add3A_648 = arith.addf %gather3A_647, %gather3A_641 : vector<16xf32>
        %scatter3A_649 = arith.constant 0 : i32
        %scatter3A_650 = arith.constant 0 : i32
        %scatter3A_651 = arith.constant 0 : i32
        %scatter3A_652 = tpu.memref_slice %arg9[%rem3A_295, %scatter3A_649, %scatter3A_650, %scatter3A_651] : memref<4x8x8x128xf32, #tpu.memory_space<vmem>> -> memref<1x8x8x128xf32, #tpu.memory_space<vmem>>
        %scatter3A_653 = tpu.memref_squeeze %scatter3A_652 : memref<1x8x8x128xf32, #tpu.memory_space<vmem>> -> memref<8x8x128xf32, #tpu.memory_space<vmem>>
        tpu.vector_store_idx %scatter3A_653[%shift_right_logical3A_633, %and3A_636, %add3A_370], %add3A_648 : memref<8x8x128xf32, #tpu.memory_space<vmem>>[vector<16xi32>, vector<16xi32>, vector<16xi32>], vector<16xf32>,
        %add3A_654 = arith.constant 0 : i32
        %add3A_655 = vector.broadcast %add3A_654 : i32 to vector<16xi32>
        %add3A_656 = arith.addi %and3A_174, %add3A_655 : vector<16xi32>
        %shift_right_logical3A_657 = arith.constant 3 : i32
        %shift_right_logical3A_658 = vector.broadcast %shift_right_logical3A_657 : i32 to vector<16xi32>
        %shift_right_logical3A_659 = arith.shrui %add3A_656, %shift_right_logical3A_658 : vector<16xi32>
        %and3A_660 = arith.constant 7 : i32
        %and3A_661 = vector.broadcast %and3A_660 : i32 to vector<16xi32>
        %and3A_662 = arith.andi %add3A_656, %and3A_661 : vector<16xi32>
        %gather3A_663 = arith.constant 0 : i32
        %gather3A_664 = arith.constant 0 : i32
        %gather3A_665 = tpu.memref_slice %arg8[%rem3A_293, %gather3A_663, %gather3A_664] : memref<4x128x64xf32, #tpu.memory_space<vmem>> -> memref<1x128x64xf32, #tpu.memory_space<vmem>>
        %gather3A_666 = tpu.memref_squeeze %gather3A_665 : memref<1x128x64xf32, #tpu.memory_space<vmem>> -> memref<128x64xf32, #tpu.memory_space<vmem>>
        %gather3A_667 = tpu.vector_load_idx %gather3A_666[%add3A_370, %add3A_656] : memref<128x64xf32, #tpu.memory_space<vmem>>[vector<16xi32>, vector<16xi32>], vector<16xf32>,
        %gather3A_668 = arith.constant 0 : i32
        %gather3A_669 = arith.constant 0 : i32
        %gather3A_670 = arith.constant 0 : i32
        %gather3A_671 = tpu.memref_slice %arg7[%rem3A_291, %gather3A_668, %gather3A_669, %gather3A_670] : memref<4x8x8x128xf32, #tpu.memory_space<vmem>> -> memref<1x8x8x128xf32, #tpu.memory_space<vmem>>
        %gather3A_672 = tpu.memref_squeeze %gather3A_671 : memref<1x8x8x128xf32, #tpu.memory_space<vmem>> -> memref<8x8x128xf32, #tpu.memory_space<vmem>>
        %gather3A_673 = tpu.vector_load_idx %gather3A_672[%shift_right_logical3A_659, %and3A_662, %add3A_370] : memref<8x8x128xf32, #tpu.memory_space<vmem>>[vector<16xi32>, vector<16xi32>, vector<16xi32>], vector<16xf32>,
        %add3A_674 = arith.addf %gather3A_673, %gather3A_667 : vector<16xf32>
        %scatter3A_675 = arith.constant 0 : i32
        %scatter3A_676 = arith.constant 0 : i32
        %scatter3A_677 = arith.constant 0 : i32
        %scatter3A_678 = tpu.memref_slice %arg9[%rem3A_295, %scatter3A_675, %scatter3A_676, %scatter3A_677] : memref<4x8x8x128xf32, #tpu.memory_space<vmem>> -> memref<1x8x8x128xf32, #tpu.memory_space<vmem>>
        %scatter3A_679 = tpu.memref_squeeze %scatter3A_678 : memref<1x8x8x128xf32, #tpu.memory_space<vmem>> -> memref<8x8x128xf32, #tpu.memory_space<vmem>>
        tpu.vector_store_idx %scatter3A_679[%shift_right_logical3A_659, %and3A_662, %add3A_370], %add3A_674 : memref<8x8x128xf32, #tpu.memory_space<vmem>>[vector<16xi32>, vector<16xi32>, vector<16xi32>], vector<16xf32>,
        %add3A_680 = arith.constant 0 : i32
        %add3A_681 = vector.broadcast %add3A_680 : i32 to vector<16xi32>
        %add3A_682 = arith.addi %and3A_180, %add3A_681 : vector<16xi32>
        %shift_right_logical3A_683 = arith.constant 3 : i32
        %shift_right_logical3A_684 = vector.broadcast %shift_right_logical3A_683 : i32 to vector<16xi32>
        %shift_right_logical3A_685 = arith.shrui %add3A_682, %shift_right_logical3A_684 : vector<16xi32>
        %and3A_686 = arith.constant 7 : i32
        %and3A_687 = vector.broadcast %and3A_686 : i32 to vector<16xi32>
        %and3A_688 = arith.andi %add3A_682, %and3A_687 : vector<16xi32>
        %gather3A_689 = arith.constant 0 : i32
        %gather3A_690 = arith.constant 0 : i32
        %gather3A_691 = tpu.memref_slice %arg8[%rem3A_293, %gather3A_689, %gather3A_690] : memref<4x128x64xf32, #tpu.memory_space<vmem>> -> memref<1x128x64xf32, #tpu.memory_space<vmem>>
        %gather3A_692 = tpu.memref_squeeze %gather3A_691 : memref<1x128x64xf32, #tpu.memory_space<vmem>> -> memref<128x64xf32, #tpu.memory_space<vmem>>
        %gather3A_693 = tpu.vector_load_idx %gather3A_692[%add3A_370, %add3A_682] : memref<128x64xf32, #tpu.memory_space<vmem>>[vector<16xi32>, vector<16xi32>], vector<16xf32>,
        %gather3A_694 = arith.constant 0 : i32
        %gather3A_695 = arith.constant 0 : i32
        %gather3A_696 = arith.constant 0 : i32
        %gather3A_697 = tpu.memref_slice %arg7[%rem3A_291, %gather3A_694, %gather3A_695, %gather3A_696] : memref<4x8x8x128xf32, #tpu.memory_space<vmem>> -> memref<1x8x8x128xf32, #tpu.memory_space<vmem>>
        %gather3A_698 = tpu.memref_squeeze %gather3A_697 : memref<1x8x8x128xf32, #tpu.memory_space<vmem>> -> memref<8x8x128xf32, #tpu.memory_space<vmem>>
        %gather3A_699 = tpu.vector_load_idx %gather3A_698[%shift_right_logical3A_685, %and3A_688, %add3A_370] : memref<8x8x128xf32, #tpu.memory_space<vmem>>[vector<16xi32>, vector<16xi32>, vector<16xi32>], vector<16xf32>,
        %add3A_700 = arith.addf %gather3A_699, %gather3A_693 : vector<16xf32>
        %scatter3A_701 = arith.constant 0 : i32
        %scatter3A_702 = arith.constant 0 : i32
        %scatter3A_703 = arith.constant 0 : i32
        %scatter3A_704 = tpu.memref_slice %arg9[%rem3A_295, %scatter3A_701, %scatter3A_702, %scatter3A_703] : memref<4x8x8x128xf32, #tpu.memory_space<vmem>> -> memref<1x8x8x128xf32, #tpu.memory_space<vmem>>
        %scatter3A_705 = tpu.memref_squeeze %scatter3A_704 : memref<1x8x8x128xf32, #tpu.memory_space<vmem>> -> memref<8x8x128xf32, #tpu.memory_space<vmem>>
        tpu.vector_store_idx %scatter3A_705[%shift_right_logical3A_685, %and3A_688, %add3A_370], %add3A_700 : memref<8x8x128xf32, #tpu.memory_space<vmem>>[vector<16xi32>, vector<16xi32>, vector<16xi32>], vector<16xf32>,
        %add3A_706 = arith.constant 0 : i32
        %add3A_707 = vector.broadcast %add3A_706 : i32 to vector<16xi32>
        %add3A_708 = arith.addi %and3A_186, %add3A_707 : vector<16xi32>
        %shift_right_logical3A_709 = arith.constant 3 : i32
        %shift_right_logical3A_710 = vector.broadcast %shift_right_logical3A_709 : i32 to vector<16xi32>
        %shift_right_logical3A_711 = arith.shrui %add3A_708, %shift_right_logical3A_710 : vector<16xi32>
        %and3A_712 = arith.constant 7 : i32
        %and3A_713 = vector.broadcast %and3A_712 : i32 to vector<16xi32>
        %and3A_714 = arith.andi %add3A_708, %and3A_713 : vector<16xi32>
        %gather3A_715 = arith.constant 0 : i32
        %gather3A_716 = arith.constant 0 : i32
        %gather3A_717 = tpu.memref_slice %arg8[%rem3A_293, %gather3A_715, %gather3A_716] : memref<4x128x64xf32, #tpu.memory_space<vmem>> -> memref<1x128x64xf32, #tpu.memory_space<vmem>>
        %gather3A_718 = tpu.memref_squeeze %gather3A_717 : memref<1x128x64xf32, #tpu.memory_space<vmem>> -> memref<128x64xf32, #tpu.memory_space<vmem>>
        %gather3A_719 = tpu.vector_load_idx %gather3A_718[%add3A_370, %add3A_708] : memref<128x64xf32, #tpu.memory_space<vmem>>[vector<16xi32>, vector<16xi32>], vector<16xf32>,
        %gather3A_720 = arith.constant 0 : i32
        %gather3A_721 = arith.constant 0 : i32
        %gather3A_722 = arith.constant 0 : i32
        %gather3A_723 = tpu.memref_slice %arg7[%rem3A_291, %gather3A_720, %gather3A_721, %gather3A_722] : memref<4x8x8x128xf32, #tpu.memory_space<vmem>> -> memref<1x8x8x128xf32, #tpu.memory_space<vmem>>
        %gather3A_724 = tpu.memref_squeeze %gather3A_723 : memref<1x8x8x128xf32, #tpu.memory_space<vmem>> -> memref<8x8x128xf32, #tpu.memory_space<vmem>>
        %gather3A_725 = tpu.vector_load_idx %gather3A_724[%shift_right_logical3A_711, %and3A_714, %add3A_370] : memref<8x8x128xf32, #tpu.memory_space<vmem>>[vector<16xi32>, vector<16xi32>, vector<16xi32>], vector<16xf32>,
        %add3A_726 = arith.addf %gather3A_725, %gather3A_719 : vector<16xf32>
        %scatter3A_727 = arith.constant 0 : i32
        %scatter3A_728 = arith.constant 0 : i32
        %scatter3A_729 = arith.constant 0 : i32
        %scatter3A_730 = tpu.memref_slice %arg9[%rem3A_295, %scatter3A_727, %scatter3A_728, %scatter3A_729] : memref<4x8x8x128xf32, #tpu.memory_space<vmem>> -> memref<1x8x8x128xf32, #tpu.memory_space<vmem>>
        %scatter3A_731 = tpu.memref_squeeze %scatter3A_730 : memref<1x8x8x128xf32, #tpu.memory_space<vmem>> -> memref<8x8x128xf32, #tpu.memory_space<vmem>>
        tpu.vector_store_idx %scatter3A_731[%shift_right_logical3A_711, %and3A_714, %add3A_370], %add3A_726 : memref<8x8x128xf32, #tpu.memory_space<vmem>>[vector<16xi32>, vector<16xi32>, vector<16xi32>], vector<16xf32>,
        %add3A_732 = arith.constant 0 : i32
        %add3A_733 = vector.broadcast %add3A_732 : i32 to vector<16xi32>
        %add3A_734 = arith.addi %and3A_192, %add3A_733 : vector<16xi32>
        %shift_right_logical3A_735 = arith.constant 3 : i32
        %shift_right_logical3A_736 = vector.broadcast %shift_right_logical3A_735 : i32 to vector<16xi32>
        %shift_right_logical3A_737 = arith.shrui %add3A_734, %shift_right_logical3A_736 : vector<16xi32>
        %and3A_738 = arith.constant 7 : i32
        %and3A_739 = vector.broadcast %and3A_738 : i32 to vector<16xi32>
        %and3A_740 = arith.andi %add3A_734, %and3A_739 : vector<16xi32>
        %gather3A_741 = arith.constant 0 : i32
        %gather3A_742 = arith.constant 0 : i32
        %gather3A_743 = tpu.memref_slice %arg8[%rem3A_293, %gather3A_741, %gather3A_742] : memref<4x128x64xf32, #tpu.memory_space<vmem>> -> memref<1x128x64xf32, #tpu.memory_space<vmem>>
        %gather3A_744 = tpu.memref_squeeze %gather3A_743 : memref<1x128x64xf32, #tpu.memory_space<vmem>> -> memref<128x64xf32, #tpu.memory_space<vmem>>
        %gather3A_745 = tpu.vector_load_idx %gather3A_744[%add3A_370, %add3A_734] : memref<128x64xf32, #tpu.memory_space<vmem>>[vector<16xi32>, vector<16xi32>], vector<16xf32>,
        %gather3A_746 = arith.constant 0 : i32
        %gather3A_747 = arith.constant 0 : i32
        %gather3A_748 = arith.constant 0 : i32
        %gather3A_749 = tpu.memref_slice %arg7[%rem3A_291, %gather3A_746, %gather3A_747, %gather3A_748] : memref<4x8x8x128xf32, #tpu.memory_space<vmem>> -> memref<1x8x8x128xf32, #tpu.memory_space<vmem>>
        %gather3A_750 = tpu.memref_squeeze %gather3A_749 : memref<1x8x8x128xf32, #tpu.memory_space<vmem>> -> memref<8x8x128xf32, #tpu.memory_space<vmem>>
        %gather3A_751 = tpu.vector_load_idx %gather3A_750[%shift_right_logical3A_737, %and3A_740, %add3A_370] : memref<8x8x128xf32, #tpu.memory_space<vmem>>[vector<16xi32>, vector<16xi32>, vector<16xi32>], vector<16xf32>,
        %add3A_752 = arith.addf %gather3A_751, %gather3A_745 : vector<16xf32>
        %scatter3A_753 = arith.constant 0 : i32
        %scatter3A_754 = arith.constant 0 : i32
        %scatter3A_755 = arith.constant 0 : i32
        %scatter3A_756 = tpu.memref_slice %arg9[%rem3A_295, %scatter3A_753, %scatter3A_754, %scatter3A_755] : memref<4x8x8x128xf32, #tpu.memory_space<vmem>> -> memref<1x8x8x128xf32, #tpu.memory_space<vmem>>
        %scatter3A_757 = tpu.memref_squeeze %scatter3A_756 : memref<1x8x8x128xf32, #tpu.memory_space<vmem>> -> memref<8x8x128xf32, #tpu.memory_space<vmem>>
        tpu.vector_store_idx %scatter3A_757[%shift_right_logical3A_737, %and3A_740, %add3A_370], %add3A_752 : memref<8x8x128xf32, #tpu.memory_space<vmem>>[vector<16xi32>, vector<16xi32>, vector<16xi32>], vector<16xf32>,
        %add3A_758 = arith.constant 0 : i32
        %add3A_759 = vector.broadcast %add3A_758 : i32 to vector<16xi32>
        %add3A_760 = arith.addi %and3A_198, %add3A_759 : vector<16xi32>
        %shift_right_logical3A_761 = arith.constant 3 : i32
        %shift_right_logical3A_762 = vector.broadcast %shift_right_logical3A_761 : i32 to vector<16xi32>
        %shift_right_logical3A_763 = arith.shrui %add3A_760, %shift_right_logical3A_762 : vector<16xi32>
        %and3A_764 = arith.constant 7 : i32
        %and3A_765 = vector.broadcast %and3A_764 : i32 to vector<16xi32>
        %and3A_766 = arith.andi %add3A_760, %and3A_765 : vector<16xi32>
        %gather3A_767 = arith.constant 0 : i32
        %gather3A_768 = arith.constant 0 : i32
        %gather3A_769 = tpu.memref_slice %arg8[%rem3A_293, %gather3A_767, %gather3A_768] : memref<4x128x64xf32, #tpu.memory_space<vmem>> -> memref<1x128x64xf32, #tpu.memory_space<vmem>>
        %gather3A_770 = tpu.memref_squeeze %gather3A_769 : memref<1x128x64xf32, #tpu.memory_space<vmem>> -> memref<128x64xf32, #tpu.memory_space<vmem>>
        %gather3A_771 = tpu.vector_load_idx %gather3A_770[%add3A_370, %add3A_760] : memref<128x64xf32, #tpu.memory_space<vmem>>[vector<16xi32>, vector<16xi32>], vector<16xf32>,
        %gather3A_772 = arith.constant 0 : i32
        %gather3A_773 = arith.constant 0 : i32
        %gather3A_774 = arith.constant 0 : i32
        %gather3A_775 = tpu.memref_slice %arg7[%rem3A_291, %gather3A_772, %gather3A_773, %gather3A_774] : memref<4x8x8x128xf32, #tpu.memory_space<vmem>> -> memref<1x8x8x128xf32, #tpu.memory_space<vmem>>
        %gather3A_776 = tpu.memref_squeeze %gather3A_775 : memref<1x8x8x128xf32, #tpu.memory_space<vmem>> -> memref<8x8x128xf32, #tpu.memory_space<vmem>>
        %gather3A_777 = tpu.vector_load_idx %gather3A_776[%shift_right_logical3A_763, %and3A_766, %add3A_370] : memref<8x8x128xf32, #tpu.memory_space<vmem>>[vector<16xi32>, vector<16xi32>, vector<16xi32>], vector<16xf32>,
        %add3A_778 = arith.addf %gather3A_777, %gather3A_771 : vector<16xf32>
        %scatter3A_779 = arith.constant 0 : i32
        %scatter3A_780 = arith.constant 0 : i32
        %scatter3A_781 = arith.constant 0 : i32
        %scatter3A_782 = tpu.memref_slice %arg9[%rem3A_295, %scatter3A_779, %scatter3A_780, %scatter3A_781] : memref<4x8x8x128xf32, #tpu.memory_space<vmem>> -> memref<1x8x8x128xf32, #tpu.memory_space<vmem>>
        %scatter3A_783 = tpu.memref_squeeze %scatter3A_782 : memref<1x8x8x128xf32, #tpu.memory_space<vmem>> -> memref<8x8x128xf32, #tpu.memory_space<vmem>>
        tpu.vector_store_idx %scatter3A_783[%shift_right_logical3A_763, %and3A_766, %add3A_370], %add3A_778 : memref<8x8x128xf32, #tpu.memory_space<vmem>>[vector<16xi32>, vector<16xi32>, vector<16xi32>], vector<16xf32>,
        %add3A_784 = arith.constant 16 : i32
        %add3A_785 = vector.broadcast %add3A_784 : i32 to vector<16xi32>
        %add3A_786 = arith.addi %and3A_108, %add3A_785 : vector<16xi32>
        %shift_right_logical3A_787 = arith.constant 3 : i32
        %shift_right_logical3A_788 = vector.broadcast %shift_right_logical3A_787 : i32 to vector<16xi32>
        %shift_right_logical3A_789 = arith.shrui %add3A_786, %shift_right_logical3A_788 : vector<16xi32>
        %and3A_790 = arith.constant 7 : i32
        %and3A_791 = vector.broadcast %and3A_790 : i32 to vector<16xi32>
        %and3A_792 = arith.andi %add3A_786, %and3A_791 : vector<16xi32>
        %gather3A_793 = arith.constant 0 : i32
        %gather3A_794 = arith.constant 0 : i32
        %gather3A_795 = tpu.memref_slice %arg8[%rem3A_293, %gather3A_793, %gather3A_794] : memref<4x128x64xf32, #tpu.memory_space<vmem>> -> memref<1x128x64xf32, #tpu.memory_space<vmem>>
        %gather3A_796 = tpu.memref_squeeze %gather3A_795 : memref<1x128x64xf32, #tpu.memory_space<vmem>> -> memref<128x64xf32, #tpu.memory_space<vmem>>
        %gather3A_797 = tpu.vector_load_idx %gather3A_796[%add3A_370, %add3A_786] : memref<128x64xf32, #tpu.memory_space<vmem>>[vector<16xi32>, vector<16xi32>], vector<16xf32>,
        %gather3A_798 = arith.constant 0 : i32
        %gather3A_799 = arith.constant 0 : i32
        %gather3A_800 = arith.constant 0 : i32
        %gather3A_801 = tpu.memref_slice %arg7[%rem3A_291, %gather3A_798, %gather3A_799, %gather3A_800] : memref<4x8x8x128xf32, #tpu.memory_space<vmem>> -> memref<1x8x8x128xf32, #tpu.memory_space<vmem>>
        %gather3A_802 = tpu.memref_squeeze %gather3A_801 : memref<1x8x8x128xf32, #tpu.memory_space<vmem>> -> memref<8x8x128xf32, #tpu.memory_space<vmem>>
        %gather3A_803 = tpu.vector_load_idx %gather3A_802[%shift_right_logical3A_789, %and3A_792, %add3A_370] : memref<8x8x128xf32, #tpu.memory_space<vmem>>[vector<16xi32>, vector<16xi32>, vector<16xi32>], vector<16xf32>,
        %add3A_804 = arith.addf %gather3A_803, %gather3A_797 : vector<16xf32>
        %scatter3A_805 = arith.constant 0 : i32
        %scatter3A_806 = arith.constant 0 : i32
        %scatter3A_807 = arith.constant 0 : i32
        %scatter3A_808 = tpu.memref_slice %arg9[%rem3A_295, %scatter3A_805, %scatter3A_806, %scatter3A_807] : memref<4x8x8x128xf32, #tpu.memory_space<vmem>> -> memref<1x8x8x128xf32, #tpu.memory_space<vmem>>
        %scatter3A_809 = tpu.memref_squeeze %scatter3A_808 : memref<1x8x8x128xf32, #tpu.memory_space<vmem>> -> memref<8x8x128xf32, #tpu.memory_space<vmem>>
        tpu.vector_store_idx %scatter3A_809[%shift_right_logical3A_789, %and3A_792, %add3A_370], %add3A_804 : memref<8x8x128xf32, #tpu.memory_space<vmem>>[vector<16xi32>, vector<16xi32>, vector<16xi32>], vector<16xf32>,
        %add3A_810 = arith.constant 16 : i32
        %add3A_811 = vector.broadcast %add3A_810 : i32 to vector<16xi32>
        %add3A_812 = arith.addi %and3A_114, %add3A_811 : vector<16xi32>
        %shift_right_logical3A_813 = arith.constant 3 : i32
        %shift_right_logical3A_814 = vector.broadcast %shift_right_logical3A_813 : i32 to vector<16xi32>
        %shift_right_logical3A_815 = arith.shrui %add3A_812, %shift_right_logical3A_814 : vector<16xi32>
        %and3A_816 = arith.constant 7 : i32
        %and3A_817 = vector.broadcast %and3A_816 : i32 to vector<16xi32>
        %and3A_818 = arith.andi %add3A_812, %and3A_817 : vector<16xi32>
        %gather3A_819 = arith.constant 0 : i32
        %gather3A_820 = arith.constant 0 : i32
        %gather3A_821 = tpu.memref_slice %arg8[%rem3A_293, %gather3A_819, %gather3A_820] : memref<4x128x64xf32, #tpu.memory_space<vmem>> -> memref<1x128x64xf32, #tpu.memory_space<vmem>>
        %gather3A_822 = tpu.memref_squeeze %gather3A_821 : memref<1x128x64xf32, #tpu.memory_space<vmem>> -> memref<128x64xf32, #tpu.memory_space<vmem>>
        %gather3A_823 = tpu.vector_load_idx %gather3A_822[%add3A_370, %add3A_812] : memref<128x64xf32, #tpu.memory_space<vmem>>[vector<16xi32>, vector<16xi32>], vector<16xf32>,
        %gather3A_824 = arith.constant 0 : i32
        %gather3A_825 = arith.constant 0 : i32
        %gather3A_826 = arith.constant 0 : i32
        %gather3A_827 = tpu.memref_slice %arg7[%rem3A_291, %gather3A_824, %gather3A_825, %gather3A_826] : memref<4x8x8x128xf32, #tpu.memory_space<vmem>> -> memref<1x8x8x128xf32, #tpu.memory_space<vmem>>
        %gather3A_828 = tpu.memref_squeeze %gather3A_827 : memref<1x8x8x128xf32, #tpu.memory_space<vmem>> -> memref<8x8x128xf32, #tpu.memory_space<vmem>>
        %gather3A_829 = tpu.vector_load_idx %gather3A_828[%shift_right_logical3A_815, %and3A_818, %add3A_370] : memref<8x8x128xf32, #tpu.memory_space<vmem>>[vector<16xi32>, vector<16xi32>, vector<16xi32>], vector<16xf32>,
        %add3A_830 = arith.addf %gather3A_829, %gather3A_823 : vector<16xf32>
        %scatter3A_831 = arith.constant 0 : i32
        %scatter3A_832 = arith.constant 0 : i32
        %scatter3A_833 = arith.constant 0 : i32
        %scatter3A_834 = tpu.memref_slice %arg9[%rem3A_295, %scatter3A_831, %scatter3A_832, %scatter3A_833] : memref<4x8x8x128xf32, #tpu.memory_space<vmem>> -> memref<1x8x8x128xf32, #tpu.memory_space<vmem>>
        %scatter3A_835 = tpu.memref_squeeze %scatter3A_834 : memref<1x8x8x128xf32, #tpu.memory_space<vmem>> -> memref<8x8x128xf32, #tpu.memory_space<vmem>>
        tpu.vector_store_idx %scatter3A_835[%shift_right_logical3A_815, %and3A_818, %add3A_370], %add3A_830 : memref<8x8x128xf32, #tpu.memory_space<vmem>>[vector<16xi32>, vector<16xi32>, vector<16xi32>], vector<16xf32>,
        %add3A_836 = arith.constant 16 : i32
        %add3A_837 = vector.broadcast %add3A_836 : i32 to vector<16xi32>
        %add3A_838 = arith.addi %and3A_120, %add3A_837 : vector<16xi32>
        %shift_right_logical3A_839 = arith.constant 3 : i32
        %shift_right_logical3A_840 = vector.broadcast %shift_right_logical3A_839 : i32 to vector<16xi32>
        %shift_right_logical3A_841 = arith.shrui %add3A_838, %shift_right_logical3A_840 : vector<16xi32>
        %and3A_842 = arith.constant 7 : i32
        %and3A_843 = vector.broadcast %and3A_842 : i32 to vector<16xi32>
        %and3A_844 = arith.andi %add3A_838, %and3A_843 : vector<16xi32>
        %gather3A_845 = arith.constant 0 : i32
        %gather3A_846 = arith.constant 0 : i32
        %gather3A_847 = tpu.memref_slice %arg8[%rem3A_293, %gather3A_845, %gather3A_846] : memref<4x128x64xf32, #tpu.memory_space<vmem>> -> memref<1x128x64xf32, #tpu.memory_space<vmem>>
        %gather3A_848 = tpu.memref_squeeze %gather3A_847 : memref<1x128x64xf32, #tpu.memory_space<vmem>> -> memref<128x64xf32, #tpu.memory_space<vmem>>
        %gather3A_849 = tpu.vector_load_idx %gather3A_848[%add3A_370, %add3A_838] : memref<128x64xf32, #tpu.memory_space<vmem>>[vector<16xi32>, vector<16xi32>], vector<16xf32>,
        %gather3A_850 = arith.constant 0 : i32
        %gather3A_851 = arith.constant 0 : i32
        %gather3A_852 = arith.constant 0 : i32
        %gather3A_853 = tpu.memref_slice %arg7[%rem3A_291, %gather3A_850, %gather3A_851, %gather3A_852] : memref<4x8x8x128xf32, #tpu.memory_space<vmem>> -> memref<1x8x8x128xf32, #tpu.memory_space<vmem>>
        %gather3A_854 = tpu.memref_squeeze %gather3A_853 : memref<1x8x8x128xf32, #tpu.memory_space<vmem>> -> memref<8x8x128xf32, #tpu.memory_space<vmem>>
        %gather3A_855 = tpu.vector_load_idx %gather3A_854[%shift_right_logical3A_841, %and3A_844, %add3A_370] : memref<8x8x128xf32, #tpu.memory_space<vmem>>[vector<16xi32>, vector<16xi32>, vector<16xi32>], vector<16xf32>,
        %add3A_856 = arith.addf %gather3A_855, %gather3A_849 : vector<16xf32>
        %scatter3A_857 = arith.constant 0 : i32
        %scatter3A_858 = arith.constant 0 : i32
        %scatter3A_859 = arith.constant 0 : i32
        %scatter3A_860 = tpu.memref_slice %arg9[%rem3A_295, %scatter3A_857, %scatter3A_858, %scatter3A_859] : memref<4x8x8x128xf32, #tpu.memory_space<vmem>> -> memref<1x8x8x128xf32, #tpu.memory_space<vmem>>
        %scatter3A_861 = tpu.memref_squeeze %scatter3A_860 : memref<1x8x8x128xf32, #tpu.memory_space<vmem>> -> memref<8x8x128xf32, #tpu.memory_space<vmem>>
        tpu.vector_store_idx %scatter3A_861[%shift_right_logical3A_841, %and3A_844, %add3A_370], %add3A_856 : memref<8x8x128xf32, #tpu.memory_space<vmem>>[vector<16xi32>, vector<16xi32>, vector<16xi32>], vector<16xf32>,
        %add3A_862 = arith.constant 16 : i32
        %add3A_863 = vector.broadcast %add3A_862 : i32 to vector<16xi32>
        %add3A_864 = arith.addi %and3A_126, %add3A_863 : vector<16xi32>
        %shift_right_logical3A_865 = arith.constant 3 : i32
        %shift_right_logical3A_866 = vector.broadcast %shift_right_logical3A_865 : i32 to vector<16xi32>
        %shift_right_logical3A_867 = arith.shrui %add3A_864, %shift_right_logical3A_866 : vector<16xi32>
        %and3A_868 = arith.constant 7 : i32
        %and3A_869 = vector.broadcast %and3A_868 : i32 to vector<16xi32>
        %and3A_870 = arith.andi %add3A_864, %and3A_869 : vector<16xi32>
        %gather3A_871 = arith.constant 0 : i32
        %gather3A_872 = arith.constant 0 : i32
        %gather3A_873 = tpu.memref_slice %arg8[%rem3A_293, %gather3A_871, %gather3A_872] : memref<4x128x64xf32, #tpu.memory_space<vmem>> -> memref<1x128x64xf32, #tpu.memory_space<vmem>>
        %gather3A_874 = tpu.memref_squeeze %gather3A_873 : memref<1x128x64xf32, #tpu.memory_space<vmem>> -> memref<128x64xf32, #tpu.memory_space<vmem>>
        %gather3A_875 = tpu.vector_load_idx %gather3A_874[%add3A_370, %add3A_864] : memref<128x64xf32, #tpu.memory_space<vmem>>[vector<16xi32>, vector<16xi32>], vector<16xf32>,
        %gather3A_876 = arith.constant 0 : i32
        %gather3A_877 = arith.constant 0 : i32
        %gather3A_878 = arith.constant 0 : i32
        %gather3A_879 = tpu.memref_slice %arg7[%rem3A_291, %gather3A_876, %gather3A_877, %gather3A_878] : memref<4x8x8x128xf32, #tpu.memory_space<vmem>> -> memref<1x8x8x128xf32, #tpu.memory_space<vmem>>
        %gather3A_880 = tpu.memref_squeeze %gather3A_879 : memref<1x8x8x128xf32, #tpu.memory_space<vmem>> -> memref<8x8x128xf32, #tpu.memory_space<vmem>>
        %gather3A_881 = tpu.vector_load_idx %gather3A_880[%shift_right_logical3A_867, %and3A_870, %add3A_370] : memref<8x8x128xf32, #tpu.memory_space<vmem>>[vector<16xi32>, vector<16xi32>, vector<16xi32>], vector<16xf32>,
        %add3A_882 = arith.addf %gather3A_881, %gather3A_875 : vector<16xf32>
        %scatter3A_883 = arith.constant 0 : i32
        %scatter3A_884 = arith.constant 0 : i32
        %scatter3A_885 = arith.constant 0 : i32
        %scatter3A_886 = tpu.memref_slice %arg9[%rem3A_295, %scatter3A_883, %scatter3A_884, %scatter3A_885] : memref<4x8x8x128xf32, #tpu.memory_space<vmem>> -> memref<1x8x8x128xf32, #tpu.memory_space<vmem>>
        %scatter3A_887 = tpu.memref_squeeze %scatter3A_886 : memref<1x8x8x128xf32, #tpu.memory_space<vmem>> -> memref<8x8x128xf32, #tpu.memory_space<vmem>>
        tpu.vector_store_idx %scatter3A_887[%shift_right_logical3A_867, %and3A_870, %add3A_370], %add3A_882 : memref<8x8x128xf32, #tpu.memory_space<vmem>>[vector<16xi32>, vector<16xi32>, vector<16xi32>], vector<16xf32>,
        %add3A_888 = arith.constant 16 : i32
        %add3A_889 = vector.broadcast %add3A_888 : i32 to vector<16xi32>
        %add3A_890 = arith.addi %and3A_132, %add3A_889 : vector<16xi32>
        %shift_right_logical3A_891 = arith.constant 3 : i32
        %shift_right_logical3A_892 = vector.broadcast %shift_right_logical3A_891 : i32 to vector<16xi32>
        %shift_right_logical3A_893 = arith.shrui %add3A_890, %shift_right_logical3A_892 : vector<16xi32>
        %and3A_894 = arith.constant 7 : i32
        %and3A_895 = vector.broadcast %and3A_894 : i32 to vector<16xi32>
        %and3A_896 = arith.andi %add3A_890, %and3A_895 : vector<16xi32>
        %gather3A_897 = arith.constant 0 : i32
        %gather3A_898 = arith.constant 0 : i32
        %gather3A_899 = tpu.memref_slice %arg8[%rem3A_293, %gather3A_897, %gather3A_898] : memref<4x128x64xf32, #tpu.memory_space<vmem>> -> memref<1x128x64xf32, #tpu.memory_space<vmem>>
        %gather3A_900 = tpu.memref_squeeze %gather3A_899 : memref<1x128x64xf32, #tpu.memory_space<vmem>> -> memref<128x64xf32, #tpu.memory_space<vmem>>
        %gather3A_901 = tpu.vector_load_idx %gather3A_900[%add3A_370, %add3A_890] : memref<128x64xf32, #tpu.memory_space<vmem>>[vector<16xi32>, vector<16xi32>], vector<16xf32>,
        %gather3A_902 = arith.constant 0 : i32
        %gather3A_903 = arith.constant 0 : i32
        %gather3A_904 = arith.constant 0 : i32
        %gather3A_905 = tpu.memref_slice %arg7[%rem3A_291, %gather3A_902, %gather3A_903, %gather3A_904] : memref<4x8x8x128xf32, #tpu.memory_space<vmem>> -> memref<1x8x8x128xf32, #tpu.memory_space<vmem>>
        %gather3A_906 = tpu.memref_squeeze %gather3A_905 : memref<1x8x8x128xf32, #tpu.memory_space<vmem>> -> memref<8x8x128xf32, #tpu.memory_space<vmem>>
        %gather3A_907 = tpu.vector_load_idx %gather3A_906[%shift_right_logical3A_893, %and3A_896, %add3A_370] : memref<8x8x128xf32, #tpu.memory_space<vmem>>[vector<16xi32>, vector<16xi32>, vector<16xi32>], vector<16xf32>,
        %add3A_908 = arith.addf %gather3A_907, %gather3A_901 : vector<16xf32>
        %scatter3A_909 = arith.constant 0 : i32
        %scatter3A_910 = arith.constant 0 : i32
        %scatter3A_911 = arith.constant 0 : i32
        %scatter3A_912 = tpu.memref_slice %arg9[%rem3A_295, %scatter3A_909, %scatter3A_910, %scatter3A_911] : memref<4x8x8x128xf32, #tpu.memory_space<vmem>> -> memref<1x8x8x128xf32, #tpu.memory_space<vmem>>
        %scatter3A_913 = tpu.memref_squeeze %scatter3A_912 : memref<1x8x8x128xf32, #tpu.memory_space<vmem>> -> memref<8x8x128xf32, #tpu.memory_space<vmem>>
        tpu.vector_store_idx %scatter3A_913[%shift_right_logical3A_893, %and3A_896, %add3A_370], %add3A_908 : memref<8x8x128xf32, #tpu.memory_space<vmem>>[vector<16xi32>, vector<16xi32>, vector<16xi32>], vector<16xf32>,
        %add3A_914 = arith.constant 16 : i32
        %add3A_915 = vector.broadcast %add3A_914 : i32 to vector<16xi32>
        %add3A_916 = arith.addi %and3A_138, %add3A_915 : vector<16xi32>
        %shift_right_logical3A_917 = arith.constant 3 : i32
        %shift_right_logical3A_918 = vector.broadcast %shift_right_logical3A_917 : i32 to vector<16xi32>
        %shift_right_logical3A_919 = arith.shrui %add3A_916, %shift_right_logical3A_918 : vector<16xi32>
        %and3A_920 = arith.constant 7 : i32
        %and3A_921 = vector.broadcast %and3A_920 : i32 to vector<16xi32>
        %and3A_922 = arith.andi %add3A_916, %and3A_921 : vector<16xi32>
        %gather3A_923 = arith.constant 0 : i32
        %gather3A_924 = arith.constant 0 : i32
        %gather3A_925 = tpu.memref_slice %arg8[%rem3A_293, %gather3A_923, %gather3A_924] : memref<4x128x64xf32, #tpu.memory_space<vmem>> -> memref<1x128x64xf32, #tpu.memory_space<vmem>>
        %gather3A_926 = tpu.memref_squeeze %gather3A_925 : memref<1x128x64xf32, #tpu.memory_space<vmem>> -> memref<128x64xf32, #tpu.memory_space<vmem>>
        %gather3A_927 = tpu.vector_load_idx %gather3A_926[%add3A_370, %add3A_916] : memref<128x64xf32, #tpu.memory_space<vmem>>[vector<16xi32>, vector<16xi32>], vector<16xf32>,
        %gather3A_928 = arith.constant 0 : i32
        %gather3A_929 = arith.constant 0 : i32
        %gather3A_930 = arith.constant 0 : i32
        %gather3A_931 = tpu.memref_slice %arg7[%rem3A_291, %gather3A_928, %gather3A_929, %gather3A_930] : memref<4x8x8x128xf32, #tpu.memory_space<vmem>> -> memref<1x8x8x128xf32, #tpu.memory_space<vmem>>
        %gather3A_932 = tpu.memref_squeeze %gather3A_931 : memref<1x8x8x128xf32, #tpu.memory_space<vmem>> -> memref<8x8x128xf32, #tpu.memory_space<vmem>>
        %gather3A_933 = tpu.vector_load_idx %gather3A_932[%shift_right_logical3A_919, %and3A_922, %add3A_370] : memref<8x8x128xf32, #tpu.memory_space<vmem>>[vector<16xi32>, vector<16xi32>, vector<16xi32>], vector<16xf32>,
        %add3A_934 = arith.addf %gather3A_933, %gather3A_927 : vector<16xf32>
        %scatter3A_935 = arith.constant 0 : i32
        %scatter3A_936 = arith.constant 0 : i32
        %scatter3A_937 = arith.constant 0 : i32
        %scatter3A_938 = tpu.memref_slice %arg9[%rem3A_295, %scatter3A_935, %scatter3A_936, %scatter3A_937] : memref<4x8x8x128xf32, #tpu.memory_space<vmem>> -> memref<1x8x8x128xf32, #tpu.memory_space<vmem>>
        %scatter3A_939 = tpu.memref_squeeze %scatter3A_938 : memref<1x8x8x128xf32, #tpu.memory_space<vmem>> -> memref<8x8x128xf32, #tpu.memory_space<vmem>>
        tpu.vector_store_idx %scatter3A_939[%shift_right_logical3A_919, %and3A_922, %add3A_370], %add3A_934 : memref<8x8x128xf32, #tpu.memory_space<vmem>>[vector<16xi32>, vector<16xi32>, vector<16xi32>], vector<16xf32>,
        %add3A_940 = arith.constant 16 : i32
        %add3A_941 = vector.broadcast %add3A_940 : i32 to vector<16xi32>
        %add3A_942 = arith.addi %and3A_144, %add3A_941 : vector<16xi32>
        %shift_right_logical3A_943 = arith.constant 3 : i32
        %shift_right_logical3A_944 = vector.broadcast %shift_right_logical3A_943 : i32 to vector<16xi32>
        %shift_right_logical3A_945 = arith.shrui %add3A_942, %shift_right_logical3A_944 : vector<16xi32>
        %and3A_946 = arith.constant 7 : i32
        %and3A_947 = vector.broadcast %and3A_946 : i32 to vector<16xi32>
        %and3A_948 = arith.andi %add3A_942, %and3A_947 : vector<16xi32>
        %gather3A_949 = arith.constant 0 : i32
        %gather3A_950 = arith.constant 0 : i32
        %gather3A_951 = tpu.memref_slice %arg8[%rem3A_293, %gather3A_949, %gather3A_950] : memref<4x128x64xf32, #tpu.memory_space<vmem>> -> memref<1x128x64xf32, #tpu.memory_space<vmem>>
        %gather3A_952 = tpu.memref_squeeze %gather3A_951 : memref<1x128x64xf32, #tpu.memory_space<vmem>> -> memref<128x64xf32, #tpu.memory_space<vmem>>
        %gather3A_953 = tpu.vector_load_idx %gather3A_952[%add3A_370, %add3A_942] : memref<128x64xf32, #tpu.memory_space<vmem>>[vector<16xi32>, vector<16xi32>], vector<16xf32>,
        %gather3A_954 = arith.constant 0 : i32
        %gather3A_955 = arith.constant 0 : i32
        %gather3A_956 = arith.constant 0 : i32
        %gather3A_957 = tpu.memref_slice %arg7[%rem3A_291, %gather3A_954, %gather3A_955, %gather3A_956] : memref<4x8x8x128xf32, #tpu.memory_space<vmem>> -> memref<1x8x8x128xf32, #tpu.memory_space<vmem>>
        %gather3A_958 = tpu.memref_squeeze %gather3A_957 : memref<1x8x8x128xf32, #tpu.memory_space<vmem>> -> memref<8x8x128xf32, #tpu.memory_space<vmem>>
        %gather3A_959 = tpu.vector_load_idx %gather3A_958[%shift_right_logical3A_945, %and3A_948, %add3A_370] : memref<8x8x128xf32, #tpu.memory_space<vmem>>[vector<16xi32>, vector<16xi32>, vector<16xi32>], vector<16xf32>,
        %add3A_960 = arith.addf %gather3A_959, %gather3A_953 : vector<16xf32>
        %scatter3A_961 = arith.constant 0 : i32
        %scatter3A_962 = arith.constant 0 : i32
        %scatter3A_963 = arith.constant 0 : i32
        %scatter3A_964 = tpu.memref_slice %arg9[%rem3A_295, %scatter3A_961, %scatter3A_962, %scatter3A_963] : memref<4x8x8x128xf32, #tpu.memory_space<vmem>> -> memref<1x8x8x128xf32, #tpu.memory_space<vmem>>
        %scatter3A_965 = tpu.memref_squeeze %scatter3A_964 : memref<1x8x8x128xf32, #tpu.memory_space<vmem>> -> memref<8x8x128xf32, #tpu.memory_space<vmem>>
        tpu.vector_store_idx %scatter3A_965[%shift_right_logical3A_945, %and3A_948, %add3A_370], %add3A_960 : memref<8x8x128xf32, #tpu.memory_space<vmem>>[vector<16xi32>, vector<16xi32>, vector<16xi32>], vector<16xf32>,
        %add3A_966 = arith.constant 16 : i32
        %add3A_967 = vector.broadcast %add3A_966 : i32 to vector<16xi32>
        %add3A_968 = arith.addi %and3A_150, %add3A_967 : vector<16xi32>
        %shift_right_logical3A_969 = arith.constant 3 : i32
        %shift_right_logical3A_970 = vector.broadcast %shift_right_logical3A_969 : i32 to vector<16xi32>
        %shift_right_logical3A_971 = arith.shrui %add3A_968, %shift_right_logical3A_970 : vector<16xi32>
        %and3A_972 = arith.constant 7 : i32
        %and3A_973 = vector.broadcast %and3A_972 : i32 to vector<16xi32>
        %and3A_974 = arith.andi %add3A_968, %and3A_973 : vector<16xi32>
        %gather3A_975 = arith.constant 0 : i32
        %gather3A_976 = arith.constant 0 : i32
        %gather3A_977 = tpu.memref_slice %arg8[%rem3A_293, %gather3A_975, %gather3A_976] : memref<4x128x64xf32, #tpu.memory_space<vmem>> -> memref<1x128x64xf32, #tpu.memory_space<vmem>>
        %gather3A_978 = tpu.memref_squeeze %gather3A_977 : memref<1x128x64xf32, #tpu.memory_space<vmem>> -> memref<128x64xf32, #tpu.memory_space<vmem>>
        %gather3A_979 = tpu.vector_load_idx %gather3A_978[%add3A_370, %add3A_968] : memref<128x64xf32, #tpu.memory_space<vmem>>[vector<16xi32>, vector<16xi32>], vector<16xf32>,
        %gather3A_980 = arith.constant 0 : i32
        %gather3A_981 = arith.constant 0 : i32
        %gather3A_982 = arith.constant 0 : i32
        %gather3A_983 = tpu.memref_slice %arg7[%rem3A_291, %gather3A_980, %gather3A_981, %gather3A_982] : memref<4x8x8x128xf32, #tpu.memory_space<vmem>> -> memref<1x8x8x128xf32, #tpu.memory_space<vmem>>
        %gather3A_984 = tpu.memref_squeeze %gather3A_983 : memref<1x8x8x128xf32, #tpu.memory_space<vmem>> -> memref<8x8x128xf32, #tpu.memory_space<vmem>>
        %gather3A_985 = tpu.vector_load_idx %gather3A_984[%shift_right_logical3A_971, %and3A_974, %add3A_370] : memref<8x8x128xf32, #tpu.memory_space<vmem>>[vector<16xi32>, vector<16xi32>, vector<16xi32>], vector<16xf32>,
        %add3A_986 = arith.addf %gather3A_985, %gather3A_979 : vector<16xf32>
        %scatter3A_987 = arith.constant 0 : i32
        %scatter3A_988 = arith.constant 0 : i32
        %scatter3A_989 = arith.constant 0 : i32
        %scatter3A_990 = tpu.memref_slice %arg9[%rem3A_295, %scatter3A_987, %scatter3A_988, %scatter3A_989] : memref<4x8x8x128xf32, #tpu.memory_space<vmem>> -> memref<1x8x8x128xf32, #tpu.memory_space<vmem>>
        %scatter3A_991 = tpu.memref_squeeze %scatter3A_990 : memref<1x8x8x128xf32, #tpu.memory_space<vmem>> -> memref<8x8x128xf32, #tpu.memory_space<vmem>>
        tpu.vector_store_idx %scatter3A_991[%shift_right_logical3A_971, %and3A_974, %add3A_370], %add3A_986 : memref<8x8x128xf32, #tpu.memory_space<vmem>>[vector<16xi32>, vector<16xi32>, vector<16xi32>], vector<16xf32>,
        %add3A_992 = arith.constant 16 : i32
        %add3A_993 = vector.broadcast %add3A_992 : i32 to vector<16xi32>
        %add3A_994 = arith.addi %and3A_156, %add3A_993 : vector<16xi32>
        %shift_right_logical3A_995 = arith.constant 3 : i32
        %shift_right_logical3A_996 = vector.broadcast %shift_right_logical3A_995 : i32 to vector<16xi32>
        %shift_right_logical3A_997 = arith.shrui %add3A_994, %shift_right_logical3A_996 : vector<16xi32>
        %and3A_998 = arith.constant 7 : i32
        %and3A_999 = vector.broadcast %and3A_998 : i32 to vector<16xi32>
        %and3A_1000 = arith.andi %add3A_994, %and3A_999 : vector<16xi32>
        %gather3A_1001 = arith.constant 0 : i32
        %gather3A_1002 = arith.constant 0 : i32
        %gather3A_1003 = tpu.memref_slice %arg8[%rem3A_293, %gather3A_1001, %gather3A_1002] : memref<4x128x64xf32, #tpu.memory_space<vmem>> -> memref<1x128x64xf32, #tpu.memory_space<vmem>>
        %gather3A_1004 = tpu.memref_squeeze %gather3A_1003 : memref<1x128x64xf32, #tpu.memory_space<vmem>> -> memref<128x64xf32, #tpu.memory_space<vmem>>
        %gather3A_1005 = tpu.vector_load_idx %gather3A_1004[%add3A_370, %add3A_994] : memref<128x64xf32, #tpu.memory_space<vmem>>[vector<16xi32>, vector<16xi32>], vector<16xf32>,
        %gather3A_1006 = arith.constant 0 : i32
        %gather3A_1007 = arith.constant 0 : i32
        %gather3A_1008 = arith.constant 0 : i32
        %gather3A_1009 = tpu.memref_slice %arg7[%rem3A_291, %gather3A_1006, %gather3A_1007, %gather3A_1008] : memref<4x8x8x128xf32, #tpu.memory_space<vmem>> -> memref<1x8x8x128xf32, #tpu.memory_space<vmem>>
        %gather3A_1010 = tpu.memref_squeeze %gather3A_1009 : memref<1x8x8x128xf32, #tpu.memory_space<vmem>> -> memref<8x8x128xf32, #tpu.memory_space<vmem>>
        %gather3A_1011 = tpu.vector_load_idx %gather3A_1010[%shift_right_logical3A_997, %and3A_1000, %add3A_370] : memref<8x8x128xf32, #tpu.memory_space<vmem>>[vector<16xi32>, vector<16xi32>, vector<16xi32>], vector<16xf32>,
        %add3A_1012 = arith.addf %gather3A_1011, %gather3A_1005 : vector<16xf32>
        %scatter3A_1013 = arith.constant 0 : i32
        %scatter3A_1014 = arith.constant 0 : i32
        %scatter3A_1015 = arith.constant 0 : i32
        %scatter3A_1016 = tpu.memref_slice %arg9[%rem3A_295, %scatter3A_1013, %scatter3A_1014, %scatter3A_1015] : memref<4x8x8x128xf32, #tpu.memory_space<vmem>> -> memref<1x8x8x128xf32, #tpu.memory_space<vmem>>
        %scatter3A_1017 = tpu.memref_squeeze %scatter3A_1016 : memref<1x8x8x128xf32, #tpu.memory_space<vmem>> -> memref<8x8x128xf32, #tpu.memory_space<vmem>>
        tpu.vector_store_idx %scatter3A_1017[%shift_right_logical3A_997, %and3A_1000, %add3A_370], %add3A_1012 : memref<8x8x128xf32, #tpu.memory_space<vmem>>[vector<16xi32>, vector<16xi32>, vector<16xi32>], vector<16xf32>,
        %add3A_1018 = arith.constant 16 : i32
        %add3A_1019 = vector.broadcast %add3A_1018 : i32 to vector<16xi32>
        %add3A_1020 = arith.addi %and3A_162, %add3A_1019 : vector<16xi32>
        %shift_right_logical3A_1021 = arith.constant 3 : i32
        %shift_right_logical3A_1022 = vector.broadcast %shift_right_logical3A_1021 : i32 to vector<16xi32>
        %shift_right_logical3A_1023 = arith.shrui %add3A_1020, %shift_right_logical3A_1022 : vector<16xi32>
        %and3A_1024 = arith.constant 7 : i32
        %and3A_1025 = vector.broadcast %and3A_1024 : i32 to vector<16xi32>
        %and3A_1026 = arith.andi %add3A_1020, %and3A_1025 : vector<16xi32>
        %gather3A_1027 = arith.constant 0 : i32
        %gather3A_1028 = arith.constant 0 : i32
        %gather3A_1029 = tpu.memref_slice %arg8[%rem3A_293, %gather3A_1027, %gather3A_1028] : memref<4x128x64xf32, #tpu.memory_space<vmem>> -> memref<1x128x64xf32, #tpu.memory_space<vmem>>
        %gather3A_1030 = tpu.memref_squeeze %gather3A_1029 : memref<1x128x64xf32, #tpu.memory_space<vmem>> -> memref<128x64xf32, #tpu.memory_space<vmem>>
        %gather3A_1031 = tpu.vector_load_idx %gather3A_1030[%add3A_370, %add3A_1020] : memref<128x64xf32, #tpu.memory_space<vmem>>[vector<16xi32>, vector<16xi32>], vector<16xf32>,
        %gather3A_1032 = arith.constant 0 : i32
        %gather3A_1033 = arith.constant 0 : i32
        %gather3A_1034 = arith.constant 0 : i32
        %gather3A_1035 = tpu.memref_slice %arg7[%rem3A_291, %gather3A_1032, %gather3A_1033, %gather3A_1034] : memref<4x8x8x128xf32, #tpu.memory_space<vmem>> -> memref<1x8x8x128xf32, #tpu.memory_space<vmem>>
        %gather3A_1036 = tpu.memref_squeeze %gather3A_1035 : memref<1x8x8x128xf32, #tpu.memory_space<vmem>> -> memref<8x8x128xf32, #tpu.memory_space<vmem>>
        %gather3A_1037 = tpu.vector_load_idx %gather3A_1036[%shift_right_logical3A_1023, %and3A_1026, %add3A_370] : memref<8x8x128xf32, #tpu.memory_space<vmem>>[vector<16xi32>, vector<16xi32>, vector<16xi32>], vector<16xf32>,
        %add3A_1038 = arith.addf %gather3A_1037, %gather3A_1031 : vector<16xf32>
        %scatter3A_1039 = arith.constant 0 : i32
        %scatter3A_1040 = arith.constant 0 : i32
        %scatter3A_1041 = arith.constant 0 : i32
        %scatter3A_1042 = tpu.memref_slice %arg9[%rem3A_295, %scatter3A_1039, %scatter3A_1040, %scatter3A_1041] : memref<4x8x8x128xf32, #tpu.memory_space<vmem>> -> memref<1x8x8x128xf32, #tpu.memory_space<vmem>>
        %scatter3A_1043 = tpu.memref_squeeze %scatter3A_1042 : memref<1x8x8x128xf32, #tpu.memory_space<vmem>> -> memref<8x8x128xf32, #tpu.memory_space<vmem>>
        tpu.vector_store_idx %scatter3A_1043[%shift_right_logical3A_1023, %and3A_1026, %add3A_370], %add3A_1038 : memref<8x8x128xf32, #tpu.memory_space<vmem>>[vector<16xi32>, vector<16xi32>, vector<16xi32>], vector<16xf32>,
        %add3A_1044 = arith.constant 16 : i32
        %add3A_1045 = vector.broadcast %add3A_1044 : i32 to vector<16xi32>
        %add3A_1046 = arith.addi %and3A_168, %add3A_1045 : vector<16xi32>
        %shift_right_logical3A_1047 = arith.constant 3 : i32
        %shift_right_logical3A_1048 = vector.broadcast %shift_right_logical3A_1047 : i32 to vector<16xi32>
        %shift_right_logical3A_1049 = arith.shrui %add3A_1046, %shift_right_logical3A_1048 : vector<16xi32>
        %and3A_1050 = arith.constant 7 : i32
        %and3A_1051 = vector.broadcast %and3A_1050 : i32 to vector<16xi32>
        %and3A_1052 = arith.andi %add3A_1046, %and3A_1051 : vector<16xi32>
        %gather3A_1053 = arith.constant 0 : i32
        %gather3A_1054 = arith.constant 0 : i32
        %gather3A_1055 = tpu.memref_slice %arg8[%rem3A_293, %gather3A_1053, %gather3A_1054] : memref<4x128x64xf32, #tpu.memory_space<vmem>> -> memref<1x128x64xf32, #tpu.memory_space<vmem>>
        %gather3A_1056 = tpu.memref_squeeze %gather3A_1055 : memref<1x128x64xf32, #tpu.memory_space<vmem>> -> memref<128x64xf32, #tpu.memory_space<vmem>>
        %gather3A_1057 = tpu.vector_load_idx %gather3A_1056[%add3A_370, %add3A_1046] : memref<128x64xf32, #tpu.memory_space<vmem>>[vector<16xi32>, vector<16xi32>], vector<16xf32>,
        %gather3A_1058 = arith.constant 0 : i32
        %gather3A_1059 = arith.constant 0 : i32
        %gather3A_1060 = arith.constant 0 : i32
        %gather3A_1061 = tpu.memref_slice %arg7[%rem3A_291, %gather3A_1058, %gather3A_1059, %gather3A_1060] : memref<4x8x8x128xf32, #tpu.memory_space<vmem>> -> memref<1x8x8x128xf32, #tpu.memory_space<vmem>>
        %gather3A_1062 = tpu.memref_squeeze %gather3A_1061 : memref<1x8x8x128xf32, #tpu.memory_space<vmem>> -> memref<8x8x128xf32, #tpu.memory_space<vmem>>
        %gather3A_1063 = tpu.vector_load_idx %gather3A_1062[%shift_right_logical3A_1049, %and3A_1052, %add3A_370] : memref<8x8x128xf32, #tpu.memory_space<vmem>>[vector<16xi32>, vector<16xi32>, vector<16xi32>], vector<16xf32>,
        %add3A_1064 = arith.addf %gather3A_1063, %gather3A_1057 : vector<16xf32>
        %scatter3A_1065 = arith.constant 0 : i32
        %scatter3A_1066 = arith.constant 0 : i32
        %scatter3A_1067 = arith.constant 0 : i32
        %scatter3A_1068 = tpu.memref_slice %arg9[%rem3A_295, %scatter3A_1065, %scatter3A_1066, %scatter3A_1067] : memref<4x8x8x128xf32, #tpu.memory_space<vmem>> -> memref<1x8x8x128xf32, #tpu.memory_space<vmem>>
        %scatter3A_1069 = tpu.memref_squeeze %scatter3A_1068 : memref<1x8x8x128xf32, #tpu.memory_space<vmem>> -> memref<8x8x128xf32, #tpu.memory_space<vmem>>
        tpu.vector_store_idx %scatter3A_1069[%shift_right_logical3A_1049, %and3A_1052, %add3A_370], %add3A_1064 : memref<8x8x128xf32, #tpu.memory_space<vmem>>[vector<16xi32>, vector<16xi32>, vector<16xi32>], vector<16xf32>,
        %add3A_1070 = arith.constant 16 : i32
        %add3A_1071 = vector.broadcast %add3A_1070 : i32 to vector<16xi32>
        %add3A_1072 = arith.addi %and3A_174, %add3A_1071 : vector<16xi32>
        %shift_right_logical3A_1073 = arith.constant 3 : i32
        %shift_right_logical3A_1074 = vector.broadcast %shift_right_logical3A_1073 : i32 to vector<16xi32>
        %shift_right_logical3A_1075 = arith.shrui %add3A_1072, %shift_right_logical3A_1074 : vector<16xi32>
        %and3A_1076 = arith.constant 7 : i32
        %and3A_1077 = vector.broadcast %and3A_1076 : i32 to vector<16xi32>
        %and3A_1078 = arith.andi %add3A_1072, %and3A_1077 : vector<16xi32>
        %gather3A_1079 = arith.constant 0 : i32
        %gather3A_1080 = arith.constant 0 : i32
        %gather3A_1081 = tpu.memref_slice %arg8[%rem3A_293, %gather3A_1079, %gather3A_1080] : memref<4x128x64xf32, #tpu.memory_space<vmem>> -> memref<1x128x64xf32, #tpu.memory_space<vmem>>
        %gather3A_1082 = tpu.memref_squeeze %gather3A_1081 : memref<1x128x64xf32, #tpu.memory_space<vmem>> -> memref<128x64xf32, #tpu.memory_space<vmem>>
        %gather3A_1083 = tpu.vector_load_idx %gather3A_1082[%add3A_370, %add3A_1072] : memref<128x64xf32, #tpu.memory_space<vmem>>[vector<16xi32>, vector<16xi32>], vector<16xf32>,
        %gather3A_1084 = arith.constant 0 : i32
        %gather3A_1085 = arith.constant 0 : i32
        %gather3A_1086 = arith.constant 0 : i32
        %gather3A_1087 = tpu.memref_slice %arg7[%rem3A_291, %gather3A_1084, %gather3A_1085, %gather3A_1086] : memref<4x8x8x128xf32, #tpu.memory_space<vmem>> -> memref<1x8x8x128xf32, #tpu.memory_space<vmem>>
        %gather3A_1088 = tpu.memref_squeeze %gather3A_1087 : memref<1x8x8x128xf32, #tpu.memory_space<vmem>> -> memref<8x8x128xf32, #tpu.memory_space<vmem>>
        %gather3A_1089 = tpu.vector_load_idx %gather3A_1088[%shift_right_logical3A_1075, %and3A_1078, %add3A_370] : memref<8x8x128xf32, #tpu.memory_space<vmem>>[vector<16xi32>, vector<16xi32>, vector<16xi32>], vector<16xf32>,
        %add3A_1090 = arith.addf %gather3A_1089, %gather3A_1083 : vector<16xf32>
        %scatter3A_1091 = arith.constant 0 : i32
        %scatter3A_1092 = arith.constant 0 : i32
        %scatter3A_1093 = arith.constant 0 : i32
        %scatter3A_1094 = tpu.memref_slice %arg9[%rem3A_295, %scatter3A_1091, %scatter3A_1092, %scatter3A_1093] : memref<4x8x8x128xf32, #tpu.memory_space<vmem>> -> memref<1x8x8x128xf32, #tpu.memory_space<vmem>>
        %scatter3A_1095 = tpu.memref_squeeze %scatter3A_1094 : memref<1x8x8x128xf32, #tpu.memory_space<vmem>> -> memref<8x8x128xf32, #tpu.memory_space<vmem>>
        tpu.vector_store_idx %scatter3A_1095[%shift_right_logical3A_1075, %and3A_1078, %add3A_370], %add3A_1090 : memref<8x8x128xf32, #tpu.memory_space<vmem>>[vector<16xi32>, vector<16xi32>, vector<16xi32>], vector<16xf32>,
        %add3A_1096 = arith.constant 16 : i32
        %add3A_1097 = vector.broadcast %add3A_1096 : i32 to vector<16xi32>
        %add3A_1098 = arith.addi %and3A_180, %add3A_1097 : vector<16xi32>
        %shift_right_logical3A_1099 = arith.constant 3 : i32
        %shift_right_logical3A_1100 = vector.broadcast %shift_right_logical3A_1099 : i32 to vector<16xi32>
        %shift_right_logical3A_1101 = arith.shrui %add3A_1098, %shift_right_logical3A_1100 : vector<16xi32>
        %and3A_1102 = arith.constant 7 : i32
        %and3A_1103 = vector.broadcast %and3A_1102 : i32 to vector<16xi32>
        %and3A_1104 = arith.andi %add3A_1098, %and3A_1103 : vector<16xi32>
        %gather3A_1105 = arith.constant 0 : i32
        %gather3A_1106 = arith.constant 0 : i32
        %gather3A_1107 = tpu.memref_slice %arg8[%rem3A_293, %gather3A_1105, %gather3A_1106] : memref<4x128x64xf32, #tpu.memory_space<vmem>> -> memref<1x128x64xf32, #tpu.memory_space<vmem>>
        %gather3A_1108 = tpu.memref_squeeze %gather3A_1107 : memref<1x128x64xf32, #tpu.memory_space<vmem>> -> memref<128x64xf32, #tpu.memory_space<vmem>>
        %gather3A_1109 = tpu.vector_load_idx %gather3A_1108[%add3A_370, %add3A_1098] : memref<128x64xf32, #tpu.memory_space<vmem>>[vector<16xi32>, vector<16xi32>], vector<16xf32>,
        %gather3A_1110 = arith.constant 0 : i32
        %gather3A_1111 = arith.constant 0 : i32
        %gather3A_1112 = arith.constant 0 : i32
        %gather3A_1113 = tpu.memref_slice %arg7[%rem3A_291, %gather3A_1110, %gather3A_1111, %gather3A_1112] : memref<4x8x8x128xf32, #tpu.memory_space<vmem>> -> memref<1x8x8x128xf32, #tpu.memory_space<vmem>>
        %gather3A_1114 = tpu.memref_squeeze %gather3A_1113 : memref<1x8x8x128xf32, #tpu.memory_space<vmem>> -> memref<8x8x128xf32, #tpu.memory_space<vmem>>
        %gather3A_1115 = tpu.vector_load_idx %gather3A_1114[%shift_right_logical3A_1101, %and3A_1104, %add3A_370] : memref<8x8x128xf32, #tpu.memory_space<vmem>>[vector<16xi32>, vector<16xi32>, vector<16xi32>], vector<16xf32>,
        %add3A_1116 = arith.addf %gather3A_1115, %gather3A_1109 : vector<16xf32>
        %scatter3A_1117 = arith.constant 0 : i32
        %scatter3A_1118 = arith.constant 0 : i32
        %scatter3A_1119 = arith.constant 0 : i32
        %scatter3A_1120 = tpu.memref_slice %arg9[%rem3A_295, %scatter3A_1117, %scatter3A_1118, %scatter3A_1119] : memref<4x8x8x128xf32, #tpu.memory_space<vmem>> -> memref<1x8x8x128xf32, #tpu.memory_space<vmem>>
        %scatter3A_1121 = tpu.memref_squeeze %scatter3A_1120 : memref<1x8x8x128xf32, #tpu.memory_space<vmem>> -> memref<8x8x128xf32, #tpu.memory_space<vmem>>
        tpu.vector_store_idx %scatter3A_1121[%shift_right_logical3A_1101, %and3A_1104, %add3A_370], %add3A_1116 : memref<8x8x128xf32, #tpu.memory_space<vmem>>[vector<16xi32>, vector<16xi32>, vector<16xi32>], vector<16xf32>,
        %add3A_1122 = arith.constant 16 : i32
        %add3A_1123 = vector.broadcast %add3A_1122 : i32 to vector<16xi32>
        %add3A_1124 = arith.addi %and3A_186, %add3A_1123 : vector<16xi32>
        %shift_right_logical3A_1125 = arith.constant 3 : i32
        %shift_right_logical3A_1126 = vector.broadcast %shift_right_logical3A_1125 : i32 to vector<16xi32>
        %shift_right_logical3A_1127 = arith.shrui %add3A_1124, %shift_right_logical3A_1126 : vector<16xi32>
        %and3A_1128 = arith.constant 7 : i32
        %and3A_1129 = vector.broadcast %and3A_1128 : i32 to vector<16xi32>
        %and3A_1130 = arith.andi %add3A_1124, %and3A_1129 : vector<16xi32>
        %gather3A_1131 = arith.constant 0 : i32
        %gather3A_1132 = arith.constant 0 : i32
        %gather3A_1133 = tpu.memref_slice %arg8[%rem3A_293, %gather3A_1131, %gather3A_1132] : memref<4x128x64xf32, #tpu.memory_space<vmem>> -> memref<1x128x64xf32, #tpu.memory_space<vmem>>
        %gather3A_1134 = tpu.memref_squeeze %gather3A_1133 : memref<1x128x64xf32, #tpu.memory_space<vmem>> -> memref<128x64xf32, #tpu.memory_space<vmem>>
        %gather3A_1135 = tpu.vector_load_idx %gather3A_1134[%add3A_370, %add3A_1124] : memref<128x64xf32, #tpu.memory_space<vmem>>[vector<16xi32>, vector<16xi32>], vector<16xf32>,
        %gather3A_1136 = arith.constant 0 : i32
        %gather3A_1137 = arith.constant 0 : i32
        %gather3A_1138 = arith.constant 0 : i32
        %gather3A_1139 = tpu.memref_slice %arg7[%rem3A_291, %gather3A_1136, %gather3A_1137, %gather3A_1138] : memref<4x8x8x128xf32, #tpu.memory_space<vmem>> -> memref<1x8x8x128xf32, #tpu.memory_space<vmem>>
        %gather3A_1140 = tpu.memref_squeeze %gather3A_1139 : memref<1x8x8x128xf32, #tpu.memory_space<vmem>> -> memref<8x8x128xf32, #tpu.memory_space<vmem>>
        %gather3A_1141 = tpu.vector_load_idx %gather3A_1140[%shift_right_logical3A_1127, %and3A_1130, %add3A_370] : memref<8x8x128xf32, #tpu.memory_space<vmem>>[vector<16xi32>, vector<16xi32>, vector<16xi32>], vector<16xf32>,
        %add3A_1142 = arith.addf %gather3A_1141, %gather3A_1135 : vector<16xf32>
        %scatter3A_1143 = arith.constant 0 : i32
        %scatter3A_1144 = arith.constant 0 : i32
        %scatter3A_1145 = arith.constant 0 : i32
        %scatter3A_1146 = tpu.memref_slice %arg9[%rem3A_295, %scatter3A_1143, %scatter3A_1144, %scatter3A_1145] : memref<4x8x8x128xf32, #tpu.memory_space<vmem>> -> memref<1x8x8x128xf32, #tpu.memory_space<vmem>>
        %scatter3A_1147 = tpu.memref_squeeze %scatter3A_1146 : memref<1x8x8x128xf32, #tpu.memory_space<vmem>> -> memref<8x8x128xf32, #tpu.memory_space<vmem>>
        tpu.vector_store_idx %scatter3A_1147[%shift_right_logical3A_1127, %and3A_1130, %add3A_370], %add3A_1142 : memref<8x8x128xf32, #tpu.memory_space<vmem>>[vector<16xi32>, vector<16xi32>, vector<16xi32>], vector<16xf32>,
        %add3A_1148 = arith.constant 16 : i32
        %add3A_1149 = vector.broadcast %add3A_1148 : i32 to vector<16xi32>
        %add3A_1150 = arith.addi %and3A_192, %add3A_1149 : vector<16xi32>
        %shift_right_logical3A_1151 = arith.constant 3 : i32
        %shift_right_logical3A_1152 = vector.broadcast %shift_right_logical3A_1151 : i32 to vector<16xi32>
        %shift_right_logical3A_1153 = arith.shrui %add3A_1150, %shift_right_logical3A_1152 : vector<16xi32>
        %and3A_1154 = arith.constant 7 : i32
        %and3A_1155 = vector.broadcast %and3A_1154 : i32 to vector<16xi32>
        %and3A_1156 = arith.andi %add3A_1150, %and3A_1155 : vector<16xi32>
        %gather3A_1157 = arith.constant 0 : i32
        %gather3A_1158 = arith.constant 0 : i32
        %gather3A_1159 = tpu.memref_slice %arg8[%rem3A_293, %gather3A_1157, %gather3A_1158] : memref<4x128x64xf32, #tpu.memory_space<vmem>> -> memref<1x128x64xf32, #tpu.memory_space<vmem>>
        %gather3A_1160 = tpu.memref_squeeze %gather3A_1159 : memref<1x128x64xf32, #tpu.memory_space<vmem>> -> memref<128x64xf32, #tpu.memory_space<vmem>>
        %gather3A_1161 = tpu.vector_load_idx %gather3A_1160[%add3A_370, %add3A_1150] : memref<128x64xf32, #tpu.memory_space<vmem>>[vector<16xi32>, vector<16xi32>], vector<16xf32>,
        %gather3A_1162 = arith.constant 0 : i32
        %gather3A_1163 = arith.constant 0 : i32
        %gather3A_1164 = arith.constant 0 : i32
        %gather3A_1165 = tpu.memref_slice %arg7[%rem3A_291, %gather3A_1162, %gather3A_1163, %gather3A_1164] : memref<4x8x8x128xf32, #tpu.memory_space<vmem>> -> memref<1x8x8x128xf32, #tpu.memory_space<vmem>>
        %gather3A_1166 = tpu.memref_squeeze %gather3A_1165 : memref<1x8x8x128xf32, #tpu.memory_space<vmem>> -> memref<8x8x128xf32, #tpu.memory_space<vmem>>
        %gather3A_1167 = tpu.vector_load_idx %gather3A_1166[%shift_right_logical3A_1153, %and3A_1156, %add3A_370] : memref<8x8x128xf32, #tpu.memory_space<vmem>>[vector<16xi32>, vector<16xi32>, vector<16xi32>], vector<16xf32>,
        %add3A_1168 = arith.addf %gather3A_1167, %gather3A_1161 : vector<16xf32>
        %scatter3A_1169 = arith.constant 0 : i32
        %scatter3A_1170 = arith.constant 0 : i32
        %scatter3A_1171 = arith.constant 0 : i32
        %scatter3A_1172 = tpu.memref_slice %arg9[%rem3A_295, %scatter3A_1169, %scatter3A_1170, %scatter3A_1171] : memref<4x8x8x128xf32, #tpu.memory_space<vmem>> -> memref<1x8x8x128xf32, #tpu.memory_space<vmem>>
        %scatter3A_1173 = tpu.memref_squeeze %scatter3A_1172 : memref<1x8x8x128xf32, #tpu.memory_space<vmem>> -> memref<8x8x128xf32, #tpu.memory_space<vmem>>
        tpu.vector_store_idx %scatter3A_1173[%shift_right_logical3A_1153, %and3A_1156, %add3A_370], %add3A_1168 : memref<8x8x128xf32, #tpu.memory_space<vmem>>[vector<16xi32>, vector<16xi32>, vector<16xi32>], vector<16xf32>,
        %add3A_1174 = arith.constant 16 : i32
        %add3A_1175 = vector.broadcast %add3A_1174 : i32 to vector<16xi32>
        %add3A_1176 = arith.addi %and3A_198, %add3A_1175 : vector<16xi32>
        %shift_right_logical3A_1177 = arith.constant 3 : i32
        %shift_right_logical3A_1178 = vector.broadcast %shift_right_logical3A_1177 : i32 to vector<16xi32>
        %shift_right_logical3A_1179 = arith.shrui %add3A_1176, %shift_right_logical3A_1178 : vector<16xi32>
        %and3A_1180 = arith.constant 7 : i32
        %and3A_1181 = vector.broadcast %and3A_1180 : i32 to vector<16xi32>
        %and3A_1182 = arith.andi %add3A_1176, %and3A_1181 : vector<16xi32>
        %gather3A_1183 = arith.constant 0 : i32
        %gather3A_1184 = arith.constant 0 : i32
        %gather3A_1185 = tpu.memref_slice %arg8[%rem3A_293, %gather3A_1183, %gather3A_1184] : memref<4x128x64xf32, #tpu.memory_space<vmem>> -> memref<1x128x64xf32, #tpu.memory_space<vmem>>
        %gather3A_1186 = tpu.memref_squeeze %gather3A_1185 : memref<1x128x64xf32, #tpu.memory_space<vmem>> -> memref<128x64xf32, #tpu.memory_space<vmem>>
        %gather3A_1187 = tpu.vector_load_idx %gather3A_1186[%add3A_370, %add3A_1176] : memref<128x64xf32, #tpu.memory_space<vmem>>[vector<16xi32>, vector<16xi32>], vector<16xf32>,
        %gather3A_1188 = arith.constant 0 : i32
        %gather3A_1189 = arith.constant 0 : i32
        %gather3A_1190 = arith.constant 0 : i32
        %gather3A_1191 = tpu.memref_slice %arg7[%rem3A_291, %gather3A_1188, %gather3A_1189, %gather3A_1190] : memref<4x8x8x128xf32, #tpu.memory_space<vmem>> -> memref<1x8x8x128xf32, #tpu.memory_space<vmem>>
        %gather3A_1192 = tpu.memref_squeeze %gather3A_1191 : memref<1x8x8x128xf32, #tpu.memory_space<vmem>> -> memref<8x8x128xf32, #tpu.memory_space<vmem>>
        %gather3A_1193 = tpu.vector_load_idx %gather3A_1192[%shift_right_logical3A_1179, %and3A_1182, %add3A_370] : memref<8x8x128xf32, #tpu.memory_space<vmem>>[vector<16xi32>, vector<16xi32>, vector<16xi32>], vector<16xf32>,
        %add3A_1194 = arith.addf %gather3A_1193, %gather3A_1187 : vector<16xf32>
        %scatter3A_1195 = arith.constant 0 : i32
        %scatter3A_1196 = arith.constant 0 : i32
        %scatter3A_1197 = arith.constant 0 : i32
        %scatter3A_1198 = tpu.memref_slice %arg9[%rem3A_295, %scatter3A_1195, %scatter3A_1196, %scatter3A_1197] : memref<4x8x8x128xf32, #tpu.memory_space<vmem>> -> memref<1x8x8x128xf32, #tpu.memory_space<vmem>>
        %scatter3A_1199 = tpu.memref_squeeze %scatter3A_1198 : memref<1x8x8x128xf32, #tpu.memory_space<vmem>> -> memref<8x8x128xf32, #tpu.memory_space<vmem>>
        tpu.vector_store_idx %scatter3A_1199[%shift_right_logical3A_1179, %and3A_1182, %add3A_370], %add3A_1194 : memref<8x8x128xf32, #tpu.memory_space<vmem>>[vector<16xi32>, vector<16xi32>, vector<16xi32>], vector<16xf32>,
        %add3A_1200 = arith.constant 32 : i32
        %add3A_1201 = vector.broadcast %add3A_1200 : i32 to vector<16xi32>
        %add3A_1202 = arith.addi %and3A_108, %add3A_1201 : vector<16xi32>
        %shift_right_logical3A_1203 = arith.constant 3 : i32
        %shift_right_logical3A_1204 = vector.broadcast %shift_right_logical3A_1203 : i32 to vector<16xi32>
        %shift_right_logical3A_1205 = arith.shrui %add3A_1202, %shift_right_logical3A_1204 : vector<16xi32>
        %and3A_1206 = arith.constant 7 : i32
        %and3A_1207 = vector.broadcast %and3A_1206 : i32 to vector<16xi32>
        %and3A_1208 = arith.andi %add3A_1202, %and3A_1207 : vector<16xi32>
        %gather3A_1209 = arith.constant 0 : i32
        %gather3A_1210 = arith.constant 0 : i32
        %gather3A_1211 = tpu.memref_slice %arg8[%rem3A_293, %gather3A_1209, %gather3A_1210] : memref<4x128x64xf32, #tpu.memory_space<vmem>> -> memref<1x128x64xf32, #tpu.memory_space<vmem>>
        %gather3A_1212 = tpu.memref_squeeze %gather3A_1211 : memref<1x128x64xf32, #tpu.memory_space<vmem>> -> memref<128x64xf32, #tpu.memory_space<vmem>>
        %gather3A_1213 = tpu.vector_load_idx %gather3A_1212[%add3A_370, %add3A_1202] : memref<128x64xf32, #tpu.memory_space<vmem>>[vector<16xi32>, vector<16xi32>], vector<16xf32>,
        %gather3A_1214 = arith.constant 0 : i32
        %gather3A_1215 = arith.constant 0 : i32
        %gather3A_1216 = arith.constant 0 : i32
        %gather3A_1217 = tpu.memref_slice %arg7[%rem3A_291, %gather3A_1214, %gather3A_1215, %gather3A_1216] : memref<4x8x8x128xf32, #tpu.memory_space<vmem>> -> memref<1x8x8x128xf32, #tpu.memory_space<vmem>>
        %gather3A_1218 = tpu.memref_squeeze %gather3A_1217 : memref<1x8x8x128xf32, #tpu.memory_space<vmem>> -> memref<8x8x128xf32, #tpu.memory_space<vmem>>
        %gather3A_1219 = tpu.vector_load_idx %gather3A_1218[%shift_right_logical3A_1205, %and3A_1208, %add3A_370] : memref<8x8x128xf32, #tpu.memory_space<vmem>>[vector<16xi32>, vector<16xi32>, vector<16xi32>], vector<16xf32>,
        %add3A_1220 = arith.addf %gather3A_1219, %gather3A_1213 : vector<16xf32>
        %scatter3A_1221 = arith.constant 0 : i32
        %scatter3A_1222 = arith.constant 0 : i32
        %scatter3A_1223 = arith.constant 0 : i32
        %scatter3A_1224 = tpu.memref_slice %arg9[%rem3A_295, %scatter3A_1221, %scatter3A_1222, %scatter3A_1223] : memref<4x8x8x128xf32, #tpu.memory_space<vmem>> -> memref<1x8x8x128xf32, #tpu.memory_space<vmem>>
        %scatter3A_1225 = tpu.memref_squeeze %scatter3A_1224 : memref<1x8x8x128xf32, #tpu.memory_space<vmem>> -> memref<8x8x128xf32, #tpu.memory_space<vmem>>
        tpu.vector_store_idx %scatter3A_1225[%shift_right_logical3A_1205, %and3A_1208, %add3A_370], %add3A_1220 : memref<8x8x128xf32, #tpu.memory_space<vmem>>[vector<16xi32>, vector<16xi32>, vector<16xi32>], vector<16xf32>,
        %add3A_1226 = arith.constant 32 : i32
        %add3A_1227 = vector.broadcast %add3A_1226 : i32 to vector<16xi32>
        %add3A_1228 = arith.addi %and3A_114, %add3A_1227 : vector<16xi32>
        %shift_right_logical3A_1229 = arith.constant 3 : i32
        %shift_right_logical3A_1230 = vector.broadcast %shift_right_logical3A_1229 : i32 to vector<16xi32>
        %shift_right_logical3A_1231 = arith.shrui %add3A_1228, %shift_right_logical3A_1230 : vector<16xi32>
        %and3A_1232 = arith.constant 7 : i32
        %and3A_1233 = vector.broadcast %and3A_1232 : i32 to vector<16xi32>
        %and3A_1234 = arith.andi %add3A_1228, %and3A_1233 : vector<16xi32>
        %gather3A_1235 = arith.constant 0 : i32
        %gather3A_1236 = arith.constant 0 : i32
        %gather3A_1237 = tpu.memref_slice %arg8[%rem3A_293, %gather3A_1235, %gather3A_1236] : memref<4x128x64xf32, #tpu.memory_space<vmem>> -> memref<1x128x64xf32, #tpu.memory_space<vmem>>
        %gather3A_1238 = tpu.memref_squeeze %gather3A_1237 : memref<1x128x64xf32, #tpu.memory_space<vmem>> -> memref<128x64xf32, #tpu.memory_space<vmem>>
        %gather3A_1239 = tpu.vector_load_idx %gather3A_1238[%add3A_370, %add3A_1228] : memref<128x64xf32, #tpu.memory_space<vmem>>[vector<16xi32>, vector<16xi32>], vector<16xf32>,
        %gather3A_1240 = arith.constant 0 : i32
        %gather3A_1241 = arith.constant 0 : i32
        %gather3A_1242 = arith.constant 0 : i32
        %gather3A_1243 = tpu.memref_slice %arg7[%rem3A_291, %gather3A_1240, %gather3A_1241, %gather3A_1242] : memref<4x8x8x128xf32, #tpu.memory_space<vmem>> -> memref<1x8x8x128xf32, #tpu.memory_space<vmem>>
        %gather3A_1244 = tpu.memref_squeeze %gather3A_1243 : memref<1x8x8x128xf32, #tpu.memory_space<vmem>> -> memref<8x8x128xf32, #tpu.memory_space<vmem>>
        %gather3A_1245 = tpu.vector_load_idx %gather3A_1244[%shift_right_logical3A_1231, %and3A_1234, %add3A_370] : memref<8x8x128xf32, #tpu.memory_space<vmem>>[vector<16xi32>, vector<16xi32>, vector<16xi32>], vector<16xf32>,
        %add3A_1246 = arith.addf %gather3A_1245, %gather3A_1239 : vector<16xf32>
        %scatter3A_1247 = arith.constant 0 : i32
        %scatter3A_1248 = arith.constant 0 : i32
        %scatter3A_1249 = arith.constant 0 : i32
        %scatter3A_1250 = tpu.memref_slice %arg9[%rem3A_295, %scatter3A_1247, %scatter3A_1248, %scatter3A_1249] : memref<4x8x8x128xf32, #tpu.memory_space<vmem>> -> memref<1x8x8x128xf32, #tpu.memory_space<vmem>>
        %scatter3A_1251 = tpu.memref_squeeze %scatter3A_1250 : memref<1x8x8x128xf32, #tpu.memory_space<vmem>> -> memref<8x8x128xf32, #tpu.memory_space<vmem>>
        tpu.vector_store_idx %scatter3A_1251[%shift_right_logical3A_1231, %and3A_1234, %add3A_370], %add3A_1246 : memref<8x8x128xf32, #tpu.memory_space<vmem>>[vector<16xi32>, vector<16xi32>, vector<16xi32>], vector<16xf32>,
        %add3A_1252 = arith.constant 32 : i32
        %add3A_1253 = vector.broadcast %add3A_1252 : i32 to vector<16xi32>
        %add3A_1254 = arith.addi %and3A_120, %add3A_1253 : vector<16xi32>
        %shift_right_logical3A_1255 = arith.constant 3 : i32
        %shift_right_logical3A_1256 = vector.broadcast %shift_right_logical3A_1255 : i32 to vector<16xi32>
        %shift_right_logical3A_1257 = arith.shrui %add3A_1254, %shift_right_logical3A_1256 : vector<16xi32>
        %and3A_1258 = arith.constant 7 : i32
        %and3A_1259 = vector.broadcast %and3A_1258 : i32 to vector<16xi32>
        %and3A_1260 = arith.andi %add3A_1254, %and3A_1259 : vector<16xi32>
        %gather3A_1261 = arith.constant 0 : i32
        %gather3A_1262 = arith.constant 0 : i32
        %gather3A_1263 = tpu.memref_slice %arg8[%rem3A_293, %gather3A_1261, %gather3A_1262] : memref<4x128x64xf32, #tpu.memory_space<vmem>> -> memref<1x128x64xf32, #tpu.memory_space<vmem>>
        %gather3A_1264 = tpu.memref_squeeze %gather3A_1263 : memref<1x128x64xf32, #tpu.memory_space<vmem>> -> memref<128x64xf32, #tpu.memory_space<vmem>>
        %gather3A_1265 = tpu.vector_load_idx %gather3A_1264[%add3A_370, %add3A_1254] : memref<128x64xf32, #tpu.memory_space<vmem>>[vector<16xi32>, vector<16xi32>], vector<16xf32>,
        %gather3A_1266 = arith.constant 0 : i32
        %gather3A_1267 = arith.constant 0 : i32
        %gather3A_1268 = arith.constant 0 : i32
        %gather3A_1269 = tpu.memref_slice %arg7[%rem3A_291, %gather3A_1266, %gather3A_1267, %gather3A_1268] : memref<4x8x8x128xf32, #tpu.memory_space<vmem>> -> memref<1x8x8x128xf32, #tpu.memory_space<vmem>>
        %gather3A_1270 = tpu.memref_squeeze %gather3A_1269 : memref<1x8x8x128xf32, #tpu.memory_space<vmem>> -> memref<8x8x128xf32, #tpu.memory_space<vmem>>
        %gather3A_1271 = tpu.vector_load_idx %gather3A_1270[%shift_right_logical3A_1257, %and3A_1260, %add3A_370] : memref<8x8x128xf32, #tpu.memory_space<vmem>>[vector<16xi32>, vector<16xi32>, vector<16xi32>], vector<16xf32>,
        %add3A_1272 = arith.addf %gather3A_1271, %gather3A_1265 : vector<16xf32>
        %scatter3A_1273 = arith.constant 0 : i32
        %scatter3A_1274 = arith.constant 0 : i32
        %scatter3A_1275 = arith.constant 0 : i32
        %scatter3A_1276 = tpu.memref_slice %arg9[%rem3A_295, %scatter3A_1273, %scatter3A_1274, %scatter3A_1275] : memref<4x8x8x128xf32, #tpu.memory_space<vmem>> -> memref<1x8x8x128xf32, #tpu.memory_space<vmem>>
        %scatter3A_1277 = tpu.memref_squeeze %scatter3A_1276 : memref<1x8x8x128xf32, #tpu.memory_space<vmem>> -> memref<8x8x128xf32, #tpu.memory_space<vmem>>
        tpu.vector_store_idx %scatter3A_1277[%shift_right_logical3A_1257, %and3A_1260, %add3A_370], %add3A_1272 : memref<8x8x128xf32, #tpu.memory_space<vmem>>[vector<16xi32>, vector<16xi32>, vector<16xi32>], vector<16xf32>,
        %add3A_1278 = arith.constant 32 : i32
        %add3A_1279 = vector.broadcast %add3A_1278 : i32 to vector<16xi32>
        %add3A_1280 = arith.addi %and3A_126, %add3A_1279 : vector<16xi32>
        %shift_right_logical3A_1281 = arith.constant 3 : i32
        %shift_right_logical3A_1282 = vector.broadcast %shift_right_logical3A_1281 : i32 to vector<16xi32>
        %shift_right_logical3A_1283 = arith.shrui %add3A_1280, %shift_right_logical3A_1282 : vector<16xi32>
        %and3A_1284 = arith.constant 7 : i32
        %and3A_1285 = vector.broadcast %and3A_1284 : i32 to vector<16xi32>
        %and3A_1286 = arith.andi %add3A_1280, %and3A_1285 : vector<16xi32>
        %gather3A_1287 = arith.constant 0 : i32
        %gather3A_1288 = arith.constant 0 : i32
        %gather3A_1289 = tpu.memref_slice %arg8[%rem3A_293, %gather3A_1287, %gather3A_1288] : memref<4x128x64xf32, #tpu.memory_space<vmem>> -> memref<1x128x64xf32, #tpu.memory_space<vmem>>
        %gather3A_1290 = tpu.memref_squeeze %gather3A_1289 : memref<1x128x64xf32, #tpu.memory_space<vmem>> -> memref<128x64xf32, #tpu.memory_space<vmem>>
        %gather3A_1291 = tpu.vector_load_idx %gather3A_1290[%add3A_370, %add3A_1280] : memref<128x64xf32, #tpu.memory_space<vmem>>[vector<16xi32>, vector<16xi32>], vector<16xf32>,
        %gather3A_1292 = arith.constant 0 : i32
        %gather3A_1293 = arith.constant 0 : i32
        %gather3A_1294 = arith.constant 0 : i32
        %gather3A_1295 = tpu.memref_slice %arg7[%rem3A_291, %gather3A_1292, %gather3A_1293, %gather3A_1294] : memref<4x8x8x128xf32, #tpu.memory_space<vmem>> -> memref<1x8x8x128xf32, #tpu.memory_space<vmem>>
        %gather3A_1296 = tpu.memref_squeeze %gather3A_1295 : memref<1x8x8x128xf32, #tpu.memory_space<vmem>> -> memref<8x8x128xf32, #tpu.memory_space<vmem>>
        %gather3A_1297 = tpu.vector_load_idx %gather3A_1296[%shift_right_logical3A_1283, %and3A_1286, %add3A_370] : memref<8x8x128xf32, #tpu.memory_space<vmem>>[vector<16xi32>, vector<16xi32>, vector<16xi32>], vector<16xf32>,
        %add3A_1298 = arith.addf %gather3A_1297, %gather3A_1291 : vector<16xf32>
        %scatter3A_1299 = arith.constant 0 : i32
        %scatter3A_1300 = arith.constant 0 : i32
        %scatter3A_1301 = arith.constant 0 : i32
        %scatter3A_1302 = tpu.memref_slice %arg9[%rem3A_295, %scatter3A_1299, %scatter3A_1300, %scatter3A_1301] : memref<4x8x8x128xf32, #tpu.memory_space<vmem>> -> memref<1x8x8x128xf32, #tpu.memory_space<vmem>>
        %scatter3A_1303 = tpu.memref_squeeze %scatter3A_1302 : memref<1x8x8x128xf32, #tpu.memory_space<vmem>> -> memref<8x8x128xf32, #tpu.memory_space<vmem>>
        tpu.vector_store_idx %scatter3A_1303[%shift_right_logical3A_1283, %and3A_1286, %add3A_370], %add3A_1298 : memref<8x8x128xf32, #tpu.memory_space<vmem>>[vector<16xi32>, vector<16xi32>, vector<16xi32>], vector<16xf32>,
        %add3A_1304 = arith.constant 32 : i32
        %add3A_1305 = vector.broadcast %add3A_1304 : i32 to vector<16xi32>
        %add3A_1306 = arith.addi %and3A_132, %add3A_1305 : vector<16xi32>
        %shift_right_logical3A_1307 = arith.constant 3 : i32
        %shift_right_logical3A_1308 = vector.broadcast %shift_right_logical3A_1307 : i32 to vector<16xi32>
        %shift_right_logical3A_1309 = arith.shrui %add3A_1306, %shift_right_logical3A_1308 : vector<16xi32>
        %and3A_1310 = arith.constant 7 : i32
        %and3A_1311 = vector.broadcast %and3A_1310 : i32 to vector<16xi32>
        %and3A_1312 = arith.andi %add3A_1306, %and3A_1311 : vector<16xi32>
        %gather3A_1313 = arith.constant 0 : i32
        %gather3A_1314 = arith.constant 0 : i32
        %gather3A_1315 = tpu.memref_slice %arg8[%rem3A_293, %gather3A_1313, %gather3A_1314] : memref<4x128x64xf32, #tpu.memory_space<vmem>> -> memref<1x128x64xf32, #tpu.memory_space<vmem>>
        %gather3A_1316 = tpu.memref_squeeze %gather3A_1315 : memref<1x128x64xf32, #tpu.memory_space<vmem>> -> memref<128x64xf32, #tpu.memory_space<vmem>>
        %gather3A_1317 = tpu.vector_load_idx %gather3A_1316[%add3A_370, %add3A_1306] : memref<128x64xf32, #tpu.memory_space<vmem>>[vector<16xi32>, vector<16xi32>], vector<16xf32>,
        %gather3A_1318 = arith.constant 0 : i32
        %gather3A_1319 = arith.constant 0 : i32
        %gather3A_1320 = arith.constant 0 : i32
        %gather3A_1321 = tpu.memref_slice %arg7[%rem3A_291, %gather3A_1318, %gather3A_1319, %gather3A_1320] : memref<4x8x8x128xf32, #tpu.memory_space<vmem>> -> memref<1x8x8x128xf32, #tpu.memory_space<vmem>>
        %gather3A_1322 = tpu.memref_squeeze %gather3A_1321 : memref<1x8x8x128xf32, #tpu.memory_space<vmem>> -> memref<8x8x128xf32, #tpu.memory_space<vmem>>
        %gather3A_1323 = tpu.vector_load_idx %gather3A_1322[%shift_right_logical3A_1309, %and3A_1312, %add3A_370] : memref<8x8x128xf32, #tpu.memory_space<vmem>>[vector<16xi32>, vector<16xi32>, vector<16xi32>], vector<16xf32>,
        %add3A_1324 = arith.addf %gather3A_1323, %gather3A_1317 : vector<16xf32>
        %scatter3A_1325 = arith.constant 0 : i32
        %scatter3A_1326 = arith.constant 0 : i32
        %scatter3A_1327 = arith.constant 0 : i32
        %scatter3A_1328 = tpu.memref_slice %arg9[%rem3A_295, %scatter3A_1325, %scatter3A_1326, %scatter3A_1327] : memref<4x8x8x128xf32, #tpu.memory_space<vmem>> -> memref<1x8x8x128xf32, #tpu.memory_space<vmem>>
        %scatter3A_1329 = tpu.memref_squeeze %scatter3A_1328 : memref<1x8x8x128xf32, #tpu.memory_space<vmem>> -> memref<8x8x128xf32, #tpu.memory_space<vmem>>
        tpu.vector_store_idx %scatter3A_1329[%shift_right_logical3A_1309, %and3A_1312, %add3A_370], %add3A_1324 : memref<8x8x128xf32, #tpu.memory_space<vmem>>[vector<16xi32>, vector<16xi32>, vector<16xi32>], vector<16xf32>,
        %add3A_1330 = arith.constant 32 : i32
        %add3A_1331 = vector.broadcast %add3A_1330 : i32 to vector<16xi32>
        %add3A_1332 = arith.addi %and3A_138, %add3A_1331 : vector<16xi32>
        %shift_right_logical3A_1333 = arith.constant 3 : i32
        %shift_right_logical3A_1334 = vector.broadcast %shift_right_logical3A_1333 : i32 to vector<16xi32>
        %shift_right_logical3A_1335 = arith.shrui %add3A_1332, %shift_right_logical3A_1334 : vector<16xi32>
        %and3A_1336 = arith.constant 7 : i32
        %and3A_1337 = vector.broadcast %and3A_1336 : i32 to vector<16xi32>
        %and3A_1338 = arith.andi %add3A_1332, %and3A_1337 : vector<16xi32>
        %gather3A_1339 = arith.constant 0 : i32
        %gather3A_1340 = arith.constant 0 : i32
        %gather3A_1341 = tpu.memref_slice %arg8[%rem3A_293, %gather3A_1339, %gather3A_1340] : memref<4x128x64xf32, #tpu.memory_space<vmem>> -> memref<1x128x64xf32, #tpu.memory_space<vmem>>
        %gather3A_1342 = tpu.memref_squeeze %gather3A_1341 : memref<1x128x64xf32, #tpu.memory_space<vmem>> -> memref<128x64xf32, #tpu.memory_space<vmem>>
        %gather3A_1343 = tpu.vector_load_idx %gather3A_1342[%add3A_370, %add3A_1332] : memref<128x64xf32, #tpu.memory_space<vmem>>[vector<16xi32>, vector<16xi32>], vector<16xf32>,
        %gather3A_1344 = arith.constant 0 : i32
        %gather3A_1345 = arith.constant 0 : i32
        %gather3A_1346 = arith.constant 0 : i32
        %gather3A_1347 = tpu.memref_slice %arg7[%rem3A_291, %gather3A_1344, %gather3A_1345, %gather3A_1346] : memref<4x8x8x128xf32, #tpu.memory_space<vmem>> -> memref<1x8x8x128xf32, #tpu.memory_space<vmem>>
        %gather3A_1348 = tpu.memref_squeeze %gather3A_1347 : memref<1x8x8x128xf32, #tpu.memory_space<vmem>> -> memref<8x8x128xf32, #tpu.memory_space<vmem>>
        %gather3A_1349 = tpu.vector_load_idx %gather3A_1348[%shift_right_logical3A_1335, %and3A_1338, %add3A_370] : memref<8x8x128xf32, #tpu.memory_space<vmem>>[vector<16xi32>, vector<16xi32>, vector<16xi32>], vector<16xf32>,
        %add3A_1350 = arith.addf %gather3A_1349, %gather3A_1343 : vector<16xf32>
        %scatter3A_1351 = arith.constant 0 : i32
        %scatter3A_1352 = arith.constant 0 : i32
        %scatter3A_1353 = arith.constant 0 : i32
        %scatter3A_1354 = tpu.memref_slice %arg9[%rem3A_295, %scatter3A_1351, %scatter3A_1352, %scatter3A_1353] : memref<4x8x8x128xf32, #tpu.memory_space<vmem>> -> memref<1x8x8x128xf32, #tpu.memory_space<vmem>>
        %scatter3A_1355 = tpu.memref_squeeze %scatter3A_1354 : memref<1x8x8x128xf32, #tpu.memory_space<vmem>> -> memref<8x8x128xf32, #tpu.memory_space<vmem>>
        tpu.vector_store_idx %scatter3A_1355[%shift_right_logical3A_1335, %and3A_1338, %add3A_370], %add3A_1350 : memref<8x8x128xf32, #tpu.memory_space<vmem>>[vector<16xi32>, vector<16xi32>, vector<16xi32>], vector<16xf32>,
        %add3A_1356 = arith.constant 32 : i32
        %add3A_1357 = vector.broadcast %add3A_1356 : i32 to vector<16xi32>
        %add3A_1358 = arith.addi %and3A_144, %add3A_1357 : vector<16xi32>
        %shift_right_logical3A_1359 = arith.constant 3 : i32
        %shift_right_logical3A_1360 = vector.broadcast %shift_right_logical3A_1359 : i32 to vector<16xi32>
        %shift_right_logical3A_1361 = arith.shrui %add3A_1358, %shift_right_logical3A_1360 : vector<16xi32>
        %and3A_1362 = arith.constant 7 : i32
        %and3A_1363 = vector.broadcast %and3A_1362 : i32 to vector<16xi32>
        %and3A_1364 = arith.andi %add3A_1358, %and3A_1363 : vector<16xi32>
        %gather3A_1365 = arith.constant 0 : i32
        %gather3A_1366 = arith.constant 0 : i32
        %gather3A_1367 = tpu.memref_slice %arg8[%rem3A_293, %gather3A_1365, %gather3A_1366] : memref<4x128x64xf32, #tpu.memory_space<vmem>> -> memref<1x128x64xf32, #tpu.memory_space<vmem>>
        %gather3A_1368 = tpu.memref_squeeze %gather3A_1367 : memref<1x128x64xf32, #tpu.memory_space<vmem>> -> memref<128x64xf32, #tpu.memory_space<vmem>>
        %gather3A_1369 = tpu.vector_load_idx %gather3A_1368[%add3A_370, %add3A_1358] : memref<128x64xf32, #tpu.memory_space<vmem>>[vector<16xi32>, vector<16xi32>], vector<16xf32>,
        %gather3A_1370 = arith.constant 0 : i32
        %gather3A_1371 = arith.constant 0 : i32
        %gather3A_1372 = arith.constant 0 : i32
        %gather3A_1373 = tpu.memref_slice %arg7[%rem3A_291, %gather3A_1370, %gather3A_1371, %gather3A_1372] : memref<4x8x8x128xf32, #tpu.memory_space<vmem>> -> memref<1x8x8x128xf32, #tpu.memory_space<vmem>>
        %gather3A_1374 = tpu.memref_squeeze %gather3A_1373 : memref<1x8x8x128xf32, #tpu.memory_space<vmem>> -> memref<8x8x128xf32, #tpu.memory_space<vmem>>
        %gather3A_1375 = tpu.vector_load_idx %gather3A_1374[%shift_right_logical3A_1361, %and3A_1364, %add3A_370] : memref<8x8x128xf32, #tpu.memory_space<vmem>>[vector<16xi32>, vector<16xi32>, vector<16xi32>], vector<16xf32>,
        %add3A_1376 = arith.addf %gather3A_1375, %gather3A_1369 : vector<16xf32>
        %scatter3A_1377 = arith.constant 0 : i32
        %scatter3A_1378 = arith.constant 0 : i32
        %scatter3A_1379 = arith.constant 0 : i32
        %scatter3A_1380 = tpu.memref_slice %arg9[%rem3A_295, %scatter3A_1377, %scatter3A_1378, %scatter3A_1379] : memref<4x8x8x128xf32, #tpu.memory_space<vmem>> -> memref<1x8x8x128xf32, #tpu.memory_space<vmem>>
        %scatter3A_1381 = tpu.memref_squeeze %scatter3A_1380 : memref<1x8x8x128xf32, #tpu.memory_space<vmem>> -> memref<8x8x128xf32, #tpu.memory_space<vmem>>
        tpu.vector_store_idx %scatter3A_1381[%shift_right_logical3A_1361, %and3A_1364, %add3A_370], %add3A_1376 : memref<8x8x128xf32, #tpu.memory_space<vmem>>[vector<16xi32>, vector<16xi32>, vector<16xi32>], vector<16xf32>,
        %add3A_1382 = arith.constant 32 : i32
        %add3A_1383 = vector.broadcast %add3A_1382 : i32 to vector<16xi32>
        %add3A_1384 = arith.addi %and3A_150, %add3A_1383 : vector<16xi32>
        %shift_right_logical3A_1385 = arith.constant 3 : i32
        %shift_right_logical3A_1386 = vector.broadcast %shift_right_logical3A_1385 : i32 to vector<16xi32>
        %shift_right_logical3A_1387 = arith.shrui %add3A_1384, %shift_right_logical3A_1386 : vector<16xi32>
        %and3A_1388 = arith.constant 7 : i32
        %and3A_1389 = vector.broadcast %and3A_1388 : i32 to vector<16xi32>
        %and3A_1390 = arith.andi %add3A_1384, %and3A_1389 : vector<16xi32>
        %gather3A_1391 = arith.constant 0 : i32
        %gather3A_1392 = arith.constant 0 : i32
        %gather3A_1393 = tpu.memref_slice %arg8[%rem3A_293, %gather3A_1391, %gather3A_1392] : memref<4x128x64xf32, #tpu.memory_space<vmem>> -> memref<1x128x64xf32, #tpu.memory_space<vmem>>
        %gather3A_1394 = tpu.memref_squeeze %gather3A_1393 : memref<1x128x64xf32, #tpu.memory_space<vmem>> -> memref<128x64xf32, #tpu.memory_space<vmem>>
        %gather3A_1395 = tpu.vector_load_idx %gather3A_1394[%add3A_370, %add3A_1384] : memref<128x64xf32, #tpu.memory_space<vmem>>[vector<16xi32>, vector<16xi32>], vector<16xf32>,
        %gather3A_1396 = arith.constant 0 : i32
        %gather3A_1397 = arith.constant 0 : i32
        %gather3A_1398 = arith.constant 0 : i32
        %gather3A_1399 = tpu.memref_slice %arg7[%rem3A_291, %gather3A_1396, %gather3A_1397, %gather3A_1398] : memref<4x8x8x128xf32, #tpu.memory_space<vmem>> -> memref<1x8x8x128xf32, #tpu.memory_space<vmem>>
        %gather3A_1400 = tpu.memref_squeeze %gather3A_1399 : memref<1x8x8x128xf32, #tpu.memory_space<vmem>> -> memref<8x8x128xf32, #tpu.memory_space<vmem>>
        %gather3A_1401 = tpu.vector_load_idx %gather3A_1400[%shift_right_logical3A_1387, %and3A_1390, %add3A_370] : memref<8x8x128xf32, #tpu.memory_space<vmem>>[vector<16xi32>, vector<16xi32>, vector<16xi32>], vector<16xf32>,
        %add3A_1402 = arith.addf %gather3A_1401, %gather3A_1395 : vector<16xf32>
        %scatter3A_1403 = arith.constant 0 : i32
        %scatter3A_1404 = arith.constant 0 : i32
        %scatter3A_1405 = arith.constant 0 : i32
        %scatter3A_1406 = tpu.memref_slice %arg9[%rem3A_295, %scatter3A_1403, %scatter3A_1404, %scatter3A_1405] : memref<4x8x8x128xf32, #tpu.memory_space<vmem>> -> memref<1x8x8x128xf32, #tpu.memory_space<vmem>>
        %scatter3A_1407 = tpu.memref_squeeze %scatter3A_1406 : memref<1x8x8x128xf32, #tpu.memory_space<vmem>> -> memref<8x8x128xf32, #tpu.memory_space<vmem>>
        tpu.vector_store_idx %scatter3A_1407[%shift_right_logical3A_1387, %and3A_1390, %add3A_370], %add3A_1402 : memref<8x8x128xf32, #tpu.memory_space<vmem>>[vector<16xi32>, vector<16xi32>, vector<16xi32>], vector<16xf32>,
        %add3A_1408 = arith.constant 32 : i32
        %add3A_1409 = vector.broadcast %add3A_1408 : i32 to vector<16xi32>
        %add3A_1410 = arith.addi %and3A_156, %add3A_1409 : vector<16xi32>
        %shift_right_logical3A_1411 = arith.constant 3 : i32
        %shift_right_logical3A_1412 = vector.broadcast %shift_right_logical3A_1411 : i32 to vector<16xi32>
        %shift_right_logical3A_1413 = arith.shrui %add3A_1410, %shift_right_logical3A_1412 : vector<16xi32>
        %and3A_1414 = arith.constant 7 : i32
        %and3A_1415 = vector.broadcast %and3A_1414 : i32 to vector<16xi32>
        %and3A_1416 = arith.andi %add3A_1410, %and3A_1415 : vector<16xi32>
        %gather3A_1417 = arith.constant 0 : i32
        %gather3A_1418 = arith.constant 0 : i32
        %gather3A_1419 = tpu.memref_slice %arg8[%rem3A_293, %gather3A_1417, %gather3A_1418] : memref<4x128x64xf32, #tpu.memory_space<vmem>> -> memref<1x128x64xf32, #tpu.memory_space<vmem>>
        %gather3A_1420 = tpu.memref_squeeze %gather3A_1419 : memref<1x128x64xf32, #tpu.memory_space<vmem>> -> memref<128x64xf32, #tpu.memory_space<vmem>>
        %gather3A_1421 = tpu.vector_load_idx %gather3A_1420[%add3A_370, %add3A_1410] : memref<128x64xf32, #tpu.memory_space<vmem>>[vector<16xi32>, vector<16xi32>], vector<16xf32>,
        %gather3A_1422 = arith.constant 0 : i32
        %gather3A_1423 = arith.constant 0 : i32
        %gather3A_1424 = arith.constant 0 : i32
        %gather3A_1425 = tpu.memref_slice %arg7[%rem3A_291, %gather3A_1422, %gather3A_1423, %gather3A_1424] : memref<4x8x8x128xf32, #tpu.memory_space<vmem>> -> memref<1x8x8x128xf32, #tpu.memory_space<vmem>>
        %gather3A_1426 = tpu.memref_squeeze %gather3A_1425 : memref<1x8x8x128xf32, #tpu.memory_space<vmem>> -> memref<8x8x128xf32, #tpu.memory_space<vmem>>
        %gather3A_1427 = tpu.vector_load_idx %gather3A_1426[%shift_right_logical3A_1413, %and3A_1416, %add3A_370] : memref<8x8x128xf32, #tpu.memory_space<vmem>>[vector<16xi32>, vector<16xi32>, vector<16xi32>], vector<16xf32>,
        %add3A_1428 = arith.addf %gather3A_1427, %gather3A_1421 : vector<16xf32>
        %scatter3A_1429 = arith.constant 0 : i32
        %scatter3A_1430 = arith.constant 0 : i32
        %scatter3A_1431 = arith.constant 0 : i32
        %scatter3A_1432 = tpu.memref_slice %arg9[%rem3A_295, %scatter3A_1429, %scatter3A_1430, %scatter3A_1431] : memref<4x8x8x128xf32, #tpu.memory_space<vmem>> -> memref<1x8x8x128xf32, #tpu.memory_space<vmem>>
        %scatter3A_1433 = tpu.memref_squeeze %scatter3A_1432 : memref<1x8x8x128xf32, #tpu.memory_space<vmem>> -> memref<8x8x128xf32, #tpu.memory_space<vmem>>
        tpu.vector_store_idx %scatter3A_1433[%shift_right_logical3A_1413, %and3A_1416, %add3A_370], %add3A_1428 : memref<8x8x128xf32, #tpu.memory_space<vmem>>[vector<16xi32>, vector<16xi32>, vector<16xi32>], vector<16xf32>,
        %add3A_1434 = arith.constant 32 : i32
        %add3A_1435 = vector.broadcast %add3A_1434 : i32 to vector<16xi32>
        %add3A_1436 = arith.addi %and3A_162, %add3A_1435 : vector<16xi32>
        %shift_right_logical3A_1437 = arith.constant 3 : i32
        %shift_right_logical3A_1438 = vector.broadcast %shift_right_logical3A_1437 : i32 to vector<16xi32>
        %shift_right_logical3A_1439 = arith.shrui %add3A_1436, %shift_right_logical3A_1438 : vector<16xi32>
        %and3A_1440 = arith.constant 7 : i32
        %and3A_1441 = vector.broadcast %and3A_1440 : i32 to vector<16xi32>
        %and3A_1442 = arith.andi %add3A_1436, %and3A_1441 : vector<16xi32>
        %gather3A_1443 = arith.constant 0 : i32
        %gather3A_1444 = arith.constant 0 : i32
        %gather3A_1445 = tpu.memref_slice %arg8[%rem3A_293, %gather3A_1443, %gather3A_1444] : memref<4x128x64xf32, #tpu.memory_space<vmem>> -> memref<1x128x64xf32, #tpu.memory_space<vmem>>
        %gather3A_1446 = tpu.memref_squeeze %gather3A_1445 : memref<1x128x64xf32, #tpu.memory_space<vmem>> -> memref<128x64xf32, #tpu.memory_space<vmem>>
        %gather3A_1447 = tpu.vector_load_idx %gather3A_1446[%add3A_370, %add3A_1436] : memref<128x64xf32, #tpu.memory_space<vmem>>[vector<16xi32>, vector<16xi32>], vector<16xf32>,
        %gather3A_1448 = arith.constant 0 : i32
        %gather3A_1449 = arith.constant 0 : i32
        %gather3A_1450 = arith.constant 0 : i32
        %gather3A_1451 = tpu.memref_slice %arg7[%rem3A_291, %gather3A_1448, %gather3A_1449, %gather3A_1450] : memref<4x8x8x128xf32, #tpu.memory_space<vmem>> -> memref<1x8x8x128xf32, #tpu.memory_space<vmem>>
        %gather3A_1452 = tpu.memref_squeeze %gather3A_1451 : memref<1x8x8x128xf32, #tpu.memory_space<vmem>> -> memref<8x8x128xf32, #tpu.memory_space<vmem>>
        %gather3A_1453 = tpu.vector_load_idx %gather3A_1452[%shift_right_logical3A_1439, %and3A_1442, %add3A_370] : memref<8x8x128xf32, #tpu.memory_space<vmem>>[vector<16xi32>, vector<16xi32>, vector<16xi32>], vector<16xf32>,
        %add3A_1454 = arith.addf %gather3A_1453, %gather3A_1447 : vector<16xf32>
        %scatter3A_1455 = arith.constant 0 : i32
        %scatter3A_1456 = arith.constant 0 : i32
        %scatter3A_1457 = arith.constant 0 : i32
        %scatter3A_1458 = tpu.memref_slice %arg9[%rem3A_295, %scatter3A_1455, %scatter3A_1456, %scatter3A_1457] : memref<4x8x8x128xf32, #tpu.memory_space<vmem>> -> memref<1x8x8x128xf32, #tpu.memory_space<vmem>>
        %scatter3A_1459 = tpu.memref_squeeze %scatter3A_1458 : memref<1x8x8x128xf32, #tpu.memory_space<vmem>> -> memref<8x8x128xf32, #tpu.memory_space<vmem>>
        tpu.vector_store_idx %scatter3A_1459[%shift_right_logical3A_1439, %and3A_1442, %add3A_370], %add3A_1454 : memref<8x8x128xf32, #tpu.memory_space<vmem>>[vector<16xi32>, vector<16xi32>, vector<16xi32>], vector<16xf32>,
        %add3A_1460 = arith.constant 32 : i32
        %add3A_1461 = vector.broadcast %add3A_1460 : i32 to vector<16xi32>
        %add3A_1462 = arith.addi %and3A_168, %add3A_1461 : vector<16xi32>
        %shift_right_logical3A_1463 = arith.constant 3 : i32
        %shift_right_logical3A_1464 = vector.broadcast %shift_right_logical3A_1463 : i32 to vector<16xi32>
        %shift_right_logical3A_1465 = arith.shrui %add3A_1462, %shift_right_logical3A_1464 : vector<16xi32>
        %and3A_1466 = arith.constant 7 : i32
        %and3A_1467 = vector.broadcast %and3A_1466 : i32 to vector<16xi32>
        %and3A_1468 = arith.andi %add3A_1462, %and3A_1467 : vector<16xi32>
        %gather3A_1469 = arith.constant 0 : i32
        %gather3A_1470 = arith.constant 0 : i32
        %gather3A_1471 = tpu.memref_slice %arg8[%rem3A_293, %gather3A_1469, %gather3A_1470] : memref<4x128x64xf32, #tpu.memory_space<vmem>> -> memref<1x128x64xf32, #tpu.memory_space<vmem>>
        %gather3A_1472 = tpu.memref_squeeze %gather3A_1471 : memref<1x128x64xf32, #tpu.memory_space<vmem>> -> memref<128x64xf32, #tpu.memory_space<vmem>>
        %gather3A_1473 = tpu.vector_load_idx %gather3A_1472[%add3A_370, %add3A_1462] : memref<128x64xf32, #tpu.memory_space<vmem>>[vector<16xi32>, vector<16xi32>], vector<16xf32>,
        %gather3A_1474 = arith.constant 0 : i32
        %gather3A_1475 = arith.constant 0 : i32
        %gather3A_1476 = arith.constant 0 : i32
        %gather3A_1477 = tpu.memref_slice %arg7[%rem3A_291, %gather3A_1474, %gather3A_1475, %gather3A_1476] : memref<4x8x8x128xf32, #tpu.memory_space<vmem>> -> memref<1x8x8x128xf32, #tpu.memory_space<vmem>>
        %gather3A_1478 = tpu.memref_squeeze %gather3A_1477 : memref<1x8x8x128xf32, #tpu.memory_space<vmem>> -> memref<8x8x128xf32, #tpu.memory_space<vmem>>
        %gather3A_1479 = tpu.vector_load_idx %gather3A_1478[%shift_right_logical3A_1465, %and3A_1468, %add3A_370] : memref<8x8x128xf32, #tpu.memory_space<vmem>>[vector<16xi32>, vector<16xi32>, vector<16xi32>], vector<16xf32>,
        %add3A_1480 = arith.addf %gather3A_1479, %gather3A_1473 : vector<16xf32>
        %scatter3A_1481 = arith.constant 0 : i32
        %scatter3A_1482 = arith.constant 0 : i32
        %scatter3A_1483 = arith.constant 0 : i32
        %scatter3A_1484 = tpu.memref_slice %arg9[%rem3A_295, %scatter3A_1481, %scatter3A_1482, %scatter3A_1483] : memref<4x8x8x128xf32, #tpu.memory_space<vmem>> -> memref<1x8x8x128xf32, #tpu.memory_space<vmem>>
        %scatter3A_1485 = tpu.memref_squeeze %scatter3A_1484 : memref<1x8x8x128xf32, #tpu.memory_space<vmem>> -> memref<8x8x128xf32, #tpu.memory_space<vmem>>
        tpu.vector_store_idx %scatter3A_1485[%shift_right_logical3A_1465, %and3A_1468, %add3A_370], %add3A_1480 : memref<8x8x128xf32, #tpu.memory_space<vmem>>[vector<16xi32>, vector<16xi32>, vector<16xi32>], vector<16xf32>,
        %add3A_1486 = arith.constant 32 : i32
        %add3A_1487 = vector.broadcast %add3A_1486 : i32 to vector<16xi32>
        %add3A_1488 = arith.addi %and3A_174, %add3A_1487 : vector<16xi32>
        %shift_right_logical3A_1489 = arith.constant 3 : i32
        %shift_right_logical3A_1490 = vector.broadcast %shift_right_logical3A_1489 : i32 to vector<16xi32>
        %shift_right_logical3A_1491 = arith.shrui %add3A_1488, %shift_right_logical3A_1490 : vector<16xi32>
        %and3A_1492 = arith.constant 7 : i32
        %and3A_1493 = vector.broadcast %and3A_1492 : i32 to vector<16xi32>
        %and3A_1494 = arith.andi %add3A_1488, %and3A_1493 : vector<16xi32>
        %gather3A_1495 = arith.constant 0 : i32
        %gather3A_1496 = arith.constant 0 : i32
        %gather3A_1497 = tpu.memref_slice %arg8[%rem3A_293, %gather3A_1495, %gather3A_1496] : memref<4x128x64xf32, #tpu.memory_space<vmem>> -> memref<1x128x64xf32, #tpu.memory_space<vmem>>
        %gather3A_1498 = tpu.memref_squeeze %gather3A_1497 : memref<1x128x64xf32, #tpu.memory_space<vmem>> -> memref<128x64xf32, #tpu.memory_space<vmem>>
        %gather3A_1499 = tpu.vector_load_idx %gather3A_1498[%add3A_370, %add3A_1488] : memref<128x64xf32, #tpu.memory_space<vmem>>[vector<16xi32>, vector<16xi32>], vector<16xf32>,
        %gather3A_1500 = arith.constant 0 : i32
        %gather3A_1501 = arith.constant 0 : i32
        %gather3A_1502 = arith.constant 0 : i32
        %gather3A_1503 = tpu.memref_slice %arg7[%rem3A_291, %gather3A_1500, %gather3A_1501, %gather3A_1502] : memref<4x8x8x128xf32, #tpu.memory_space<vmem>> -> memref<1x8x8x128xf32, #tpu.memory_space<vmem>>
        %gather3A_1504 = tpu.memref_squeeze %gather3A_1503 : memref<1x8x8x128xf32, #tpu.memory_space<vmem>> -> memref<8x8x128xf32, #tpu.memory_space<vmem>>
        %gather3A_1505 = tpu.vector_load_idx %gather3A_1504[%shift_right_logical3A_1491, %and3A_1494, %add3A_370] : memref<8x8x128xf32, #tpu.memory_space<vmem>>[vector<16xi32>, vector<16xi32>, vector<16xi32>], vector<16xf32>,
        %add3A_1506 = arith.addf %gather3A_1505, %gather3A_1499 : vector<16xf32>
        %scatter3A_1507 = arith.constant 0 : i32
        %scatter3A_1508 = arith.constant 0 : i32
        %scatter3A_1509 = arith.constant 0 : i32
        %scatter3A_1510 = tpu.memref_slice %arg9[%rem3A_295, %scatter3A_1507, %scatter3A_1508, %scatter3A_1509] : memref<4x8x8x128xf32, #tpu.memory_space<vmem>> -> memref<1x8x8x128xf32, #tpu.memory_space<vmem>>
        %scatter3A_1511 = tpu.memref_squeeze %scatter3A_1510 : memref<1x8x8x128xf32, #tpu.memory_space<vmem>> -> memref<8x8x128xf32, #tpu.memory_space<vmem>>
        tpu.vector_store_idx %scatter3A_1511[%shift_right_logical3A_1491, %and3A_1494, %add3A_370], %add3A_1506 : memref<8x8x128xf32, #tpu.memory_space<vmem>>[vector<16xi32>, vector<16xi32>, vector<16xi32>], vector<16xf32>,
        %add3A_1512 = arith.constant 32 : i32
        %add3A_1513 = vector.broadcast %add3A_1512 : i32 to vector<16xi32>
        %add3A_1514 = arith.addi %and3A_180, %add3A_1513 : vector<16xi32>
        %shift_right_logical3A_1515 = arith.constant 3 : i32
        %shift_right_logical3A_1516 = vector.broadcast %shift_right_logical3A_1515 : i32 to vector<16xi32>
        %shift_right_logical3A_1517 = arith.shrui %add3A_1514, %shift_right_logical3A_1516 : vector<16xi32>
        %and3A_1518 = arith.constant 7 : i32
        %and3A_1519 = vector.broadcast %and3A_1518 : i32 to vector<16xi32>
        %and3A_1520 = arith.andi %add3A_1514, %and3A_1519 : vector<16xi32>
        %gather3A_1521 = arith.constant 0 : i32
        %gather3A_1522 = arith.constant 0 : i32
        %gather3A_1523 = tpu.memref_slice %arg8[%rem3A_293, %gather3A_1521, %gather3A_1522] : memref<4x128x64xf32, #tpu.memory_space<vmem>> -> memref<1x128x64xf32, #tpu.memory_space<vmem>>
        %gather3A_1524 = tpu.memref_squeeze %gather3A_1523 : memref<1x128x64xf32, #tpu.memory_space<vmem>> -> memref<128x64xf32, #tpu.memory_space<vmem>>
        %gather3A_1525 = tpu.vector_load_idx %gather3A_1524[%add3A_370, %add3A_1514] : memref<128x64xf32, #tpu.memory_space<vmem>>[vector<16xi32>, vector<16xi32>], vector<16xf32>,
        %gather3A_1526 = arith.constant 0 : i32
        %gather3A_1527 = arith.constant 0 : i32
        %gather3A_1528 = arith.constant 0 : i32
        %gather3A_1529 = tpu.memref_slice %arg7[%rem3A_291, %gather3A_1526, %gather3A_1527, %gather3A_1528] : memref<4x8x8x128xf32, #tpu.memory_space<vmem>> -> memref<1x8x8x128xf32, #tpu.memory_space<vmem>>
        %gather3A_1530 = tpu.memref_squeeze %gather3A_1529 : memref<1x8x8x128xf32, #tpu.memory_space<vmem>> -> memref<8x8x128xf32, #tpu.memory_space<vmem>>
        %gather3A_1531 = tpu.vector_load_idx %gather3A_1530[%shift_right_logical3A_1517, %and3A_1520, %add3A_370] : memref<8x8x128xf32, #tpu.memory_space<vmem>>[vector<16xi32>, vector<16xi32>, vector<16xi32>], vector<16xf32>,
        %add3A_1532 = arith.addf %gather3A_1531, %gather3A_1525 : vector<16xf32>
        %scatter3A_1533 = arith.constant 0 : i32
        %scatter3A_1534 = arith.constant 0 : i32
        %scatter3A_1535 = arith.constant 0 : i32
        %scatter3A_1536 = tpu.memref_slice %arg9[%rem3A_295, %scatter3A_1533, %scatter3A_1534, %scatter3A_1535] : memref<4x8x8x128xf32, #tpu.memory_space<vmem>> -> memref<1x8x8x128xf32, #tpu.memory_space<vmem>>
        %scatter3A_1537 = tpu.memref_squeeze %scatter3A_1536 : memref<1x8x8x128xf32, #tpu.memory_space<vmem>> -> memref<8x8x128xf32, #tpu.memory_space<vmem>>
        tpu.vector_store_idx %scatter3A_1537[%shift_right_logical3A_1517, %and3A_1520, %add3A_370], %add3A_1532 : memref<8x8x128xf32, #tpu.memory_space<vmem>>[vector<16xi32>, vector<16xi32>, vector<16xi32>], vector<16xf32>,
        %add3A_1538 = arith.constant 32 : i32
        %add3A_1539 = vector.broadcast %add3A_1538 : i32 to vector<16xi32>
        %add3A_1540 = arith.addi %and3A_186, %add3A_1539 : vector<16xi32>
        %shift_right_logical3A_1541 = arith.constant 3 : i32
        %shift_right_logical3A_1542 = vector.broadcast %shift_right_logical3A_1541 : i32 to vector<16xi32>
        %shift_right_logical3A_1543 = arith.shrui %add3A_1540, %shift_right_logical3A_1542 : vector<16xi32>
        %and3A_1544 = arith.constant 7 : i32
        %and3A_1545 = vector.broadcast %and3A_1544 : i32 to vector<16xi32>
        %and3A_1546 = arith.andi %add3A_1540, %and3A_1545 : vector<16xi32>
        %gather3A_1547 = arith.constant 0 : i32
        %gather3A_1548 = arith.constant 0 : i32
        %gather3A_1549 = tpu.memref_slice %arg8[%rem3A_293, %gather3A_1547, %gather3A_1548] : memref<4x128x64xf32, #tpu.memory_space<vmem>> -> memref<1x128x64xf32, #tpu.memory_space<vmem>>
        %gather3A_1550 = tpu.memref_squeeze %gather3A_1549 : memref<1x128x64xf32, #tpu.memory_space<vmem>> -> memref<128x64xf32, #tpu.memory_space<vmem>>
        %gather3A_1551 = tpu.vector_load_idx %gather3A_1550[%add3A_370, %add3A_1540] : memref<128x64xf32, #tpu.memory_space<vmem>>[vector<16xi32>, vector<16xi32>], vector<16xf32>,
        %gather3A_1552 = arith.constant 0 : i32
        %gather3A_1553 = arith.constant 0 : i32
        %gather3A_1554 = arith.constant 0 : i32
        %gather3A_1555 = tpu.memref_slice %arg7[%rem3A_291, %gather3A_1552, %gather3A_1553, %gather3A_1554] : memref<4x8x8x128xf32, #tpu.memory_space<vmem>> -> memref<1x8x8x128xf32, #tpu.memory_space<vmem>>
        %gather3A_1556 = tpu.memref_squeeze %gather3A_1555 : memref<1x8x8x128xf32, #tpu.memory_space<vmem>> -> memref<8x8x128xf32, #tpu.memory_space<vmem>>
        %gather3A_1557 = tpu.vector_load_idx %gather3A_1556[%shift_right_logical3A_1543, %and3A_1546, %add3A_370] : memref<8x8x128xf32, #tpu.memory_space<vmem>>[vector<16xi32>, vector<16xi32>, vector<16xi32>], vector<16xf32>,
        %add3A_1558 = arith.addf %gather3A_1557, %gather3A_1551 : vector<16xf32>
        %scatter3A_1559 = arith.constant 0 : i32
        %scatter3A_1560 = arith.constant 0 : i32
        %scatter3A_1561 = arith.constant 0 : i32
        %scatter3A_1562 = tpu.memref_slice %arg9[%rem3A_295, %scatter3A_1559, %scatter3A_1560, %scatter3A_1561] : memref<4x8x8x128xf32, #tpu.memory_space<vmem>> -> memref<1x8x8x128xf32, #tpu.memory_space<vmem>>
        %scatter3A_1563 = tpu.memref_squeeze %scatter3A_1562 : memref<1x8x8x128xf32, #tpu.memory_space<vmem>> -> memref<8x8x128xf32, #tpu.memory_space<vmem>>
        tpu.vector_store_idx %scatter3A_1563[%shift_right_logical3A_1543, %and3A_1546, %add3A_370], %add3A_1558 : memref<8x8x128xf32, #tpu.memory_space<vmem>>[vector<16xi32>, vector<16xi32>, vector<16xi32>], vector<16xf32>,
        %add3A_1564 = arith.constant 32 : i32
        %add3A_1565 = vector.broadcast %add3A_1564 : i32 to vector<16xi32>
        %add3A_1566 = arith.addi %and3A_192, %add3A_1565 : vector<16xi32>
        %shift_right_logical3A_1567 = arith.constant 3 : i32
        %shift_right_logical3A_1568 = vector.broadcast %shift_right_logical3A_1567 : i32 to vector<16xi32>
        %shift_right_logical3A_1569 = arith.shrui %add3A_1566, %shift_right_logical3A_1568 : vector<16xi32>
        %and3A_1570 = arith.constant 7 : i32
        %and3A_1571 = vector.broadcast %and3A_1570 : i32 to vector<16xi32>
        %and3A_1572 = arith.andi %add3A_1566, %and3A_1571 : vector<16xi32>
        %gather3A_1573 = arith.constant 0 : i32
        %gather3A_1574 = arith.constant 0 : i32
        %gather3A_1575 = tpu.memref_slice %arg8[%rem3A_293, %gather3A_1573, %gather3A_1574] : memref<4x128x64xf32, #tpu.memory_space<vmem>> -> memref<1x128x64xf32, #tpu.memory_space<vmem>>
        %gather3A_1576 = tpu.memref_squeeze %gather3A_1575 : memref<1x128x64xf32, #tpu.memory_space<vmem>> -> memref<128x64xf32, #tpu.memory_space<vmem>>
        %gather3A_1577 = tpu.vector_load_idx %gather3A_1576[%add3A_370, %add3A_1566] : memref<128x64xf32, #tpu.memory_space<vmem>>[vector<16xi32>, vector<16xi32>], vector<16xf32>,
        %gather3A_1578 = arith.constant 0 : i32
        %gather3A_1579 = arith.constant 0 : i32
        %gather3A_1580 = arith.constant 0 : i32
        %gather3A_1581 = tpu.memref_slice %arg7[%rem3A_291, %gather3A_1578, %gather3A_1579, %gather3A_1580] : memref<4x8x8x128xf32, #tpu.memory_space<vmem>> -> memref<1x8x8x128xf32, #tpu.memory_space<vmem>>
        %gather3A_1582 = tpu.memref_squeeze %gather3A_1581 : memref<1x8x8x128xf32, #tpu.memory_space<vmem>> -> memref<8x8x128xf32, #tpu.memory_space<vmem>>
        %gather3A_1583 = tpu.vector_load_idx %gather3A_1582[%shift_right_logical3A_1569, %and3A_1572, %add3A_370] : memref<8x8x128xf32, #tpu.memory_space<vmem>>[vector<16xi32>, vector<16xi32>, vector<16xi32>], vector<16xf32>,
        %add3A_1584 = arith.addf %gather3A_1583, %gather3A_1577 : vector<16xf32>
        %scatter3A_1585 = arith.constant 0 : i32
        %scatter3A_1586 = arith.constant 0 : i32
        %scatter3A_1587 = arith.constant 0 : i32
        %scatter3A_1588 = tpu.memref_slice %arg9[%rem3A_295, %scatter3A_1585, %scatter3A_1586, %scatter3A_1587] : memref<4x8x8x128xf32, #tpu.memory_space<vmem>> -> memref<1x8x8x128xf32, #tpu.memory_space<vmem>>
        %scatter3A_1589 = tpu.memref_squeeze %scatter3A_1588 : memref<1x8x8x128xf32, #tpu.memory_space<vmem>> -> memref<8x8x128xf32, #tpu.memory_space<vmem>>
        tpu.vector_store_idx %scatter3A_1589[%shift_right_logical3A_1569, %and3A_1572, %add3A_370], %add3A_1584 : memref<8x8x128xf32, #tpu.memory_space<vmem>>[vector<16xi32>, vector<16xi32>, vector<16xi32>], vector<16xf32>,
        %add3A_1590 = arith.constant 32 : i32
        %add3A_1591 = vector.broadcast %add3A_1590 : i32 to vector<16xi32>
        %add3A_1592 = arith.addi %and3A_198, %add3A_1591 : vector<16xi32>
        %shift_right_logical3A_1593 = arith.constant 3 : i32
        %shift_right_logical3A_1594 = vector.broadcast %shift_right_logical3A_1593 : i32 to vector<16xi32>
        %shift_right_logical3A_1595 = arith.shrui %add3A_1592, %shift_right_logical3A_1594 : vector<16xi32>
        %and3A_1596 = arith.constant 7 : i32
        %and3A_1597 = vector.broadcast %and3A_1596 : i32 to vector<16xi32>
        %and3A_1598 = arith.andi %add3A_1592, %and3A_1597 : vector<16xi32>
        %gather3A_1599 = arith.constant 0 : i32
        %gather3A_1600 = arith.constant 0 : i32
        %gather3A_1601 = tpu.memref_slice %arg8[%rem3A_293, %gather3A_1599, %gather3A_1600] : memref<4x128x64xf32, #tpu.memory_space<vmem>> -> memref<1x128x64xf32, #tpu.memory_space<vmem>>
        %gather3A_1602 = tpu.memref_squeeze %gather3A_1601 : memref<1x128x64xf32, #tpu.memory_space<vmem>> -> memref<128x64xf32, #tpu.memory_space<vmem>>
        %gather3A_1603 = tpu.vector_load_idx %gather3A_1602[%add3A_370, %add3A_1592] : memref<128x64xf32, #tpu.memory_space<vmem>>[vector<16xi32>, vector<16xi32>], vector<16xf32>,
        %gather3A_1604 = arith.constant 0 : i32
        %gather3A_1605 = arith.constant 0 : i32
        %gather3A_1606 = arith.constant 0 : i32
        %gather3A_1607 = tpu.memref_slice %arg7[%rem3A_291, %gather3A_1604, %gather3A_1605, %gather3A_1606] : memref<4x8x8x128xf32, #tpu.memory_space<vmem>> -> memref<1x8x8x128xf32, #tpu.memory_space<vmem>>
        %gather3A_1608 = tpu.memref_squeeze %gather3A_1607 : memref<1x8x8x128xf32, #tpu.memory_space<vmem>> -> memref<8x8x128xf32, #tpu.memory_space<vmem>>
        %gather3A_1609 = tpu.vector_load_idx %gather3A_1608[%shift_right_logical3A_1595, %and3A_1598, %add3A_370] : memref<8x8x128xf32, #tpu.memory_space<vmem>>[vector<16xi32>, vector<16xi32>, vector<16xi32>], vector<16xf32>,
        %add3A_1610 = arith.addf %gather3A_1609, %gather3A_1603 : vector<16xf32>
        %scatter3A_1611 = arith.constant 0 : i32
        %scatter3A_1612 = arith.constant 0 : i32
        %scatter3A_1613 = arith.constant 0 : i32
        %scatter3A_1614 = tpu.memref_slice %arg9[%rem3A_295, %scatter3A_1611, %scatter3A_1612, %scatter3A_1613] : memref<4x8x8x128xf32, #tpu.memory_space<vmem>> -> memref<1x8x8x128xf32, #tpu.memory_space<vmem>>
        %scatter3A_1615 = tpu.memref_squeeze %scatter3A_1614 : memref<1x8x8x128xf32, #tpu.memory_space<vmem>> -> memref<8x8x128xf32, #tpu.memory_space<vmem>>
        tpu.vector_store_idx %scatter3A_1615[%shift_right_logical3A_1595, %and3A_1598, %add3A_370], %add3A_1610 : memref<8x8x128xf32, #tpu.memory_space<vmem>>[vector<16xi32>, vector<16xi32>, vector<16xi32>], vector<16xf32>,
        %add3A_1616 = arith.constant 48 : i32
        %add3A_1617 = vector.broadcast %add3A_1616 : i32 to vector<16xi32>
        %add3A_1618 = arith.addi %and3A_108, %add3A_1617 : vector<16xi32>
        %shift_right_logical3A_1619 = arith.constant 3 : i32
        %shift_right_logical3A_1620 = vector.broadcast %shift_right_logical3A_1619 : i32 to vector<16xi32>
        %shift_right_logical3A_1621 = arith.shrui %add3A_1618, %shift_right_logical3A_1620 : vector<16xi32>
        %and3A_1622 = arith.constant 7 : i32
        %and3A_1623 = vector.broadcast %and3A_1622 : i32 to vector<16xi32>
        %and3A_1624 = arith.andi %add3A_1618, %and3A_1623 : vector<16xi32>
        %gather3A_1625 = arith.constant 0 : i32
        %gather3A_1626 = arith.constant 0 : i32
        %gather3A_1627 = tpu.memref_slice %arg8[%rem3A_293, %gather3A_1625, %gather3A_1626] : memref<4x128x64xf32, #tpu.memory_space<vmem>> -> memref<1x128x64xf32, #tpu.memory_space<vmem>>
        %gather3A_1628 = tpu.memref_squeeze %gather3A_1627 : memref<1x128x64xf32, #tpu.memory_space<vmem>> -> memref<128x64xf32, #tpu.memory_space<vmem>>
        %gather3A_1629 = tpu.vector_load_idx %gather3A_1628[%add3A_370, %add3A_1618] : memref<128x64xf32, #tpu.memory_space<vmem>>[vector<16xi32>, vector<16xi32>], vector<16xf32>,
        %gather3A_1630 = arith.constant 0 : i32
        %gather3A_1631 = arith.constant 0 : i32
        %gather3A_1632 = arith.constant 0 : i32
        %gather3A_1633 = tpu.memref_slice %arg7[%rem3A_291, %gather3A_1630, %gather3A_1631, %gather3A_1632] : memref<4x8x8x128xf32, #tpu.memory_space<vmem>> -> memref<1x8x8x128xf32, #tpu.memory_space<vmem>>
        %gather3A_1634 = tpu.memref_squeeze %gather3A_1633 : memref<1x8x8x128xf32, #tpu.memory_space<vmem>> -> memref<8x8x128xf32, #tpu.memory_space<vmem>>
        %gather3A_1635 = tpu.vector_load_idx %gather3A_1634[%shift_right_logical3A_1621, %and3A_1624, %add3A_370] : memref<8x8x128xf32, #tpu.memory_space<vmem>>[vector<16xi32>, vector<16xi32>, vector<16xi32>], vector<16xf32>,
        %add3A_1636 = arith.addf %gather3A_1635, %gather3A_1629 : vector<16xf32>
        %scatter3A_1637 = arith.constant 0 : i32
        %scatter3A_1638 = arith.constant 0 : i32
        %scatter3A_1639 = arith.constant 0 : i32
        %scatter3A_1640 = tpu.memref_slice %arg9[%rem3A_295, %scatter3A_1637, %scatter3A_1638, %scatter3A_1639] : memref<4x8x8x128xf32, #tpu.memory_space<vmem>> -> memref<1x8x8x128xf32, #tpu.memory_space<vmem>>
        %scatter3A_1641 = tpu.memref_squeeze %scatter3A_1640 : memref<1x8x8x128xf32, #tpu.memory_space<vmem>> -> memref<8x8x128xf32, #tpu.memory_space<vmem>>
        tpu.vector_store_idx %scatter3A_1641[%shift_right_logical3A_1621, %and3A_1624, %add3A_370], %add3A_1636 : memref<8x8x128xf32, #tpu.memory_space<vmem>>[vector<16xi32>, vector<16xi32>, vector<16xi32>], vector<16xf32>,
        %add3A_1642 = arith.constant 48 : i32
        %add3A_1643 = vector.broadcast %add3A_1642 : i32 to vector<16xi32>
        %add3A_1644 = arith.addi %and3A_114, %add3A_1643 : vector<16xi32>
        %shift_right_logical3A_1645 = arith.constant 3 : i32
        %shift_right_logical3A_1646 = vector.broadcast %shift_right_logical3A_1645 : i32 to vector<16xi32>
        %shift_right_logical3A_1647 = arith.shrui %add3A_1644, %shift_right_logical3A_1646 : vector<16xi32>
        %and3A_1648 = arith.constant 7 : i32
        %and3A_1649 = vector.broadcast %and3A_1648 : i32 to vector<16xi32>
        %and3A_1650 = arith.andi %add3A_1644, %and3A_1649 : vector<16xi32>
        %gather3A_1651 = arith.constant 0 : i32
        %gather3A_1652 = arith.constant 0 : i32
        %gather3A_1653 = tpu.memref_slice %arg8[%rem3A_293, %gather3A_1651, %gather3A_1652] : memref<4x128x64xf32, #tpu.memory_space<vmem>> -> memref<1x128x64xf32, #tpu.memory_space<vmem>>
        %gather3A_1654 = tpu.memref_squeeze %gather3A_1653 : memref<1x128x64xf32, #tpu.memory_space<vmem>> -> memref<128x64xf32, #tpu.memory_space<vmem>>
        %gather3A_1655 = tpu.vector_load_idx %gather3A_1654[%add3A_370, %add3A_1644] : memref<128x64xf32, #tpu.memory_space<vmem>>[vector<16xi32>, vector<16xi32>], vector<16xf32>,
        %gather3A_1656 = arith.constant 0 : i32
        %gather3A_1657 = arith.constant 0 : i32
        %gather3A_1658 = arith.constant 0 : i32
        %gather3A_1659 = tpu.memref_slice %arg7[%rem3A_291, %gather3A_1656, %gather3A_1657, %gather3A_1658] : memref<4x8x8x128xf32, #tpu.memory_space<vmem>> -> memref<1x8x8x128xf32, #tpu.memory_space<vmem>>
        %gather3A_1660 = tpu.memref_squeeze %gather3A_1659 : memref<1x8x8x128xf32, #tpu.memory_space<vmem>> -> memref<8x8x128xf32, #tpu.memory_space<vmem>>
        %gather3A_1661 = tpu.vector_load_idx %gather3A_1660[%shift_right_logical3A_1647, %and3A_1650, %add3A_370] : memref<8x8x128xf32, #tpu.memory_space<vmem>>[vector<16xi32>, vector<16xi32>, vector<16xi32>], vector<16xf32>,
        %add3A_1662 = arith.addf %gather3A_1661, %gather3A_1655 : vector<16xf32>
        %scatter3A_1663 = arith.constant 0 : i32
        %scatter3A_1664 = arith.constant 0 : i32
        %scatter3A_1665 = arith.constant 0 : i32
        %scatter3A_1666 = tpu.memref_slice %arg9[%rem3A_295, %scatter3A_1663, %scatter3A_1664, %scatter3A_1665] : memref<4x8x8x128xf32, #tpu.memory_space<vmem>> -> memref<1x8x8x128xf32, #tpu.memory_space<vmem>>
        %scatter3A_1667 = tpu.memref_squeeze %scatter3A_1666 : memref<1x8x8x128xf32, #tpu.memory_space<vmem>> -> memref<8x8x128xf32, #tpu.memory_space<vmem>>
        tpu.vector_store_idx %scatter3A_1667[%shift_right_logical3A_1647, %and3A_1650, %add3A_370], %add3A_1662 : memref<8x8x128xf32, #tpu.memory_space<vmem>>[vector<16xi32>, vector<16xi32>, vector<16xi32>], vector<16xf32>,
        %add3A_1668 = arith.constant 48 : i32
        %add3A_1669 = vector.broadcast %add3A_1668 : i32 to vector<16xi32>
        %add3A_1670 = arith.addi %and3A_120, %add3A_1669 : vector<16xi32>
        %shift_right_logical3A_1671 = arith.constant 3 : i32
        %shift_right_logical3A_1672 = vector.broadcast %shift_right_logical3A_1671 : i32 to vector<16xi32>
        %shift_right_logical3A_1673 = arith.shrui %add3A_1670, %shift_right_logical3A_1672 : vector<16xi32>
        %and3A_1674 = arith.constant 7 : i32
        %and3A_1675 = vector.broadcast %and3A_1674 : i32 to vector<16xi32>
        %and3A_1676 = arith.andi %add3A_1670, %and3A_1675 : vector<16xi32>
        %gather3A_1677 = arith.constant 0 : i32
        %gather3A_1678 = arith.constant 0 : i32
        %gather3A_1679 = tpu.memref_slice %arg8[%rem3A_293, %gather3A_1677, %gather3A_1678] : memref<4x128x64xf32, #tpu.memory_space<vmem>> -> memref<1x128x64xf32, #tpu.memory_space<vmem>>
        %gather3A_1680 = tpu.memref_squeeze %gather3A_1679 : memref<1x128x64xf32, #tpu.memory_space<vmem>> -> memref<128x64xf32, #tpu.memory_space<vmem>>
        %gather3A_1681 = tpu.vector_load_idx %gather3A_1680[%add3A_370, %add3A_1670] : memref<128x64xf32, #tpu.memory_space<vmem>>[vector<16xi32>, vector<16xi32>], vector<16xf32>,
        %gather3A_1682 = arith.constant 0 : i32
        %gather3A_1683 = arith.constant 0 : i32
        %gather3A_1684 = arith.constant 0 : i32
        %gather3A_1685 = tpu.memref_slice %arg7[%rem3A_291, %gather3A_1682, %gather3A_1683, %gather3A_1684] : memref<4x8x8x128xf32, #tpu.memory_space<vmem>> -> memref<1x8x8x128xf32, #tpu.memory_space<vmem>>
        %gather3A_1686 = tpu.memref_squeeze %gather3A_1685 : memref<1x8x8x128xf32, #tpu.memory_space<vmem>> -> memref<8x8x128xf32, #tpu.memory_space<vmem>>
        %gather3A_1687 = tpu.vector_load_idx %gather3A_1686[%shift_right_logical3A_1673, %and3A_1676, %add3A_370] : memref<8x8x128xf32, #tpu.memory_space<vmem>>[vector<16xi32>, vector<16xi32>, vector<16xi32>], vector<16xf32>,
        %add3A_1688 = arith.addf %gather3A_1687, %gather3A_1681 : vector<16xf32>
        %scatter3A_1689 = arith.constant 0 : i32
        %scatter3A_1690 = arith.constant 0 : i32
        %scatter3A_1691 = arith.constant 0 : i32
        %scatter3A_1692 = tpu.memref_slice %arg9[%rem3A_295, %scatter3A_1689, %scatter3A_1690, %scatter3A_1691] : memref<4x8x8x128xf32, #tpu.memory_space<vmem>> -> memref<1x8x8x128xf32, #tpu.memory_space<vmem>>
        %scatter3A_1693 = tpu.memref_squeeze %scatter3A_1692 : memref<1x8x8x128xf32, #tpu.memory_space<vmem>> -> memref<8x8x128xf32, #tpu.memory_space<vmem>>
        tpu.vector_store_idx %scatter3A_1693[%shift_right_logical3A_1673, %and3A_1676, %add3A_370], %add3A_1688 : memref<8x8x128xf32, #tpu.memory_space<vmem>>[vector<16xi32>, vector<16xi32>, vector<16xi32>], vector<16xf32>,
        %add3A_1694 = arith.constant 48 : i32
        %add3A_1695 = vector.broadcast %add3A_1694 : i32 to vector<16xi32>
        %add3A_1696 = arith.addi %and3A_126, %add3A_1695 : vector<16xi32>
        %shift_right_logical3A_1697 = arith.constant 3 : i32
        %shift_right_logical3A_1698 = vector.broadcast %shift_right_logical3A_1697 : i32 to vector<16xi32>
        %shift_right_logical3A_1699 = arith.shrui %add3A_1696, %shift_right_logical3A_1698 : vector<16xi32>
        %and3A_1700 = arith.constant 7 : i32
        %and3A_1701 = vector.broadcast %and3A_1700 : i32 to vector<16xi32>
        %and3A_1702 = arith.andi %add3A_1696, %and3A_1701 : vector<16xi32>
        %gather3A_1703 = arith.constant 0 : i32
        %gather3A_1704 = arith.constant 0 : i32
        %gather3A_1705 = tpu.memref_slice %arg8[%rem3A_293, %gather3A_1703, %gather3A_1704] : memref<4x128x64xf32, #tpu.memory_space<vmem>> -> memref<1x128x64xf32, #tpu.memory_space<vmem>>
        %gather3A_1706 = tpu.memref_squeeze %gather3A_1705 : memref<1x128x64xf32, #tpu.memory_space<vmem>> -> memref<128x64xf32, #tpu.memory_space<vmem>>
        %gather3A_1707 = tpu.vector_load_idx %gather3A_1706[%add3A_370, %add3A_1696] : memref<128x64xf32, #tpu.memory_space<vmem>>[vector<16xi32>, vector<16xi32>], vector<16xf32>,
        %gather3A_1708 = arith.constant 0 : i32
        %gather3A_1709 = arith.constant 0 : i32
        %gather3A_1710 = arith.constant 0 : i32
        %gather3A_1711 = tpu.memref_slice %arg7[%rem3A_291, %gather3A_1708, %gather3A_1709, %gather3A_1710] : memref<4x8x8x128xf32, #tpu.memory_space<vmem>> -> memref<1x8x8x128xf32, #tpu.memory_space<vmem>>
        %gather3A_1712 = tpu.memref_squeeze %gather3A_1711 : memref<1x8x8x128xf32, #tpu.memory_space<vmem>> -> memref<8x8x128xf32, #tpu.memory_space<vmem>>
        %gather3A_1713 = tpu.vector_load_idx %gather3A_1712[%shift_right_logical3A_1699, %and3A_1702, %add3A_370] : memref<8x8x128xf32, #tpu.memory_space<vmem>>[vector<16xi32>, vector<16xi32>, vector<16xi32>], vector<16xf32>,
        %add3A_1714 = arith.addf %gather3A_1713, %gather3A_1707 : vector<16xf32>
        %scatter3A_1715 = arith.constant 0 : i32
        %scatter3A_1716 = arith.constant 0 : i32
        %scatter3A_1717 = arith.constant 0 : i32
        %scatter3A_1718 = tpu.memref_slice %arg9[%rem3A_295, %scatter3A_1715, %scatter3A_1716, %scatter3A_1717] : memref<4x8x8x128xf32, #tpu.memory_space<vmem>> -> memref<1x8x8x128xf32, #tpu.memory_space<vmem>>
        %scatter3A_1719 = tpu.memref_squeeze %scatter3A_1718 : memref<1x8x8x128xf32, #tpu.memory_space<vmem>> -> memref<8x8x128xf32, #tpu.memory_space<vmem>>
        tpu.vector_store_idx %scatter3A_1719[%shift_right_logical3A_1699, %and3A_1702, %add3A_370], %add3A_1714 : memref<8x8x128xf32, #tpu.memory_space<vmem>>[vector<16xi32>, vector<16xi32>, vector<16xi32>], vector<16xf32>,
        %add3A_1720 = arith.constant 48 : i32
        %add3A_1721 = vector.broadcast %add3A_1720 : i32 to vector<16xi32>
        %add3A_1722 = arith.addi %and3A_132, %add3A_1721 : vector<16xi32>
        %shift_right_logical3A_1723 = arith.constant 3 : i32
        %shift_right_logical3A_1724 = vector.broadcast %shift_right_logical3A_1723 : i32 to vector<16xi32>
        %shift_right_logical3A_1725 = arith.shrui %add3A_1722, %shift_right_logical3A_1724 : vector<16xi32>
        %and3A_1726 = arith.constant 7 : i32
        %and3A_1727 = vector.broadcast %and3A_1726 : i32 to vector<16xi32>
        %and3A_1728 = arith.andi %add3A_1722, %and3A_1727 : vector<16xi32>
        %gather3A_1729 = arith.constant 0 : i32
        %gather3A_1730 = arith.constant 0 : i32
        %gather3A_1731 = tpu.memref_slice %arg8[%rem3A_293, %gather3A_1729, %gather3A_1730] : memref<4x128x64xf32, #tpu.memory_space<vmem>> -> memref<1x128x64xf32, #tpu.memory_space<vmem>>
        %gather3A_1732 = tpu.memref_squeeze %gather3A_1731 : memref<1x128x64xf32, #tpu.memory_space<vmem>> -> memref<128x64xf32, #tpu.memory_space<vmem>>
        %gather3A_1733 = tpu.vector_load_idx %gather3A_1732[%add3A_370, %add3A_1722] : memref<128x64xf32, #tpu.memory_space<vmem>>[vector<16xi32>, vector<16xi32>], vector<16xf32>,
        %gather3A_1734 = arith.constant 0 : i32
        %gather3A_1735 = arith.constant 0 : i32
        %gather3A_1736 = arith.constant 0 : i32
        %gather3A_1737 = tpu.memref_slice %arg7[%rem3A_291, %gather3A_1734, %gather3A_1735, %gather3A_1736] : memref<4x8x8x128xf32, #tpu.memory_space<vmem>> -> memref<1x8x8x128xf32, #tpu.memory_space<vmem>>
        %gather3A_1738 = tpu.memref_squeeze %gather3A_1737 : memref<1x8x8x128xf32, #tpu.memory_space<vmem>> -> memref<8x8x128xf32, #tpu.memory_space<vmem>>
        %gather3A_1739 = tpu.vector_load_idx %gather3A_1738[%shift_right_logical3A_1725, %and3A_1728, %add3A_370] : memref<8x8x128xf32, #tpu.memory_space<vmem>>[vector<16xi32>, vector<16xi32>, vector<16xi32>], vector<16xf32>,
        %add3A_1740 = arith.addf %gather3A_1739, %gather3A_1733 : vector<16xf32>
        %scatter3A_1741 = arith.constant 0 : i32
        %scatter3A_1742 = arith.constant 0 : i32
        %scatter3A_1743 = arith.constant 0 : i32
        %scatter3A_1744 = tpu.memref_slice %arg9[%rem3A_295, %scatter3A_1741, %scatter3A_1742, %scatter3A_1743] : memref<4x8x8x128xf32, #tpu.memory_space<vmem>> -> memref<1x8x8x128xf32, #tpu.memory_space<vmem>>
        %scatter3A_1745 = tpu.memref_squeeze %scatter3A_1744 : memref<1x8x8x128xf32, #tpu.memory_space<vmem>> -> memref<8x8x128xf32, #tpu.memory_space<vmem>>
        tpu.vector_store_idx %scatter3A_1745[%shift_right_logical3A_1725, %and3A_1728, %add3A_370], %add3A_1740 : memref<8x8x128xf32, #tpu.memory_space<vmem>>[vector<16xi32>, vector<16xi32>, vector<16xi32>], vector<16xf32>,
        %add3A_1746 = arith.constant 48 : i32
        %add3A_1747 = vector.broadcast %add3A_1746 : i32 to vector<16xi32>
        %add3A_1748 = arith.addi %and3A_138, %add3A_1747 : vector<16xi32>
        %shift_right_logical3A_1749 = arith.constant 3 : i32
        %shift_right_logical3A_1750 = vector.broadcast %shift_right_logical3A_1749 : i32 to vector<16xi32>
        %shift_right_logical3A_1751 = arith.shrui %add3A_1748, %shift_right_logical3A_1750 : vector<16xi32>
        %and3A_1752 = arith.constant 7 : i32
        %and3A_1753 = vector.broadcast %and3A_1752 : i32 to vector<16xi32>
        %and3A_1754 = arith.andi %add3A_1748, %and3A_1753 : vector<16xi32>
        %gather3A_1755 = arith.constant 0 : i32
        %gather3A_1756 = arith.constant 0 : i32
        %gather3A_1757 = tpu.memref_slice %arg8[%rem3A_293, %gather3A_1755, %gather3A_1756] : memref<4x128x64xf32, #tpu.memory_space<vmem>> -> memref<1x128x64xf32, #tpu.memory_space<vmem>>
        %gather3A_1758 = tpu.memref_squeeze %gather3A_1757 : memref<1x128x64xf32, #tpu.memory_space<vmem>> -> memref<128x64xf32, #tpu.memory_space<vmem>>
        %gather3A_1759 = tpu.vector_load_idx %gather3A_1758[%add3A_370, %add3A_1748] : memref<128x64xf32, #tpu.memory_space<vmem>>[vector<16xi32>, vector<16xi32>], vector<16xf32>,
        %gather3A_1760 = arith.constant 0 : i32
        %gather3A_1761 = arith.constant 0 : i32
        %gather3A_1762 = arith.constant 0 : i32
        %gather3A_1763 = tpu.memref_slice %arg7[%rem3A_291, %gather3A_1760, %gather3A_1761, %gather3A_1762] : memref<4x8x8x128xf32, #tpu.memory_space<vmem>> -> memref<1x8x8x128xf32, #tpu.memory_space<vmem>>
        %gather3A_1764 = tpu.memref_squeeze %gather3A_1763 : memref<1x8x8x128xf32, #tpu.memory_space<vmem>> -> memref<8x8x128xf32, #tpu.memory_space<vmem>>
        %gather3A_1765 = tpu.vector_load_idx %gather3A_1764[%shift_right_logical3A_1751, %and3A_1754, %add3A_370] : memref<8x8x128xf32, #tpu.memory_space<vmem>>[vector<16xi32>, vector<16xi32>, vector<16xi32>], vector<16xf32>,
        %add3A_1766 = arith.addf %gather3A_1765, %gather3A_1759 : vector<16xf32>
        %scatter3A_1767 = arith.constant 0 : i32
        %scatter3A_1768 = arith.constant 0 : i32
        %scatter3A_1769 = arith.constant 0 : i32
        %scatter3A_1770 = tpu.memref_slice %arg9[%rem3A_295, %scatter3A_1767, %scatter3A_1768, %scatter3A_1769] : memref<4x8x8x128xf32, #tpu.memory_space<vmem>> -> memref<1x8x8x128xf32, #tpu.memory_space<vmem>>
        %scatter3A_1771 = tpu.memref_squeeze %scatter3A_1770 : memref<1x8x8x128xf32, #tpu.memory_space<vmem>> -> memref<8x8x128xf32, #tpu.memory_space<vmem>>
        tpu.vector_store_idx %scatter3A_1771[%shift_right_logical3A_1751, %and3A_1754, %add3A_370], %add3A_1766 : memref<8x8x128xf32, #tpu.memory_space<vmem>>[vector<16xi32>, vector<16xi32>, vector<16xi32>], vector<16xf32>,
        %add3A_1772 = arith.constant 48 : i32
        %add3A_1773 = vector.broadcast %add3A_1772 : i32 to vector<16xi32>
        %add3A_1774 = arith.addi %and3A_144, %add3A_1773 : vector<16xi32>
        %shift_right_logical3A_1775 = arith.constant 3 : i32
        %shift_right_logical3A_1776 = vector.broadcast %shift_right_logical3A_1775 : i32 to vector<16xi32>
        %shift_right_logical3A_1777 = arith.shrui %add3A_1774, %shift_right_logical3A_1776 : vector<16xi32>
        %and3A_1778 = arith.constant 7 : i32
        %and3A_1779 = vector.broadcast %and3A_1778 : i32 to vector<16xi32>
        %and3A_1780 = arith.andi %add3A_1774, %and3A_1779 : vector<16xi32>
        %gather3A_1781 = arith.constant 0 : i32
        %gather3A_1782 = arith.constant 0 : i32
        %gather3A_1783 = tpu.memref_slice %arg8[%rem3A_293, %gather3A_1781, %gather3A_1782] : memref<4x128x64xf32, #tpu.memory_space<vmem>> -> memref<1x128x64xf32, #tpu.memory_space<vmem>>
        %gather3A_1784 = tpu.memref_squeeze %gather3A_1783 : memref<1x128x64xf32, #tpu.memory_space<vmem>> -> memref<128x64xf32, #tpu.memory_space<vmem>>
        %gather3A_1785 = tpu.vector_load_idx %gather3A_1784[%add3A_370, %add3A_1774] : memref<128x64xf32, #tpu.memory_space<vmem>>[vector<16xi32>, vector<16xi32>], vector<16xf32>,
        %gather3A_1786 = arith.constant 0 : i32
        %gather3A_1787 = arith.constant 0 : i32
        %gather3A_1788 = arith.constant 0 : i32
        %gather3A_1789 = tpu.memref_slice %arg7[%rem3A_291, %gather3A_1786, %gather3A_1787, %gather3A_1788] : memref<4x8x8x128xf32, #tpu.memory_space<vmem>> -> memref<1x8x8x128xf32, #tpu.memory_space<vmem>>
        %gather3A_1790 = tpu.memref_squeeze %gather3A_1789 : memref<1x8x8x128xf32, #tpu.memory_space<vmem>> -> memref<8x8x128xf32, #tpu.memory_space<vmem>>
        %gather3A_1791 = tpu.vector_load_idx %gather3A_1790[%shift_right_logical3A_1777, %and3A_1780, %add3A_370] : memref<8x8x128xf32, #tpu.memory_space<vmem>>[vector<16xi32>, vector<16xi32>, vector<16xi32>], vector<16xf32>,
        %add3A_1792 = arith.addf %gather3A_1791, %gather3A_1785 : vector<16xf32>
        %scatter3A_1793 = arith.constant 0 : i32
        %scatter3A_1794 = arith.constant 0 : i32
        %scatter3A_1795 = arith.constant 0 : i32
        %scatter3A_1796 = tpu.memref_slice %arg9[%rem3A_295, %scatter3A_1793, %scatter3A_1794, %scatter3A_1795] : memref<4x8x8x128xf32, #tpu.memory_space<vmem>> -> memref<1x8x8x128xf32, #tpu.memory_space<vmem>>
        %scatter3A_1797 = tpu.memref_squeeze %scatter3A_1796 : memref<1x8x8x128xf32, #tpu.memory_space<vmem>> -> memref<8x8x128xf32, #tpu.memory_space<vmem>>
        tpu.vector_store_idx %scatter3A_1797[%shift_right_logical3A_1777, %and3A_1780, %add3A_370], %add3A_1792 : memref<8x8x128xf32, #tpu.memory_space<vmem>>[vector<16xi32>, vector<16xi32>, vector<16xi32>], vector<16xf32>,
        %add3A_1798 = arith.constant 48 : i32
        %add3A_1799 = vector.broadcast %add3A_1798 : i32 to vector<16xi32>
        %add3A_1800 = arith.addi %and3A_150, %add3A_1799 : vector<16xi32>
        %shift_right_logical3A_1801 = arith.constant 3 : i32
        %shift_right_logical3A_1802 = vector.broadcast %shift_right_logical3A_1801 : i32 to vector<16xi32>
        %shift_right_logical3A_1803 = arith.shrui %add3A_1800, %shift_right_logical3A_1802 : vector<16xi32>
        %and3A_1804 = arith.constant 7 : i32
        %and3A_1805 = vector.broadcast %and3A_1804 : i32 to vector<16xi32>
        %and3A_1806 = arith.andi %add3A_1800, %and3A_1805 : vector<16xi32>
        %gather3A_1807 = arith.constant 0 : i32
        %gather3A_1808 = arith.constant 0 : i32
        %gather3A_1809 = tpu.memref_slice %arg8[%rem3A_293, %gather3A_1807, %gather3A_1808] : memref<4x128x64xf32, #tpu.memory_space<vmem>> -> memref<1x128x64xf32, #tpu.memory_space<vmem>>
        %gather3A_1810 = tpu.memref_squeeze %gather3A_1809 : memref<1x128x64xf32, #tpu.memory_space<vmem>> -> memref<128x64xf32, #tpu.memory_space<vmem>>
        %gather3A_1811 = tpu.vector_load_idx %gather3A_1810[%add3A_370, %add3A_1800] : memref<128x64xf32, #tpu.memory_space<vmem>>[vector<16xi32>, vector<16xi32>], vector<16xf32>,
        %gather3A_1812 = arith.constant 0 : i32
        %gather3A_1813 = arith.constant 0 : i32
        %gather3A_1814 = arith.constant 0 : i32
        %gather3A_1815 = tpu.memref_slice %arg7[%rem3A_291, %gather3A_1812, %gather3A_1813, %gather3A_1814] : memref<4x8x8x128xf32, #tpu.memory_space<vmem>> -> memref<1x8x8x128xf32, #tpu.memory_space<vmem>>
        %gather3A_1816 = tpu.memref_squeeze %gather3A_1815 : memref<1x8x8x128xf32, #tpu.memory_space<vmem>> -> memref<8x8x128xf32, #tpu.memory_space<vmem>>
        %gather3A_1817 = tpu.vector_load_idx %gather3A_1816[%shift_right_logical3A_1803, %and3A_1806, %add3A_370] : memref<8x8x128xf32, #tpu.memory_space<vmem>>[vector<16xi32>, vector<16xi32>, vector<16xi32>], vector<16xf32>,
        %add3A_1818 = arith.addf %gather3A_1817, %gather3A_1811 : vector<16xf32>
        %scatter3A_1819 = arith.constant 0 : i32
        %scatter3A_1820 = arith.constant 0 : i32
        %scatter3A_1821 = arith.constant 0 : i32
        %scatter3A_1822 = tpu.memref_slice %arg9[%rem3A_295, %scatter3A_1819, %scatter3A_1820, %scatter3A_1821] : memref<4x8x8x128xf32, #tpu.memory_space<vmem>> -> memref<1x8x8x128xf32, #tpu.memory_space<vmem>>
        %scatter3A_1823 = tpu.memref_squeeze %scatter3A_1822 : memref<1x8x8x128xf32, #tpu.memory_space<vmem>> -> memref<8x8x128xf32, #tpu.memory_space<vmem>>
        tpu.vector_store_idx %scatter3A_1823[%shift_right_logical3A_1803, %and3A_1806, %add3A_370], %add3A_1818 : memref<8x8x128xf32, #tpu.memory_space<vmem>>[vector<16xi32>, vector<16xi32>, vector<16xi32>], vector<16xf32>,
        %add3A_1824 = arith.constant 48 : i32
        %add3A_1825 = vector.broadcast %add3A_1824 : i32 to vector<16xi32>
        %add3A_1826 = arith.addi %and3A_156, %add3A_1825 : vector<16xi32>
        %shift_right_logical3A_1827 = arith.constant 3 : i32
        %shift_right_logical3A_1828 = vector.broadcast %shift_right_logical3A_1827 : i32 to vector<16xi32>
        %shift_right_logical3A_1829 = arith.shrui %add3A_1826, %shift_right_logical3A_1828 : vector<16xi32>
        %and3A_1830 = arith.constant 7 : i32
        %and3A_1831 = vector.broadcast %and3A_1830 : i32 to vector<16xi32>
        %and3A_1832 = arith.andi %add3A_1826, %and3A_1831 : vector<16xi32>
        %gather3A_1833 = arith.constant 0 : i32
        %gather3A_1834 = arith.constant 0 : i32
        %gather3A_1835 = tpu.memref_slice %arg8[%rem3A_293, %gather3A_1833, %gather3A_1834] : memref<4x128x64xf32, #tpu.memory_space<vmem>> -> memref<1x128x64xf32, #tpu.memory_space<vmem>>
        %gather3A_1836 = tpu.memref_squeeze %gather3A_1835 : memref<1x128x64xf32, #tpu.memory_space<vmem>> -> memref<128x64xf32, #tpu.memory_space<vmem>>
        %gather3A_1837 = tpu.vector_load_idx %gather3A_1836[%add3A_370, %add3A_1826] : memref<128x64xf32, #tpu.memory_space<vmem>>[vector<16xi32>, vector<16xi32>], vector<16xf32>,
        %gather3A_1838 = arith.constant 0 : i32
        %gather3A_1839 = arith.constant 0 : i32
        %gather3A_1840 = arith.constant 0 : i32
        %gather3A_1841 = tpu.memref_slice %arg7[%rem3A_291, %gather3A_1838, %gather3A_1839, %gather3A_1840] : memref<4x8x8x128xf32, #tpu.memory_space<vmem>> -> memref<1x8x8x128xf32, #tpu.memory_space<vmem>>
        %gather3A_1842 = tpu.memref_squeeze %gather3A_1841 : memref<1x8x8x128xf32, #tpu.memory_space<vmem>> -> memref<8x8x128xf32, #tpu.memory_space<vmem>>
        %gather3A_1843 = tpu.vector_load_idx %gather3A_1842[%shift_right_logical3A_1829, %and3A_1832, %add3A_370] : memref<8x8x128xf32, #tpu.memory_space<vmem>>[vector<16xi32>, vector<16xi32>, vector<16xi32>], vector<16xf32>,
        %add3A_1844 = arith.addf %gather3A_1843, %gather3A_1837 : vector<16xf32>
        %scatter3A_1845 = arith.constant 0 : i32
        %scatter3A_1846 = arith.constant 0 : i32
        %scatter3A_1847 = arith.constant 0 : i32
        %scatter3A_1848 = tpu.memref_slice %arg9[%rem3A_295, %scatter3A_1845, %scatter3A_1846, %scatter3A_1847] : memref<4x8x8x128xf32, #tpu.memory_space<vmem>> -> memref<1x8x8x128xf32, #tpu.memory_space<vmem>>
        %scatter3A_1849 = tpu.memref_squeeze %scatter3A_1848 : memref<1x8x8x128xf32, #tpu.memory_space<vmem>> -> memref<8x8x128xf32, #tpu.memory_space<vmem>>
        tpu.vector_store_idx %scatter3A_1849[%shift_right_logical3A_1829, %and3A_1832, %add3A_370], %add3A_1844 : memref<8x8x128xf32, #tpu.memory_space<vmem>>[vector<16xi32>, vector<16xi32>, vector<16xi32>], vector<16xf32>,
        %add3A_1850 = arith.constant 48 : i32
        %add3A_1851 = vector.broadcast %add3A_1850 : i32 to vector<16xi32>
        %add3A_1852 = arith.addi %and3A_162, %add3A_1851 : vector<16xi32>
        %shift_right_logical3A_1853 = arith.constant 3 : i32
        %shift_right_logical3A_1854 = vector.broadcast %shift_right_logical3A_1853 : i32 to vector<16xi32>
        %shift_right_logical3A_1855 = arith.shrui %add3A_1852, %shift_right_logical3A_1854 : vector<16xi32>
        %and3A_1856 = arith.constant 7 : i32
        %and3A_1857 = vector.broadcast %and3A_1856 : i32 to vector<16xi32>
        %and3A_1858 = arith.andi %add3A_1852, %and3A_1857 : vector<16xi32>
        %gather3A_1859 = arith.constant 0 : i32
        %gather3A_1860 = arith.constant 0 : i32
        %gather3A_1861 = tpu.memref_slice %arg8[%rem3A_293, %gather3A_1859, %gather3A_1860] : memref<4x128x64xf32, #tpu.memory_space<vmem>> -> memref<1x128x64xf32, #tpu.memory_space<vmem>>
        %gather3A_1862 = tpu.memref_squeeze %gather3A_1861 : memref<1x128x64xf32, #tpu.memory_space<vmem>> -> memref<128x64xf32, #tpu.memory_space<vmem>>
        %gather3A_1863 = tpu.vector_load_idx %gather3A_1862[%add3A_370, %add3A_1852] : memref<128x64xf32, #tpu.memory_space<vmem>>[vector<16xi32>, vector<16xi32>], vector<16xf32>,
        %gather3A_1864 = arith.constant 0 : i32
        %gather3A_1865 = arith.constant 0 : i32
        %gather3A_1866 = arith.constant 0 : i32
        %gather3A_1867 = tpu.memref_slice %arg7[%rem3A_291, %gather3A_1864, %gather3A_1865, %gather3A_1866] : memref<4x8x8x128xf32, #tpu.memory_space<vmem>> -> memref<1x8x8x128xf32, #tpu.memory_space<vmem>>
        %gather3A_1868 = tpu.memref_squeeze %gather3A_1867 : memref<1x8x8x128xf32, #tpu.memory_space<vmem>> -> memref<8x8x128xf32, #tpu.memory_space<vmem>>
        %gather3A_1869 = tpu.vector_load_idx %gather3A_1868[%shift_right_logical3A_1855, %and3A_1858, %add3A_370] : memref<8x8x128xf32, #tpu.memory_space<vmem>>[vector<16xi32>, vector<16xi32>, vector<16xi32>], vector<16xf32>,
        %add3A_1870 = arith.addf %gather3A_1869, %gather3A_1863 : vector<16xf32>
        %scatter3A_1871 = arith.constant 0 : i32
        %scatter3A_1872 = arith.constant 0 : i32
        %scatter3A_1873 = arith.constant 0 : i32
        %scatter3A_1874 = tpu.memref_slice %arg9[%rem3A_295, %scatter3A_1871, %scatter3A_1872, %scatter3A_1873] : memref<4x8x8x128xf32, #tpu.memory_space<vmem>> -> memref<1x8x8x128xf32, #tpu.memory_space<vmem>>
        %scatter3A_1875 = tpu.memref_squeeze %scatter3A_1874 : memref<1x8x8x128xf32, #tpu.memory_space<vmem>> -> memref<8x8x128xf32, #tpu.memory_space<vmem>>
        tpu.vector_store_idx %scatter3A_1875[%shift_right_logical3A_1855, %and3A_1858, %add3A_370], %add3A_1870 : memref<8x8x128xf32, #tpu.memory_space<vmem>>[vector<16xi32>, vector<16xi32>, vector<16xi32>], vector<16xf32>,
        %add3A_1876 = arith.constant 48 : i32
        %add3A_1877 = vector.broadcast %add3A_1876 : i32 to vector<16xi32>
        %add3A_1878 = arith.addi %and3A_168, %add3A_1877 : vector<16xi32>
        %shift_right_logical3A_1879 = arith.constant 3 : i32
        %shift_right_logical3A_1880 = vector.broadcast %shift_right_logical3A_1879 : i32 to vector<16xi32>
        %shift_right_logical3A_1881 = arith.shrui %add3A_1878, %shift_right_logical3A_1880 : vector<16xi32>
        %and3A_1882 = arith.constant 7 : i32
        %and3A_1883 = vector.broadcast %and3A_1882 : i32 to vector<16xi32>
        %and3A_1884 = arith.andi %add3A_1878, %and3A_1883 : vector<16xi32>
        %gather3A_1885 = arith.constant 0 : i32
        %gather3A_1886 = arith.constant 0 : i32
        %gather3A_1887 = tpu.memref_slice %arg8[%rem3A_293, %gather3A_1885, %gather3A_1886] : memref<4x128x64xf32, #tpu.memory_space<vmem>> -> memref<1x128x64xf32, #tpu.memory_space<vmem>>
        %gather3A_1888 = tpu.memref_squeeze %gather3A_1887 : memref<1x128x64xf32, #tpu.memory_space<vmem>> -> memref<128x64xf32, #tpu.memory_space<vmem>>
        %gather3A_1889 = tpu.vector_load_idx %gather3A_1888[%add3A_370, %add3A_1878] : memref<128x64xf32, #tpu.memory_space<vmem>>[vector<16xi32>, vector<16xi32>], vector<16xf32>,
        %gather3A_1890 = arith.constant 0 : i32
        %gather3A_1891 = arith.constant 0 : i32
        %gather3A_1892 = arith.constant 0 : i32
        %gather3A_1893 = tpu.memref_slice %arg7[%rem3A_291, %gather3A_1890, %gather3A_1891, %gather3A_1892] : memref<4x8x8x128xf32, #tpu.memory_space<vmem>> -> memref<1x8x8x128xf32, #tpu.memory_space<vmem>>
        %gather3A_1894 = tpu.memref_squeeze %gather3A_1893 : memref<1x8x8x128xf32, #tpu.memory_space<vmem>> -> memref<8x8x128xf32, #tpu.memory_space<vmem>>
        %gather3A_1895 = tpu.vector_load_idx %gather3A_1894[%shift_right_logical3A_1881, %and3A_1884, %add3A_370] : memref<8x8x128xf32, #tpu.memory_space<vmem>>[vector<16xi32>, vector<16xi32>, vector<16xi32>], vector<16xf32>,
        %add3A_1896 = arith.addf %gather3A_1895, %gather3A_1889 : vector<16xf32>
        %scatter3A_1897 = arith.constant 0 : i32
        %scatter3A_1898 = arith.constant 0 : i32
        %scatter3A_1899 = arith.constant 0 : i32
        %scatter3A_1900 = tpu.memref_slice %arg9[%rem3A_295, %scatter3A_1897, %scatter3A_1898, %scatter3A_1899] : memref<4x8x8x128xf32, #tpu.memory_space<vmem>> -> memref<1x8x8x128xf32, #tpu.memory_space<vmem>>
        %scatter3A_1901 = tpu.memref_squeeze %scatter3A_1900 : memref<1x8x8x128xf32, #tpu.memory_space<vmem>> -> memref<8x8x128xf32, #tpu.memory_space<vmem>>
        tpu.vector_store_idx %scatter3A_1901[%shift_right_logical3A_1881, %and3A_1884, %add3A_370], %add3A_1896 : memref<8x8x128xf32, #tpu.memory_space<vmem>>[vector<16xi32>, vector<16xi32>, vector<16xi32>], vector<16xf32>,
        %add3A_1902 = arith.constant 48 : i32
        %add3A_1903 = vector.broadcast %add3A_1902 : i32 to vector<16xi32>
        %add3A_1904 = arith.addi %and3A_174, %add3A_1903 : vector<16xi32>
        %shift_right_logical3A_1905 = arith.constant 3 : i32
        %shift_right_logical3A_1906 = vector.broadcast %shift_right_logical3A_1905 : i32 to vector<16xi32>
        %shift_right_logical3A_1907 = arith.shrui %add3A_1904, %shift_right_logical3A_1906 : vector<16xi32>
        %and3A_1908 = arith.constant 7 : i32
        %and3A_1909 = vector.broadcast %and3A_1908 : i32 to vector<16xi32>
        %and3A_1910 = arith.andi %add3A_1904, %and3A_1909 : vector<16xi32>
        %gather3A_1911 = arith.constant 0 : i32
        %gather3A_1912 = arith.constant 0 : i32
        %gather3A_1913 = tpu.memref_slice %arg8[%rem3A_293, %gather3A_1911, %gather3A_1912] : memref<4x128x64xf32, #tpu.memory_space<vmem>> -> memref<1x128x64xf32, #tpu.memory_space<vmem>>
        %gather3A_1914 = tpu.memref_squeeze %gather3A_1913 : memref<1x128x64xf32, #tpu.memory_space<vmem>> -> memref<128x64xf32, #tpu.memory_space<vmem>>
        %gather3A_1915 = tpu.vector_load_idx %gather3A_1914[%add3A_370, %add3A_1904] : memref<128x64xf32, #tpu.memory_space<vmem>>[vector<16xi32>, vector<16xi32>], vector<16xf32>,
        %gather3A_1916 = arith.constant 0 : i32
        %gather3A_1917 = arith.constant 0 : i32
        %gather3A_1918 = arith.constant 0 : i32
        %gather3A_1919 = tpu.memref_slice %arg7[%rem3A_291, %gather3A_1916, %gather3A_1917, %gather3A_1918] : memref<4x8x8x128xf32, #tpu.memory_space<vmem>> -> memref<1x8x8x128xf32, #tpu.memory_space<vmem>>
        %gather3A_1920 = tpu.memref_squeeze %gather3A_1919 : memref<1x8x8x128xf32, #tpu.memory_space<vmem>> -> memref<8x8x128xf32, #tpu.memory_space<vmem>>
        %gather3A_1921 = tpu.vector_load_idx %gather3A_1920[%shift_right_logical3A_1907, %and3A_1910, %add3A_370] : memref<8x8x128xf32, #tpu.memory_space<vmem>>[vector<16xi32>, vector<16xi32>, vector<16xi32>], vector<16xf32>,
        %add3A_1922 = arith.addf %gather3A_1921, %gather3A_1915 : vector<16xf32>
        %scatter3A_1923 = arith.constant 0 : i32
        %scatter3A_1924 = arith.constant 0 : i32
        %scatter3A_1925 = arith.constant 0 : i32
        %scatter3A_1926 = tpu.memref_slice %arg9[%rem3A_295, %scatter3A_1923, %scatter3A_1924, %scatter3A_1925] : memref<4x8x8x128xf32, #tpu.memory_space<vmem>> -> memref<1x8x8x128xf32, #tpu.memory_space<vmem>>
        %scatter3A_1927 = tpu.memref_squeeze %scatter3A_1926 : memref<1x8x8x128xf32, #tpu.memory_space<vmem>> -> memref<8x8x128xf32, #tpu.memory_space<vmem>>
        tpu.vector_store_idx %scatter3A_1927[%shift_right_logical3A_1907, %and3A_1910, %add3A_370], %add3A_1922 : memref<8x8x128xf32, #tpu.memory_space<vmem>>[vector<16xi32>, vector<16xi32>, vector<16xi32>], vector<16xf32>,
        %add3A_1928 = arith.constant 48 : i32
        %add3A_1929 = vector.broadcast %add3A_1928 : i32 to vector<16xi32>
        %add3A_1930 = arith.addi %and3A_180, %add3A_1929 : vector<16xi32>
        %shift_right_logical3A_1931 = arith.constant 3 : i32
        %shift_right_logical3A_1932 = vector.broadcast %shift_right_logical3A_1931 : i32 to vector<16xi32>
        %shift_right_logical3A_1933 = arith.shrui %add3A_1930, %shift_right_logical3A_1932 : vector<16xi32>
        %and3A_1934 = arith.constant 7 : i32
        %and3A_1935 = vector.broadcast %and3A_1934 : i32 to vector<16xi32>
        %and3A_1936 = arith.andi %add3A_1930, %and3A_1935 : vector<16xi32>
        %gather3A_1937 = arith.constant 0 : i32
        %gather3A_1938 = arith.constant 0 : i32
        %gather3A_1939 = tpu.memref_slice %arg8[%rem3A_293, %gather3A_1937, %gather3A_1938] : memref<4x128x64xf32, #tpu.memory_space<vmem>> -> memref<1x128x64xf32, #tpu.memory_space<vmem>>
        %gather3A_1940 = tpu.memref_squeeze %gather3A_1939 : memref<1x128x64xf32, #tpu.memory_space<vmem>> -> memref<128x64xf32, #tpu.memory_space<vmem>>
        %gather3A_1941 = tpu.vector_load_idx %gather3A_1940[%add3A_370, %add3A_1930] : memref<128x64xf32, #tpu.memory_space<vmem>>[vector<16xi32>, vector<16xi32>], vector<16xf32>,
        %gather3A_1942 = arith.constant 0 : i32
        %gather3A_1943 = arith.constant 0 : i32
        %gather3A_1944 = arith.constant 0 : i32
        %gather3A_1945 = tpu.memref_slice %arg7[%rem3A_291, %gather3A_1942, %gather3A_1943, %gather3A_1944] : memref<4x8x8x128xf32, #tpu.memory_space<vmem>> -> memref<1x8x8x128xf32, #tpu.memory_space<vmem>>
        %gather3A_1946 = tpu.memref_squeeze %gather3A_1945 : memref<1x8x8x128xf32, #tpu.memory_space<vmem>> -> memref<8x8x128xf32, #tpu.memory_space<vmem>>
        %gather3A_1947 = tpu.vector_load_idx %gather3A_1946[%shift_right_logical3A_1933, %and3A_1936, %add3A_370] : memref<8x8x128xf32, #tpu.memory_space<vmem>>[vector<16xi32>, vector<16xi32>, vector<16xi32>], vector<16xf32>,
        %add3A_1948 = arith.addf %gather3A_1947, %gather3A_1941 : vector<16xf32>
        %scatter3A_1949 = arith.constant 0 : i32
        %scatter3A_1950 = arith.constant 0 : i32
        %scatter3A_1951 = arith.constant 0 : i32
        %scatter3A_1952 = tpu.memref_slice %arg9[%rem3A_295, %scatter3A_1949, %scatter3A_1950, %scatter3A_1951] : memref<4x8x8x128xf32, #tpu.memory_space<vmem>> -> memref<1x8x8x128xf32, #tpu.memory_space<vmem>>
        %scatter3A_1953 = tpu.memref_squeeze %scatter3A_1952 : memref<1x8x8x128xf32, #tpu.memory_space<vmem>> -> memref<8x8x128xf32, #tpu.memory_space<vmem>>
        tpu.vector_store_idx %scatter3A_1953[%shift_right_logical3A_1933, %and3A_1936, %add3A_370], %add3A_1948 : memref<8x8x128xf32, #tpu.memory_space<vmem>>[vector<16xi32>, vector<16xi32>, vector<16xi32>], vector<16xf32>,
        %add3A_1954 = arith.constant 48 : i32
        %add3A_1955 = vector.broadcast %add3A_1954 : i32 to vector<16xi32>
        %add3A_1956 = arith.addi %and3A_186, %add3A_1955 : vector<16xi32>
        %shift_right_logical3A_1957 = arith.constant 3 : i32
        %shift_right_logical3A_1958 = vector.broadcast %shift_right_logical3A_1957 : i32 to vector<16xi32>
        %shift_right_logical3A_1959 = arith.shrui %add3A_1956, %shift_right_logical3A_1958 : vector<16xi32>
        %and3A_1960 = arith.constant 7 : i32
        %and3A_1961 = vector.broadcast %and3A_1960 : i32 to vector<16xi32>
        %and3A_1962 = arith.andi %add3A_1956, %and3A_1961 : vector<16xi32>
        %gather3A_1963 = arith.constant 0 : i32
        %gather3A_1964 = arith.constant 0 : i32
        %gather3A_1965 = tpu.memref_slice %arg8[%rem3A_293, %gather3A_1963, %gather3A_1964] : memref<4x128x64xf32, #tpu.memory_space<vmem>> -> memref<1x128x64xf32, #tpu.memory_space<vmem>>
        %gather3A_1966 = tpu.memref_squeeze %gather3A_1965 : memref<1x128x64xf32, #tpu.memory_space<vmem>> -> memref<128x64xf32, #tpu.memory_space<vmem>>
        %gather3A_1967 = tpu.vector_load_idx %gather3A_1966[%add3A_370, %add3A_1956] : memref<128x64xf32, #tpu.memory_space<vmem>>[vector<16xi32>, vector<16xi32>], vector<16xf32>,
        %gather3A_1968 = arith.constant 0 : i32
        %gather3A_1969 = arith.constant 0 : i32
        %gather3A_1970 = arith.constant 0 : i32
        %gather3A_1971 = tpu.memref_slice %arg7[%rem3A_291, %gather3A_1968, %gather3A_1969, %gather3A_1970] : memref<4x8x8x128xf32, #tpu.memory_space<vmem>> -> memref<1x8x8x128xf32, #tpu.memory_space<vmem>>
        %gather3A_1972 = tpu.memref_squeeze %gather3A_1971 : memref<1x8x8x128xf32, #tpu.memory_space<vmem>> -> memref<8x8x128xf32, #tpu.memory_space<vmem>>
        %gather3A_1973 = tpu.vector_load_idx %gather3A_1972[%shift_right_logical3A_1959, %and3A_1962, %add3A_370] : memref<8x8x128xf32, #tpu.memory_space<vmem>>[vector<16xi32>, vector<16xi32>, vector<16xi32>], vector<16xf32>,
        %add3A_1974 = arith.addf %gather3A_1973, %gather3A_1967 : vector<16xf32>
        %scatter3A_1975 = arith.constant 0 : i32
        %scatter3A_1976 = arith.constant 0 : i32
        %scatter3A_1977 = arith.constant 0 : i32
        %scatter3A_1978 = tpu.memref_slice %arg9[%rem3A_295, %scatter3A_1975, %scatter3A_1976, %scatter3A_1977] : memref<4x8x8x128xf32, #tpu.memory_space<vmem>> -> memref<1x8x8x128xf32, #tpu.memory_space<vmem>>
        %scatter3A_1979 = tpu.memref_squeeze %scatter3A_1978 : memref<1x8x8x128xf32, #tpu.memory_space<vmem>> -> memref<8x8x128xf32, #tpu.memory_space<vmem>>
        tpu.vector_store_idx %scatter3A_1979[%shift_right_logical3A_1959, %and3A_1962, %add3A_370], %add3A_1974 : memref<8x8x128xf32, #tpu.memory_space<vmem>>[vector<16xi32>, vector<16xi32>, vector<16xi32>], vector<16xf32>,
        %add3A_1980 = arith.constant 48 : i32
        %add3A_1981 = vector.broadcast %add3A_1980 : i32 to vector<16xi32>
        %add3A_1982 = arith.addi %and3A_192, %add3A_1981 : vector<16xi32>
        %shift_right_logical3A_1983 = arith.constant 3 : i32
        %shift_right_logical3A_1984 = vector.broadcast %shift_right_logical3A_1983 : i32 to vector<16xi32>
        %shift_right_logical3A_1985 = arith.shrui %add3A_1982, %shift_right_logical3A_1984 : vector<16xi32>
        %and3A_1986 = arith.constant 7 : i32
        %and3A_1987 = vector.broadcast %and3A_1986 : i32 to vector<16xi32>
        %and3A_1988 = arith.andi %add3A_1982, %and3A_1987 : vector<16xi32>
        %gather3A_1989 = arith.constant 0 : i32
        %gather3A_1990 = arith.constant 0 : i32
        %gather3A_1991 = tpu.memref_slice %arg8[%rem3A_293, %gather3A_1989, %gather3A_1990] : memref<4x128x64xf32, #tpu.memory_space<vmem>> -> memref<1x128x64xf32, #tpu.memory_space<vmem>>
        %gather3A_1992 = tpu.memref_squeeze %gather3A_1991 : memref<1x128x64xf32, #tpu.memory_space<vmem>> -> memref<128x64xf32, #tpu.memory_space<vmem>>
        %gather3A_1993 = tpu.vector_load_idx %gather3A_1992[%add3A_370, %add3A_1982] : memref<128x64xf32, #tpu.memory_space<vmem>>[vector<16xi32>, vector<16xi32>], vector<16xf32>,
        %gather3A_1994 = arith.constant 0 : i32
        %gather3A_1995 = arith.constant 0 : i32
        %gather3A_1996 = arith.constant 0 : i32
        %gather3A_1997 = tpu.memref_slice %arg7[%rem3A_291, %gather3A_1994, %gather3A_1995, %gather3A_1996] : memref<4x8x8x128xf32, #tpu.memory_space<vmem>> -> memref<1x8x8x128xf32, #tpu.memory_space<vmem>>
        %gather3A_1998 = tpu.memref_squeeze %gather3A_1997 : memref<1x8x8x128xf32, #tpu.memory_space<vmem>> -> memref<8x8x128xf32, #tpu.memory_space<vmem>>
        %gather3A_1999 = tpu.vector_load_idx %gather3A_1998[%shift_right_logical3A_1985, %and3A_1988, %add3A_370] : memref<8x8x128xf32, #tpu.memory_space<vmem>>[vector<16xi32>, vector<16xi32>, vector<16xi32>], vector<16xf32>,
        %add3A_2000 = arith.addf %gather3A_1999, %gather3A_1993 : vector<16xf32>
        %scatter3A_2001 = arith.constant 0 : i32
        %scatter3A_2002 = arith.constant 0 : i32
        %scatter3A_2003 = arith.constant 0 : i32
        %scatter3A_2004 = tpu.memref_slice %arg9[%rem3A_295, %scatter3A_2001, %scatter3A_2002, %scatter3A_2003] : memref<4x8x8x128xf32, #tpu.memory_space<vmem>> -> memref<1x8x8x128xf32, #tpu.memory_space<vmem>>
        %scatter3A_2005 = tpu.memref_squeeze %scatter3A_2004 : memref<1x8x8x128xf32, #tpu.memory_space<vmem>> -> memref<8x8x128xf32, #tpu.memory_space<vmem>>
        tpu.vector_store_idx %scatter3A_2005[%shift_right_logical3A_1985, %and3A_1988, %add3A_370], %add3A_2000 : memref<8x8x128xf32, #tpu.memory_space<vmem>>[vector<16xi32>, vector<16xi32>, vector<16xi32>], vector<16xf32>,
        %add3A_2006 = arith.constant 48 : i32
        %add3A_2007 = vector.broadcast %add3A_2006 : i32 to vector<16xi32>
        %add3A_2008 = arith.addi %and3A_198, %add3A_2007 : vector<16xi32>
        %shift_right_logical3A_2009 = arith.constant 3 : i32
        %shift_right_logical3A_2010 = vector.broadcast %shift_right_logical3A_2009 : i32 to vector<16xi32>
        %shift_right_logical3A_2011 = arith.shrui %add3A_2008, %shift_right_logical3A_2010 : vector<16xi32>
        %and3A_2012 = arith.constant 7 : i32
        %and3A_2013 = vector.broadcast %and3A_2012 : i32 to vector<16xi32>
        %and3A_2014 = arith.andi %add3A_2008, %and3A_2013 : vector<16xi32>
        %gather3A_2015 = arith.constant 0 : i32
        %gather3A_2016 = arith.constant 0 : i32
        %gather3A_2017 = tpu.memref_slice %arg8[%rem3A_293, %gather3A_2015, %gather3A_2016] : memref<4x128x64xf32, #tpu.memory_space<vmem>> -> memref<1x128x64xf32, #tpu.memory_space<vmem>>
        %gather3A_2018 = tpu.memref_squeeze %gather3A_2017 : memref<1x128x64xf32, #tpu.memory_space<vmem>> -> memref<128x64xf32, #tpu.memory_space<vmem>>
        %gather3A_2019 = tpu.vector_load_idx %gather3A_2018[%add3A_370, %add3A_2008] : memref<128x64xf32, #tpu.memory_space<vmem>>[vector<16xi32>, vector<16xi32>], vector<16xf32>,
        %gather3A_2020 = arith.constant 0 : i32
        %gather3A_2021 = arith.constant 0 : i32
        %gather3A_2022 = arith.constant 0 : i32
        %gather3A_2023 = tpu.memref_slice %arg7[%rem3A_291, %gather3A_2020, %gather3A_2021, %gather3A_2022] : memref<4x8x8x128xf32, #tpu.memory_space<vmem>> -> memref<1x8x8x128xf32, #tpu.memory_space<vmem>>
        %gather3A_2024 = tpu.memref_squeeze %gather3A_2023 : memref<1x8x8x128xf32, #tpu.memory_space<vmem>> -> memref<8x8x128xf32, #tpu.memory_space<vmem>>
        %gather3A_2025 = tpu.vector_load_idx %gather3A_2024[%shift_right_logical3A_2011, %and3A_2014, %add3A_370] : memref<8x8x128xf32, #tpu.memory_space<vmem>>[vector<16xi32>, vector<16xi32>, vector<16xi32>], vector<16xf32>,
        %add3A_2026 = arith.addf %gather3A_2025, %gather3A_2019 : vector<16xf32>
        %scatter3A_2027 = arith.constant 0 : i32
        %scatter3A_2028 = arith.constant 0 : i32
        %scatter3A_2029 = arith.constant 0 : i32
        %scatter3A_2030 = tpu.memref_slice %arg9[%rem3A_295, %scatter3A_2027, %scatter3A_2028, %scatter3A_2029] : memref<4x8x8x128xf32, #tpu.memory_space<vmem>> -> memref<1x8x8x128xf32, #tpu.memory_space<vmem>>
        %scatter3A_2031 = tpu.memref_squeeze %scatter3A_2030 : memref<1x8x8x128xf32, #tpu.memory_space<vmem>> -> memref<8x8x128xf32, #tpu.memory_space<vmem>>
        tpu.vector_store_idx %scatter3A_2031[%shift_right_logical3A_2011, %and3A_2014, %add3A_370], %add3A_2026 : memref<8x8x128xf32, #tpu.memory_space<vmem>>[vector<16xi32>, vector<16xi32>, vector<16xi32>], vector<16xf32>,
      }
      %scan3A_345 = arith.constant 8 : i32
      %dma_start3A_346 = arith.constant 0 : i32
      %dma_start3A_347 = arith.constant 0 : i32
      %dma_start3A_348 = arith.constant 0 : i32
      %dma_start3A_349 = tpu.memref_slice %arg9[%rem3A_295, %dma_start3A_346, %dma_start3A_347, %dma_start3A_348] : memref<4x8x8x128xf32, #tpu.memory_space<vmem>> -> memref<1x8x8x128xf32, #tpu.memory_space<vmem>>
      %dma_start3A_350 = tpu.memref_squeeze %dma_start3A_349 : memref<1x8x8x128xf32, #tpu.memory_space<vmem>> -> memref<8x8x128xf32, #tpu.memory_space<vmem>>
      %dma_start3A_351 = arith.constant 0 : i32
      %dma_start3A_352 = arith.constant 0 : i32
      %dma_start3A_353 = arith.constant 0 : i32
      %dma_start3A_354 = tpu.memref_slice %arg5[%scan3A_290, %dma_start3A_351, %add3A, %dma_start3A_352, %dma_start3A_353] : memref<200x8x32x8x128xf32, #tpu.memory_space<hbm>> -> memref<1x8x1x8x128xf32, #tpu.memory_space<hbm>>
      %dma_start3A_355 = tpu.memref_squeeze %dma_start3A_354 : memref<1x8x1x8x128xf32, #tpu.memory_space<hbm>> -> memref<8x8x128xf32, #tpu.memory_space<hbm>>
      %dma_start3A_356 = arith.constant 0 : i32
      %dma_start3A_357 = arith.constant 0 : i32
      %dma_start3A_358 = arith.constant 0 : i32
      %dma_start3A_359 = tpu.memref_slice %arg5[%scan3A_290, %dma_start3A_356, %add3A, %dma_start3A_357, %dma_start3A_358] : memref<200x8x32x8x128xf32, #tpu.memory_space<hbm>> -> memref<1x8x1x8x128xf32, #tpu.memory_space<hbm>>
      %dma_start3A_360 = tpu.memref_squeeze %dma_start3A_359 : memref<1x8x1x8x128xf32, #tpu.memory_space<hbm>> -> memref<8x8x128xf32, #tpu.memory_space<hbm>>
      %dma_start3A_361 = arith.constant 0 : i32
      %dma_start3A_362 = arith.constant 0 : i32
      %dma_start3A_363 = arith.constant 0 : i32
      %dma_start3A_364 = tpu.memref_slice %arg9[%rem3A_295, %dma_start3A_361, %dma_start3A_362, %dma_start3A_363] : memref<4x8x8x128xf32, #tpu.memory_space<vmem>> -> memref<1x8x8x128xf32, #tpu.memory_space<vmem>>
      %dma_start3A_365 = tpu.memref_squeeze %dma_start3A_364 : memref<1x8x8x128xf32, #tpu.memory_space<vmem>> -> memref<8x8x128xf32, #tpu.memory_space<vmem>>
      tpu.enqueue_dma source(%dma_start3A_365 : memref<8x8x128xf32, #tpu.memory_space<vmem>>) target(%dma_start3A_360 : memref<8x8x128xf32, #tpu.memory_space<hbm>>) target_semaphore(%arg12 : memref<!tpu.dma_semaphore, #tpu.memory_space<semaphore_mem>>)
    }
    %scan3A_202 = arith.constant 200 : i32
    %dma_wait3A = arith.constant 0 : i32
    %dma_wait3A_203 = arith.constant 196 : i32
    %dma_wait3A_204 = arith.constant 0 : i32
    %dma_wait3A_205 = arith.constant 0 : i32
    %dma_wait3A_206 = arith.constant 0 : i32
    %dma_wait3A_207 = tpu.memref_slice %arg9[%dma_wait3A, %dma_wait3A_204, %dma_wait3A_205, %dma_wait3A_206] : memref<4x8x8x128xf32, #tpu.memory_space<vmem>> -> memref<1x8x8x128xf32, #tpu.memory_space<vmem>>
    %dma_wait3A_208 = tpu.memref_squeeze %dma_wait3A_207 : memref<1x8x8x128xf32, #tpu.memory_space<vmem>> -> memref<8x8x128xf32, #tpu.memory_space<vmem>>
    %dma_wait3A_209 = arith.constant 0 : i32
    %dma_wait3A_210 = arith.constant 0 : i32
    %dma_wait3A_211 = arith.constant 0 : i32
    %dma_wait3A_212 = tpu.memref_slice %arg5[%dma_wait3A_203, %dma_wait3A_209, %add3A, %dma_wait3A_210, %dma_wait3A_211] : memref<200x8x32x8x128xf32, #tpu.memory_space<hbm>> -> memref<1x8x1x8x128xf32, #tpu.memory_space<hbm>>
    %dma_wait3A_213 = tpu.memref_squeeze %dma_wait3A_212 : memref<1x8x1x8x128xf32, #tpu.memory_space<hbm>> -> memref<8x8x128xf32, #tpu.memory_space<hbm>>
    %dma_wait3A_214 = arith.constant 0 : i32
    %dma_wait3A_215 = arith.constant 0 : i32
    %dma_wait3A_216 = arith.constant 0 : i32
    %dma_wait3A_217 = tpu.memref_slice %arg5[%dma_wait3A_203, %dma_wait3A_214, %add3A, %dma_wait3A_215, %dma_wait3A_216] : memref<200x8x32x8x128xf32, #tpu.memory_space<hbm>> -> memref<1x8x1x8x128xf32, #tpu.memory_space<hbm>>
    %dma_wait3A_218 = tpu.memref_squeeze %dma_wait3A_217 : memref<1x8x1x8x128xf32, #tpu.memory_space<hbm>> -> memref<8x8x128xf32, #tpu.memory_space<hbm>>
    %dma_wait3A_219 = arith.constant 0 : i32
    %dma_wait3A_220 = arith.constant 0 : i32
    %dma_wait3A_221 = arith.constant 0 : i32
    %dma_wait3A_222 = tpu.memref_slice %arg9[%dma_wait3A, %dma_wait3A_219, %dma_wait3A_220, %dma_wait3A_221] : memref<4x8x8x128xf32, #tpu.memory_space<vmem>> -> memref<1x8x8x128xf32, #tpu.memory_space<vmem>>
    %dma_wait3A_223 = tpu.memref_squeeze %dma_wait3A_222 : memref<1x8x8x128xf32, #tpu.memory_space<vmem>> -> memref<8x8x128xf32, #tpu.memory_space<vmem>>
    tpu.wait_dma2 semaphore(%arg12 : memref<!tpu.dma_semaphore, #tpu.memory_space<semaphore_mem>>) src(%dma_wait3A_223 : memref<8x8x128xf32, #tpu.memory_space<vmem>>) dst(%dma_wait3A_218 : memref<8x8x128xf32, #tpu.memory_space<hbm>>)
    %dma_wait3A_224 = arith.constant 1 : i32
    %dma_wait3A_225 = arith.constant 197 : i32
    %dma_wait3A_226 = arith.constant 0 : i32
    %dma_wait3A_227 = arith.constant 0 : i32
    %dma_wait3A_228 = arith.constant 0 : i32
    %dma_wait3A_229 = tpu.memref_slice %arg9[%dma_wait3A_224, %dma_wait3A_226, %dma_wait3A_227, %dma_wait3A_228] : memref<4x8x8x128xf32, #tpu.memory_space<vmem>> -> memref<1x8x8x128xf32, #tpu.memory_space<vmem>>
    %dma_wait3A_230 = tpu.memref_squeeze %dma_wait3A_229 : memref<1x8x8x128xf32, #tpu.memory_space<vmem>> -> memref<8x8x128xf32, #tpu.memory_space<vmem>>
    %dma_wait3A_231 = arith.constant 0 : i32
    %dma_wait3A_232 = arith.constant 0 : i32
    %dma_wait3A_233 = arith.constant 0 : i32
    %dma_wait3A_234 = tpu.memref_slice %arg5[%dma_wait3A_225, %dma_wait3A_231, %add3A, %dma_wait3A_232, %dma_wait3A_233] : memref<200x8x32x8x128xf32, #tpu.memory_space<hbm>> -> memref<1x8x1x8x128xf32, #tpu.memory_space<hbm>>
    %dma_wait3A_235 = tpu.memref_squeeze %dma_wait3A_234 : memref<1x8x1x8x128xf32, #tpu.memory_space<hbm>> -> memref<8x8x128xf32, #tpu.memory_space<hbm>>
    %dma_wait3A_236 = arith.constant 0 : i32
    %dma_wait3A_237 = arith.constant 0 : i32
    %dma_wait3A_238 = arith.constant 0 : i32
    %dma_wait3A_239 = tpu.memref_slice %arg5[%dma_wait3A_225, %dma_wait3A_236, %add3A, %dma_wait3A_237, %dma_wait3A_238] : memref<200x8x32x8x128xf32, #tpu.memory_space<hbm>> -> memref<1x8x1x8x128xf32, #tpu.memory_space<hbm>>
    %dma_wait3A_240 = tpu.memref_squeeze %dma_wait3A_239 : memref<1x8x1x8x128xf32, #tpu.memory_space<hbm>> -> memref<8x8x128xf32, #tpu.memory_space<hbm>>
    %dma_wait3A_241 = arith.constant 0 : i32
    %dma_wait3A_242 = arith.constant 0 : i32
    %dma_wait3A_243 = arith.constant 0 : i32
    %dma_wait3A_244 = tpu.memref_slice %arg9[%dma_wait3A_224, %dma_wait3A_241, %dma_wait3A_242, %dma_wait3A_243] : memref<4x8x8x128xf32, #tpu.memory_space<vmem>> -> memref<1x8x8x128xf32, #tpu.memory_space<vmem>>
    %dma_wait3A_245 = tpu.memref_squeeze %dma_wait3A_244 : memref<1x8x8x128xf32, #tpu.memory_space<vmem>> -> memref<8x8x128xf32, #tpu.memory_space<vmem>>
    tpu.wait_dma2 semaphore(%arg12 : memref<!tpu.dma_semaphore, #tpu.memory_space<semaphore_mem>>) src(%dma_wait3A_245 : memref<8x8x128xf32, #tpu.memory_space<vmem>>) dst(%dma_wait3A_240 : memref<8x8x128xf32, #tpu.memory_space<hbm>>)
    %dma_wait3A_246 = arith.constant 2 : i32
    %dma_wait3A_247 = arith.constant 198 : i32
    %dma_wait3A_248 = arith.constant 0 : i32
    %dma_wait3A_249 = arith.constant 0 : i32
    %dma_wait3A_250 = arith.constant 0 : i32
    %dma_wait3A_251 = tpu.memref_slice %arg9[%dma_wait3A_246, %dma_wait3A_248, %dma_wait3A_249, %dma_wait3A_250] : memref<4x8x8x128xf32, #tpu.memory_space<vmem>> -> memref<1x8x8x128xf32, #tpu.memory_space<vmem>>
    %dma_wait3A_252 = tpu.memref_squeeze %dma_wait3A_251 : memref<1x8x8x128xf32, #tpu.memory_space<vmem>> -> memref<8x8x128xf32, #tpu.memory_space<vmem>>
    %dma_wait3A_253 = arith.constant 0 : i32
    %dma_wait3A_254 = arith.constant 0 : i32
    %dma_wait3A_255 = arith.constant 0 : i32
    %dma_wait3A_256 = tpu.memref_slice %arg5[%dma_wait3A_247, %dma_wait3A_253, %add3A, %dma_wait3A_254, %dma_wait3A_255] : memref<200x8x32x8x128xf32, #tpu.memory_space<hbm>> -> memref<1x8x1x8x128xf32, #tpu.memory_space<hbm>>
    %dma_wait3A_257 = tpu.memref_squeeze %dma_wait3A_256 : memref<1x8x1x8x128xf32, #tpu.memory_space<hbm>> -> memref<8x8x128xf32, #tpu.memory_space<hbm>>
    %dma_wait3A_258 = arith.constant 0 : i32
    %dma_wait3A_259 = arith.constant 0 : i32
    %dma_wait3A_260 = arith.constant 0 : i32
    %dma_wait3A_261 = tpu.memref_slice %arg5[%dma_wait3A_247, %dma_wait3A_258, %add3A, %dma_wait3A_259, %dma_wait3A_260] : memref<200x8x32x8x128xf32, #tpu.memory_space<hbm>> -> memref<1x8x1x8x128xf32, #tpu.memory_space<hbm>>
    %dma_wait3A_262 = tpu.memref_squeeze %dma_wait3A_261 : memref<1x8x1x8x128xf32, #tpu.memory_space<hbm>> -> memref<8x8x128xf32, #tpu.memory_space<hbm>>
    %dma_wait3A_263 = arith.constant 0 : i32
    %dma_wait3A_264 = arith.constant 0 : i32
    %dma_wait3A_265 = arith.constant 0 : i32
    %dma_wait3A_266 = tpu.memref_slice %arg9[%dma_wait3A_246, %dma_wait3A_263, %dma_wait3A_264, %dma_wait3A_265] : memref<4x8x8x128xf32, #tpu.memory_space<vmem>> -> memref<1x8x8x128xf32, #tpu.memory_space<vmem>>
    %dma_wait3A_267 = tpu.memref_squeeze %dma_wait3A_266 : memref<1x8x8x128xf32, #tpu.memory_space<vmem>> -> memref<8x8x128xf32, #tpu.memory_space<vmem>>
    tpu.wait_dma2 semaphore(%arg12 : memref<!tpu.dma_semaphore, #tpu.memory_space<semaphore_mem>>) src(%dma_wait3A_267 : memref<8x8x128xf32, #tpu.memory_space<vmem>>) dst(%dma_wait3A_262 : memref<8x8x128xf32, #tpu.memory_space<hbm>>)
    %dma_wait3A_268 = arith.constant 3 : i32
    %dma_wait3A_269 = arith.constant 199 : i32
    %dma_wait3A_270 = arith.constant 0 : i32
    %dma_wait3A_271 = arith.constant 0 : i32
    %dma_wait3A_272 = arith.constant 0 : i32
    %dma_wait3A_273 = tpu.memref_slice %arg9[%dma_wait3A_268, %dma_wait3A_270, %dma_wait3A_271, %dma_wait3A_272] : memref<4x8x8x128xf32, #tpu.memory_space<vmem>> -> memref<1x8x8x128xf32, #tpu.memory_space<vmem>>
    %dma_wait3A_274 = tpu.memref_squeeze %dma_wait3A_273 : memref<1x8x8x128xf32, #tpu.memory_space<vmem>> -> memref<8x8x128xf32, #tpu.memory_space<vmem>>
    %dma_wait3A_275 = arith.constant 0 : i32
    %dma_wait3A_276 = arith.constant 0 : i32
    %dma_wait3A_277 = arith.constant 0 : i32
    %dma_wait3A_278 = tpu.memref_slice %arg5[%dma_wait3A_269, %dma_wait3A_275, %add3A, %dma_wait3A_276, %dma_wait3A_277] : memref<200x8x32x8x128xf32, #tpu.memory_space<hbm>> -> memref<1x8x1x8x128xf32, #tpu.memory_space<hbm>>
    %dma_wait3A_279 = tpu.memref_squeeze %dma_wait3A_278 : memref<1x8x1x8x128xf32, #tpu.memory_space<hbm>> -> memref<8x8x128xf32, #tpu.memory_space<hbm>>
    %dma_wait3A_280 = arith.constant 0 : i32
    %dma_wait3A_281 = arith.constant 0 : i32
    %dma_wait3A_282 = arith.constant 0 : i32
    %dma_wait3A_283 = tpu.memref_slice %arg5[%dma_wait3A_269, %dma_wait3A_280, %add3A, %dma_wait3A_281, %dma_wait3A_282] : memref<200x8x32x8x128xf32, #tpu.memory_space<hbm>> -> memref<1x8x1x8x128xf32, #tpu.memory_space<hbm>>
    %dma_wait3A_284 = tpu.memref_squeeze %dma_wait3A_283 : memref<1x8x1x8x128xf32, #tpu.memory_space<hbm>> -> memref<8x8x128xf32, #tpu.memory_space<hbm>>
    %dma_wait3A_285 = arith.constant 0 : i32
    %dma_wait3A_286 = arith.constant 0 : i32
    %dma_wait3A_287 = arith.constant 0 : i32
    %dma_wait3A_288 = tpu.memref_slice %arg9[%dma_wait3A_268, %dma_wait3A_285, %dma_wait3A_286, %dma_wait3A_287] : memref<4x8x8x128xf32, #tpu.memory_space<vmem>> -> memref<1x8x8x128xf32, #tpu.memory_space<vmem>>
    %dma_wait3A_289 = tpu.memref_squeeze %dma_wait3A_288 : memref<1x8x8x128xf32, #tpu.memory_space<vmem>> -> memref<8x8x128xf32, #tpu.memory_space<vmem>>
    tpu.wait_dma2 semaphore(%arg12 : memref<!tpu.dma_semaphore, #tpu.memory_space<semaphore_mem>>) src(%dma_wait3A_289 : memref<8x8x128xf32, #tpu.memory_space<vmem>>) dst(%dma_wait3A_284 : memref<8x8x128xf32, #tpu.memory_space<hbm>>)
    return
  }
}

</mosaic_0001>

<sc_bundles>
// kernel: kernel.3.cloned.1.call-start
scs
__scs_entry_jumppad:
0x0: {  	(pc) =	sbr.rel $0x88, $3  }
0x1: {  	(tag) =	ssettag $0x0;
	lr =	simm.s32 $0x1  }
0x2: {  	[smem:$0x3F9E] =	sst lr;
	_ =	strace $0xD0000000  }
0x3: {  	_ = 	snop  }
0x4: {  	_ = 	snop  }
0x5: {  	_ = 	snop  }
0x6: {  	_ = 	snop  }
0x7: {  	_ = 	snop  }
__scs_overlays_trampoline_lowered:
0x8: {  	[smem:$0x3FAD] =	sst s0  }
0x9: {  	[smem:$0x3FAE] =	sst s1  }
0xa: {  	[smem:$0x3FAF] =	sst s2  }
0xb: {  	[smem:$0x3FB0] =	sst s3  }
0xc: {  	[smem:$0x3FB1] =	sst s4  }
0xd: {  	[smem:$0x3FB2] =	sst s5  }
0xe: {  	[smem:$0x3FB3] =	sst s6  }
0xf: {  	[smem:$0x3FB4] =	sst s7  }
0x10: {  	[smem:$0x3FB5] =	sst s8  }
0x11: {  	[smem:$0x3FB6] =	sst s9;
	s0 =	simm.s32 @!p0 $0x0  }
0x12: {  	s1 =	sld [smem:$0x3F9C];
	s0 =	simm.s32 @p0 $0x1  }
0x13: {  	[smem:$0x3FB7] =	sst s0;
	s0 =	simm.s32 @!p1 $0x0  }
0x14: {  	s2 =	sld [smem:$0x3F9B];
	s0 =	simm.s32 @p1 $0x1  }
0x15: {  	[smem:$0x3FB8] =	sst s0;
	s0 =	simm.s32 @!p2 $0x0  }
0x16: {  	s3 =	sld [smem:$0x3FDB];
	s0 =	simm.s32 @p2 $0x1  }
0x17: {  	s4 =	simm.s32 $0x1BF5;
	[smem:$0x3FBA] =	sst s0  }
0x18: {  	s0 =	sld [smem:$0x3F9D];
	_ =	swait.ge [sflag:s4], $0x0  }
0x19: {  	s7 =	sld [smem:$0x3F9E]  }
0x1a: {  	s8 =	sadd.s32 $0xFFFFE003, lr  }
0x1b: {  	s9 =	sadd.s32 $0xFFFFFEF7, lr;
	s5 =	simm.s32 $0xFFFFFFFF;
	p2 =	slt.u32 s8, $0xFFFFF086  }
0x1c: {  	p1 =	slt.u32 s9, $0xF7A;
	s5 =	simm.s32 @!p2 $0x0  }
0x1d: {  	s5 =	simm.s32 @p1 $0x1;
	p0 =	seq.s32 s7, s2  }
0x1e: {  	s7 =	smul.u32 @!p0 $0xF7A, s2;
	p2 =	seq.s32 @!p0 s5, $0x0  }
0x1f: {  	s9 =	smul.u32 $0xF7A, s1;
	s8 =	simm.s32 @!p0 $0x1BF5;
	p2 =	por !p2, p0  }
0x20: {  	[sflag:s8] =	ssyncset.s32 @!p0 $0xFFFFF086;
	s6 =	sadd.s32 @!p0 s3, s7;
	s7 =	simm.s32 @!p0 $0x108  }
0x21: {  	s3 =	sadd.s32 s3, s9;
	s6 =	sadd.s32 @!p0 $0x88, s6;
	s7 =	simm.s32 @p2 $0x1082  }
0x22: {  	[simem:s7], [sflag:s8] =	dma.local @!p0 [hbm:s6], $0xF7A  }
0x23: {  	s9 =	sor.u32 $0xD0000000, s2;
	s6 =	simm.s32 $0x108;
	_ =	swait.ge @!p0 [sflag:s8], $0x0  }
0x24: {  	s3 =	sadd.s32 $0x88, s3;
	s6 =	simm.s32 @!p1 $0x1082;
	[sflag:s4] =	ssyncset.s32 $0xFFFFF086  }
0x25: {  	[simem:s6], [sflag:s4] =	dma.local [hbm:s3], $0xF7A  }
0x26: {  	[smem:$0x3F9E] =	sst s1;
	(tag) =	ssettag s2;
	_ =	strace s9  }
0x27: {  	s1 =	sld [smem:$0x3FAE]  }
0x28: {  	s2 =	sld [smem:$0x3FAF]  }
0x29: {  	s4 =	sld [smem:$0x3FB1]  }
0x2a: {  	p0 =	seq.s32 s5, $0x0;
	s5 =	sld [smem:$0x3FB2]  }
0x2b: {  	s6 =	sld [smem:$0x3FB3]  }
0x2c: {  	s7 =	sld [smem:$0x3FB4]  }
0x2d: {  	s3 =	simm.s32 $0x108;
	s8 =	sld [smem:$0x3FB5]  }
0x2e: {  	s3 =	simm.s32 @!p0 $0x1082;
	s9 =	sld [smem:$0x3FB6]  }
0x2f: {  	lr =	sadd.s32 s0, s3;
	s0 =	sld [smem:$0x3FAD]  }
0x30: {  	s3 =	sld [smem:$0x3FB0]  }
0x31: {  	[smem:$0x3FB9] =	sst s10  }
0x32: {  	s10 =	sld [smem:$0x3FB7];
	_ =	sdelay $0x3  }
0x33: {  	p0 =	seq.s32 s10, $0x1;
	s10 =	sld [smem:$0x3FB9];
	_ =	sdelay $0x3  }
0x34: {  	[smem:$0x3FB9] =	sst s10  }
0x35: {  	s10 =	sld [smem:$0x3FB8];
	_ =	sdelay $0x3  }
0x36: {  	p1 =	seq.s32 s10, $0x1;
	s10 =	sld [smem:$0x3FB9];
	_ =	sdelay $0x3  }
0x37: {  	[smem:$0x3FB9] =	sst s10  }
0x38: {  	s10 =	sld [smem:$0x3FBA]  }
0x39: {  	_ = 	snop;
	(pc) =	sbr.ind lr, $3  }
0x3a: {  	_ = 	snop  }
0x3b: {  	_ = 	snop  }
0x3c: {  	p2 =	seq.s32 s10, $0x1;
	s10 =	sld [smem:$0x3FB9]  }
0x3d: {  	_ =	shalt  }
0x3e: {  	_ =	shalt  }
0x3f: {  	_ =	shalt  }
0x40: {  	_ =	shalt  }
0x41: {  	_ =	shalt  }
0x42: {  	_ =	shalt  }
0x43: {  	_ =	shalt  }
0x44: {  	_ =	shalt  }
0x45: {  	_ =	shalt  }
0x46: {  	_ =	shalt  }
0x47: {  	_ =	shalt  }
0x48: {  	_ =	shalt  }
0x49: {  	_ =	shalt  }
0x4a: {  	_ =	shalt  }
0x4b: {  	_ =	shalt  }
0x4c: {  	_ =	shalt  }
0x4d: {  	_ =	shalt  }
0x4e: {  	_ =	shalt  }
0x4f: {  	_ =	shalt  }
0x50: {  	_ =	shalt  }
0x51: {  	_ =	shalt  }
0x52: {  	_ =	shalt  }
0x53: {  	_ =	shalt  }
0x54: {  	_ =	shalt  }
0x55: {  	_ =	shalt  }
0x56: {  	_ =	shalt  }
0x57: {  	_ =	shalt  }
0x58: {  	_ =	shalt  }
0x59: {  	_ =	shalt  }
0x5a: {  	_ =	shalt  }
0x5b: {  	_ =	shalt  }
0x5c: {  	_ =	shalt  }
0x5d: {  	_ =	shalt  }
0x5e: {  	_ =	shalt  }
0x5f: {  	_ =	shalt  }
0x60: {  	_ =	shalt  }
0x61: {  	_ =	shalt  }
0x62: {  	_ =	shalt  }
0x63: {  	_ =	shalt  }
0x64: {  	_ =	shalt  }
0x65: {  	_ =	shalt  }
0x66: {  	_ =	shalt  }
0x67: {  	_ =	shalt  }
0x68: {  	_ =	shalt  }
0x69: {  	_ =	shalt  }
0x6a: {  	_ =	shalt  }
0x6b: {  	_ =	shalt  }
0x6c: {  	_ =	shalt  }
0x6d: {  	_ =	shalt  }
0x6e: {  	_ =	shalt  }
0x6f: {  	_ =	shalt  }
0x70: {  	_ =	shalt  }
0x71: {  	_ =	shalt  }
0x72: {  	_ =	shalt  }
0x73: {  	_ =	shalt  }
0x74: {  	_ =	shalt  }
0x75: {  	_ =	shalt  }
0x76: {  	_ =	shalt  }
0x77: {  	_ =	shalt  }
0x78: {  	_ =	shalt  }
0x79: {  	_ =	shalt  }
0x7a: {  	_ =	shalt  }
0x7b: {  	_ =	shalt  }
0x7c: {  	_ =	shalt  }
0x7d: {  	_ =	shalt  }
0x7e: {  	_ =	shalt  }
0x7f: {  	_ =	shalt  }
0x80: {  	_ =	shalt  }
0x81: {  	_ =	shalt  }
0x82: {  	_ =	shalt  }
0x83: {  	_ =	shalt  }
0x84: {  	_ =	shalt  }
0x85: {  	_ =	shalt  }
0x86: {  	_ =	shalt  }
0x87: {  	_ =	shalt  }
.Lfunc_end0:
.L_simem_size_0:
called_computation_lowered:
.L_overlay_start_0:
0x88: {  	s2 =	sld [smem:$0x3FD9]  }
0x89: {  	s3 =	sld [smem:$0x3FFE];
	_ =	sdelay $0x1  }
0x8a: {  	s1 =	srdreg.scid  }
0x8b: {  	s0 =	sand.u32 $0x1, s1  }
0x8c: {  	s17 =	sshll.u32 s0, $0xA;
	s2 =	sadd.s32 s3, s2  }
0x8d: {  	s2 =	sadd.s32 s2, s17  }
0x8e: {  	[smem:$0x3FC5] =	sst s2  }
0x8f: {  	_ = 	snop  }
0x90: {  	s2 =	sld [smem:$0x3FC9]  }
0x91: {  	s18 =	sld [smem:$0x3FD0];
	(tm) =	ssettm $0x1  }
0x92: {  	s4 =	sld [smem:$0x3FFB];
	_ =	sdelay $0x3  }
0x93: {  	_ =	strace s4  }
0x94: {  	s4 =	sld [smem:$0x3FFC];
	_ =	sdelay $0x3  }
0x95: {  	_ =	strace s4  }
0x96: {  	s4 =	sld [smem:$0x3FFD];
	_ =	sdelay $0x3  }
0x97: {  	_ =	strace s4  }
0x98: {  	_ =	strace $0x8FFFFFFF  }
0x99: {  	s19 =	sld [smem:$0x3FDB];
	_ =	sdelay $0x1  }
0x9a: {  	s5 =	simm.s32 $_scs_section_size  }
0x9b: {  	s6 =	simm.s32 $_size__tile_overlayer_lowered;
	s7 =	simm.s32 $_tile_overlayer_lowered  }
0x9c: {  	s22 =	simm.s32 $0x1BFF;
	s21 =	sshll.u32 s7, $0x1;
	s4 =	sadd.s32 s5, s19  }
0x9d: {  	s8 =	simm.s32 $0x0;
	s20 =	sshll.u32 s6, $0x1;
	s6 =	sadd.s32 s21, s4  }
0x9e: {  	[timem:s8], [sflag:s22] =	dma.local [hbm:s6], s20  }
0x9f: {  	_ =	swait.ge [sflag:s22], s20  }
0xa0: {  	s5 =	ssub.s32 $0x0, s20;
	[sflag:s22] =	ssyncset.done $0x0  }
0xa1: {  	[sflag:s22] =	ssyncadd.s32 s5;
	_ =	sdelay $0x1  }
0xa2: {  	s23 =	simm.s32 $0x1B8B  }
0xa3: {  	_ =	swait.ge [sflag:s23], $0x1  }
0xa4: {  	[sflag:s23] =	ssyncset.done $0x0  }
0xa5: {  	s25 =	simm.s32 $0x1B8E;
	s24 =	sld [smem:$0x3FFE];
	[sflag:s23] =	ssyncadd.s32 $0xFFFFFFFF  }
0xa6: {  	s26 =	simm.s32 $execute0_lowered;
	[smem:$0x3FD2] =	sst s25  }
0xa7: {  	s6 =	sshll.u32 s26, $0x1;
	_ =	strace $0x80000046;
	[dreg:$0x1] =	wrdreg $0xFFFFFFFF  }
0xa8: {  	s28 =	simm.s32 $_size_execute0_lowered;
	s4 =	sadd.s32 s4, s6;
	[dreg:$0x0] =	wrdreg $0x0  }
0xa9: {  	s6 =	sshll.u32 s28, $0x1;
	[dreg:$0x2] =	wrdreg s4  }
0xaa: {  	[dreg:$0x3] =	wrdreg s6  }
0xab: {  	[dreg:$0x4] =	wrdreg $0xC0  }
0xac: {  	_ =	task [dreg:s8], $0x5FFFF  }
0xad: {  	[dreg:$0x1] =	wrdreg $0xFFFFFFFF  }
0xae: {  	[dreg:$0x0] =	wrdreg $0x60  }
0xaf: {  	[dreg:$0x2] =	wrdreg s2  }
0xb0: {  	[dreg:$0x3] =	wrdreg s24  }
0xb1: {  	[dreg:$0x4] =	wrdreg s18  }
0xb2: {  	[dreg:$0x5] =	wrdreg $0x9  }
0xb3: {  	_ =	task.clear_ibuf [dreg:s8], $0x6FFFF;
	_ =	strace $0x90000046  }
0xb4: {  	s29 =	simm.s32 $0x9;
	_ =	strace $0x80000048  }
0xb5: {  	_ =	swait.ge [sflag:s29], $0x1  }
0xb6: {  	[sflag:s29] =	ssyncadd.s32 $0xFFFFFFFF  }
0xb7: {  	_ =	strace $0x90000048  }
0xb8: {  	_ =	sfence  }
0xb9: {  	s30 =	sld [smem:$0x0];
	_ =	sdelay $0x2  }
0xba: {  	s31 =	sshll.u32 s1, $0xD;
	s1 =	sshrl.u32 s1, $0x2  }
0xbb: {  	s3 =	sand.u32 $0x4000, s31;
	s1 =	sadd.s32 s1, s30  }
0xbc: {  	s0 =	sor.u32 s3, s0;
	s1 =	sshll.u32 s1, $0x11  }
0xbd: {  	s0 =	sor.u32 s1, s0  }
0xbe: {  	s0 =	sadd.s32 $0x8F2B, s0  }
0xbf: {  	[sflag:s0] =	ssyncadd.remote.s32 $0x1  }
0xc0: {  	_ =	sfence.sel $0xFFFF  }
0xc1: {  	[dreg:$0x0] =	wrdreg $0xFFFFFFFF;
	(pc) =	sbr.abs _section_cstart, $3  }
0xc2: {  	[dreg:$0x1] =	wrdreg $0xFFFFFFFF  }
0xc3: {  	_ =	task.clear_ibuf [dreg:s8], $0x2FFFF;
	_ =	strace $0x9FFFFFFF  }
0xc4: {  	(tm) =	ssettm $0x7FFFFFFF  }
0xc5: {  	_ =	shalt  }
tec
execute0_lowered:
.L_overlay_start_1:
0x0: {  	(tag) =	ssettag $0x1  }
0x1: {  	vm14 =	vcmask $0x300  }
0x2: {  	v0 =	vimm.s32 $0x787;
	vm13 =	vcmask $0x704;
	vm12 =	vcmask $0xB08  }
0x3: {  	vm11 =	vcmask $0xF0C;
	vm10 =	vcmask $0x1310;
	vm9 =	vcmask $0x1714  }
0x4: {  	vm8 =	vcmask $0x1B18;
	vm7 =	vcmask $0x1F1C;
	vm5 =	vcmask $0x2320  }
0x5: {  	v1 =	vimm.s32 $0x7;
	vm6 =	vcmask $0x2724;
	vm4 =	vcmask $0x2B28  }
0x6: {  	vm1 =	vcmask $0x2F2C;
	vm2 =	vcmask $0x3330;
	vm3 =	vcmask $0x3734  }
0x7: {  	v3 =	vimm.s32 $0x87654321;
	v4 =	vimm.s32 $0x87;
	vm0 =	vcmask $0x3B38  }
0x8: {  	v7 =	vimm.s32 $0xA9876543;
	v10 =	vimm.s32 $0x207;
	v13 =	vimm.s32 $0x287  }
0x9: {  	v15 =	vimm.s32 $0xEDCBA987;
	v55 =	vimm.s32 $0xFEDCBA98;
	v56 =	vimm.s32 $0x76543210  }
0xa: {  	v57 =	vimm.s32 $0x407;
	v58 =	vimm.s32 $0x487;
	v59 =	vimm.s32 $0x1007  }
0xb: {  	v60 =	vimm.s32 $0x1087;
	v61 =	vimm.s32 $0x1107;
	v19 =	vimm.s32 $0x1187  }
0xc: {  	v20 =	vimm.s32 $0x1207;
	v21 =	vimm.s32 $0x1287;
	v22 =	vimm.s32 $0x1307  }
0xd: {  	v23 =	vimm.s32 $0x1387;
	v24 =	vimm.s32 $0x1407;
	v25 =	vimm.s32 $0x1487  }
0xe: {  	v26 =	vimm.s32 $0x1507;
	v27 =	vimm.s32 $0x1587;
	v28 =	vimm.s32 $0x1607  }
0xf: {  	v29 =	vimm.s32 $0x1687;
	v30 =	vimm.s32 $0x1707;
	v31 =	vimm.s32 $0x1F87  }
0x10: {  	v32 =	vimm.s32 $0x1807;
	v33 =	vimm.s32 $0x1887;
	v34 =	vimm.s32 $0x1907  }
0x11: {  	v35 =	vimm.s32 $0x1987;
	v36 =	vimm.s32 $0x1A07;
	v37 =	vimm.s32 $0x1A87  }
0x12: {  	v38 =	vimm.s32 $0x1B07;
	v39 =	vimm.s32 $0x1B87;
	v40 =	vimm.s32 $0x1C07  }
0x13: {  	v41 =	vimm.s32 $0x1C87;
	v42 =	vimm.s32 $0x1D07;
	v43 =	vimm.s32 $0x1D87  }
0x14: {  	v44 =	vimm.s32 $0x1E07;
	v45 =	vimm.s32 $0x1E87;
	v46 =	vimm.s32 $0x1F07  }
0x15: {  	v47 =	vimm.s32 $0x14131211;
	v62 =	vimm.s32 $0x18171615;
	v0 =	vsel vm14, $0x0, v0  }
0x16: {  	v1 =	vsel vm14, $0x80, v1;
	v3 =	vunpack.c.l.s4.s8 v3;
	v4 =	vsel vm14, $0x100, v4  }
0x17: {  	v7 =	vunpack.c.l.s4.s8 v7;
	v10 =	vsel vm14, $0x280, v10;
	v15 =	vunpack.c.l.s4.s8 v15  }
0x18: {  	v19 =	vsel vm14, $0x1200, v19;
	v20 =	vsel vm14, $0x1280, v20;
	v21 =	vsel vm14, $0x1300, v21  }
0x19: {  	v22 =	vsel vm14, $0x1380, v22;
	v23 =	vsel vm14, $0x1400, v23;
	v24 =	vsel vm14, $0x1480, v24  }
0x1a: {  	v25 =	vsel vm14, $0x1500, v25;
	v26 =	vsel vm14, $0x1580, v26;
	v27 =	vsel vm14, $0x1600, v27  }
0x1b: {  	v28 =	vsel vm14, $0x1680, v28;
	v29 =	vsel vm14, $0x1700, v29;
	v30 =	vsel vm14, $0x1780, v30  }
0x1c: {  	v31 =	vsel vm14, $0x1800, v31;
	v32 =	vsel vm14, $0x1880, v32;
	v33 =	vsel vm14, $0x1900, v33  }
0x1d: {  	v34 =	vsel vm14, $0x1980, v34;
	v35 =	vsel vm14, $0x1A00, v35;
	v36 =	vsel vm14, $0x1A80, v36  }
0x1e: {  	v37 =	vsel vm14, $0x1B00, v37;
	v38 =	vsel vm14, $0x1B80, v38;
	v39 =	vsel vm14, $0x1C00, v39  }
0x1f: {  	v40 =	vsel vm14, $0x1C80, v40;
	v41 =	vsel vm14, $0x1D00, v41;
	v42 =	vsel vm14, $0x1D80, v42  }
0x20: {  	v43 =	vsel vm14, $0x1E00, v43;
	v44 =	vsel vm14, $0x1E80, v44;
	v45 =	vsel vm14, $0x1F00, v45  }
0x21: {  	v46 =	vsel vm14, $0x1F80, v46;
	v0 =	vsel vm13, $0x81, v0;
	v1 =	vsel vm13, $0x101, v1  }
0x22: {  	v4 =	vsel vm13, $0x181, v4;
	v10 =	vsel vm13, $0x301, v10;
	v19 =	vsel vm13, $0x1281, v19  }
0x23: {  	v20 =	vsel vm13, $0x1301, v20;
	v21 =	vsel vm13, $0x1381, v21;
	v22 =	vsel vm13, $0x1401, v22  }
0x24: {  	v23 =	vsel vm13, $0x1481, v23;
	v24 =	vsel vm13, $0x1501, v24;
	v25 =	vsel vm13, $0x1581, v25  }
0x25: {  	v26 =	vsel vm13, $0x1601, v26;
	v27 =	vsel vm13, $0x1681, v27;
	v28 =	vsel vm13, $0x1701, v28  }
0x26: {  	v29 =	vsel vm13, $0x1781, v29;
	v30 =	vsel vm13, $0x1001, v30;
	v31 =	vsel vm13, $0x1881, v31  }
0x27: {  	v32 =	vsel vm13, $0x1901, v32;
	v33 =	vsel vm13, $0x1981, v33;
	v34 =	vsel vm13, $0x1A01, v34  }
0x28: {  	v35 =	vsel vm13, $0x1A81, v35;
	v36 =	vsel vm13, $0x1B01, v36;
	v37 =	vsel vm13, $0x1B81, v37  }
0x29: {  	v38 =	vsel vm13, $0x1C01, v38;
	v39 =	vsel vm13, $0x1C81, v39;
	v40 =	vsel vm13, $0x1D01, v40  }
0x2a: {  	v41 =	vsel vm13, $0x1D81, v41;
	v42 =	vsel vm13, $0x1E01, v42;
	v43 =	vsel vm13, $0x1E81, v43  }
0x2b: {  	v44 =	vsel vm13, $0x1F01, v44;
	v45 =	vsel vm13, $0x1F81, v45;
	v46 =	vsel vm13, $0x1801, v46  }
0x2c: {  	v0 =	vsel vm12, $0x102, v0;
	v1 =	vsel vm12, $0x182, v1;
	v4 =	vsel vm12, $0x202, v4  }
0x2d: {  	v7 =	vunpack.c.0.s8.s32 v7;
	v10 =	vsel vm12, $0x382, v10;
	v63 =	vsel vm12, $0x1D82, v40  }
0x2e: {  	v48 =	vsel vm12, $0x1E02, v41;
	v49 =	vsel vm12, $0x1E82, v42;
	v50 =	vsel vm12, $0x1F02, v43  }
0x2f: {  	v51 =	vsel vm12, $0x1F82, v44;
	v0 =	vsel vm11, $0x183, v0;
	v1 =	vsel vm11, $0x203, v1  }
0x30: {  	v4 =	vsel vm11, $0x283, v4;
	v10 =	vsel vm11, $0x403, v10;
	v40 =	vsel vm11, $0x1E83, v48  }
0x31: {  	v41 =	vsel vm11, $0x1F03, v49;
	v42 =	vsel vm11, $0x1F83, v50;
	v0 =	vsel vm10, $0x204, v0  }
0x32: {  	v43 =	vsel vm11, $0x1803, v51;
	v48 =	vimm.s32 $0x15141312;
	v0 =	vsel vm9, $0x285, v0  }
0x33: {  	v49 =	vimm.s32 $0x19181716;
	v51 =	vimm.s32 $0x1E1D1C1B;
	v0 =	vsel vm8, $0x306, v0  }
0x34: {  	v1 =	vsel vm10, $0x284, v1;
	v40 =	vsel vm10, $0x1F04, v40;
	v0 =	vsel vm7, $0x387, v0  }
0x35: {  	v41 =	vsel vm10, $0x1F84, v41;
	v42 =	vsel vm10, $0x1804, v42;
	v0 =	vsel vm5, $0x400, v0  }
0x36: {  	v43 =	vsel vm10, $0x1884, v43;
	v1 =	vsel vm9, $0x305, v1;
	v0 =	vsel vm6, $0x481, v0  }
0x37: {  	v40 =	vsel vm9, $0x1F85, v40;
	v41 =	vsel vm9, $0x1805, v41;
	v0 =	vsel vm4, $0x502, v0  }
0x38: {  	v42 =	vsel vm9, $0x1885, v42;
	v1 =	vsel vm8, $0x386, v1;
	v0 =	vsel vm1, $0x583, v0  }
0x39: {  	v43 =	vsel vm9, $0x1905, v43;
	v1 =	vsel vm7, $0x407, v1;
	v0 =	vsel vm2, $0x604, v0  }
0x3a: {  	v5 =	vsel vm5, $0x480, v1;
	v2 =	vsel vm3, $0x685, v0;
	v0 =	vimm.s32 $0xFEDCBA9  }
0x3b: {  	v1 =	vunpack.c.0.s8.s32 v3;
	v3 =	vsel vm6, $0x501, v5;
	v0 =	vunpack.c.l.s4.s8 v0  }
0x3c: {  	v40 =	vsel vm8, $0x1806, v40;
	v41 =	vsel vm8, $0x1886, v41;
	v3 =	vsel vm4, $0x582, v3  }
0x3d: {  	v3 =	vsel vm1, $0x603, v3;
	v2 =	vsel vm0, $0x706, v2;
	v0 =	vunpack.c.0.s8.s32 v0  }
0x3e: {  	v50 =	vsel vm8, $0x1906, v42;
	v43 =	vsel vm8, $0x1986, v43;
	[tilespmem:$0x1F9C0] =	vst v2;
	v2 =	vsel vm2, $0x684, v3  }
0x3f: {  	v3 =	vsel vm10, $0x304, v4;
	v2 =	vsel vm3, $0x705, v2;
	v5 =	vcombine.low v1, v0  }
0x40: {  	v42 =	vunpack.c.0.s8.s32 v51;
	v3 =	vsel vm9, $0x385, v3;
	v2 =	vsel vm0, $0x786, v2  }
0x41: {  	v51 =	vimm.s32 $0x1211101F;
	v3 =	vsel vm8, $0x406, v3;
	[tilespmem:$0x1F9E0] =	vst v2;
	v4 =	vand.u32 $0xF, v5  }
0x42: {  	v2 =	vimm.s32 $0x10FEDCBA;
	v3 =	vsel vm7, $0x487, v3;
	[tilespmem:$0x1F9D0] =	vst v4;
	v4 =	vimm.s32 $0x107  }
0x43: {  	v2 =	vunpack.c.l.s4.s8 v2;
	v5 =	vimm.s32 $0x98765432;
	v4 =	vsel vm14, $0x180, v4  }
0x44: {  	v3 =	vsel vm5, $0x500, v3;
	v5 =	vunpack.c.l.s4.s8 v5;
	v4 =	vsel vm13, $0x201, v4  }
0x45: {  	v3 =	vsel vm6, $0x581, v3;
	v2 =	vunpack.c.0.s8.s32 v2;
	v6 =	vsel vm12, $0x282, v4  }
0x46: {  	v3 =	vsel vm4, $0x602, v3;
	v4 =	vunpack.c.0.s8.s32 v5;
	v5 =	vsel vm11, $0x303, v6  }
0x47: {  	v3 =	vsel vm1, $0x683, v3;
	v6 =	vimm.s32 $0x210FEDCB;
	v5 =	vsel vm10, $0x384, v5  }
0x48: {  	v3 =	vsel vm2, $0x704, v3;
	v6 =	vunpack.c.l.s4.s8 v6;
	v5 =	vsel vm9, $0x405, v5  }
0x49: {  	v3 =	vsel vm3, $0x785, v3;
	v8 =	vcombine.low v4, v2;
	v9 =	vsel vm8, $0x486, v5  }
0x4a: {  	v3 =	vsel vm0, $0x6, v3;
	v5 =	vunpack.c.0.s8.s32 v6;
	v6 =	vsel vm7, $0x507, v9  }
0x4b: {  	v2 =	vcombine.low v2, v4;
	v8 =	vand.u32 $0xF, v8;
	v6 =	vsel vm5, $0x580, v6  }
0x4c: {  	[tilespmem:$0x1F9F0] =	vst v8;
	v9 =	vimm.s32 $0x187;
	v8 =	vcombine.low v7, v5;
	v6 =	vsel vm6, $0x601, v6  }
0x4d: {  	v0 =	vcombine.low v0, v1;
	[tilespmem:$0x1FA00] =	vst v3;
	v3 =	vsel vm4, $0x682, v6;
	v6 =	vsel vm14, $0x200, v9  }
0x4e: {  	v2 =	vand.u32 $0xF, v2;
	v8 =	vand.u32 $0xF, v8;
	v6 =	vsel vm13, $0x281, v6  }
0x4f: {  	v9 =	vimm.s32 $0xBA987654;
	v3 =	vsel vm1, $0x703, v3;
	v6 =	vsel vm12, $0x302, v6  }
0x50: {  	[tilespmem:$0x1FA10] =	vst v8;
	v8 =	vsel vm2, $0x784, v3;
	v3 =	vimm.s32 $0x3210FEDC;
	v6 =	vsel vm11, $0x383, v6  }
0x51: {  	v9 =	vunpack.c.l.s4.s8 v9;
	v3 =	vunpack.c.l.s4.s8 v3;
	v6 =	vsel vm10, $0x404, v6  }
0x52: {  	v0 =	vand.u32 $0xF, v0;
	[tilespmem:$0x1FAF0] =	vst v2;
	v2 =	vimm.s32 $0x587;
	v11 =	vsel vm9, $0x485, v6  }
0x53: {  	v3 =	vunpack.c.0.s8.s32 v3;
	v6 =	vunpack.c.0.s8.s32 v9;
	v9 =	vsel vm8, $0x506, v11  }
0x54: {  	v2 =	vsel vm14, $0x600, v2;
	v8 =	vsel vm3, $0x5, v8;
	v9 =	vsel vm7, $0x587, v9  }
0x55: {  	v11 =	vcombine.low v6, v3;
	v3 =	vcombine.low v3, v6;
	v6 =	vimm.s32 $0xB07  }
0x56: {  	v8 =	vsel vm0, $0x86, v8;
	v9 =	vsel vm5, $0x600, v9;
	v6 =	vsel vm14, $0xB80, v6  }
0x57: {  	[tilespmem:$0x1FA20] =	vst v8;
	v8 =	vsel vm6, $0x681, v9;
	v9 =	vsel vm10, $0x484, v10;
	v10 =	vand.u32 $0xF, v11  }
0x58: {  	v11 =	vimm.s32 $0xCBA98765;
	[tilespmem:$0x1FA30] =	vst v10;
	v9 =	vsel vm9, $0x505, v9;
	v10 =	vimm.s32 $0x43210FED  }
0x59: {  	v8 =	vsel vm4, $0x702, v8;
	v9 =	vsel vm8, $0x586, v9;
	v10 =	vunpack.c.l.s4.s8 v10  }
0x5a: {  	v11 =	vunpack.c.l.s4.s8 v11;
	v8 =	vsel vm1, $0x783, v8;
	v9 =	vsel vm7, $0x607, v9  }
0x5b: {  	v12 =	vsel vm2, $0x4, v8;
	v9 =	vsel vm5, $0x680, v9;
	v8 =	vunpack.c.0.s8.s32 v10  }
0x5c: {  	v10 =	vsel vm6, $0x701, v9;
	v9 =	vunpack.c.0.s8.s32 v11;
	v11 =	vsel vm14, $0x300, v13  }
0x5d: {  	v12 =	vsel vm3, $0x85, v12;
	v10 =	vsel vm4, $0x782, v10;
	v11 =	vsel vm13, $0x381, v11  }
0x5e: {  	v10 =	vsel vm1, $0x3, v10;
	v13 =	vcombine.low v9, v8;
	v11 =	vsel vm12, $0x402, v11  }
0x5f: {  	v12 =	vsel vm0, $0x106, v12;
	v10 =	vsel vm2, $0x84, v10;
	v11 =	vsel vm11, $0x483, v11  }
0x60: {  	[tilespmem:$0x1FA40] =	vst v12;
	v10 =	vsel vm3, $0x105, v10;
	v12 =	vand.u32 $0xF, v13;
	v13 =	vimm.s32 $0xDCBA9876  }
0x61: {  	[tilespmem:$0x1FA50] =	vst v12;
	v10 =	vsel vm0, $0x186, v10;
	v12 =	vimm.s32 $0x307;
	v13 =	vunpack.c.l.s4.s8 v13  }
0x62: {  	[tilespmem:$0x1FA60] =	vst v10;
	v10 =	vsel vm10, $0x504, v11;
	v11 =	vimm.s32 $0x543210FE;
	v12 =	vsel vm14, $0x380, v12  }
0x63: {  	v10 =	vsel vm9, $0x585, v10;
	v11 =	vunpack.c.l.s4.s8 v11;
	v12 =	vsel vm13, $0x401, v12  }
0x64: {  	v13 =	vunpack.c.0.s8.s32 v13;
	v10 =	vsel vm8, $0x606, v10;
	v14 =	vsel vm12, $0x482, v12  }
0x65: {  	v10 =	vsel vm7, $0x687, v10;
	v12 =	vunpack.c.0.s8.s32 v11;
	v11 =	vsel vm11, $0x503, v14  }
0x66: {  	v14 =	vimm.s32 $0x6543210F;
	v10 =	vsel vm5, $0x700, v10;
	v11 =	vsel vm10, $0x584, v11  }
0x67: {  	v14 =	vunpack.c.l.s4.s8 v14;
	v10 =	vsel vm6, $0x781, v10;
	v11 =	vsel vm9, $0x605, v11  }
0x68: {  	v16 =	vcombine.low v13, v12;
	v10 =	vsel vm4, $0x2, v10;
	v11 =	vsel vm8, $0x686, v11  }
0x69: {  	v6 =	vsel vm13, $0xC01, v6;
	v17 =	vsel vm1, $0x83, v10;
	v18 =	vsel vm7, $0x707, v11  }
0x6a: {  	v10 =	vunpack.c.0.s8.s32 v14;
	v11 =	vunpack.c.0.s8.s32 v15;
	v15 =	vand.u32 $0xF, v16  }
0x6b: {  	v14 =	vsel vm5, $0x780, v18;
	[tilespmem:$0x1FA70] =	vst v15;
	v15 =	vsel vm2, $0x104, v17;
	v17 =	vsel vm14, $0x480, v57  }
0x6c: {  	v18 =	vsel vm14, $0x1180, v61;
	v61 =	vsel vm12, $0x1882, v46;
	v14 =	vsel vm6, $0x1, v14  }
0x6d: {  	v15 =	vsel vm3, $0x185, v15;
	v54 =	vcombine.low v11, v10;
	v14 =	vsel vm4, $0x82, v14  }
0x6e: {  	v17 =	vsel vm13, $0x501, v17;
	v15 =	vsel vm0, $0x206, v15;
	v14 =	vsel vm1, $0x103, v14  }
0x6f: {  	v18 =	vsel vm13, $0x1201, v18;
	[tilespmem:$0x1FA80] =	vst v15;
	v15 =	vimm.s32 $0x387;
	v14 =	vsel vm2, $0x184, v14  }
0x70: {  	v16 =	vand.u32 $0xF, v54;
	v15 =	vsel vm14, $0x400, v15;
	v14 =	vsel vm3, $0x205, v14  }
0x71: {  	[tilespmem:$0x1FA90] =	vst v16;
	v16 =	vunpack.c.l.s4.s8 v55;
	v15 =	vsel vm13, $0x481, v15;
	v14 =	vsel vm0, $0x286, v14  }
0x72: {  	v54 =	vunpack.c.0.s8.s32 v47;
	v15 =	vsel vm12, $0x502, v15;
	[tilespmem:$0x1FAA0] =	vst v14;
	v14 =	vunpack.c.l.s4.s8 v56  }
0x73: {  	v55 =	vunpack.c.0.s8.s32 v62;
	v16 =	vunpack.c.0.s8.s32 v16;
	v15 =	vsel vm11, $0x583, v15  }
0x74: {  	v62 =	vimm.s32 $0x1D1C1B1A;
	v15 =	vsel vm10, $0x604, v15;
	v14 =	vunpack.c.0.s8.s32 v14  }
0x75: {  	v56 =	vunpack.c.0.s8.s32 v62;
	v16 =	vand.u32 $0xF, v16;
	v15 =	vsel vm9, $0x685, v15  }
0x76: {  	v15 =	vsel vm8, $0x706, v15;
	v14 =	vcombine.low v16, v14;
	v16 =	vsel vm14, $0x500, v58  }
0x77: {  	v58 =	vunpack.c.0.s8.s32 v48;
	v48 =	vsel vm7, $0x1907, v41;
	v16 =	vsel vm13, $0x581, v16  }
0x78: {  	[tilespmem:$0x1FAB0] =	vst v14;
	v14 =	vsel vm7, $0x787, v15;
	v15 =	vsel vm12, $0x582, v17;
	v16 =	vsel vm12, $0x602, v16  }
0x79: {  	v17 =	vsel vm14, $0x1100, v60;
	v60 =	vsel vm12, $0x1802, v45;
	v45 =	vsel vm11, $0x1903, v61  }
0x7a: {  	v14 =	vsel vm5, $0x0, v14;
	v15 =	vsel vm11, $0x603, v15;
	v16 =	vsel vm11, $0x683, v16  }
0x7b: {  	v17 =	vsel vm13, $0x1181, v17;
	v44 =	vsel vm11, $0x1883, v60;
	v45 =	vsel vm10, $0x1984, v45  }
0x7c: {  	v14 =	vsel vm6, $0x81, v14;
	v15 =	vsel vm10, $0x684, v15;
	v16 =	vsel vm10, $0x704, v16  }
0x7d: {  	v44 =	vsel vm10, $0x1904, v44;
	v45 =	vsel vm9, $0x1A05, v45;
	v14 =	vsel vm4, $0x102, v14  }
0x7e: {  	v15 =	vsel vm9, $0x705, v15;
	v44 =	vsel vm9, $0x1985, v44;
	v45 =	vsel vm8, $0x1A86, v45  }
0x7f: {  	v14 =	vsel vm1, $0x183, v14;
	v15 =	vsel vm8, $0x786, v15;
	v44 =	vsel vm8, $0x1A06, v44  }
0x80: {  	v45 =	vsel vm7, $0x1B07, v45;
	v14 =	vsel vm2, $0x204, v14;
	v15 =	vsel vm7, $0x7, v15  }
0x81: {  	v44 =	vsel vm7, $0x1A87, v44;
	v14 =	vsel vm3, $0x285, v14;
	v15 =	vsel vm5, $0x80, v15  }
0x82: {  	v44 =	vsel vm5, $0x1B00, v44;
	v1 =	vsel vm6, $0x101, v15;
	v15 =	vsel vm9, $0x785, v16  }
0x83: {  	v14 =	vsel vm0, $0x306, v14;
	v16 =	vsel vm14, $0x1080, v59;
	v59 =	vunpack.c.0.s8.s32 v49  }
0x84: {  	v49 =	vsel vm7, $0x1987, v50;
	v50 =	vsel vm7, $0x1A07, v43;
	v43 =	vunpack.c.0.s8.s32 v51  }
0x85: {  	v47 =	vsel vm6, $0x1B81, v44;
	[tilespmem:$0x1FAC0] =	vst v14;
	v1 =	vsel vm4, $0x182, v1;
	v14 =	vsel vm8, $0x6, v15  }
0x86: {  	v15 =	vimm.s32 $0x1787;
	v16 =	vsel vm13, $0x1101, v16;
	v41 =	vsel vm5, $0x1A00, v49  }
0x87: {  	[tilespmem:$0x1FAD0] =	vst v0;
	v46 =	vsel vm5, $0x1A80, v50;
	v0 =	vsel vm1, $0x203, v1;
	v1 =	vsel vm7, $0x87, v14  }
0x88: {  	v14 =	vimm.s32 $0x507;
	v15 =	vsel vm14, $0x1000, v15;
	v41 =	vsel vm6, $0x1A81, v41  }
0x89: {  	v46 =	vsel vm6, $0x1B01, v46;
	v0 =	vsel vm2, $0x284, v0;
	v1 =	vsel vm5, $0x100, v1  }
0x8a: {  	v14 =	vsel vm14, $0x580, v14;
	v15 =	vsel vm13, $0x1081, v15;
	v0 =	vsel vm3, $0x305, v0  }
0x8b: {  	v1 =	vsel vm6, $0x181, v1;
	v4 =	vsel vm13, $0x601, v14;
	v14 =	vimm.s32 $0xF07  }
0x8c: {  	v1 =	vsel vm4, $0x202, v1;
	v0 =	vsel vm0, $0x386, v0;
	v14 =	vsel vm14, $0xF80, v14  }
0x8d: {  	[tilespmem:$0x1FAE0] =	vst v0;
	v0 =	vsel vm1, $0x283, v1;
	v1 =	vsel vm12, $0x682, v4;
	v4 =	vcombine.low v5, v7  }
0x8e: {  	v5 =	vimm.s32 $0xA87;
	v7 =	vimm.s32 $0xB87;
	v14 =	vsel vm13, $0x801, v14  }
0x8f: {  	v0 =	vsel vm2, $0x304, v0;
	v1 =	vsel vm11, $0x703, v1;
	v5 =	vsel vm14, $0xB00, v5  }
0x90: {  	v7 =	vsel vm14, $0xC00, v7;
	v0 =	vsel vm3, $0x385, v0;
	v1 =	vsel vm10, $0x784, v1  }
0x91: {  	v5 =	vsel vm13, $0xB81, v5;
	v1 =	vsel vm9, $0x5, v1;
	v0 =	vsel vm0, $0x406, v0  }
0x92: {  	v7 =	vsel vm13, $0xC81, v7;
	[tilespmem:$0x1FB00] =	vst v0;
	v0 =	vsel vm8, $0x86, v1;
	v1 =	vsel vm13, $0x681, v2  }
0x93: {  	v2 =	vand.u32 $0xF, v4;
	v4 =	vimm.s32 $0xA07;
	v0 =	vsel vm7, $0x107, v0  }
0x94: {  	[tilespmem:$0x1FB10] =	vst v2;
	v1 =	vsel vm12, $0x702, v1;
	v2 =	vimm.s32 $0x607;
	v4 =	vsel vm14, $0xA80, v4  }
0x95: {  	v0 =	vsel vm5, $0x180, v0;
	v1 =	vsel vm11, $0x783, v1;
	v2 =	vsel vm14, $0x680, v2  }
0x96: {  	v4 =	vsel vm13, $0xB01, v4;
	v0 =	vsel vm6, $0x201, v0;
	v1 =	vsel vm10, $0x4, v1  }
0x97: {  	v2 =	vsel vm13, $0x701, v2;
	v0 =	vsel vm4, $0x282, v0;
	v1 =	vsel vm9, $0x85, v1  }
0x98: {  	v2 =	vsel vm12, $0x782, v2;
	v0 =	vsel vm1, $0x303, v0;
	v1 =	vsel vm8, $0x106, v1  }
0x99: {  	v2 =	vsel vm11, $0x3, v2;
	v0 =	vsel vm2, $0x384, v0;
	v1 =	vsel vm7, $0x187, v1  }
0x9a: {  	v2 =	vsel vm10, $0x84, v2;
	v0 =	vsel vm3, $0x405, v0;
	v1 =	vsel vm5, $0x200, v1  }
0x9b: {  	v2 =	vsel vm9, $0x105, v2;
	v1 =	vsel vm6, $0x281, v1;
	v0 =	vsel vm0, $0x486, v0  }
0x9c: {  	[tilespmem:$0x1FB20] =	vst v0;
	v0 =	vsel vm4, $0x302, v1;
	v1 =	vsel vm8, $0x186, v2;
	v2 =	vand.u32 $0xF, v3  }
0x9d: {  	v3 =	vcombine.low v12, v13;
	v12 =	vimm.s32 $0xE07;
	v0 =	vsel vm1, $0x383, v0  }
0x9e: {  	v13 =	vimm.s32 $0xE87;
	v1 =	vsel vm7, $0x207, v1;
	v0 =	vsel vm2, $0x404, v0  }
0x9f: {  	[tilespmem:$0x1FB30] =	vst v2;
	v2 =	vimm.s32 $0x687;
	v1 =	vsel vm5, $0x280, v1;
	v0 =	vsel vm3, $0x485, v0  }
0xa0: {  	v12 =	vsel vm14, $0xE80, v12;
	v1 =	vsel vm6, $0x301, v1;
	v0 =	vsel vm0, $0x506, v0  }
0xa1: {  	v13 =	vsel vm14, $0xF00, v13;
	v2 =	vsel vm14, $0x700, v2;
	[tilespmem:$0x1FB40] =	vst v0;
	v0 =	vsel vm4, $0x382, v1  }
0xa2: {  	v12 =	vsel vm13, $0xF01, v12;
	v13 =	vsel vm13, $0xF81, v13;
	v0 =	vsel vm1, $0x403, v0  }
0xa3: {  	v1 =	vsel vm13, $0x781, v2;
	v2 =	vcombine.low v8, v9;
	v0 =	vsel vm2, $0x484, v0  }
0xa4: {  	v8 =	vimm.s32 $0xC07;
	v1 =	vsel vm12, $0x2, v1;
	v0 =	vsel vm3, $0x505, v0  }
0xa5: {  	v9 =	vimm.s32 $0xC87;
	v1 =	vsel vm11, $0x83, v1;
	v0 =	vsel vm0, $0x586, v0  }
0xa6: {  	v8 =	vsel vm14, $0xC80, v8;
	v1 =	vsel vm10, $0x104, v1;
	[tilespmem:$0x1FB60] =	vst v0;
	v0 =	vand.u32 $0xF, v3  }
0xa7: {  	v9 =	vsel vm14, $0xD00, v9;
	v2 =	vand.u32 $0xF, v2;
	[tilespmem:$0x1FB70] =	vst v0;
	v0 =	vsel vm9, $0x185, v1  }
0xa8: {  	v8 =	vsel vm13, $0xD01, v8;
	v1 =	vimm.s32 $0x707;
	v0 =	vsel vm8, $0x206, v0  }
0xa9: {  	[tilespmem:$0x1FB50] =	vst v2;
	v2 =	vimm.s32 $0xF87;
	v1 =	vsel vm14, $0x780, v1;
	v0 =	vsel vm7, $0x287, v0  }
0xaa: {  	v2 =	vsel vm14, $0x800, v2;
	v1 =	vsel vm13, $0x1, v1;
	v0 =	vsel vm5, $0x300, v0  }
0xab: {  	v2 =	vsel vm13, $0x881, v2;
	v1 =	vsel vm12, $0x82, v1;
	v0 =	vsel vm6, $0x381, v0  }
0xac: {  	v2 =	vsel vm12, $0x902, v2;
	v1 =	vsel vm11, $0x103, v1;
	v0 =	vsel vm4, $0x402, v0  }
0xad: {  	v2 =	vsel vm11, $0x983, v2;
	v1 =	vsel vm10, $0x184, v1;
	v0 =	vsel vm1, $0x483, v0  }
0xae: {  	v2 =	vsel vm10, $0xA04, v2;
	v1 =	vsel vm9, $0x205, v1;
	v0 =	vsel vm2, $0x504, v0  }
0xaf: {  	v2 =	vsel vm9, $0xA85, v2;
	v1 =	vsel vm8, $0x286, v1;
	v0 =	vsel vm3, $0x585, v0  }
0xb0: {  	v2 =	vsel vm8, $0xB06, v2;
	v1 =	vsel vm7, $0x307, v1;
	v0 =	vsel vm0, $0x606, v0  }
0xb1: {  	v9 =	vsel vm13, $0xD81, v9;
	v2 =	vsel vm7, $0xB87, v2;
	[tilespmem:$0x1FB80] =	vst v0;
	v0 =	vsel vm5, $0x380, v1  }
0xb2: {  	v3 =	vcombine.low v10, v11;
	v1 =	vsel vm5, $0xC00, v2;
	v0 =	vsel vm6, $0x401, v0  }
0xb3: {  	v10 =	vimm.s32 $0xD07;
	v1 =	vsel vm6, $0xC81, v1;
	v0 =	vsel vm4, $0x482, v0  }
0xb4: {  	v2 =	vand.u32 $0xF, v3;
	v1 =	vsel vm4, $0xD02, v1;
	v0 =	vsel vm1, $0x503, v0  }
0xb5: {  	[tilespmem:$0x1FB90] =	vst v2;
	v2 =	vimm.s32 $0x807;
	v1 =	vsel vm1, $0xD83, v1;
	v0 =	vsel vm2, $0x584, v0  }
0xb6: {  	v2 =	vsel vm14, $0x880, v2;
	v1 =	vsel vm2, $0xE04, v1;
	v0 =	vsel vm3, $0x605, v0  }
0xb7: {  	v2 =	vsel vm13, $0x901, v2;
	v1 =	vsel vm3, $0xE85, v1;
	v0 =	vsel vm0, $0x686, v0  }
0xb8: {  	v11 =	vimm.s32 $0xD87;
	v2 =	vsel vm12, $0x982, v2;
	[tilespmem:$0x1FBA0] =	vst v0;
	v0 =	vsel vm0, $0xF06, v1  }
0xb9: {  	v10 =	vsel vm14, $0xD80, v10;
	v11 =	vsel vm14, $0xE00, v11;
	[tilespmem:$0x1FBB0] =	vst v0;
	v0 =	vsel vm11, $0xA03, v2  }
0xba: {  	v10 =	vsel vm13, $0xE01, v10;
	v11 =	vsel vm13, $0xE81, v11;
	v0 =	vsel vm10, $0xA84, v0  }
0xbb: {  	v1 =	vimm.s32 $0x1C1B1A19;
	v2 =	vimm.s32 $0x887;
	v0 =	vsel vm9, $0xB05, v0  }
0xbc: {  	v52 =	vunpack.c.0.s8.s32 v1;
	v1 =	vsel vm14, $0x900, v2;
	v0 =	vsel vm8, $0xB86, v0  }
0xbd: {  	v3 =	vimm.s32 $0x987;
	v1 =	vsel vm13, $0x981, v1;
	v0 =	vsel vm7, $0xC07, v0  }
0xbe: {  	v3 =	vsel vm14, $0xA00, v3;
	v1 =	vsel vm12, $0xA02, v1;
	v0 =	vsel vm5, $0xC80, v0  }
0xbf: {  	v2 =	vimm.s32 $0x101F1E1D;
	v1 =	vsel vm11, $0xA83, v1;
	v0 =	vsel vm6, $0xD01, v0  }
0xc0: {  	v53 =	vunpack.c.0.s8.s32 v2;
	v1 =	vsel vm10, $0xB04, v1;
	v0 =	vsel vm4, $0xD82, v0  }
0xc1: {  	v2 =	vimm.s32 $0x907;
	v1 =	vsel vm9, $0xB85, v1;
	v0 =	vsel vm1, $0xE03, v0  }
0xc2: {  	v2 =	vsel vm14, $0x980, v2;
	v1 =	vsel vm8, $0xC06, v1;
	v0 =	vsel vm2, $0xE84, v0  }
0xc3: {  	v2 =	vsel vm13, $0xA01, v2;
	v1 =	vsel vm7, $0xC87, v1;
	v0 =	vsel vm3, $0xF05, v0  }
0xc4: {  	v2 =	vsel vm12, $0xA82, v2;
	v1 =	vsel vm5, $0xD00, v1;
	v0 =	vsel vm0, $0xF86, v0  }
0xc5: {  	v3 =	vsel vm13, $0xA81, v3;
	v2 =	vsel vm11, $0xB03, v2;
	[tilespmem:$0x1FBC0] =	vst v0;
	v0 =	vsel vm6, $0xD81, v1  }
0xc6: {  	v1 =	vsel vm10, $0xB84, v2;
	v2 =	vsel vm12, $0xB02, v3;
	v3 =	vsel vm12, $0xB82, v4  }
0xc7: {  	v4 =	vsel vm12, $0xC02, v5;
	v5 =	vsel vm12, $0xC82, v6;
	v6 =	vsel vm12, $0xD02, v7  }
0xc8: {  	v7 =	vsel vm12, $0xD82, v8;
	v8 =	vsel vm12, $0xE02, v9;
	v9 =	vsel vm12, $0xE82, v10  }
0xc9: {  	v10 =	vsel vm12, $0xF02, v11;
	v11 =	vsel vm12, $0xF82, v12;
	v12 =	vsel vm12, $0x802, v13  }
0xca: {  	v13 =	vsel vm12, $0x882, v14;
	v14 =	vsel vm12, $0x1102, v15;
	v15 =	vsel vm12, $0x1182, v16  }
0xcb: {  	v16 =	vsel vm12, $0x1202, v17;
	v17 =	vsel vm12, $0x1282, v18;
	v18 =	vsel vm12, $0x1302, v19  }
0xcc: {  	v19 =	vsel vm12, $0x1382, v20;
	v20 =	vsel vm12, $0x1402, v21;
	v21 =	vsel vm12, $0x1482, v22  }
0xcd: {  	v22 =	vsel vm12, $0x1502, v23;
	v23 =	vsel vm12, $0x1582, v24;
	v24 =	vsel vm12, $0x1602, v25  }
0xce: {  	v25 =	vsel vm12, $0x1682, v26;
	v26 =	vsel vm12, $0x1702, v27;
	v27 =	vsel vm12, $0x1782, v28  }
0xcf: {  	v28 =	vsel vm12, $0x1002, v29;
	v29 =	vsel vm12, $0x1082, v30;
	v30 =	vsel vm12, $0x1902, v31  }
0xd0: {  	v31 =	vsel vm12, $0x1982, v32;
	v32 =	vsel vm12, $0x1A02, v33;
	v33 =	vsel vm12, $0x1A82, v34  }
0xd1: {  	v34 =	vsel vm12, $0x1B02, v35;
	v35 =	vsel vm12, $0x1B82, v36;
	v36 =	vsel vm12, $0x1C02, v37  }
0xd2: {  	v37 =	vsel vm12, $0x1C82, v38;
	v38 =	vsel vm12, $0x1D02, v39;
	v39 =	vsel vm11, $0x1E03, v63  }
0xd3: {  	v63 =	vimm.s32 $0x11101F1E;
	v0 =	vsel vm4, $0xE02, v0;
	v1 =	vsel vm9, $0xC05, v1  }
0xd4: {  	v2 =	vsel vm11, $0xB83, v2;
	v3 =	vsel vm11, $0xC03, v3;
	v4 =	vsel vm11, $0xC83, v4  }
0xd5: {  	v5 =	vsel vm11, $0xD03, v5;
	v6 =	vsel vm11, $0xD83, v6;
	v7 =	vsel vm11, $0xE03, v7  }
0xd6: {  	v8 =	vsel vm11, $0xE83, v8;
	v9 =	vsel vm11, $0xF03, v9;
	v10 =	vsel vm11, $0xF83, v10  }
0xd7: {  	v11 =	vsel vm11, $0x803, v11;
	v12 =	vsel vm11, $0x883, v12;
	v13 =	vsel vm11, $0x903, v13  }
0xd8: {  	v14 =	vsel vm11, $0x1183, v14;
	v15 =	vsel vm11, $0x1203, v15;
	v16 =	vsel vm11, $0x1283, v16  }
0xd9: {  	v17 =	vsel vm11, $0x1303, v17;
	v18 =	vsel vm11, $0x1383, v18;
	v19 =	vsel vm11, $0x1403, v19  }
0xda: {  	v20 =	vsel vm11, $0x1483, v20;
	v21 =	vsel vm11, $0x1503, v21;
	v22 =	vsel vm11, $0x1583, v22  }
0xdb: {  	v23 =	vsel vm11, $0x1603, v23;
	v24 =	vsel vm11, $0x1683, v24;
	v25 =	vsel vm11, $0x1703, v25  }
0xdc: {  	v26 =	vsel vm11, $0x1783, v26;
	v27 =	vsel vm11, $0x1003, v27;
	v28 =	vsel vm11, $0x1083, v28  }
0xdd: {  	v29 =	vsel vm11, $0x1103, v29;
	v30 =	vsel vm11, $0x1983, v30;
	v31 =	vsel vm11, $0x1A03, v31  }
0xde: {  	v32 =	vsel vm11, $0x1A83, v32;
	v33 =	vsel vm11, $0x1B03, v33;
	v34 =	vsel vm11, $0x1B83, v34  }
0xdf: {  	v35 =	vsel vm11, $0x1C03, v35;
	v36 =	vsel vm11, $0x1C83, v36;
	v37 =	vsel vm11, $0x1D03, v37  }
0xe0: {  	v38 =	vsel vm11, $0x1D83, v38;
	v57 =	vunpack.c.0.s8.s32 v63;
	v39 =	vsel vm10, $0x1E84, v39  }
0xe1: {  	v63 =	vsel vm7, $0x1887, v40;
	v40 =	vsel vm5, $0x1980, v48;
	v0 =	vsel vm1, $0xE83, v0  }
0xe2: {  	v1 =	vsel vm8, $0xC86, v1;
	v2 =	vsel vm10, $0xC04, v2;
	v3 =	vsel vm10, $0xC84, v3  }
0xe3: {  	v4 =	vsel vm10, $0xD04, v4;
	v5 =	vsel vm10, $0xD84, v5;
	v6 =	vsel vm10, $0xE04, v6  }
0xe4: {  	v7 =	vsel vm10, $0xE84, v7;
	v8 =	vsel vm10, $0xF04, v8;
	v9 =	vsel vm10, $0xF84, v9  }
0xe5: {  	v10 =	vsel vm10, $0x804, v10;
	v11 =	vsel vm10, $0x884, v11;
	v12 =	vsel vm10, $0x904, v12  }
0xe6: {  	v13 =	vsel vm10, $0x984, v13;
	v14 =	vsel vm10, $0x1204, v14;
	v15 =	vsel vm10, $0x1284, v15  }
0xe7: {  	v16 =	vsel vm10, $0x1304, v16;
	v17 =	vsel vm10, $0x1384, v17;
	v18 =	vsel vm10, $0x1404, v18  }
0xe8: {  	v19 =	vsel vm10, $0x1484, v19;
	v20 =	vsel vm10, $0x1504, v20;
	v21 =	vsel vm10, $0x1584, v21  }
0xe9: {  	v22 =	vsel vm10, $0x1604, v22;
	v23 =	vsel vm10, $0x1684, v23;
	v24 =	vsel vm10, $0x1704, v24  }
0xea: {  	v25 =	vsel vm10, $0x1784, v25;
	v26 =	vsel vm10, $0x1004, v26;
	v27 =	vsel vm10, $0x1084, v27  }
0xeb: {  	v28 =	vsel vm10, $0x1104, v28;
	v29 =	vsel vm10, $0x1184, v29;
	v30 =	vsel vm10, $0x1A04, v30  }
0xec: {  	v31 =	vsel vm10, $0x1A84, v31;
	v32 =	vsel vm10, $0x1B04, v32;
	v33 =	vsel vm10, $0x1B84, v33  }
0xed: {  	v34 =	vsel vm10, $0x1C04, v34;
	v35 =	vsel vm10, $0x1C84, v35;
	v36 =	vsel vm10, $0x1D04, v36  }
0xee: {  	v37 =	vsel vm10, $0x1D84, v37;
	v38 =	vsel vm10, $0x1E04, v38;
	v39 =	vsel vm9, $0x1F05, v39  }
0xef: {  	v40 =	vsel vm6, $0x1A01, v40;
	v0 =	vsel vm2, $0xF04, v0;
	v1 =	vsel vm7, $0xD07, v1  }
0xf0: {  	v2 =	vsel vm9, $0xC85, v2;
	v3 =	vsel vm9, $0xD05, v3;
	v4 =	vsel vm9, $0xD85, v4  }
0xf1: {  	v5 =	vsel vm9, $0xE05, v5;
	v6 =	vsel vm9, $0xE85, v6;
	v7 =	vsel vm9, $0xF05, v7  }
0xf2: {  	v8 =	vsel vm9, $0xF85, v8;
	v9 =	vsel vm9, $0x805, v9;
	v10 =	vsel vm9, $0x885, v10  }
0xf3: {  	v11 =	vsel vm9, $0x905, v11;
	v12 =	vsel vm9, $0x985, v12;
	v13 =	vsel vm9, $0xA05, v13  }
0xf4: {  	v14 =	vsel vm9, $0x1285, v14;
	v15 =	vsel vm9, $0x1305, v15;
	v16 =	vsel vm9, $0x1385, v16  }
0xf5: {  	v17 =	vsel vm9, $0x1405, v17;
	v18 =	vsel vm9, $0x1485, v18;
	v19 =	vsel vm9, $0x1505, v19  }
0xf6: {  	v20 =	vsel vm9, $0x1585, v20;
	v21 =	vsel vm9, $0x1605, v21;
	v22 =	vsel vm9, $0x1685, v22  }
0xf7: {  	v23 =	vsel vm9, $0x1705, v23;
	v24 =	vsel vm9, $0x1785, v24;
	v25 =	vsel vm9, $0x1005, v25  }
0xf8: {  	v26 =	vsel vm9, $0x1085, v26;
	v27 =	vsel vm9, $0x1105, v27;
	v28 =	vsel vm9, $0x1185, v28  }
0xf9: {  	v29 =	vsel vm9, $0x1205, v29;
	v30 =	vsel vm9, $0x1A85, v30;
	v31 =	vsel vm9, $0x1B05, v31  }
0xfa: {  	v32 =	vsel vm9, $0x1B85, v32;
	v33 =	vsel vm9, $0x1C05, v33;
	v34 =	vsel vm9, $0x1C85, v34  }
0xfb: {  	v35 =	vsel vm9, $0x1D05, v35;
	v36 =	vsel vm9, $0x1D85, v36;
	v37 =	vsel vm9, $0x1E05, v37  }
0xfc: {  	v38 =	vsel vm9, $0x1E85, v38;
	v39 =	vsel vm8, $0x1F86, v39;
	v0 =	vsel vm3, $0xF85, v0  }
0xfd: {  	v1 =	vsel vm5, $0xD80, v1;
	v2 =	vsel vm8, $0xD06, v2;
	v3 =	vsel vm8, $0xD86, v3  }
0xfe: {  	v4 =	vsel vm8, $0xE06, v4;
	v5 =	vsel vm8, $0xE86, v5;
	v6 =	vsel vm8, $0xF06, v6  }
0xff: {  	v7 =	vsel vm8, $0xF86, v7;
	v8 =	vsel vm8, $0x806, v8;
	v9 =	vsel vm8, $0x886, v9  }
0x100: {  	v10 =	vsel vm8, $0x906, v10;
	v11 =	vsel vm8, $0x986, v11;
	v12 =	vsel vm8, $0xA06, v12  }
0x101: {  	v13 =	vsel vm8, $0xA86, v13;
	v14 =	vsel vm8, $0x1306, v14;
	v15 =	vsel vm8, $0x1386, v15  }
0x102: {  	v16 =	vsel vm8, $0x1406, v16;
	v17 =	vsel vm8, $0x1486, v17;
	v18 =	vsel vm8, $0x1506, v18  }
0x103: {  	v19 =	vsel vm8, $0x1586, v19;
	v20 =	vsel vm8, $0x1606, v20;
	v21 =	vsel vm8, $0x1686, v21  }
0x104: {  	v22 =	vsel vm8, $0x1706, v22;
	v23 =	vsel vm8, $0x1786, v23;
	v24 =	vsel vm8, $0x1006, v24  }
0x105: {  	v25 =	vsel vm8, $0x1086, v25;
	v26 =	vsel vm8, $0x1106, v26;
	v27 =	vsel vm8, $0x1186, v27  }
0x106: {  	v28 =	vsel vm8, $0x1206, v28;
	v29 =	vsel vm8, $0x1286, v29;
	v30 =	vsel vm8, $0x1B06, v30  }
0x107: {  	v31 =	vsel vm8, $0x1B86, v31;
	v32 =	vsel vm8, $0x1C06, v32;
	v33 =	vsel vm8, $0x1C86, v33  }
0x108: {  	v34 =	vsel vm8, $0x1D06, v34;
	v35 =	vsel vm8, $0x1D86, v35;
	v36 =	vsel vm8, $0x1E06, v36  }
0x109: {  	v37 =	vsel vm8, $0x1E86, v37;
	v38 =	vsel vm8, $0x1F06, v38;
	v62 =	vsel vm7, $0x1807, v39  }
0x10a: {  	v39 =	vsel vm5, $0x1900, v63;
	v63 =	vsel vm4, $0x1B02, v41;
	v0 =	vsel vm0, $0x806, v0  }
0x10b: {  	v60 =	vsel vm7, $0x1F07, v37;
	v61 =	vsel vm7, $0x1F87, v38;
	v38 =	vsel vm5, $0x1880, v62  }
0x10c: {  	v39 =	vsel vm6, $0x1981, v39;
	v62 =	vimm.s32 $0x1A191817;
	[tilespmem:$0x1FBD0] =	vst v0;
	v0 =	vsel vm6, $0xE01, v1  }
0x10d: {  	v1 =	vsel vm7, $0xD87, v2;
	v2 =	vsel vm7, $0xE07, v3;
	v3 =	vsel vm7, $0xE87, v4  }
0x10e: {  	v4 =	vsel vm7, $0xF07, v5;
	v5 =	vsel vm7, $0xF87, v6;
	v6 =	vsel vm7, $0x807, v7  }
0x10f: {  	v7 =	vsel vm7, $0x887, v8;
	v8 =	vsel vm7, $0x907, v9;
	v9 =	vsel vm7, $0x987, v10  }
0x110: {  	v10 =	vsel vm7, $0xA07, v11;
	v11 =	vsel vm7, $0xA87, v12;
	v12 =	vsel vm7, $0xB07, v13  }
0x111: {  	v13 =	vsel vm7, $0x1387, v14;
	v14 =	vsel vm7, $0x1407, v15;
	v15 =	vsel vm7, $0x1487, v16  }
0x112: {  	v16 =	vsel vm7, $0x1507, v17;
	v17 =	vsel vm7, $0x1587, v18;
	v18 =	vsel vm7, $0x1607, v19  }
0x113: {  	v19 =	vsel vm7, $0x1687, v20;
	v20 =	vsel vm7, $0x1707, v21;
	v21 =	vsel vm7, $0x1787, v22  }
0x114: {  	v22 =	vsel vm7, $0x1007, v23;
	v23 =	vsel vm7, $0x1087, v24;
	v24 =	vsel vm7, $0x1107, v25  }
0x115: {  	v25 =	vsel vm7, $0x1187, v26;
	v26 =	vsel vm7, $0x1207, v27;
	v27 =	vsel vm7, $0x1287, v28  }
0x116: {  	v28 =	vsel vm7, $0x1307, v29;
	v29 =	vsel vm7, $0x1B87, v30;
	v30 =	vsel vm7, $0x1C07, v31  }
0x117: {  	v31 =	vsel vm7, $0x1C87, v32;
	v32 =	vsel vm7, $0x1D07, v33;
	v33 =	vsel vm7, $0x1D87, v34  }
0x118: {  	v34 =	vsel vm7, $0x1E07, v35;
	v35 =	vsel vm7, $0x1E87, v36;
	v36 =	vsel vm5, $0x1F80, v60  }
0x119: {  	v37 =	vsel vm5, $0x1800, v61;
	v38 =	vsel vm6, $0x1901, v38;
	v60 =	vsel vm5, $0x1B80, v45  }
0x11a: {  	v61 =	vimm.s32 $0x16151413;
	v45 =	vunpack.c.0.s8.s32 v62;
	v62 =	vimm.s32 $0x1F1E1D1C  }
0x11b: {  	v0 =	vsel vm4, $0xE82, v0;
	v1 =	vsel vm5, $0xE00, v1;
	v2 =	vsel vm5, $0xE80, v2  }
0x11c: {  	v3 =	vsel vm5, $0xF00, v3;
	v4 =	vsel vm5, $0xF80, v4;
	v5 =	vsel vm5, $0x800, v5  }
0x11d: {  	v6 =	vsel vm5, $0x880, v6;
	v7 =	vsel vm5, $0x900, v7;
	v8 =	vsel vm5, $0x980, v8  }
0x11e: {  	v9 =	vsel vm5, $0xA00, v9;
	v10 =	vsel vm5, $0xA80, v10;
	v11 =	vsel vm5, $0xB00, v11  }
0x11f: {  	v12 =	vsel vm5, $0xB80, v12;
	v13 =	vsel vm5, $0x1400, v13;
	v14 =	vsel vm5, $0x1480, v14  }
0x120: {  	v15 =	vsel vm5, $0x1500, v15;
	v16 =	vsel vm5, $0x1580, v16;
	v17 =	vsel vm5, $0x1600, v17  }
0x121: {  	v18 =	vsel vm5, $0x1680, v18;
	v19 =	vsel vm5, $0x1700, v19;
	v20 =	vsel vm5, $0x1780, v20  }
0x122: {  	v21 =	vsel vm5, $0x1000, v21;
	v22 =	vsel vm5, $0x1080, v22;
	v23 =	vsel vm5, $0x1100, v23  }
0x123: {  	v24 =	vsel vm5, $0x1180, v24;
	v25 =	vsel vm5, $0x1200, v25;
	v26 =	vsel vm5, $0x1280, v26  }
0x124: {  	v27 =	vsel vm5, $0x1300, v27;
	v28 =	vsel vm5, $0x1380, v28;
	v29 =	vsel vm5, $0x1C00, v29  }
0x125: {  	v30 =	vsel vm5, $0x1C80, v30;
	v31 =	vsel vm5, $0x1D00, v31;
	v32 =	vsel vm5, $0x1D80, v32  }
0x126: {  	v33 =	vsel vm5, $0x1E00, v33;
	v34 =	vsel vm5, $0x1E80, v34;
	v35 =	vsel vm5, $0x1F00, v35  }
0x127: {  	v36 =	vsel vm6, $0x1801, v36;
	v37 =	vsel vm6, $0x1881, v37;
	v48 =	vsel vm6, $0x1C01, v60  }
0x128: {  	v44 =	vunpack.c.0.s8.s32 v61;
	v60 =	vsel vm4, $0x1B82, v46;
	v61 =	vsel vm4, $0x1C02, v47  }
0x129: {  	v0 =	vsel vm1, $0xF03, v0;
	v1 =	vsel vm6, $0xE81, v1;
	v2 =	vsel vm6, $0xF01, v2  }
0x12a: {  	v3 =	vsel vm6, $0xF81, v3;
	v4 =	vsel vm6, $0x801, v4;
	v5 =	vsel vm6, $0x881, v5  }
0x12b: {  	v6 =	vsel vm6, $0x901, v6;
	v7 =	vsel vm6, $0x981, v7;
	v8 =	vsel vm6, $0xA01, v8  }
0x12c: {  	v9 =	vsel vm6, $0xA81, v9;
	v10 =	vsel vm6, $0xB01, v10;
	v11 =	vsel vm6, $0xB81, v11  }
0x12d: {  	v12 =	vsel vm6, $0xC01, v12;
	v13 =	vsel vm6, $0x1481, v13;
	v14 =	vsel vm6, $0x1501, v14  }
0x12e: {  	v15 =	vsel vm6, $0x1581, v15;
	v16 =	vsel vm6, $0x1601, v16;
	v17 =	vsel vm6, $0x1681, v17  }
0x12f: {  	v18 =	vsel vm6, $0x1701, v18;
	v19 =	vsel vm6, $0x1781, v19;
	v20 =	vsel vm6, $0x1001, v20  }
0x130: {  	v21 =	vsel vm6, $0x1081, v21;
	v22 =	vsel vm6, $0x1101, v22;
	v23 =	vsel vm6, $0x1181, v23  }
0x131: {  	v24 =	vsel vm6, $0x1201, v24;
	v25 =	vsel vm6, $0x1281, v25;
	v26 =	vsel vm6, $0x1301, v26  }
0x132: {  	v27 =	vsel vm6, $0x1381, v27;
	v28 =	vsel vm6, $0x1401, v28;
	v29 =	vsel vm6, $0x1C81, v29  }
0x133: {  	v30 =	vsel vm6, $0x1D01, v30;
	v31 =	vsel vm6, $0x1D81, v31;
	v32 =	vsel vm6, $0x1E01, v32  }
0x134: {  	v33 =	vsel vm6, $0x1E81, v33;
	v34 =	vsel vm6, $0x1F01, v34;
	v35 =	vsel vm6, $0x1F81, v35  }
0x135: {  	v48 =	vsel vm4, $0x1C82, v48;
	v41 =	vsel vm1, $0x1C03, v60;
	v46 =	vsel vm1, $0x1C83, v61  }
0x136: {  	v0 =	vsel vm2, $0xF84, v0;
	v1 =	vsel vm4, $0xF02, v1;
	v2 =	vsel vm4, $0xF82, v2  }
0x137: {  	v48 =	vsel vm1, $0x1D03, v48;
	v46 =	vsel vm2, $0x1D04, v46;
	v0 =	vsel vm3, $0x805, v0  }
0x138: {  	v48 =	vsel vm2, $0x1D84, v48;
	v46 =	vsel vm3, $0x1D85, v46;
	v0 =	vsel vm0, $0x886, v0  }
0x139: {  	v51 =	vsel vm3, $0x1E05, v48;
	[tilespmem:$0x1FBE0] =	vst v0;
	v0 =	vsel vm1, $0xF83, v1;
	v1 =	vsel vm1, $0x803, v2  }
0x13a: {  	v2 =	vsel vm4, $0x802, v3;
	v3 =	vsel vm4, $0x882, v4;
	v4 =	vsel vm4, $0x902, v5  }
0x13b: {  	v5 =	vsel vm4, $0x982, v6;
	v6 =	vsel vm4, $0xA02, v7;
	v7 =	vsel vm4, $0xA82, v8  }
0x13c: {  	v8 =	vsel vm4, $0xB02, v9;
	v9 =	vsel vm4, $0xB82, v10;
	v10 =	vsel vm4, $0xC02, v11  }
0x13d: {  	v11 =	vsel vm4, $0xC82, v12;
	v12 =	vsel vm4, $0x1502, v13;
	v13 =	vsel vm4, $0x1582, v14  }
0x13e: {  	v14 =	vsel vm4, $0x1602, v15;
	v15 =	vsel vm4, $0x1682, v16;
	v16 =	vsel vm4, $0x1702, v17  }
0x13f: {  	v17 =	vsel vm4, $0x1782, v18;
	v18 =	vsel vm4, $0x1002, v19;
	v19 =	vsel vm4, $0x1082, v20  }
0x140: {  	v20 =	vsel vm4, $0x1102, v21;
	v21 =	vsel vm4, $0x1182, v22;
	v22 =	vsel vm4, $0x1202, v23  }
0x141: {  	v23 =	vsel vm4, $0x1282, v24;
	v24 =	vsel vm4, $0x1302, v25;
	v25 =	vsel vm4, $0x1382, v26  }
0x142: {  	v26 =	vsel vm4, $0x1402, v27;
	v27 =	vsel vm4, $0x1482, v28;
	v28 =	vsel vm4, $0x1D02, v29  }
0x143: {  	v29 =	vsel vm4, $0x1D82, v30;
	v30 =	vsel vm4, $0x1E02, v31;
	v31 =	vsel vm4, $0x1E82, v32  }
0x144: {  	v32 =	vsel vm4, $0x1F02, v33;
	v33 =	vsel vm4, $0x1F82, v34;
	v34 =	vsel vm4, $0x1802, v35  }
0x145: {  	v35 =	vsel vm4, $0x1882, v36;
	v36 =	vsel vm4, $0x1902, v37;
	v37 =	vsel vm4, $0x1982, v38  }
0x146: {  	v38 =	vsel vm4, $0x1A02, v39;
	v39 =	vsel vm4, $0x1A82, v40;
	v40 =	vsel vm1, $0x1B83, v63  }
0x147: {  	v63 =	vimm.s32 $0x13121110;
	v0 =	vsel vm2, $0x804, v0;
	v1 =	vsel vm2, $0x884, v1  }
0x148: {  	v2 =	vsel vm1, $0x883, v2;
	v3 =	vsel vm1, $0x903, v3;
	v4 =	vsel vm1, $0x983, v4  }
0x149: {  	v5 =	vsel vm1, $0xA03, v5;
	v6 =	vsel vm1, $0xA83, v6;
	v7 =	vsel vm1, $0xB03, v7  }
0x14a: {  	v8 =	vsel vm1, $0xB83, v8;
	v9 =	vsel vm1, $0xC03, v9;
	v10 =	vsel vm1, $0xC83, v10  }
0x14b: {  	v11 =	vsel vm1, $0xD03, v11;
	v12 =	vsel vm1, $0x1583, v12;
	v13 =	vsel vm1, $0x1603, v13  }
0x14c: {  	v14 =	vsel vm1, $0x1683, v14;
	v15 =	vsel vm1, $0x1703, v15;
	v16 =	vsel vm1, $0x1783, v16  }
0x14d: {  	v17 =	vsel vm1, $0x1003, v17;
	v18 =	vsel vm1, $0x1083, v18;
	v19 =	vsel vm1, $0x1103, v19  }
0x14e: {  	v20 =	vsel vm1, $0x1183, v20;
	v21 =	vsel vm1, $0x1203, v21;
	v22 =	vsel vm1, $0x1283, v22  }
0x14f: {  	v23 =	vsel vm1, $0x1303, v23;
	v24 =	vsel vm1, $0x1383, v24;
	v25 =	vsel vm1, $0x1403, v25  }
0x150: {  	v26 =	vsel vm1, $0x1483, v26;
	v27 =	vsel vm1, $0x1503, v27;
	v28 =	vsel vm1, $0x1D83, v28  }
0x151: {  	v29 =	vsel vm1, $0x1E03, v29;
	v30 =	vsel vm1, $0x1E83, v30;
	v31 =	vsel vm1, $0x1F03, v31  }
0x152: {  	v32 =	vsel vm1, $0x1F83, v32;
	v33 =	vsel vm1, $0x1803, v33;
	v34 =	vsel vm1, $0x1883, v34  }
0x153: {  	v35 =	vsel vm1, $0x1903, v35;
	v36 =	vsel vm1, $0x1983, v36;
	v0 =	vsel vm3, $0x885, v0  }
0x154: {  	v1 =	vsel vm3, $0x905, v1;
	v2 =	vsel vm2, $0x904, v2;
	v0 =	vsel vm0, $0x906, v0  }
0x155: {  	v3 =	vsel vm2, $0x984, v3;
	v2 =	vsel vm3, $0x985, v2;
	[tilespmem:$0x1FBF0] =	vst v0;
	v0 =	vsel vm0, $0x986, v1  }
0x156: {  	v4 =	vsel vm2, $0xA04, v4;
	v3 =	vsel vm3, $0xA05, v3;
	[tilespmem:$0x1FC00] =	vst v0;
	v0 =	vsel vm0, $0xA06, v2  }
0x157: {  	v5 =	vsel vm2, $0xA84, v5;
	v4 =	vsel vm3, $0xA85, v4;
	[tilespmem:$0x1FC10] =	vst v0;
	v0 =	vsel vm0, $0xA86, v3  }
0x158: {  	v6 =	vsel vm2, $0xB04, v6;
	v5 =	vsel vm3, $0xB05, v5;
	[tilespmem:$0x1FC20] =	vst v0;
	v0 =	vsel vm0, $0xB06, v4  }
0x159: {  	v7 =	vsel vm2, $0xB84, v7;
	v6 =	vsel vm3, $0xB85, v6;
	[tilespmem:$0x1FC30] =	vst v0;
	v0 =	vsel vm0, $0xB86, v5  }
0x15a: {  	v8 =	vsel vm2, $0xC04, v8;
	v7 =	vsel vm3, $0xC05, v7;
	[tilespmem:$0x1FC40] =	vst v0;
	v0 =	vsel vm0, $0xC06, v6  }
0x15b: {  	v9 =	vsel vm2, $0xC84, v9;
	v8 =	vsel vm3, $0xC85, v8;
	[tilespmem:$0x1FC50] =	vst v0;
	v0 =	vsel vm0, $0xC86, v7  }
0x15c: {  	v10 =	vsel vm2, $0xD04, v10;
	v9 =	vsel vm3, $0xD05, v9;
	[tilespmem:$0x1FC60] =	vst v0;
	v0 =	vsel vm0, $0xD06, v8  }
0x15d: {  	v11 =	vsel vm2, $0xD84, v11;
	v10 =	vsel vm3, $0xD85, v10;
	[tilespmem:$0x1FC70] =	vst v0;
	v0 =	vsel vm0, $0xD86, v9  }
0x15e: {  	v12 =	vsel vm2, $0x1604, v12;
	v11 =	vsel vm3, $0xE05, v11;
	[tilespmem:$0x1FC80] =	vst v0;
	v0 =	vsel vm0, $0xE06, v10  }
0x15f: {  	v13 =	vsel vm2, $0x1684, v13;
	v12 =	vsel vm3, $0x1685, v12;
	[tilespmem:$0x1FC90] =	vst v0;
	v0 =	vsel vm0, $0xE86, v11  }
0x160: {  	v14 =	vsel vm2, $0x1704, v14;
	v13 =	vsel vm3, $0x1705, v13;
	[tilespmem:$0x1FCA0] =	vst v0;
	v0 =	vsel vm0, $0x1706, v12  }
0x161: {  	v15 =	vsel vm2, $0x1784, v15;
	v14 =	vsel vm3, $0x1785, v14;
	[tilespmem:$0x1FCB0] =	vst v0;
	v0 =	vsel vm0, $0x1786, v13  }
0x162: {  	v16 =	vsel vm2, $0x1004, v16;
	v15 =	vsel vm3, $0x1005, v15;
	[tilespmem:$0x1FCC0] =	vst v0;
	v0 =	vsel vm0, $0x1006, v14  }
0x163: {  	v17 =	vsel vm2, $0x1084, v17;
	v16 =	vsel vm3, $0x1085, v16;
	[tilespmem:$0x1FCD0] =	vst v0;
	v0 =	vsel vm0, $0x1086, v15  }
0x164: {  	v18 =	vsel vm2, $0x1104, v18;
	v17 =	vsel vm3, $0x1105, v17;
	[tilespmem:$0x1FCE0] =	vst v0;
	v0 =	vsel vm0, $0x1106, v16  }
0x165: {  	v19 =	vsel vm2, $0x1184, v19;
	v18 =	vsel vm3, $0x1185, v18;
	[tilespmem:$0x1FCF0] =	vst v0;
	v0 =	vsel vm0, $0x1186, v17  }
0x166: {  	v20 =	vsel vm2, $0x1204, v20;
	v19 =	vsel vm3, $0x1205, v19;
	[tilespmem:$0x1FD00] =	vst v0;
	v0 =	vsel vm0, $0x1206, v18  }
0x167: {  	v21 =	vsel vm2, $0x1284, v21;
	v20 =	vsel vm3, $0x1285, v20;
	[tilespmem:$0x1FD10] =	vst v0;
	v0 =	vsel vm0, $0x1286, v19  }
0x168: {  	v22 =	vsel vm2, $0x1304, v22;
	v21 =	vsel vm3, $0x1305, v21;
	[tilespmem:$0x1FD20] =	vst v0;
	v0 =	vsel vm0, $0x1306, v20  }
0x169: {  	v23 =	vsel vm2, $0x1384, v23;
	v22 =	vsel vm3, $0x1385, v22;
	[tilespmem:$0x1FD30] =	vst v0;
	v0 =	vsel vm0, $0x1386, v21  }
0x16a: {  	v24 =	vsel vm2, $0x1404, v24;
	v23 =	vsel vm3, $0x1405, v23;
	[tilespmem:$0x1FD40] =	vst v0;
	v0 =	vsel vm0, $0x1406, v22  }
0x16b: {  	v25 =	vsel vm2, $0x1484, v25;
	v24 =	vsel vm3, $0x1485, v24;
	[tilespmem:$0x1FD50] =	vst v0;
	v0 =	vsel vm0, $0x1486, v23  }
0x16c: {  	v26 =	vsel vm2, $0x1504, v26;
	v25 =	vsel vm3, $0x1505, v25;
	[tilespmem:$0x1FD60] =	vst v0;
	v0 =	vsel vm0, $0x1506, v24  }
0x16d: {  	v27 =	vsel vm2, $0x1584, v27;
	v26 =	vsel vm3, $0x1585, v26;
	[tilespmem:$0x1FD70] =	vst v0;
	v0 =	vsel vm0, $0x1586, v25  }
0x16e: {  	v28 =	vsel vm2, $0x1E04, v28;
	v27 =	vsel vm3, $0x1605, v27;
	[tilespmem:$0x1FD80] =	vst v0;
	v0 =	vsel vm0, $0x1606, v26  }
0x16f: {  	v29 =	vsel vm2, $0x1E84, v29;
	v28 =	vsel vm3, $0x1E85, v28;
	[tilespmem:$0x1FD90] =	vst v0;
	v0 =	vsel vm0, $0x1686, v27  }
0x170: {  	v30 =	vsel vm2, $0x1F04, v30;
	v29 =	vsel vm3, $0x1F05, v29;
	[tilespmem:$0x1FDA0] =	vst v0;
	v0 =	vsel vm0, $0x1F06, v28  }
0x171: {  	v31 =	vsel vm2, $0x1F84, v31;
	v30 =	vsel vm3, $0x1F85, v30;
	[tilespmem:$0x1FDB0] =	vst v0;
	v0 =	vsel vm0, $0x1F86, v29  }
0x172: {  	v32 =	vsel vm2, $0x1804, v32;
	v31 =	vsel vm3, $0x1805, v31;
	[tilespmem:$0x1FDC0] =	vst v0;
	v0 =	vsel vm0, $0x1806, v30  }
0x173: {  	v33 =	vsel vm2, $0x1884, v33;
	v32 =	vsel vm3, $0x1885, v32;
	[tilespmem:$0x1FDD0] =	vst v0;
	v0 =	vsel vm0, $0x1886, v31  }
0x174: {  	v34 =	vsel vm2, $0x1904, v34;
	v33 =	vsel vm3, $0x1905, v33;
	[tilespmem:$0x1FDE0] =	vst v0;
	v0 =	vsel vm0, $0x1906, v32  }
0x175: {  	v35 =	vsel vm2, $0x1984, v35;
	v34 =	vsel vm3, $0x1985, v34;
	[tilespmem:$0x1FDF0] =	vst v0;
	v0 =	vsel vm0, $0x1986, v33  }
0x176: {  	v36 =	vsel vm2, $0x1A04, v36;
	v35 =	vsel vm3, $0x1A05, v35;
	[tilespmem:$0x1FE00] =	vst v0;
	v0 =	vsel vm0, $0x1A06, v34  }
0x177: {  	v38 =	vsel vm1, $0x1A83, v38;
	v36 =	vsel vm3, $0x1A85, v36;
	[tilespmem:$0x1FE10] =	vst v0;
	v0 =	vsel vm0, $0x1A86, v35  }
0x178: {  	v40 =	vsel vm2, $0x1C04, v40;
	v48 =	vunpack.c.0.s8.s32 v63;
	[tilespmem:$0x1FE20] =	vst v0;
	v0 =	vsel vm0, $0x1B06, v36  }
0x179: {  	v38 =	vsel vm2, $0x1B04, v38;
	v40 =	vsel vm3, $0x1C85, v40;
	[tilespmem:$0x1FE30] =	vst v0;
	v0 =	vimm.s32 $0x2C2B2A29  }
0x17a: {  	v38 =	vsel vm3, $0x1B85, v38;
	v35 =	vunpack.c.0.s8.s32 v0;
	v0 =	vimm.s32 $0x202F2E2D  }
0x17b: {  	v1 =	vimm.s32 $0x24232221;
	v28 =	vmovc v59;
	v59 =	vunpack.c.0.s8.s32 v0;
	v0 =	vimm.s32 $0x28272625  }
0x17c: {  	v10 =	vmovc v54;
	v54 =	vunpack.c.0.s8.s32 v1;
	v13 =	vmovc v57;
	v57 =	vunpack.c.0.s8.s32 v0;
	v0 =	vimm.s32 $0x2D2C2B2A  }
0x17d: {  	v1 =	vimm.s32 $0x21202F2E;
	v61 =	vunpack.c.0.s8.s32 v0;
	v0 =	vimm.s32 $0x25242322  }
0x17e: {  	v17 =	vsel vm0, $0x1C06, v38;
	v31 =	vunpack.c.0.s8.s32 v0;
	v0 =	vimm.s32 $0x29282726  }
0x17f: {  	v25 =	vsel vm0, $0x1D06, v40;
	v33 =	vunpack.c.0.s8.s32 v0;
	v0 =	vimm.s32 $0x2221202F  }
0x180: {  	v26 =	vsel vm0, $0x1E06, v46;
	v38 =	vunpack.c.0.s8.s32 v0;
	v0 =	vimm.s32 $0x26252423  }
0x181: {  	v34 =	vunpack.c.0.s8.s32 v1;
	v46 =	vunpack.c.0.s8.s32 v0;
	v0 =	vimm.s32 $0x2F2E2D2C  }
0x182: {  	v12 =	vmovc v56;
	v1 =	vimm.s32 $0x2E2D2C2B;
	v56 =	vunpack.c.0.s8.s32 v0;
	v0 =	vimm.s32 $0x23222120  }
0x183: {  	v36 =	vunpack.c.0.s8.s32 v1;
	v60 =	vunpack.c.0.s8.s32 v0;
	v0 =	vimm.s32 $0x2B2A2928  }
0x184: {  	v1 =	vimm.s32 $0x2A292827;
	v63 =	vunpack.c.0.s8.s32 v0;
	v0 =	vimm.s32 $0x3C3B3A39  }
0x185: {  	v40 =	vunpack.c.0.s8.s32 v1;
	v1 =	vimm.s32 $0x27262524;
	v0 =	vunpack.c.0.s8.s32 v0  }
0x186: {  	v47 =	vunpack.c.0.s8.s32 v62;
	v62 =	vunpack.c.0.s8.s32 v1;
	v1 =	vimm.s32 $0x303F3E3D  }
0x187: {  	[tilespmem:$0x1FE40] =	vst v0;
	v0 =	vunpack.c.0.s8.s32 v1;
	_ =	sdelay $0x1  }
0x188: {  	[tilespmem:$0x1FE50] =	vst v0;
	v0 =	vimm.s32 $0x34333231  }
0x189: {  	v0 =	vunpack.c.0.s8.s32 v0;
	_ =	sdelay $0x1  }
0x18a: {  	[tilespmem:$0x1FE60] =	vst v0;
	v0 =	vimm.s32 $0x38373635  }
0x18b: {  	v0 =	vunpack.c.0.s8.s32 v0  }
0x18c: {  	v1 =	vimm.s32 $0x3D3C3B3A  }
0x18d: {  	[tilespmem:$0x1FE70] =	vst v0;
	v0 =	vunpack.c.0.s8.s32 v1;
	_ =	sdelay $0x1  }
0x18e: {  	s0 =	rddreg [dreg:$0x0];
	v39 =	vsel vm1, $0x1B03, v39;
	[tilespmem:$0x1FE80] =	vst v0;
	v0 =	vimm.s32 $0x31303F3E  }
0x18f: {  	s1 =	rddreg [dreg:$0x1];
	s4 =	simm.s32 $0x0;
	v39 =	vsel vm2, $0x1B84, v39;
	v0 =	vunpack.c.0.s8.s32 v0  }
0x190: {  	[smem:$0x7FF] =	sst s4;
	v39 =	vsel vm3, $0x1C05, v39  }
0x191: {  	s2 =	rddreg [dreg:$0x2];
	v15 =	vsel vm0, $0x1E86, v51;
	_ =	strace $0x80000047;
	[tilespmem:$0x1FE90] =	vst v0;
	v0 =	vimm.s32 $0x35343332  }
0x192: {  	v24 =	vsel vm0, $0x1C86, v39;
	[tilespmem:$0x1FF30] =	vst v15;
	v0 =	vunpack.c.0.s8.s32 v0  }
0x193: {  	v1 =	vimm.s32 $0x39383736;
	[tilespmem:$0x1FF40] =	vst v24  }
0x194: {  	[tilespmem:$0x1FEA0] =	vst v0;
	v0 =	vunpack.c.0.s8.s32 v1  }
0x195: {  	[tilespmem:$0x1FF50] =	vst v17  }
0x196: {  	[tilespmem:$0x1FEB0] =	vst v0;
	v0 =	vimm.s32 $0x3E3D3C3B  }
0x197: {  	[tilespmem:$0x1FF60] =	vst v45;
	v0 =	vunpack.c.0.s8.s32 v0  }
0x198: {  	v41 =	vsel vm2, $0x1C84, v41;
	[tilespmem:$0x1FF80] =	vst v13  }
0x199: {  	v41 =	vsel vm3, $0x1D05, v41;
	[tilespmem:$0x1FEC0] =	vst v0;
	v0 =	vimm.s32 $0x3231303F  }
0x19a: {  	v29 =	vsel vm0, $0x1D86, v41;
	[tilespmem:$0x1FF90] =	vst v25;
	v0 =	vunpack.c.0.s8.s32 v0  }
0x19b: {  	[tilespmem:$0x1FFA0] =	vst v29;
	v1 =	vimm.s32 $0x36353433  }
0x19c: {  	[tilespmem:$0x1FED0] =	vst v0;
	v0 =	vunpack.c.0.s8.s32 v1  }
0x19d: {  	s3 =	srdreg.scid;
	s15 =	simm.s32 $0x400;
	v2 =	vimm.s32 $0x3A393837;
	[tilespmem:$0x1FFB0] =	vst v26  }
0x19e: {  	s16 =	simm.s32 $0x8000;
	s18 =	simm.s32 $0x8400;
	s19 =	simm.s32 $0xA400;
	[tilespmem:$0x1FEE0] =	vst v0;
	v0 =	vunpack.c.0.s8.s32 v2  }
0x19f: {  	s5 =	stileid.u32;
	s12 =	simm.s32 $0x80;
	s14 =	simm.s32 $0x4;
	v49 =	vimm.s32 $0x17161514;
	v3 =	vimm.s32 $0x3F3E3D3C;
	[tilespmem:$0x1FFC0] =	vst v28  }
0x1a0: {  	s20 =	simm.s32 $0xE400;
	s21 =	simm.s32 $0x10400;
	s22 =	simm.s32 $0x100;
	v50 =	vimm.s32 $0x1B1A1918;
	v37 =	vsel vm1, $0x1A03, v37;
	[tilespmem:$0x1FEF0] =	vst v0;
	v0 =	vunpack.c.0.s8.s32 v3  }
0x1a1: {  	s23 =	simm.s32 $0x12400;
	s24 =	simm.s32 $0x1;
	s25 =	simm.s32 $0x2;
	v49 =	vunpack.c.0.s8.s32 v49;
	v37 =	vsel vm2, $0x1A84, v37;
	v4 =	vimm.s32 $0x33323130;
	[tilespmem:$0x1FFD0] =	vst v52  }
0x1a2: {  	s26 =	simm.s32 $0x3;
	s3 =	sand.u32 $0x1, s3;
	s5 =	sshll.u32 s5, $0x1;
	v37 =	vsel vm3, $0x1B05, v37;
	v5 =	vimm.s32 $0x37363534;
	[tilespmem:$0x1FF00] =	vst v0;
	v0 =	vunpack.c.0.s8.s32 v4  }
0x1a3: {  	s28 =	simm.s32 $0x0;
	s8 =	sor.u32 s3, s5;
	s3 =	ssub.s32 $0x2, s3;
	v6 =	vimm.s32 $0x3B3A3938;
	v30 =	vsel vm0, $0x1B86, v37;
	vm0 =	vcmask $0x1F10;
	[tilespmem:$0x1FFF0] =	vst v34  }
0x1a4: {  	s5 =	sshll.u32 s8, $0x4;
	s6 =	sshrl.u32 s3, $0x1;
	s9 =	sshll.u32 s8, $0x7;
	v32 =	vsel vm0, v28, v58;
	v3 =	vsel vm0, v13, v12;
	[tilespmem:$0x1FF10] =	vst v0;
	v0 =	vunpack.c.0.s8.s32 v5  }
0x1a5: {  	s8 =	sshll.u32 s8, $0xA;
	s7 =	sadd.s32 s5, s1;
	s5 =	sadd.s32 $0xF42A00, s1;
	v50 =	vunpack.c.0.s8.s32 v50;
	v7 =	vunpack.c.0.s8.s32 v6;
	v22 =	vcombine.low v32, v3;
	[tilespmem:$0x1FFE0] =	vst v3  }
0x1a6: {  	s31 =	ssub.s32 s3, s6;
	s6 =	sadd.s32 s0, s9;
	s7 =	sadd.s32 $0x600, s7;
	v1 =	vsel vm0, v53, v52;
	v2 =	vsel vm0, v55, v10;
	[tilespmem:$0x1FF20] =	vst v0;
	v0 =	vlaneseq.u32  }
0x1a7: {  	s9 =	sadd.s32 $0x8000, s6;
	s10 =	sadd.s32 $0x10000, s6;
	s11 =	smax.u32 s31, $0x1;
	v9 =	vmovc v53;
	v11 =	vmovc v55;
	v14 =	vmov v58;
	v6 =	vcombine.low v2, v1;
	[tilespmem:$0x1FF70] =	vst v22;
	v5 =	vor.u32 $0x10, v0  }
.LBB2_1:
0x1a8: {  	s1 =	simm.s32 $0x1000  }
0x1a9: {  	[tilespmem:s4], [sflag:$0x4] =	stream.strided.gather [hbm4b:s7+s12], $0x6400, s1, s12, $0x38;
	[tilespmem:$0x1E400] =	vst v63  }
0x1aa: {  	_ =	swait.ge [sflag:s14], $0x6400  }
0x1ab: {  	[sflag:s14] =	ssyncset.done $0x0  }
0x1ac: {  	s31 =	simm.s32 $0x6400;
	[sflag:s14] =	ssyncadd.s32 $0xFFFF9C00  }
0x1ad: {  	[tilespmem:s31], [sflag:$0x1] =	stream.strided.gather [hbm4b:s6+s15], $0x2000, s16, s15, $0x38;
	[tilespmem:$0x1E400] =	vst v63  }
0x1ae: {  	_ = 	snop  }
0x1af: {  	[tilespmem:s18], [sflag:$0x1] =	stream.strided.gather [hbm4b:s9+s15], $0x2000, s16, s15, $0x38;
	[tilespmem:$0x1E400] =	vst v63  }
0x1b0: {  	_ = 	snop  }
0x1b1: {  	[tilespmem:s19], [sflag:$0x1] =	stream.strided.gather [hbm4b:s10+s15], $0x2000, s16, s15, $0x38;
	[tilespmem:$0x1E400] =	vst v63  }
0x1b2: {  	_ = 	snop  }
0x1b3: {  	[tilespmem:s20], [sflag:$0x2] =	stream.indirect.gather [hbm4b:s5+s12], $0x40, s4, s12, $0xb8;
	[tilespmem:$0x1E400] =	vst v63  }
0x1b4: {  	_ = 	snop  }
0x1b5: {  	[tilespmem:s21], [sflag:$0x2] =	stream.indirect.gather [hbm4b:s5+s12], $0x40, s12, s12, $0xb8;
	[tilespmem:$0x1E400] =	vst v63  }
0x1b6: {  	s29 =	simm.s32 $0x0  }
0x1b7: {  	[tilespmem:s23], [sflag:$0x2] =	stream.indirect.gather [hbm4b:s5+s12], $0x40, s22, s12, $0xb8;
	[tilespmem:$0x1E400] =	vst v63  }
.LBB2_2:
0x1b8: {  	p0 =	sgt.u32 s29, $0xC4  }
0x1b9: {  	s1 =	sadd.s32 @!p0 $0x3, s29  }
0x1ba: {  	s3 =	sshll.u32 @!p0 s1, $0x12  }
0x1bb: {  	s13 =	simm.s32 @!p0 $0x400;
	s30 =	sshll.u32 @!p0 s1, $0xD;
	s3 =	sor.u32 @!p0 s8, s3  }
0x1bc: {  	s17 =	simm.s32 @!p0 $0x8000;
	s30 =	sand.u32 @!p0 $0x6000, s30;
	s3 =	sshrl.u32 @!p0 s3, $0x3  }
0x1bd: {  	s1 =	sshll.u32 @!p0 s1, $0x7;
	s31 =	sadd.s32 @!p0 $0x6400, s30;
	s3 =	sadd.s32 @!p0 s0, s3  }
0x1be: {  	[tilespmem:s31], [sflag:$0x1] =	stream.strided.gather @!p0 [hbm4b:s3+s13], $0x2000, s17, s13, $0x38;
	[tilespmem:$0x1E400] =	vst v63  }
0x1bf: {  	s1 =	sand.u32 @!p0 $0x3FFFFF80, s1;
	s3 =	sadd.s32 @!p0 $0xE400, s30;
	s13 =	simm.s32 @!p0 $0x80  }
0x1c0: {  	[tilespmem:s3], [sflag:$0x2] =	stream.indirect.gather @!p0 [hbm4b:s5+s13], $0x40, s1, s13, $0xb8;
	[tilespmem:$0x1E400] =	vst v63  }
0x1c1: {  	_ =	swait.ge [sflag:s24], $0x2000  }
0x1c2: {  	[sflag:s24] =	ssyncset.done $0x0  }
0x1c3: {  	[sflag:s24] =	ssyncadd.s32 $0xFFFFE000  }
0x1c4: {  	_ =	swait.ge [sflag:s25], $0x2000  }
0x1c5: {  	p0 =	slt.u32 s29, $0x4;
	[sflag:s25] =	ssyncset.done $0x0  }
0x1c6: {  	s17 =	sshll.u32 s29, $0xD;
	s1 =	simm.s32 @!p0 $0x3;
	[sflag:s25] =	ssyncadd.s32 $0xFFFFE000  }
0x1c7: {  	s3 =	sand.u32 $0x6000, s17;
	_ =	swait.ge @!p0 [sflag:s1], $0x2000  }
0x1c8: {  	s31 =	sadd.s32 $0x6400, s3;
	s30 =	sadd.s32 $0x16400, s3;
	[sflag:s1] =	ssyncset.done @!p0 $0x0  }
0x1c9: {  	[sflag:s1] =	ssyncadd.s32 @!p0 $0xFFFFE000;
	s1 =	sadd.s32 $0xE400, s3;
	s3 =	simm.s32 $0x0  }
.LBB2_3:
0x1ca: {  	v18 =	vld [tilespmem:$0x1F9C0];
	_ =	sdelay $0x1  }
0x1cb: {  	v16 =	vor.u32 s3, v0  }
0x1cc: {  	v15 =	vshll.u32 v16, $0x6  }
0x1cd: {  	v16 =	vand.u32 $0x78, v16;
	v17 =	vor.u32 v0, v15  }
0x1ce: {  	v18 =	vor.u32 v18, v16;
	_ =	sdelay $0x1  }
0x1cf: {  	v20 =	vld [tilespmem:$0x1F9D0]  }
0x1d0: {  	v21 =	vld [tilespmem:$0x1F9E0]  }
0x1d1: {  	v17 =	vld.idx.msk [tilespmem:v17+s1+$0x0], $0xffff  }
0x1d2: {  	v19 =	vld.idx.msk [tilespmem:v18+s31+$0x0], $0xffff;
	_ =	sdelay $0x2  }
0x1d3: {  	v20 =	vor.u32 v20, v15;
	_ =	sdelay $0x1  }
0x1d4: {  	v21 =	vor.u32 v21, v16;
	v17 =	vadd.f32 v19, v17;
	_ =	sdelay $0x1  }
0x1d5: {  	v25 =	vld [tilespmem:$0x1F9F0];
	[tilespmem:v18+s30+$0x0] =	vst.idx.msk $0xffff, v17  }
0x1d6: {  	v17 =	vld.idx.msk [tilespmem:v20+s1+$0x0], $0xffff  }
0x1d7: {  	v20 =	vld [tilespmem:$0x1FA00]  }
0x1d8: {  	v18 =	vld.idx.msk [tilespmem:v21+s31+$0x0], $0xffff;
	_ =	sdelay $0x2  }
0x1d9: {  	v19 =	vor.u32 v25, v15  }
0x1da: {  	v20 =	vor.u32 v20, v16  }
0x1db: {  	v17 =	vadd.f32 v18, v17  }
0x1dc: {  	v37 =	vld [tilespmem:$0x1FA10]  }
0x1dd: {  	[tilespmem:v21+s30+$0x0] =	vst.idx.msk $0xffff, v17;
	v21 =	vld [tilespmem:$0x1FA20]  }
0x1de: {  	v17 =	vld.idx.msk [tilespmem:v19+s1+$0x0], $0xffff  }
0x1df: {  	v26 =	vld.idx.msk [tilespmem:v20+s31+$0x0], $0xffff;
	_ =	sdelay $0x2  }
0x1e0: {  	v19 =	vor.u32 v37, v15  }
0x1e1: {  	v21 =	vor.u32 v21, v16  }
0x1e2: {  	v17 =	vadd.f32 v26, v17  }
0x1e3: {  	v41 =	vld [tilespmem:$0x1FA30]  }
0x1e4: {  	[tilespmem:v20+s30+$0x0] =	vst.idx.msk $0xffff, v17;
	v20 =	vld [tilespmem:$0x1FA40]  }
0x1e5: {  	v17 =	vld.idx.msk [tilespmem:v19+s1+$0x0], $0xffff  }
0x1e6: {  	v39 =	vld.idx.msk [tilespmem:v21+s31+$0x0], $0xffff;
	_ =	sdelay $0x2  }
0x1e7: {  	v19 =	vor.u32 v41, v15  }
0x1e8: {  	v20 =	vor.u32 v20, v16  }
0x1e9: {  	v17 =	vadd.f32 v39, v17  }
0x1ea: {  	v53 =	vld [tilespmem:$0x1FA50]  }
0x1eb: {  	[tilespmem:v21+s30+$0x0] =	vst.idx.msk $0xffff, v17;
	v21 =	vld [tilespmem:$0x1FA60]  }
0x1ec: {  	v17 =	vld.idx.msk [tilespmem:v19+s1+$0x0], $0xffff  }
0x1ed: {  	v51 =	vld.idx.msk [tilespmem:v20+s31+$0x0], $0xffff;
	_ =	sdelay $0x2  }
0x1ee: {  	v19 =	vor.u32 v53, v15  }
0x1ef: {  	v21 =	vor.u32 v21, v16  }
0x1f0: {  	v17 =	vadd.f32 v51, v17  }
0x1f1: {  	v58 =	vld [tilespmem:$0x1FA70]  }
0x1f2: {  	[tilespmem:v20+s30+$0x0] =	vst.idx.msk $0xffff, v17;
	v20 =	vld [tilespmem:$0x1FA80]  }
0x1f3: {  	v17 =	vld.idx.msk [tilespmem:v19+s1+$0x0], $0xffff  }
0x1f4: {  	v55 =	vld.idx.msk [tilespmem:v21+s31+$0x0], $0xffff;
	_ =	sdelay $0x2  }
0x1f5: {  	v19 =	vor.u32 v58, v15  }
0x1f6: {  	v20 =	vor.u32 v20, v16  }
0x1f7: {  	v17 =	vadd.f32 v55, v17  }
0x1f8: {  	v25 =	vld [tilespmem:$0x1FA90]  }
0x1f9: {  	[tilespmem:v21+s30+$0x0] =	vst.idx.msk $0xffff, v17;
	v21 =	vld [tilespmem:$0x1FAA0]  }
0x1fa: {  	v17 =	vld.idx.msk [tilespmem:v19+s1+$0x0], $0xffff  }
0x1fb: {  	v24 =	vld.idx.msk [tilespmem:v20+s31+$0x0], $0xffff;
	_ =	sdelay $0x2  }
0x1fc: {  	v19 =	vor.u32 v25, v15  }
0x1fd: {  	v21 =	vor.u32 v21, v16  }
0x1fe: {  	v17 =	vadd.f32 v24, v17  }
0x1ff: {  	v37 =	vld [tilespmem:$0x1FAB0]  }
0x200: {  	[tilespmem:v20+s30+$0x0] =	vst.idx.msk $0xffff, v17;
	v20 =	vld [tilespmem:$0x1FAC0]  }
0x201: {  	v17 =	vld.idx.msk [tilespmem:v19+s1+$0x0], $0xffff  }
0x202: {  	v26 =	vld.idx.msk [tilespmem:v21+s31+$0x0], $0xffff;
	_ =	sdelay $0x2  }
0x203: {  	v19 =	vor.u32 v37, v15  }
0x204: {  	v20 =	vor.u32 v20, v16  }
0x205: {  	v17 =	vadd.f32 v26, v17  }
0x206: {  	v41 =	vld [tilespmem:$0x1FAD0]  }
0x207: {  	[tilespmem:v21+s30+$0x0] =	vst.idx.msk $0xffff, v17;
	v21 =	vld [tilespmem:$0x1FAE0]  }
0x208: {  	v17 =	vld.idx.msk [tilespmem:v19+s1+$0x0], $0xffff  }
0x209: {  	v39 =	vld.idx.msk [tilespmem:v20+s31+$0x0], $0xffff;
	_ =	sdelay $0x2  }
0x20a: {  	v19 =	vor.u32 v41, v15  }
0x20b: {  	v21 =	vor.u32 v21, v16  }
0x20c: {  	v17 =	vadd.f32 v39, v17  }
0x20d: {  	v53 =	vld [tilespmem:$0x1FAF0]  }
0x20e: {  	[tilespmem:v20+s30+$0x0] =	vst.idx.msk $0xffff, v17;
	v20 =	vld [tilespmem:$0x1FB00]  }
0x20f: {  	v17 =	vld.idx.msk [tilespmem:v19+s1+$0x0], $0xffff  }
0x210: {  	v51 =	vld.idx.msk [tilespmem:v21+s31+$0x0], $0xffff;
	_ =	sdelay $0x2  }
0x211: {  	v19 =	vor.u32 v53, v15  }
0x212: {  	v20 =	vor.u32 v20, v16  }
0x213: {  	v17 =	vadd.f32 v51, v17  }
0x214: {  	v58 =	vld [tilespmem:$0x1FB10]  }
0x215: {  	[tilespmem:v21+s30+$0x0] =	vst.idx.msk $0xffff, v17;
	v21 =	vld [tilespmem:$0x1FB20]  }
0x216: {  	v17 =	vld.idx.msk [tilespmem:v19+s1+$0x0], $0xffff  }
0x217: {  	v55 =	vld.idx.msk [tilespmem:v20+s31+$0x0], $0xffff;
	_ =	sdelay $0x2  }
0x218: {  	v19 =	vor.u32 v58, v15  }
0x219: {  	v21 =	vor.u32 v21, v16  }
0x21a: {  	v17 =	vadd.f32 v55, v17  }
0x21b: {  	v25 =	vld [tilespmem:$0x1FB30]  }
0x21c: {  	[tilespmem:v20+s30+$0x0] =	vst.idx.msk $0xffff, v17;
	v20 =	vld [tilespmem:$0x1FB40]  }
0x21d: {  	v17 =	vld.idx.msk [tilespmem:v19+s1+$0x0], $0xffff  }
0x21e: {  	v24 =	vld.idx.msk [tilespmem:v21+s31+$0x0], $0xffff;
	_ =	sdelay $0x2  }
0x21f: {  	v19 =	vor.u32 v25, v15  }
0x220: {  	v20 =	vor.u32 v20, v16  }
0x221: {  	v17 =	vadd.f32 v24, v17  }
0x222: {  	v37 =	vld [tilespmem:$0x1FB50]  }
0x223: {  	[tilespmem:v21+s30+$0x0] =	vst.idx.msk $0xffff, v17;
	v21 =	vld [tilespmem:$0x1FB60]  }
0x224: {  	v17 =	vld.idx.msk [tilespmem:v19+s1+$0x0], $0xffff  }
0x225: {  	v26 =	vld.idx.msk [tilespmem:v20+s31+$0x0], $0xffff;
	_ =	sdelay $0x2  }
0x226: {  	v19 =	vor.u32 v37, v15  }
0x227: {  	v21 =	vor.u32 v21, v16  }
0x228: {  	v17 =	vadd.f32 v26, v17  }
0x229: {  	v41 =	vld [tilespmem:$0x1FB70]  }
0x22a: {  	[tilespmem:v20+s30+$0x0] =	vst.idx.msk $0xffff, v17;
	v20 =	vld [tilespmem:$0x1FB80]  }
0x22b: {  	v17 =	vld.idx.msk [tilespmem:v19+s1+$0x0], $0xffff  }
0x22c: {  	v39 =	vld.idx.msk [tilespmem:v21+s31+$0x0], $0xffff;
	_ =	sdelay $0x2  }
0x22d: {  	v19 =	vor.u32 v41, v15  }
0x22e: {  	v20 =	vor.u32 v20, v16  }
0x22f: {  	v17 =	vadd.f32 v39, v17  }
0x230: {  	v53 =	vld [tilespmem:$0x1FB90]  }
0x231: {  	[tilespmem:v21+s30+$0x0] =	vst.idx.msk $0xffff, v17;
	v21 =	vld [tilespmem:$0x1FBA0]  }
0x232: {  	v17 =	vld.idx.msk [tilespmem:v19+s1+$0x0], $0xffff  }
0x233: {  	v51 =	vld.idx.msk [tilespmem:v20+s31+$0x0], $0xffff;
	_ =	sdelay $0x2  }
0x234: {  	v19 =	vor.u32 v53, v15  }
0x235: {  	v21 =	vor.u32 v21, v16  }
0x236: {  	v17 =	vadd.f32 v51, v17;
	_ =	sdelay $0x1  }
0x237: {  	[tilespmem:v20+s30+$0x0] =	vst.idx.msk $0xffff, v17;
	v20 =	vld [tilespmem:$0x1FBB0]  }
0x238: {  	v17 =	vld.idx.msk [tilespmem:v19+s1+$0x0], $0xffff  }
0x239: {  	v55 =	vld.idx.msk [tilespmem:v21+s31+$0x0], $0xffff;
	_ =	sdelay $0x2  }
0x23a: {  	v58 =	vor.u32 v5, v15  }
0x23b: {  	v20 =	vor.u32 v20, v16  }
0x23c: {  	v17 =	vadd.f32 v55, v17;
	_ =	sdelay $0x1  }
0x23d: {  	[tilespmem:v21+s30+$0x0] =	vst.idx.msk $0xffff, v17;
	v21 =	vld [tilespmem:$0x1FBC0]  }
0x23e: {  	v17 =	vld.idx.msk [tilespmem:v58+s1+$0x0], $0xffff  }
0x23f: {  	v24 =	vld.idx.msk [tilespmem:v20+s31+$0x0], $0xffff;
	_ =	sdelay $0x2  }
0x240: {  	v25 =	vor.u32 v6, v15  }
0x241: {  	v21 =	vor.u32 v21, v16  }
0x242: {  	v17 =	vadd.f32 v24, v17;
	_ =	sdelay $0x1  }
0x243: {  	[tilespmem:v20+s30+$0x0] =	vst.idx.msk $0xffff, v17;
	v20 =	vld [tilespmem:$0x1FBD0]  }
0x244: {  	v17 =	vld.idx.msk [tilespmem:v25+s1+$0x0], $0xffff  }
0x245: {  	v26 =	vld.idx.msk [tilespmem:v21+s31+$0x0], $0xffff;
	_ =	sdelay $0x2  }
0x246: {  	v37 =	vor.u32 v22, v15  }
0x247: {  	v20 =	vor.u32 v20, v16  }
0x248: {  	v17 =	vadd.f32 v26, v17;
	_ =	sdelay $0x1  }
0x249: {  	v23 =	vld [tilespmem:$0x1FBE0];
	[tilespmem:v21+s30+$0x0] =	vst.idx.msk $0xffff, v17  }
0x24a: {  	v17 =	vld.idx.msk [tilespmem:v37+s1+$0x0], $0xffff  }
0x24b: {  	v19 =	vsel vm0, v43, v42;
	v21 =	vsel vm0, v45, v44;
	v39 =	vld.idx.msk [tilespmem:v20+s31+$0x0], $0xffff  }
0x24c: {  	v22 =	vcombine.low v21, v19;
	_ =	sdelay $0x1  }
0x24d: {  	v22 =	vor.u32 v22, v15  }
0x24e: {  	v23 =	vor.u32 v23, v16  }
0x24f: {  	v17 =	vadd.f32 v39, v17;
	_ =	sdelay $0x1  }
0x250: {  	v25 =	vld [tilespmem:$0x1FBF0];
	[tilespmem:v20+s30+$0x0] =	vst.idx.msk $0xffff, v17  }
0x251: {  	v17 =	vld.idx.msk [tilespmem:v22+s1+$0x0], $0xffff  }
0x252: {  	v20 =	vsel vm0, v48, v47;
	v41 =	vld.idx.msk [tilespmem:v23+s31+$0x0], $0xffff;
	v22 =	vsel vm0, v50, v49  }
0x253: {  	v24 =	vcombine.low v22, v20;
	_ =	sdelay $0x1  }
0x254: {  	v24 =	vor.u32 v24, v15  }
0x255: {  	v25 =	vor.u32 v25, v16  }
0x256: {  	v17 =	vadd.f32 v41, v17;
	_ =	sdelay $0x1  }
0x257: {  	v27 =	vld [tilespmem:$0x1FC00];
	[tilespmem:v23+s30+$0x0] =	vst.idx.msk $0xffff, v17  }
0x258: {  	v17 =	vld.idx.msk [tilespmem:v24+s1+$0x0], $0xffff  }
0x259: {  	v23 =	vsel vm0, v10, v9;
	v51 =	vld.idx.msk [tilespmem:v25+s31+$0x0], $0xffff;
	v24 =	vsel vm0, v52, v11  }
0x25a: {  	v26 =	vcombine.low v24, v23;
	_ =	sdelay $0x1  }
0x25b: {  	v26 =	vor.u32 v26, v15  }
0x25c: {  	v27 =	vor.u32 v27, v16  }
0x25d: {  	v17 =	vadd.f32 v51, v17;
	_ =	sdelay $0x1  }
0x25e: {  	v29 =	vld [tilespmem:$0x1FC10];
	[tilespmem:v25+s30+$0x0] =	vst.idx.msk $0xffff, v17  }
0x25f: {  	v17 =	vld.idx.msk [tilespmem:v26+s1+$0x0], $0xffff  }
0x260: {  	v25 =	vsel vm0, v14, v13;
	v53 =	vld.idx.msk [tilespmem:v27+s31+$0x0], $0xffff;
	v26 =	vsel vm0, v12, v28  }
0x261: {  	v28 =	vcombine.low v26, v25;
	_ =	sdelay $0x1  }
0x262: {  	v28 =	vor.u32 v28, v15  }
0x263: {  	v29 =	vor.u32 v29, v16  }
0x264: {  	v17 =	vadd.f32 v53, v17;
	_ =	sdelay $0x1  }
0x265: {  	v8 =	vld [tilespmem:$0x1FC20];
	[tilespmem:v27+s30+$0x0] =	vst.idx.msk $0xffff, v17  }
0x266: {  	v17 =	vld.idx.msk [tilespmem:v28+s1+$0x0], $0xffff  }
0x267: {  	v27 =	vsel vm0, v44, v43;
	v55 =	vld.idx.msk [tilespmem:v29+s31+$0x0], $0xffff;
	v28 =	vsel vm0, v42, v45  }
0x268: {  	v41 =	vmov v30;
	v30 =	vcombine.low v28, v27;
	_ =	sdelay $0x1  }
0x269: {  	v30 =	vor.u32 v30, v15  }
0x26a: {  	v8 =	vor.u32 v8, v16  }
0x26b: {  	v17 =	vadd.f32 v55, v17;
	_ =	sdelay $0x1  }
0x26c: {  	v13 =	vld [tilespmem:$0x1FC30];
	[tilespmem:v29+s30+$0x0] =	vst.idx.msk $0xffff, v17  }
0x26d: {  	v17 =	vld.idx.msk [tilespmem:v30+s1+$0x0], $0xffff  }
0x26e: {  	v29 =	vsel vm0, v49, v48;
	v58 =	vld.idx.msk [tilespmem:v8+s31+$0x0], $0xffff;
	v30 =	vsel vm0, v47, v50  }
0x26f: {  	v29 =	vcombine.low v30, v29;
	_ =	sdelay $0x1  }
0x270: {  	v29 =	vor.u32 v29, v15  }
0x271: {  	v30 =	vor.u32 v13, v16  }
0x272: {  	v17 =	vadd.f32 v58, v17;
	_ =	sdelay $0x1  }
0x273: {  	v13 =	vld [tilespmem:$0x1FC40];
	[tilespmem:v8+s30+$0x0] =	vst.idx.msk $0xffff, v17  }
0x274: {  	v8 =	vld.idx.msk [tilespmem:v29+s1+$0x0], $0xffff  }
0x275: {  	v17 =	vld.idx.msk [tilespmem:v30+s31+$0x0], $0xffff  }
0x276: {  	v37 =	vcombine.low v1, v2;
	_ =	sdelay $0x1  }
0x277: {  	v18 =	vor.u32 v37, v15  }
0x278: {  	v29 =	vor.u32 v13, v16  }
0x279: {  	v8 =	vadd.f32 v17, v8;
	_ =	sdelay $0x1  }
0x27a: {  	v13 =	vld [tilespmem:$0x1FC50];
	[tilespmem:v30+s30+$0x0] =	vst.idx.msk $0xffff, v8  }
0x27b: {  	v8 =	vld.idx.msk [tilespmem:v18+s1+$0x0], $0xffff  }
0x27c: {  	v39 =	vld.idx.msk [tilespmem:v29+s31+$0x0], $0xffff  }
0x27d: {  	v45 =	vcombine.low v3, v32;
	_ =	sdelay $0x1  }
0x27e: {  	v18 =	vor.u32 v45, v15  }
0x27f: {  	v30 =	vor.u32 v13, v16  }
0x280: {  	v8 =	vadd.f32 v39, v8;
	_ =	sdelay $0x1  }
0x281: {  	v13 =	vld [tilespmem:$0x1FC60];
	[tilespmem:v29+s30+$0x0] =	vst.idx.msk $0xffff, v8  }
0x282: {  	v8 =	vld.idx.msk [tilespmem:v18+s1+$0x0], $0xffff  }
0x283: {  	v51 =	vld.idx.msk [tilespmem:v30+s31+$0x0], $0xffff  }
0x284: {  	v52 =	vcombine.low v19, v21;
	_ =	sdelay $0x1  }
0x285: {  	v18 =	vor.u32 v52, v15  }
0x286: {  	v53 =	vor.u32 v13, v16  }
0x287: {  	v8 =	vadd.f32 v51, v8;
	_ =	sdelay $0x1  }
0x288: {  	v13 =	vld [tilespmem:$0x1FC70];
	[tilespmem:v30+s30+$0x0] =	vst.idx.msk $0xffff, v8  }
0x289: {  	v8 =	vld.idx.msk [tilespmem:v18+s1+$0x0], $0xffff  }
0x28a: {  	v55 =	vld.idx.msk [tilespmem:v53+s31+$0x0], $0xffff  }
0x28b: {  	v58 =	vcombine.low v20, v22;
	_ =	sdelay $0x1  }
0x28c: {  	v18 =	vor.u32 v58, v15  }
0x28d: {  	v20 =	vor.u32 v13, v16  }
0x28e: {  	v8 =	vadd.f32 v55, v8;
	_ =	sdelay $0x1  }
0x28f: {  	v13 =	vld [tilespmem:$0x1FC80];
	[tilespmem:v53+s30+$0x0] =	vst.idx.msk $0xffff, v8  }
0x290: {  	v8 =	vld.idx.msk [tilespmem:v18+s1+$0x0], $0xffff  }
0x291: {  	v37 =	vld.idx.msk [tilespmem:v20+s31+$0x0], $0xffff  }
0x292: {  	v39 =	vcombine.low v23, v24;
	_ =	sdelay $0x1  }
0x293: {  	v18 =	vor.u32 v39, v15  }
0x294: {  	v45 =	vor.u32 v13, v16  }
0x295: {  	v8 =	vadd.f32 v37, v8;
	_ =	sdelay $0x1  }
0x296: {  	v13 =	vld [tilespmem:$0x1FC90];
	[tilespmem:v20+s30+$0x0] =	vst.idx.msk $0xffff, v8  }
0x297: {  	v8 =	vld.idx.msk [tilespmem:v18+s1+$0x0], $0xffff  }
0x298: {  	v51 =	vld.idx.msk [tilespmem:v45+s31+$0x0], $0xffff  }
0x299: {  	v52 =	vcombine.low v25, v26;
	_ =	sdelay $0x1  }
0x29a: {  	v18 =	vor.u32 v52, v15  }
0x29b: {  	v20 =	vor.u32 v13, v16  }
0x29c: {  	v8 =	vadd.f32 v51, v8;
	_ =	sdelay $0x1  }
0x29d: {  	v13 =	vld [tilespmem:$0x1FCA0];
	[tilespmem:v45+s30+$0x0] =	vst.idx.msk $0xffff, v8  }
0x29e: {  	v8 =	vld.idx.msk [tilespmem:v18+s1+$0x0], $0xffff  }
0x29f: {  	v53 =	vld.idx.msk [tilespmem:v20+s31+$0x0], $0xffff  }
0x2a0: {  	v55 =	vcombine.low v27, v28;
	_ =	sdelay $0x1  }
0x2a1: {  	v18 =	vor.u32 v55, v15  }
0x2a2: {  	v58 =	vor.u32 v13, v16  }
0x2a3: {  	v8 =	vadd.f32 v53, v8;
	_ =	sdelay $0x1  }
0x2a4: {  	v25 =	vor.u32 $0x20, v0;
	v0 =	vld [tilespmem:$0x1FCB0];
	[tilespmem:v20+s30+$0x0] =	vst.idx.msk $0xffff, v8  }
0x2a5: {  	v8 =	vld.idx.msk [tilespmem:v18+s1+$0x0], $0xffff  }
0x2a6: {  	v24 =	vld.idx.msk [tilespmem:v58+s31+$0x0], $0xffff;
	_ =	sdelay $0x2  }
0x2a7: {  	v18 =	vor.u32 v25, v15  }
0x2a8: {  	v20 =	vor.u32 v0, v16  }
0x2a9: {  	v8 =	vadd.f32 v24, v8;
	_ =	sdelay $0x1  }
0x2aa: {  	v0 =	vld [tilespmem:$0x1FCC0];
	[tilespmem:v58+s30+$0x0] =	vst.idx.msk $0xffff, v8  }
0x2ab: {  	v8 =	vld.idx.msk [tilespmem:v18+s1+$0x0], $0xffff  }
0x2ac: {  	v19 =	vsel vm0, v57, v54;
	v26 =	vld.idx.msk [tilespmem:v20+s31+$0x0], $0xffff;
	v18 =	vsel vm0, v59, v35  }
0x2ad: {  	v21 =	vcombine.low v19, v18;
	_ =	sdelay $0x1  }
0x2ae: {  	v21 =	vor.u32 v21, v15  }
0x2af: {  	v22 =	vor.u32 v0, v16  }
0x2b0: {  	v8 =	vadd.f32 v26, v8;
	_ =	sdelay $0x1  }
0x2b1: {  	v0 =	vld [tilespmem:$0x1FCD0];
	[tilespmem:v20+s30+$0x0] =	vst.idx.msk $0xffff, v8  }
0x2b2: {  	v8 =	vld.idx.msk [tilespmem:v21+s1+$0x0], $0xffff  }
0x2b3: {  	v20 =	vsel vm0, v34, v61;
	v37 =	vld.idx.msk [tilespmem:v22+s31+$0x0], $0xffff;
	v21 =	vsel vm0, v33, v31  }
0x2b4: {  	v23 =	vcombine.low v21, v20;
	_ =	sdelay $0x1  }
0x2b5: {  	v23 =	vor.u32 v23, v15  }
0x2b6: {  	v39 =	vor.u32 v0, v16  }
0x2b7: {  	v8 =	vadd.f32 v37, v8;
	_ =	sdelay $0x1  }
0x2b8: {  	v0 =	vld [tilespmem:$0x1FCE0];
	[tilespmem:v22+s30+$0x0] =	vst.idx.msk $0xffff, v8  }
0x2b9: {  	v8 =	vld.idx.msk [tilespmem:v23+s1+$0x0], $0xffff  }
0x2ba: {  	v22 =	vsel vm0, v38, v36;
	v45 =	vld.idx.msk [tilespmem:v39+s31+$0x0], $0xffff;
	v23 =	vsel vm0, v40, v46  }
0x2bb: {  	v51 =	vcombine.low v23, v22;
	_ =	sdelay $0x1  }
0x2bc: {  	v25 =	vor.u32 v51, v15  }
0x2bd: {  	v52 =	vor.u32 v0, v16  }
0x2be: {  	v8 =	vadd.f32 v45, v8;
	_ =	sdelay $0x1  }
0x2bf: {  	v0 =	vld [tilespmem:$0x1FCF0];
	[tilespmem:v39+s30+$0x0] =	vst.idx.msk $0xffff, v8  }
0x2c0: {  	v8 =	vld.idx.msk [tilespmem:v25+s1+$0x0], $0xffff  }
0x2c1: {  	v24 =	vsel vm0, v60, v56;
	v53 =	vld.idx.msk [tilespmem:v52+s31+$0x0], $0xffff;
	v25 =	vsel vm0, v63, v62  }
0x2c2: {  	v27 =	vcombine.low v25, v24;
	_ =	sdelay $0x1  }
0x2c3: {  	v27 =	vor.u32 v27, v15  }
0x2c4: {  	v28 =	vor.u32 v0, v16  }
0x2c5: {  	v8 =	vadd.f32 v53, v8;
	_ =	sdelay $0x1  }
0x2c6: {  	v0 =	vld [tilespmem:$0x1FD00];
	[tilespmem:v52+s30+$0x0] =	vst.idx.msk $0xffff, v8  }
0x2c7: {  	v8 =	vld.idx.msk [tilespmem:v27+s1+$0x0], $0xffff  }
0x2c8: {  	v26 =	vsel vm0, v54, v59;
	v55 =	vld.idx.msk [tilespmem:v28+s31+$0x0], $0xffff;
	v27 =	vsel vm0, v35, v57  }
0x2c9: {  	v29 =	vcombine.low v27, v26;
	_ =	sdelay $0x1  }
0x2ca: {  	v29 =	vor.u32 v29, v15  }
0x2cb: {  	v30 =	vor.u32 v0, v16  }
0x2cc: {  	v8 =	vadd.f32 v55, v8;
	_ =	sdelay $0x1  }
0x2cd: {  	v3 =	vld [tilespmem:$0x1FD10];
	[tilespmem:v28+s30+$0x0] =	vst.idx.msk $0xffff, v8  }
0x2ce: {  	v8 =	vld.idx.msk [tilespmem:v29+s1+$0x0], $0xffff  }
0x2cf: {  	v28 =	vsel vm0, v31, v34;
	v58 =	vld.idx.msk [tilespmem:v30+s31+$0x0], $0xffff;
	v29 =	vsel vm0, v61, v33  }
0x2d0: {  	v45 =	vmov v33;
	v33 =	vmov v9;
	v9 =	vcombine.low v29, v28;
	_ =	sdelay $0x1  }
0x2d1: {  	v39 =	vmovc v47;
	v47 =	vmov v14;
	v14 =	vmov v54;
	v9 =	vor.u32 v9, v15  }
0x2d2: {  	v54 =	vmovc v35;
	v35 =	vmovc v49;
	v49 =	vmov v42;
	v42 =	vmov v10;
	v10 =	vor.u32 v3, v16  }
0x2d3: {  	v8 =	vadd.f32 v58, v8  }
0x2d4: {  	v13 =	vmov v6;
	v6 =	vmov v57;
	v55 =	vsel vm0, v46, v38  }
0x2d5: {  	v57 =	vmovc v46;
	v46 =	vmovc v38;
	v38 =	vmov v31;
	v31 =	vmov v44;
	v44 =	vmov v12;
	v12 =	vld [tilespmem:$0x1FD20];
	[tilespmem:v30+s30+$0x0] =	vst.idx.msk $0xffff, v8  }
0x2d6: {  	v8 =	vld.idx.msk [tilespmem:v9+s1+$0x0], $0xffff  }
0x2d7: {  	v3 =	vmov v40;
	v30 =	vsel vm0, v36, v40;
	v9 =	vld.idx.msk [tilespmem:v10+s31+$0x0], $0xffff  }
0x2d8: {  	v40 =	vmovc v36;
	v36 =	vmovc v50;
	v50 =	vmov v43;
	v43 =	vmov v11;
	v11 =	vcombine.low v30, v55;
	_ =	sdelay $0x1  }
0x2d9: {  	v11 =	vor.u32 v11, v15;
	_ =	sdelay $0x1  }
0x2da: {  	v12 =	vor.u32 v12, v16;
	v8 =	vadd.f32 v9, v8;
	_ =	sdelay $0x1  }
0x2db: {  	[tilespmem:v10+s30+$0x0] =	vst.idx.msk $0xffff, v8  }
0x2dc: {  	v10 =	vsel vm0, v62, v60;
	v8 =	vld.idx.msk [tilespmem:v11+s1+$0x0], $0xffff;
	v11 =	vsel vm0, v56, v63  }
0x2dd: {  	v10 =	vcombine.low v11, v10;
	v11 =	vld [tilespmem:$0x1FD30]  }
0x2de: {  	v9 =	vld.idx.msk [tilespmem:v12+s31+$0x0], $0xffff;
	_ =	sdelay $0x2  }
0x2df: {  	v10 =	vor.u32 v10, v15  }
0x2e0: {  	v11 =	vor.u32 v11, v16  }
0x2e1: {  	v8 =	vadd.f32 v9, v8;
	_ =	sdelay $0x1  }
0x2e2: {  	[tilespmem:v12+s30+$0x0] =	vst.idx.msk $0xffff, v8;
	v12 =	vld [tilespmem:$0x1FD40]  }
0x2e3: {  	v8 =	vld.idx.msk [tilespmem:v10+s1+$0x0], $0xffff  }
0x2e4: {  	v9 =	vld.idx.msk [tilespmem:v11+s31+$0x0], $0xffff  }
0x2e5: {  	v10 =	vcombine.low v18, v19;
	_ =	sdelay $0x1  }
0x2e6: {  	v10 =	vor.u32 v10, v15  }
0x2e7: {  	v12 =	vor.u32 v12, v16  }
0x2e8: {  	v8 =	vadd.f32 v9, v8;
	_ =	sdelay $0x1  }
0x2e9: {  	[tilespmem:v11+s30+$0x0] =	vst.idx.msk $0xffff, v8;
	v11 =	vld [tilespmem:$0x1FD50]  }
0x2ea: {  	v8 =	vld.idx.msk [tilespmem:v10+s1+$0x0], $0xffff  }
0x2eb: {  	v9 =	vld.idx.msk [tilespmem:v12+s31+$0x0], $0xffff  }
0x2ec: {  	v10 =	vcombine.low v20, v21;
	_ =	sdelay $0x1  }
0x2ed: {  	v10 =	vor.u32 v10, v15  }
0x2ee: {  	v11 =	vor.u32 v11, v16  }
0x2ef: {  	v8 =	vadd.f32 v9, v8;
	_ =	sdelay $0x1  }
0x2f0: {  	[tilespmem:v12+s30+$0x0] =	vst.idx.msk $0xffff, v8;
	v12 =	vld [tilespmem:$0x1FD60]  }
0x2f1: {  	v8 =	vld.idx.msk [tilespmem:v10+s1+$0x0], $0xffff  }
0x2f2: {  	v9 =	vld.idx.msk [tilespmem:v11+s31+$0x0], $0xffff  }
0x2f3: {  	v10 =	vcombine.low v22, v23;
	_ =	sdelay $0x1  }
0x2f4: {  	v10 =	vor.u32 v10, v15  }
0x2f5: {  	v12 =	vor.u32 v12, v16  }
0x2f6: {  	v8 =	vadd.f32 v9, v8;
	_ =	sdelay $0x1  }
0x2f7: {  	[tilespmem:v11+s30+$0x0] =	vst.idx.msk $0xffff, v8;
	v11 =	vld [tilespmem:$0x1FD70]  }
0x2f8: {  	v8 =	vld.idx.msk [tilespmem:v10+s1+$0x0], $0xffff  }
0x2f9: {  	v9 =	vld.idx.msk [tilespmem:v12+s31+$0x0], $0xffff  }
0x2fa: {  	v10 =	vcombine.low v24, v25;
	_ =	sdelay $0x1  }
0x2fb: {  	v10 =	vor.u32 v10, v15  }
0x2fc: {  	v11 =	vor.u32 v11, v16  }
0x2fd: {  	v8 =	vadd.f32 v9, v8;
	_ =	sdelay $0x1  }
0x2fe: {  	[tilespmem:v12+s30+$0x0] =	vst.idx.msk $0xffff, v8;
	v12 =	vld [tilespmem:$0x1FD80]  }
0x2ff: {  	v8 =	vld.idx.msk [tilespmem:v10+s1+$0x0], $0xffff  }
0x300: {  	v9 =	vld.idx.msk [tilespmem:v11+s31+$0x0], $0xffff  }
0x301: {  	v10 =	vcombine.low v26, v27;
	_ =	sdelay $0x1  }
0x302: {  	v10 =	vor.u32 v10, v15  }
0x303: {  	v12 =	vor.u32 v12, v16  }
0x304: {  	v8 =	vadd.f32 v9, v8;
	_ =	sdelay $0x1  }
0x305: {  	[tilespmem:v11+s30+$0x0] =	vst.idx.msk $0xffff, v8;
	v11 =	vld [tilespmem:$0x1FD90]  }
0x306: {  	v8 =	vld.idx.msk [tilespmem:v10+s1+$0x0], $0xffff  }
0x307: {  	v9 =	vld.idx.msk [tilespmem:v12+s31+$0x0], $0xffff  }
0x308: {  	v10 =	vcombine.low v28, v29;
	_ =	sdelay $0x1  }
0x309: {  	v10 =	vor.u32 v10, v15  }
0x30a: {  	v11 =	vor.u32 v11, v16  }
0x30b: {  	v8 =	vadd.f32 v9, v8;
	_ =	sdelay $0x1  }
0x30c: {  	[tilespmem:v12+s30+$0x0] =	vst.idx.msk $0xffff, v8;
	v12 =	vld [tilespmem:$0x1FDA0]  }
0x30d: {  	v8 =	vld.idx.msk [tilespmem:v10+s1+$0x0], $0xffff  }
0x30e: {  	v9 =	vld.idx.msk [tilespmem:v11+s31+$0x0], $0xffff  }
0x30f: {  	v10 =	vcombine.low v55, v30;
	_ =	sdelay $0x1  }
0x310: {  	v10 =	vor.u32 v10, v15;
	_ =	sdelay $0x1  }
0x311: {  	v12 =	vor.u32 v12, v16;
	v8 =	vadd.f32 v9, v8;
	_ =	sdelay $0x1  }
0x312: {  	[tilespmem:v11+s30+$0x0] =	vst.idx.msk $0xffff, v8  }
0x313: {  	v0 =	vlaneseq.u32;
	v8 =	vld.idx.msk [tilespmem:v10+s1+$0x0], $0xffff  }
0x314: {  	v10 =	vor.u32 $0x30, v0;
	v0 =	vld [tilespmem:$0x1FDB0]  }
0x315: {  	v9 =	vld.idx.msk [tilespmem:v12+s31+$0x0], $0xffff  }
0x316: {  	v4 =	vld [tilespmem:$0x1FE50]  }
0x317: {  	v25 =	vld [tilespmem:$0x1FE40]  }
0x318: {  	v26 =	vld [tilespmem:$0x1FE60];
	v10 =	vor.u32 v10, v15  }
0x319: {  	v27 =	vld [tilespmem:$0x1FE70];
	v11 =	vor.u32 v0, v16  }
0x31a: {  	v8 =	vadd.f32 v9, v8;
	_ =	sdelay $0x1  }
0x31b: {  	v0 =	vld [tilespmem:$0x1FDC0];
	[tilespmem:v12+s30+$0x0] =	vst.idx.msk $0xffff, v8  }
0x31c: {  	v8 =	vld.idx.msk [tilespmem:v10+s1+$0x0], $0xffff  }
0x31d: {  	v12 =	vsel vm0, v27, v26;
	v10 =	vsel vm0, v4, v25;
	v9 =	vld.idx.msk [tilespmem:v11+s31+$0x0], $0xffff  }
0x31e: {  	v28 =	vld [tilespmem:$0x1FE80];
	v24 =	vcombine.low v12, v10  }
0x31f: {  	v29 =	vld [tilespmem:$0x1FE90]  }
0x320: {  	v30 =	vld [tilespmem:$0x1FEA0];
	v17 =	vor.u32 v24, v15  }
0x321: {  	v34 =	vor.u32 v0, v16;
	v0 =	vld [tilespmem:$0x1FEB0]  }
0x322: {  	v8 =	vadd.f32 v9, v8;
	_ =	sdelay $0x1  }
0x323: {  	v20 =	vld [tilespmem:$0x1FDD0];
	[tilespmem:v11+s30+$0x0] =	vst.idx.msk $0xffff, v8  }
0x324: {  	v8 =	vld.idx.msk [tilespmem:v17+s1+$0x0], $0xffff  }
0x325: {  	v11 =	vsel vm0, v29, v28;
	v9 =	vld.idx.msk [tilespmem:v34+s31+$0x0], $0xffff;
	v17 =	vsel vm0, v0, v30  }
0x326: {  	v51 =	vld [tilespmem:$0x1FEE0];
	v37 =	vcombine.low v17, v11  }
0x327: {  	v53 =	vld [tilespmem:$0x1FEF0]  }
0x328: {  	v52 =	vld [tilespmem:$0x1FED0];
	v19 =	vor.u32 v37, v15  }
0x329: {  	v58 =	vld [tilespmem:$0x1FEC0];
	v20 =	vor.u32 v20, v16  }
0x32a: {  	v8 =	vadd.f32 v9, v8;
	_ =	sdelay $0x1  }
0x32b: {  	v22 =	vld [tilespmem:$0x1FDE0];
	[tilespmem:v34+s30+$0x0] =	vst.idx.msk $0xffff, v8  }
0x32c: {  	v8 =	vld.idx.msk [tilespmem:v19+s1+$0x0], $0xffff  }
0x32d: {  	v18 =	vsel vm0, v52, v58;
	v9 =	vld.idx.msk [tilespmem:v20+s31+$0x0], $0xffff;
	v19 =	vsel vm0, v53, v51  }
0x32e: {  	v21 =	vcombine.low v19, v18  }
0x32f: {  	v55 =	vld [tilespmem:$0x1FF20]  }
0x330: {  	v37 =	vld [tilespmem:$0x1FF00];
	v21 =	vor.u32 v21, v15  }
0x331: {  	v22 =	vor.u32 v22, v16;
	v34 =	vld [tilespmem:$0x1FF10]  }
0x332: {  	v8 =	vadd.f32 v9, v8;
	_ =	sdelay $0x1  }
0x333: {  	v24 =	vld [tilespmem:$0x1FDF0];
	[tilespmem:v20+s30+$0x0] =	vst.idx.msk $0xffff, v8  }
0x334: {  	v8 =	vld.idx.msk [tilespmem:v21+s1+$0x0], $0xffff  }
0x335: {  	v20 =	vsel vm0, v34, v37;
	v9 =	vld.idx.msk [tilespmem:v22+s31+$0x0], $0xffff;
	v21 =	vsel vm0, v7, v55  }
0x336: {  	v23 =	vcombine.low v21, v20;
	_ =	sdelay $0x1  }
0x337: {  	v23 =	vor.u32 v23, v15  }
0x338: {  	v24 =	vor.u32 v24, v16  }
0x339: {  	v8 =	vadd.f32 v9, v8;
	_ =	sdelay $0x1  }
0x33a: {  	[tilespmem:v22+s30+$0x0] =	vst.idx.msk $0xffff, v8;
	v22 =	vsel vm0, v26, v4;
	v4 =	vld [tilespmem:$0x1FE00]  }
0x33b: {  	v8 =	vld.idx.msk [tilespmem:v23+s1+$0x0], $0xffff  }
0x33c: {  	v9 =	vld.idx.msk [tilespmem:v24+s31+$0x0], $0xffff;
	v23 =	vsel vm0, v25, v27  }
0x33d: {  	v25 =	vcombine.low v23, v22;
	_ =	sdelay $0x1  }
0x33e: {  	v25 =	vor.u32 v25, v15;
	_ =	sdelay $0x1  }
0x33f: {  	v26 =	vor.u32 v4, v16;
	v8 =	vadd.f32 v9, v8;
	_ =	sdelay $0x1  }
0x340: {  	[tilespmem:v24+s30+$0x0] =	vst.idx.msk $0xffff, v8  }
0x341: {  	v8 =	vld.idx.msk [tilespmem:v25+s1+$0x0], $0xffff  }
0x342: {  	v25 =	vsel vm0, v28, v0;
	v0 =	vld [tilespmem:$0x1FE10]  }
0x343: {  	v24 =	vsel vm0, v30, v29;
	v9 =	vld.idx.msk [tilespmem:v26+s31+$0x0], $0xffff  }
0x344: {  	v27 =	vcombine.low v25, v24;
	_ =	sdelay $0x1  }
0x345: {  	v27 =	vor.u32 v27, v15  }
0x346: {  	v28 =	vor.u32 v0, v16  }
0x347: {  	v8 =	vadd.f32 v9, v8;
	_ =	sdelay $0x1  }
0x348: {  	v0 =	vld [tilespmem:$0x1FE20];
	[tilespmem:v26+s30+$0x0] =	vst.idx.msk $0xffff, v8  }
0x349: {  	v8 =	vld.idx.msk [tilespmem:v27+s1+$0x0], $0xffff  }
0x34a: {  	v51 =	vsel vm0, v51, v52;
	v27 =	vsel vm0, v58, v53;
	v9 =	vld.idx.msk [tilespmem:v28+s31+$0x0], $0xffff  }
0x34b: {  	v29 =	vcombine.low v27, v51;
	_ =	sdelay $0x1  }
0x34c: {  	v29 =	vor.u32 v29, v15  }
0x34d: {  	v30 =	vor.u32 v0, v16  }
0x34e: {  	v8 =	vadd.f32 v9, v8;
	_ =	sdelay $0x1  }
0x34f: {  	v0 =	vld [tilespmem:$0x1FE30];
	[tilespmem:v28+s30+$0x0] =	vst.idx.msk $0xffff, v8  }
0x350: {  	v8 =	vld.idx.msk [tilespmem:v29+s1+$0x0], $0xffff  }
0x351: {  	v28 =	vsel vm0, v55, v34;
	v9 =	vld.idx.msk [tilespmem:v30+s31+$0x0], $0xffff;
	v29 =	vsel vm0, v37, v7  }
0x352: {  	v28 =	vcombine.low v29, v28;
	_ =	sdelay $0x1  }
0x353: {  	v28 =	vor.u32 v28, v15  }
0x354: {  	v29 =	vor.u32 v0, v16  }
0x355: {  	v8 =	vadd.f32 v9, v8;
	_ =	sdelay $0x1  }
0x356: {  	[tilespmem:v30+s30+$0x0] =	vst.idx.msk $0xffff, v8  }
0x357: {  	v8 =	vld.idx.msk [tilespmem:v28+s1+$0x0], $0xffff  }
0x358: {  	v9 =	vld.idx.msk [tilespmem:v29+s31+$0x0], $0xffff  }
0x359: {  	v10 =	vcombine.low v10, v12;
	_ =	sdelay $0x1  }
0x35a: {  	v10 =	vor.u32 v10, v15  }
0x35b: {  	v12 =	vor.u32 v41, v16  }
0x35c: {  	v8 =	vadd.f32 v9, v8;
	_ =	sdelay $0x1  }
0x35d: {  	v52 =	vld [tilespmem:$0x1FF50];
	[tilespmem:v29+s30+$0x0] =	vst.idx.msk $0xffff, v8  }
0x35e: {  	v8 =	vld.idx.msk [tilespmem:v10+s1+$0x0], $0xffff  }
0x35f: {  	v9 =	vld.idx.msk [tilespmem:v12+s31+$0x0], $0xffff  }
0x360: {  	v10 =	vcombine.low v11, v17;
	_ =	sdelay $0x1  }
0x361: {  	v10 =	vor.u32 v10, v15  }
0x362: {  	v11 =	vor.u32 v52, v16  }
0x363: {  	v8 =	vadd.f32 v9, v8;
	_ =	sdelay $0x1  }
0x364: {  	v58 =	vld [tilespmem:$0x1FF40];
	[tilespmem:v12+s30+$0x0] =	vst.idx.msk $0xffff, v8  }
0x365: {  	v8 =	vld.idx.msk [tilespmem:v10+s1+$0x0], $0xffff  }
0x366: {  	v9 =	vld.idx.msk [tilespmem:v11+s31+$0x0], $0xffff  }
0x367: {  	v10 =	vcombine.low v18, v19;
	_ =	sdelay $0x1  }
0x368: {  	v10 =	vor.u32 v10, v15  }
0x369: {  	v12 =	vor.u32 v58, v16  }
0x36a: {  	v8 =	vadd.f32 v9, v8;
	_ =	sdelay $0x1  }
0x36b: {  	v55 =	vld [tilespmem:$0x1FF90];
	[tilespmem:v11+s30+$0x0] =	vst.idx.msk $0xffff, v8  }
0x36c: {  	v8 =	vld.idx.msk [tilespmem:v10+s1+$0x0], $0xffff  }
0x36d: {  	v9 =	vld.idx.msk [tilespmem:v12+s31+$0x0], $0xffff  }
0x36e: {  	v10 =	vcombine.low v20, v21;
	_ =	sdelay $0x1  }
0x36f: {  	v10 =	vor.u32 v10, v15  }
0x370: {  	v11 =	vor.u32 v55, v16  }
0x371: {  	v8 =	vadd.f32 v9, v8;
	_ =	sdelay $0x1  }
0x372: {  	v29 =	vld [tilespmem:$0x1FFA0];
	[tilespmem:v12+s30+$0x0] =	vst.idx.msk $0xffff, v8  }
0x373: {  	v8 =	vld.idx.msk [tilespmem:v10+s1+$0x0], $0xffff  }
0x374: {  	v9 =	vld.idx.msk [tilespmem:v11+s31+$0x0], $0xffff  }
0x375: {  	v10 =	vcombine.low v22, v23;
	_ =	sdelay $0x1  }
0x376: {  	v10 =	vor.u32 v10, v15  }
0x377: {  	v12 =	vor.u32 v29, v16  }
0x378: {  	v8 =	vadd.f32 v9, v8;
	_ =	sdelay $0x1  }
0x379: {  	[tilespmem:v11+s30+$0x0] =	vst.idx.msk $0xffff, v8  }
0x37a: {  	v8 =	vld.idx.msk [tilespmem:v10+s1+$0x0], $0xffff  }
0x37b: {  	v9 =	vld.idx.msk [tilespmem:v12+s31+$0x0], $0xffff  }
0x37c: {  	v53 =	vld [tilespmem:$0x1FFB0];
	v10 =	vcombine.low v24, v25;
	_ =	sdelay $0x1  }
0x37d: {  	v10 =	vor.u32 v10, v15;
	_ =	sdelay $0x1  }
0x37e: {  	v8 =	vadd.f32 v9, v8  }
0x37f: {  	v11 =	vor.u32 v53, v16  }
0x380: {  	[tilespmem:v12+s30+$0x0] =	vst.idx.msk $0xffff, v8  }
0x381: {  	v8 =	vld.idx.msk [tilespmem:v10+s1+$0x0], $0xffff;
	v10 =	vcombine.low v51, v27;
	_ =	sdelay $0x1  }
0x382: {  	v10 =	vor.u32 v10, v15;
	v15 =	vld [tilespmem:$0x1FF30]  }
0x383: {  	v9 =	vld.idx.msk [tilespmem:v11+s31+$0x0], $0xffff;
	_ =	sdelay $0x3  }
0x384: {  	v12 =	vor.u32 v15, v16  }
0x385: {  	v8 =	vadd.f32 v9, v8;
	_ =	sdelay $0x1  }
0x386: {  	[tilespmem:v11+s30+$0x0] =	vst.idx.msk $0xffff, v8  }
0x387: {  	v8 =	vld.idx.msk [tilespmem:v10+s1+$0x0], $0xffff  }
0x388: {  	v9 =	vld.idx.msk [tilespmem:v12+s31+$0x0], $0xffff;
	_ =	sdelay $0x1  }
0x389: {  	v34 =	vld [tilespmem:$0x1FFF0]  }
0x38a: {  	p0 =	sne.s32 s3, $0x70;
	v28 =	vld [tilespmem:$0x1FFC0]  }
.Ltmp0:
0x38b: {  	v0 =	vlaneseq.u32;
	v30 =	vmovc v41;
	v52 =	vld [tilespmem:$0x1FFD0];
	v11 =	vmov v43;
	v43 =	vmov v50;
	(pc) =	sbr.rel @p0 .LBB2_3-.Ltmp0, $4  }
0x38c: {  	v22 =	vld [tilespmem:$0x1FF70];
	v50 =	vmovc v36;
	v36 =	vmovc v40;
	v40 =	vmov v3;
	v10 =	vmov v42;
	v8 =	vadd.f32 v9, v8  }
0x38d: {  	v3 =	vld [tilespmem:$0x1FFE0];
	v42 =	vmovc v49;
	v49 =	vmovc v35;
	v35 =	vmov v54;
	v54 =	vmov v14;
	v14 =	vmov v47  }
0x38e: {  	v47 =	vmovc v39;
	v9 =	vmovc v33;
	v33 =	vmov v45;
	v45 =	vld [tilespmem:$0x1FF60];
	[tilespmem:v12+s30+$0x0] =	vst.idx.msk $0xffff, v8;
	v12 =	vmov v44;
	v44 =	vmov v31  }
0x38f: {  	s3 =	sadd.s32 $0x10, s3;
	v31 =	vmovc v38;
	v38 =	vmovc v46;
	v46 =	vmov v57;
	v57 =	vmov v6;
	v6 =	vmov v13;
	v13 =	vld [tilespmem:$0x1FF80]  }
0x390: {  	s1 =	sshll.u32 s29, $0x12;
	s29 =	sadd.s32 $0x1, s29  }
0x391: {  	p0 =	sne.s32 s29, $0xC8  }
.Ltmp1:
0x392: {  	_ = 	snop;
	(pc) =	sbr.rel @p0 .LBB2_2-.Ltmp1, $4  }
0x393: {  	s1 =	sor.u32 s8, s1  }
0x394: {  	s1 =	sshrl.u32 s1, $0x3  }
0x395: {  	s1 =	sadd.s32 s2, s1  }
0x396: {  	[hbm4b:s1+s15] =	stream.strided.scatter [tilespmem:s30], [sflag:$0x3], $0x2000, s16, s15, $0x38;
	[tilespmem:$0x1E400] =	vst v63  }
0x397: {  	_ =	swait.ge [sflag:s26], $0x2000  }
0x398: {  	[sflag:s26] =	ssyncset.done $0x0  }
0x399: {  	[sflag:s26] =	ssyncadd.s32 $0xFFFFE000  }
0x39a: {  	_ =	swait.ge [sflag:s26], $0x2000  }
0x39b: {  	[sflag:s26] =	ssyncset.done $0x0  }
0x39c: {  	s28 =	sadd.s32 $0x1, s28;
	[sflag:s26] =	ssyncadd.s32 $0xFFFFE000  }
0x39d: {  	p0 =	sne.s32 s28, s11;
	_ =	swait.ge [sflag:s26], $0x2000  }
.Ltmp2:
0x39e: {  	[sflag:s26] =	ssyncset.done $0x0;
	(pc) =	sbr.rel @p0 .LBB2_1-.Ltmp2, $4  }
0x39f: {  	[sflag:s26] =	ssyncadd.s32 $0xFFFFE000  }
0x3a0: {  	_ =	swait.ge [sflag:s26], $0x2000  }
0x3a1: {  	[sflag:s26] =	ssyncset.done $0x0  }
0x3a2: {  	[sflag:s26] =	ssyncadd.s32 $0xFFFFE000  }
0x3a3: {  	_ =	sfence.sel $0x180000  }
0x3a4: {  	[bflag:$0x0] =	sbarrier.arrive $0xFFFF  }
0x3a5: {  	_ =	strace $0x90000047  }
0x3a6: {  	s0 =	stileid.u32;
	[bflag:$0x2] =	sbarrier.arrive $0xFFFF  }
0x3a7: {  	p0 =	sne.s32 s0, $0x0;
	s0 =	rddreg [dreg:$0x3]  }
0x3a8: {  	s0 =	sadd.s32 @!p0 $0x100000, s0  }
0x3a9: {  	[sflag:s0] =	ssyncadd.tile.s32 @!p0 $0x1;
	_ =	shalt  }
.Lfunc_end2:
_tile_overlayer_lowered:
.L_overlay_start_2:
0x3aa: {  	(tag) =	ssettag $0x2  }
0x3ab: {  	s0 =	rddreg [dreg:$0x0];
	s2 =	stileid.u32  }
0x3ac: {  	s1 =	rddreg [dreg:$0x1];
	p0 =	sne.s32 s2, $0x0  }
0x3ad: {  	s3 =	rddreg [dreg:$0x2];
	[bflag:$0x3] =	sbarrier.arrive $0xFFFF;
	s2 =	simm.s32 @!p0 $0x1C04  }
0x3ae: {  	[timem:s3], [sflag:s2] =	dma.local @!p0 [hbm:s0], s1  }
0x3af: {  	s0 =	simm.s32 @!p0 $0x4  }
0x3b0: {  	_ =	swait.ge @!p0 [sflag:s0], s1  }
0x3b1: {  	s1 =	ssub.s32 @!p0 $0x0, s1;
	[sflag:s0] =	ssyncset.done @!p0 $0x0  }
0x3b2: {  	[sflag:s0] =	ssyncadd.s32 @!p0 s1  }
0x3b3: {  	[bflag:$0x3] =	sbarrier.arrive $0xFFFF  }
0x3b4: {  	_ =	shalt  }

</sc_bundles>
